<compile_context>
chip_gen: v7x
topology: tpu7x:2x2x1
jax: 0.10.2.dev20260603
libtpu: 0.0.44.dev20260713+nightly
codegen_flags: <defaults>
</compile_context>

<pallas_src>
import functools

import jax
import jax.numpy as jnp
from jax import lax
from jax.experimental import pallas as pl
from jax.experimental.pallas import tpu as pltpu
from jax.experimental.pallas import tpu_sc as plsc

N, E, D, H, C = 10000, 320000, 128, 128, 64
NC, NS = 2, 16
NW = NC * NS
B = 128
K = 80
E_PAD = NW * K * B
N_PAD = 10112
ZROWS = N_PAD // NS
OROWS = N_PAD // NS

@functools.lru_cache(maxsize=None)
def _get_sc_agg():
    mesh = plsc.VectorSubcoreMesh(
        core_axis_name="c", subcore_axis_name="s",
        num_cores=NC, num_subcores=NS)

    @functools.partial(
        pl.kernel,
        out_type=jax.ShapeDtypeStruct((NC, N_PAD, D), jnp.float32),
        mesh=mesh,
        scratch_types=[
            pltpu.VMEM((4, 1, B), jnp.int32),
            pltpu.VMEM((4, 1, B), jnp.int32),
            pltpu.VMEM((B, D), jnp.float32),
            pltpu.VMEM((B, D), jnp.float32),
            pltpu.VMEM_SHARED((N_PAD, D), jnp.float32),
        ] + [pltpu.SemaphoreType.DMA] * 12,
    )
    def _sc_agg(x_hbm, src_hbm, dst_hbm, zeros_hbm, out_hbm,
                sring, dring, rows0, rows1, acc_sh, *sems):
        gsem = sems[0:2]
        ssem = sems[2:4]
        isem = sems[4:8]
        dsem = sems[8:12]
        rows = (rows0, rows1)
        c = lax.axis_index("c")
        s = lax.axis_index("s")
        wid = s * NC + c
        pltpu.sync_copy(zeros_hbm,
                        acc_sh.at[pl.ds(s * ZROWS, ZROWS)])
        plsc.subcore_barrier()

        def fetch(j, q):
            pltpu.async_copy(src_hbm.at[wid, j], sring.at[q], isem[q])
            pltpu.async_copy(dst_hbm.at[wid, j], dring.at[q], dsem[q])

        def wait_is(q):
            pltpu.make_async_copy(
                src_hbm.at[wid, 0], sring.at[q], isem[q]).wait()

        def wait_id(q):
            pltpu.make_async_copy(
                dst_hbm.at[wid, 0], dring.at[q], dsem[q]).wait()

        def gather(q, b):
            pltpu.async_copy(x_hbm.at[sring.at[q, 0]], rows[b], gsem[b])

        def scat(q, b):
            pltpu.async_copy(rows[b], acc_sh.at[dring.at[q, 0]], ssem[b],
                             add=True)

        def wait_g(b):
            pltpu.make_async_copy(
                x_hbm.at[sring.at[0, 0]], rows[b], gsem[b]).wait()

        def wait_s(b):
            pltpu.make_async_copy(
                rows[b], acc_sh.at[dring.at[0, 0]], ssem[b]).wait()

        for q in range(4):
            fetch(q, q)
        wait_is(0)
        gather(0, 0)
        wait_is(1)
        gather(1, 1)
        wait_g(0)
        wait_id(0)
        scat(0, 0)

        def _steady(i, carry):
            j0 = 2 + 4 * i
            for t in range(4):
                b = t % 2
                wait_s(b)
                fetch(j0 + t + 2, t)
                wait_is((2 + t) % 4)
                gather((2 + t) % 4, b)
                wait_g(1 - b)
                wait_id((1 + t) % 4)
                scat((1 + t) % 4, 1 - b)
            return carry

        lax.fori_loop(0, (K - 4) // 4, _steady, 0)

        wait_s(0)
        wait_is((K - 2) % 4)
        gather((K - 2) % 4, 0)
        wait_g(1)
        wait_id((K - 3) % 4)
        scat((K - 3) % 4, 1)
        wait_s(1)
        wait_is((K - 1) % 4)
        gather((K - 1) % 4, 1)
        wait_g(0)
        wait_id((K - 2) % 4)
        scat((K - 2) % 4, 0)
        wait_g(1)
        wait_id((K - 1) % 4)
        scat((K - 1) % 4, 1)
        wait_s(0)
        wait_s(1)

        plsc.subcore_barrier()
        pltpu.sync_copy(acc_sh.at[pl.ds(s * OROWS, OROWS)],
                        out_hbm.at[c, pl.ds(s * OROWS, OROWS)])

    return _sc_agg


def _mlp_body(p_ref, x_ref, w1_ref, b1_ref, g_ref, be_ref, w2_ref, b2_ref,
              o_ref):
    h = p_ref[0, :N] + p_ref[1, :N] + x_ref[...]
    h = jnp.dot(h, w1_ref[...], preferred_element_type=jnp.float32) + b1_ref[...]
    m = jnp.mean(h, axis=0, keepdims=True)
    cen = h - m
    v = jnp.mean(cen * cen, axis=0, keepdims=True)
    h = g_ref[...] * cen * lax.rsqrt(v + 1e-5) + be_ref[...]
    h = jnp.maximum(h, 0.0)
    h = jnp.dot(h, w2_ref[...], preferred_element_type=jnp.float32) + b2_ref[...]
    o_ref[...] = jnp.maximum(h, 0.0)


_mlp = pl.pallas_call(
    _mlp_body,
    out_shape=jax.ShapeDtypeStruct((N, H), jnp.float32),
)


def _mlp_head_body(p_ref, x_ref, w1_ref, b1_ref, g_ref, be_ref, w2_ref,
                   b2_ref, l1w_ref, l1b_ref, l2w_ref, l2b_ref, o_ref):
    h = p_ref[0, :N] + p_ref[1, :N] + x_ref[...]
    h = jnp.dot(h, w1_ref[...], preferred_element_type=jnp.float32) + b1_ref[...]
    m = jnp.mean(h, axis=0, keepdims=True)
    cen = h - m
    v = jnp.mean(cen * cen, axis=0, keepdims=True)
    h = g_ref[...] * cen * lax.rsqrt(v + 1e-5) + be_ref[...]
    h = jnp.maximum(h, 0.0)
    h = jnp.dot(h, w2_ref[...], preferred_element_type=jnp.float32) + b2_ref[...]
    h = jnp.maximum(h, 0.0)
    h = jnp.dot(h, l1w_ref[...], preferred_element_type=jnp.float32) + l1b_ref[...]
    h = jnp.maximum(h, 0.0)
    h = jnp.dot(h, l2w_ref[...], preferred_element_type=jnp.float32) + l2b_ref[...]
    o_ref[...] = jax.nn.sigmoid(h)


_mlp_head = pl.pallas_call(
    _mlp_head_body,
    out_shape=jax.ShapeDtypeStruct((N, C), jnp.float32),
)


@jax.jit
def kernel(x, edge_index, w1_0, b1_0, g_0, be_0, w2_0, b2_0,
           w1_1, b1_1, g_1, be_1, w2_1, b2_1,
           w1_2, b1_2, g_2, be_2, w2_2, b2_2,
           lin1_w, lin1_b, lin2_w, lin2_b):
    x = x.astype(jnp.float32)
    pad = E_PAD - E
    pad_i = jnp.arange(pad, dtype=jnp.int32)
    src3 = jnp.concatenate(
        [edge_index[0], pad_i % N]).reshape(NW, K, 1, B)
    dst3 = jnp.concatenate(
        [edge_index[1], N + pad_i % (N_PAD - N)]).reshape(NW, K, 1, B)
    zeros = jnp.zeros((ZROWS, D), jnp.float32)

    layers = [
        (w1_0, b1_0, g_0, be_0, w2_0, b2_0),
        (w1_1, b1_1, g_1, be_1, w2_1, b2_1),
        (w1_2, b1_2, g_2, be_2, w2_2, b2_2),
    ]
    sc_agg = _get_sc_agg()
    h = x
    for i, (w1, b1, g, be, w2, b2) in enumerate(layers):
        p = sc_agg(h, src3, dst3, zeros)
        if i < 2:
            h = _mlp(p, h, w1, b1.reshape(1, H), g.reshape(1, H),
                     be.reshape(1, H), w2, b2.reshape(1, H))
        else:
            h = _mlp_head(p, h, w1, b1.reshape(1, H), g.reshape(1, H),
                          be.reshape(1, H), w2, b2.reshape(1, H),
                          lin1_w, lin1_b.reshape(1, H),
                          lin2_w, lin2_b.reshape(1, C))
    return h

# --- scband reference (transcript-rebuilt; emitter-appended) ---
"""Pipeline reference for scband-gin-15633680957908 (READ-ONLY COPY).

The authoritative reference and input builder live on the scoring server;
editing this copy changes nothing except your own understanding.
"""

import jax, jax.numpy as jnp
import numpy as np

N, E, D, H, C = 10000, 320000, 128, 128, 64

def _bn(x, g, b):
    m = jnp.mean(x, axis=0, keepdims=True)
    v = jnp.var(x, axis=0, keepdims=True)
    return g * (x - m) / jnp.sqrt(v + 1e-5) + b

def _gin_layer(x, src, dst, w1, b1, g, be, w2, b2):
    # GINConv with eps=0: MLP((1+eps)*x + sum_{j->i} x_j)
    agg = jnp.zeros_like(x).at[dst].add(x[src])
    h = agg + x
    h = h @ w1 + b1
    h = _bn(h, g, be)
    h = jax.nn.relu(h)
    h = h @ w2 + b2
    return jax.nn.relu(h)

def setup_inputs(seed: int = 0):
    key = jax.random.key(seed)
    inp = {}
    inp['x'] = jax.random.normal(jax.random.fold_in(key, 0), (N, D), dtype=jnp.float32)
    inp['edge_index'] = jax.random.randint(jax.random.fold_in(key, 1), (2, E), 0, N, dtype=jnp.int32)
    k = 2
    for i in range(3):
        din = D if i == 0 else H
        inp['w1_%d' % i] = jax.random.normal(jax.random.fold_in(key, k), (din, H), dtype=jnp.float32) / np.sqrt(din); k += 1
        inp['b1_%d' % i] = jnp.zeros((H,), dtype=jnp.float32)
        inp['g_%d' % i] = jnp.ones((H,), dtype=jnp.float32)
        inp['be_%d' % i] = jnp.zeros((H,), dtype=jnp.float32)
        inp['w2_%d' % i] = jax.random.normal(jax.random.fold_in(key, k), (H, H), dtype=jnp.float32) / np.sqrt(H); k += 1
        inp['b2_%d' % i] = jnp.zeros((H,), dtype=jnp.float32)
    inp['lin1_w'] = jax.random.normal(jax.random.fold_in(key, k), (H, H), dtype=jnp.float32) / np.sqrt(H); k += 1
    inp['lin1_b'] = jnp.zeros((H,), dtype=jnp.float32)
    inp['lin2_w'] = jax.random.normal(jax.random.fold_in(key, k), (H, C), dtype=jnp.float32) / np.sqrt(H)
    inp['lin2_b'] = jnp.zeros((C,), dtype=jnp.float32)
    return inp

def reference(x, edge_index, w1_0, b1_0, g_0, be_0, w2_0, b2_0, w1_1, b1_1, g_1, be_1, w2_1, b2_1, w1_2, b1_2, g_2, be_2, w2_2, b2_2, lin1_w, lin1_b, lin2_w, lin2_b):
    x = x.astype(jnp.float32)
    src, dst = edge_index[0], edge_index[1]
    h = _gin_layer(x, src, dst, w1_0, b1_0, g_0, be_0, w2_0, b2_0)
    h = _gin_layer(h, src, dst, w1_1, b1_1, g_1, be_1, w2_1, b2_1)
    h = _gin_layer(h, src, dst, w1_2, b1_2, g_2, be_2, w2_2, b2_2)
    h = jax.nn.relu(h @ lin1_w + lin1_b)
    h = h @ lin2_w + lin2_b
    return jax.nn.sigmoid(h)

if __name__ == "__main__":
    import jax
    _d = setup_inputs()
    print(jax.jit(kernel)(*tuple(_d.values())))

</pallas_src>

<mosaic_0001>
#map = affine_map<(d0, d1) -> (0, 0)>
#map1 = affine_map<(d0, d1) -> (0, 0, 0, 0)>
#map2 = affine_map<(d0, d1) -> (0, 0, 0)>
module attributes {stable_mosaic.version = 14 : i64} {
  func.func @_sc_agg(%arg0: i32, %arg1: i32, %arg2: memref<10000x128xf32, #tpu.memory_space<hbm>>, %arg3: memref<32x80x1x128xi32, #tpu.memory_space<hbm>>, %arg4: memref<32x80x1x128xi32, #tpu.memory_space<hbm>>, %arg5: memref<632x128xf32, #tpu.memory_space<hbm>>, %arg6: memref<2x10112x128xf32, #tpu.memory_space<hbm>>, %arg7: memref<4x1x128xi32, #tpu.memory_space<vmem>>, %arg8: memref<4x1x128xi32, #tpu.memory_space<vmem>>, %arg9: memref<128x128xf32, #tpu.memory_space<vmem>>, %arg10: memref<128x128xf32, #tpu.memory_space<vmem>>, %arg11: memref<10112x128xf32, #tpu.memory_space<vmem_shared>>, %arg12: memref<!tpu.dma_semaphore, #tpu.memory_space<semaphore_mem>>, %arg13: memref<!tpu.dma_semaphore, #tpu.memory_space<semaphore_mem>>, %arg14: memref<!tpu.dma_semaphore, #tpu.memory_space<semaphore_mem>>, %arg15: memref<!tpu.dma_semaphore, #tpu.memory_space<semaphore_mem>>, %arg16: memref<!tpu.dma_semaphore, #tpu.memory_space<semaphore_mem>>, %arg17: memref<!tpu.dma_semaphore, #tpu.memory_space<semaphore_mem>>, %arg18: memref<!tpu.dma_semaphore, #tpu.memory_space<semaphore_mem>>, %arg19: memref<!tpu.dma_semaphore, #tpu.memory_space<semaphore_mem>>, %arg20: memref<!tpu.dma_semaphore, #tpu.memory_space<semaphore_mem>>, %arg21: memref<!tpu.dma_semaphore, #tpu.memory_space<semaphore_mem>>, %arg22: memref<!tpu.dma_semaphore, #tpu.memory_space<semaphore_mem>>, %arg23: memref<!tpu.dma_semaphore, #tpu.memory_space<semaphore_mem>>) attributes {dimension_semantics = [#tpu.dimension_semantics<core_parallel>, #tpu.dimension_semantics<subcore_parallel>], iteration_bounds = array<i64: 2, 16>, scalar_prefetch = 0 : i64, scratch_operands = 17 : i64, tpu.core_type = #tpu.core_type<sc_vector_subcore>, window_params = [{transform_indices = #map}, {transform_indices = #map1}, {transform_indices = #map1}, {transform_indices = #map}, {transform_indices = #map2}]} {
    %mul3A = arith.constant 2 : i32
    %mul3A_0 = arith.muli %arg1, %mul3A : i32
    %add3A = arith.addi %mul3A_0, %arg0 : i32
    %mul3A_1 = arith.constant 632 : i32
    %mul3A_2 = arith.muli %arg1, %mul3A_1 : i32
    "tpu.region"() ({
      %run_scoped3A = tpu.sem_alloc : memref<!tpu.dma_semaphore, #tpu.memory_space<semaphore_mem>>
      %dma_start3A_427 = arith.constant 0 : i32
      %dma_start3A_428 = tpu.memref_slice %arg11[%mul3A_2, %dma_start3A_427] : memref<10112x128xf32, #tpu.memory_space<vmem_shared>> -> memref<632x128xf32, #tpu.memory_space<vmem_shared>>
      tpu.enqueue_dma source(%arg5 : memref<632x128xf32, #tpu.memory_space<hbm>>) target(%dma_start3A_428 : memref<632x128xf32, #tpu.memory_space<vmem_shared>>) target_semaphore(%run_scoped3A : memref<!tpu.dma_semaphore, #tpu.memory_space<semaphore_mem>>)
      %dma_wait3A_429 = arith.constant 0 : i32
      %dma_wait3A_430 = tpu.memref_slice %arg11[%mul3A_2, %dma_wait3A_429] : memref<10112x128xf32, #tpu.memory_space<vmem_shared>> -> memref<632x128xf32, #tpu.memory_space<vmem_shared>>
      tpu.wait_dma2 semaphore(%run_scoped3A : memref<!tpu.dma_semaphore, #tpu.memory_space<semaphore_mem>>) src(%arg5 : memref<632x128xf32, #tpu.memory_space<hbm>>) dst(%dma_wait3A_430 : memref<632x128xf32, #tpu.memory_space<vmem_shared>>)
      tpu.yield
    }) : () -> ()
    %barrier3A = arith.constant 0 : index
    tpu.barrier barrier_id(%barrier3A)
    %dma_start3A = arith.constant 0 : i32
    %dma_start3A_3 = arith.constant 0 : i32
    %dma_start3A_4 = arith.constant 0 : i32
    %dma_start3A_5 = arith.constant 0 : i32
    %dma_start3A_6 = tpu.memref_slice %arg7[%dma_start3A_3, %dma_start3A_4, %dma_start3A_5] : memref<4x1x128xi32, #tpu.memory_space<vmem>> -> memref<1x1x128xi32, #tpu.memory_space<vmem>>
    %dma_start3A_7 = tpu.memref_squeeze %dma_start3A_6 : memref<1x1x128xi32, #tpu.memory_space<vmem>> -> memref<1x128xi32, #tpu.memory_space<vmem>>
    %dma_start3A_8 = arith.constant 0 : i32
    %dma_start3A_9 = arith.constant 0 : i32
    %dma_start3A_10 = tpu.memref_slice %arg3[%add3A, %dma_start3A, %dma_start3A_8, %dma_start3A_9] : memref<32x80x1x128xi32, #tpu.memory_space<hbm>> -> memref<1x1x1x128xi32, #tpu.memory_space<hbm>>
    %dma_start3A_11 = tpu.memref_squeeze %dma_start3A_10 : memref<1x1x1x128xi32, #tpu.memory_space<hbm>> -> memref<1x128xi32, #tpu.memory_space<hbm>>
    %dma_start3A_12 = arith.constant 0 : i32
    %dma_start3A_13 = arith.constant 0 : i32
    %dma_start3A_14 = tpu.memref_slice %arg7[%dma_start3A_3, %dma_start3A_12, %dma_start3A_13] : memref<4x1x128xi32, #tpu.memory_space<vmem>> -> memref<1x1x128xi32, #tpu.memory_space<vmem>>
    %dma_start3A_15 = tpu.memref_squeeze %dma_start3A_14 : memref<1x1x128xi32, #tpu.memory_space<vmem>> -> memref<1x128xi32, #tpu.memory_space<vmem>>
    %dma_start3A_16 = arith.constant 0 : i32
    %dma_start3A_17 = arith.constant 0 : i32
    %dma_start3A_18 = tpu.memref_slice %arg3[%add3A, %dma_start3A, %dma_start3A_16, %dma_start3A_17] : memref<32x80x1x128xi32, #tpu.memory_space<hbm>> -> memref<1x1x1x128xi32, #tpu.memory_space<hbm>>
    %dma_start3A_19 = tpu.memref_squeeze %dma_start3A_18 : memref<1x1x1x128xi32, #tpu.memory_space<hbm>> -> memref<1x128xi32, #tpu.memory_space<hbm>>
    tpu.enqueue_dma source(%dma_start3A_19 : memref<1x128xi32, #tpu.memory_space<hbm>>) target(%dma_start3A_15 : memref<1x128xi32, #tpu.memory_space<vmem>>) target_semaphore(%arg16 : memref<!tpu.dma_semaphore, #tpu.memory_space<semaphore_mem>>)
    %dma_start3A_20 = arith.constant 0 : i32
    %dma_start3A_21 = arith.constant 0 : i32
    %dma_start3A_22 = arith.constant 0 : i32
    %dma_start3A_23 = arith.constant 0 : i32
    %dma_start3A_24 = tpu.memref_slice %arg8[%dma_start3A_21, %dma_start3A_22, %dma_start3A_23] : memref<4x1x128xi32, #tpu.memory_space<vmem>> -> memref<1x1x128xi32, #tpu.memory_space<vmem>>
    %dma_start3A_25 = tpu.memref_squeeze %dma_start3A_24 : memref<1x1x128xi32, #tpu.memory_space<vmem>> -> memref<1x128xi32, #tpu.memory_space<vmem>>
    %dma_start3A_26 = arith.constant 0 : i32
    %dma_start3A_27 = arith.constant 0 : i32
    %dma_start3A_28 = tpu.memref_slice %arg4[%add3A, %dma_start3A_20, %dma_start3A_26, %dma_start3A_27] : memref<32x80x1x128xi32, #tpu.memory_space<hbm>> -> memref<1x1x1x128xi32, #tpu.memory_space<hbm>>
    %dma_start3A_29 = tpu.memref_squeeze %dma_start3A_28 : memref<1x1x1x128xi32, #tpu.memory_space<hbm>> -> memref<1x128xi32, #tpu.memory_space<hbm>>
    %dma_start3A_30 = arith.constant 0 : i32
    %dma_start3A_31 = arith.constant 0 : i32
    %dma_start3A_32 = tpu.memref_slice %arg8[%dma_start3A_21, %dma_start3A_30, %dma_start3A_31] : memref<4x1x128xi32, #tpu.memory_space<vmem>> -> memref<1x1x128xi32, #tpu.memory_space<vmem>>
    %dma_start3A_33 = tpu.memref_squeeze %dma_start3A_32 : memref<1x1x128xi32, #tpu.memory_space<vmem>> -> memref<1x128xi32, #tpu.memory_space<vmem>>
    %dma_start3A_34 = arith.constant 0 : i32
    %dma_start3A_35 = arith.constant 0 : i32
    %dma_start3A_36 = tpu.memref_slice %arg4[%add3A, %dma_start3A_20, %dma_start3A_34, %dma_start3A_35] : memref<32x80x1x128xi32, #tpu.memory_space<hbm>> -> memref<1x1x1x128xi32, #tpu.memory_space<hbm>>
    %dma_start3A_37 = tpu.memref_squeeze %dma_start3A_36 : memref<1x1x1x128xi32, #tpu.memory_space<hbm>> -> memref<1x128xi32, #tpu.memory_space<hbm>>
    tpu.enqueue_dma source(%dma_start3A_37 : memref<1x128xi32, #tpu.memory_space<hbm>>) target(%dma_start3A_33 : memref<1x128xi32, #tpu.memory_space<vmem>>) target_semaphore(%arg20 : memref<!tpu.dma_semaphore, #tpu.memory_space<semaphore_mem>>)
    %dma_start3A_38 = arith.constant 1 : i32
    %dma_start3A_39 = arith.constant 1 : i32
    %dma_start3A_40 = arith.constant 0 : i32
    %dma_start3A_41 = arith.constant 0 : i32
    %dma_start3A_42 = tpu.memref_slice %arg7[%dma_start3A_39, %dma_start3A_40, %dma_start3A_41] : memref<4x1x128xi32, #tpu.memory_space<vmem>> -> memref<1x1x128xi32, #tpu.memory_space<vmem>>
    %dma_start3A_43 = tpu.memref_squeeze %dma_start3A_42 : memref<1x1x128xi32, #tpu.memory_space<vmem>> -> memref<1x128xi32, #tpu.memory_space<vmem>>
    %dma_start3A_44 = arith.constant 0 : i32
    %dma_start3A_45 = arith.constant 0 : i32
    %dma_start3A_46 = tpu.memref_slice %arg3[%add3A, %dma_start3A_38, %dma_start3A_44, %dma_start3A_45] : memref<32x80x1x128xi32, #tpu.memory_space<hbm>> -> memref<1x1x1x128xi32, #tpu.memory_space<hbm>>
    %dma_start3A_47 = tpu.memref_squeeze %dma_start3A_46 : memref<1x1x1x128xi32, #tpu.memory_space<hbm>> -> memref<1x128xi32, #tpu.memory_space<hbm>>
    %dma_start3A_48 = arith.constant 0 : i32
    %dma_start3A_49 = arith.constant 0 : i32
    %dma_start3A_50 = tpu.memref_slice %arg7[%dma_start3A_39, %dma_start3A_48, %dma_start3A_49] : memref<4x1x128xi32, #tpu.memory_space<vmem>> -> memref<1x1x128xi32, #tpu.memory_space<vmem>>
    %dma_start3A_51 = tpu.memref_squeeze %dma_start3A_50 : memref<1x1x128xi32, #tpu.memory_space<vmem>> -> memref<1x128xi32, #tpu.memory_space<vmem>>
    %dma_start3A_52 = arith.constant 0 : i32
    %dma_start3A_53 = arith.constant 0 : i32
    %dma_start3A_54 = tpu.memref_slice %arg3[%add3A, %dma_start3A_38, %dma_start3A_52, %dma_start3A_53] : memref<32x80x1x128xi32, #tpu.memory_space<hbm>> -> memref<1x1x1x128xi32, #tpu.memory_space<hbm>>
    %dma_start3A_55 = tpu.memref_squeeze %dma_start3A_54 : memref<1x1x1x128xi32, #tpu.memory_space<hbm>> -> memref<1x128xi32, #tpu.memory_space<hbm>>
    tpu.enqueue_dma source(%dma_start3A_55 : memref<1x128xi32, #tpu.memory_space<hbm>>) target(%dma_start3A_51 : memref<1x128xi32, #tpu.memory_space<vmem>>) target_semaphore(%arg17 : memref<!tpu.dma_semaphore, #tpu.memory_space<semaphore_mem>>)
    %dma_start3A_56 = arith.constant 1 : i32
    %dma_start3A_57 = arith.constant 1 : i32
    %dma_start3A_58 = arith.constant 0 : i32
    %dma_start3A_59 = arith.constant 0 : i32
    %dma_start3A_60 = tpu.memref_slice %arg8[%dma_start3A_57, %dma_start3A_58, %dma_start3A_59] : memref<4x1x128xi32, #tpu.memory_space<vmem>> -> memref<1x1x128xi32, #tpu.memory_space<vmem>>
    %dma_start3A_61 = tpu.memref_squeeze %dma_start3A_60 : memref<1x1x128xi32, #tpu.memory_space<vmem>> -> memref<1x128xi32, #tpu.memory_space<vmem>>
    %dma_start3A_62 = arith.constant 0 : i32
    %dma_start3A_63 = arith.constant 0 : i32
    %dma_start3A_64 = tpu.memref_slice %arg4[%add3A, %dma_start3A_56, %dma_start3A_62, %dma_start3A_63] : memref<32x80x1x128xi32, #tpu.memory_space<hbm>> -> memref<1x1x1x128xi32, #tpu.memory_space<hbm>>
    %dma_start3A_65 = tpu.memref_squeeze %dma_start3A_64 : memref<1x1x1x128xi32, #tpu.memory_space<hbm>> -> memref<1x128xi32, #tpu.memory_space<hbm>>
    %dma_start3A_66 = arith.constant 0 : i32
    %dma_start3A_67 = arith.constant 0 : i32
    %dma_start3A_68 = tpu.memref_slice %arg8[%dma_start3A_57, %dma_start3A_66, %dma_start3A_67] : memref<4x1x128xi32, #tpu.memory_space<vmem>> -> memref<1x1x128xi32, #tpu.memory_space<vmem>>
    %dma_start3A_69 = tpu.memref_squeeze %dma_start3A_68 : memref<1x1x128xi32, #tpu.memory_space<vmem>> -> memref<1x128xi32, #tpu.memory_space<vmem>>
    %dma_start3A_70 = arith.constant 0 : i32
    %dma_start3A_71 = arith.constant 0 : i32
    %dma_start3A_72 = tpu.memref_slice %arg4[%add3A, %dma_start3A_56, %dma_start3A_70, %dma_start3A_71] : memref<32x80x1x128xi32, #tpu.memory_space<hbm>> -> memref<1x1x1x128xi32, #tpu.memory_space<hbm>>
    %dma_start3A_73 = tpu.memref_squeeze %dma_start3A_72 : memref<1x1x1x128xi32, #tpu.memory_space<hbm>> -> memref<1x128xi32, #tpu.memory_space<hbm>>
    tpu.enqueue_dma source(%dma_start3A_73 : memref<1x128xi32, #tpu.memory_space<hbm>>) target(%dma_start3A_69 : memref<1x128xi32, #tpu.memory_space<vmem>>) target_semaphore(%arg21 : memref<!tpu.dma_semaphore, #tpu.memory_space<semaphore_mem>>)
    %dma_start3A_74 = arith.constant 2 : i32
    %dma_start3A_75 = arith.constant 2 : i32
    %dma_start3A_76 = arith.constant 0 : i32
    %dma_start3A_77 = arith.constant 0 : i32
    %dma_start3A_78 = tpu.memref_slice %arg7[%dma_start3A_75, %dma_start3A_76, %dma_start3A_77] : memref<4x1x128xi32, #tpu.memory_space<vmem>> -> memref<1x1x128xi32, #tpu.memory_space<vmem>>
    %dma_start3A_79 = tpu.memref_squeeze %dma_start3A_78 : memref<1x1x128xi32, #tpu.memory_space<vmem>> -> memref<1x128xi32, #tpu.memory_space<vmem>>
    %dma_start3A_80 = arith.constant 0 : i32
    %dma_start3A_81 = arith.constant 0 : i32
    %dma_start3A_82 = tpu.memref_slice %arg3[%add3A, %dma_start3A_74, %dma_start3A_80, %dma_start3A_81] : memref<32x80x1x128xi32, #tpu.memory_space<hbm>> -> memref<1x1x1x128xi32, #tpu.memory_space<hbm>>
    %dma_start3A_83 = tpu.memref_squeeze %dma_start3A_82 : memref<1x1x1x128xi32, #tpu.memory_space<hbm>> -> memref<1x128xi32, #tpu.memory_space<hbm>>
    %dma_start3A_84 = arith.constant 0 : i32
    %dma_start3A_85 = arith.constant 0 : i32
    %dma_start3A_86 = tpu.memref_slice %arg7[%dma_start3A_75, %dma_start3A_84, %dma_start3A_85] : memref<4x1x128xi32, #tpu.memory_space<vmem>> -> memref<1x1x128xi32, #tpu.memory_space<vmem>>
    %dma_start3A_87 = tpu.memref_squeeze %dma_start3A_86 : memref<1x1x128xi32, #tpu.memory_space<vmem>> -> memref<1x128xi32, #tpu.memory_space<vmem>>
    %dma_start3A_88 = arith.constant 0 : i32
    %dma_start3A_89 = arith.constant 0 : i32
    %dma_start3A_90 = tpu.memref_slice %arg3[%add3A, %dma_start3A_74, %dma_start3A_88, %dma_start3A_89] : memref<32x80x1x128xi32, #tpu.memory_space<hbm>> -> memref<1x1x1x128xi32, #tpu.memory_space<hbm>>
    %dma_start3A_91 = tpu.memref_squeeze %dma_start3A_90 : memref<1x1x1x128xi32, #tpu.memory_space<hbm>> -> memref<1x128xi32, #tpu.memory_space<hbm>>
    tpu.enqueue_dma source(%dma_start3A_91 : memref<1x128xi32, #tpu.memory_space<hbm>>) target(%dma_start3A_87 : memref<1x128xi32, #tpu.memory_space<vmem>>) target_semaphore(%arg18 : memref<!tpu.dma_semaphore, #tpu.memory_space<semaphore_mem>>)
    %dma_start3A_92 = arith.constant 2 : i32
    %dma_start3A_93 = arith.constant 2 : i32
    %dma_start3A_94 = arith.constant 0 : i32
    %dma_start3A_95 = arith.constant 0 : i32
    %dma_start3A_96 = tpu.memref_slice %arg8[%dma_start3A_93, %dma_start3A_94, %dma_start3A_95] : memref<4x1x128xi32, #tpu.memory_space<vmem>> -> memref<1x1x128xi32, #tpu.memory_space<vmem>>
    %dma_start3A_97 = tpu.memref_squeeze %dma_start3A_96 : memref<1x1x128xi32, #tpu.memory_space<vmem>> -> memref<1x128xi32, #tpu.memory_space<vmem>>
    %dma_start3A_98 = arith.constant 0 : i32
    %dma_start3A_99 = arith.constant 0 : i32
    %dma_start3A_100 = tpu.memref_slice %arg4[%add3A, %dma_start3A_92, %dma_start3A_98, %dma_start3A_99] : memref<32x80x1x128xi32, #tpu.memory_space<hbm>> -> memref<1x1x1x128xi32, #tpu.memory_space<hbm>>
    %dma_start3A_101 = tpu.memref_squeeze %dma_start3A_100 : memref<1x1x1x128xi32, #tpu.memory_space<hbm>> -> memref<1x128xi32, #tpu.memory_space<hbm>>
    %dma_start3A_102 = arith.constant 0 : i32
    %dma_start3A_103 = arith.constant 0 : i32
    %dma_start3A_104 = tpu.memref_slice %arg8[%dma_start3A_93, %dma_start3A_102, %dma_start3A_103] : memref<4x1x128xi32, #tpu.memory_space<vmem>> -> memref<1x1x128xi32, #tpu.memory_space<vmem>>
    %dma_start3A_105 = tpu.memref_squeeze %dma_start3A_104 : memref<1x1x128xi32, #tpu.memory_space<vmem>> -> memref<1x128xi32, #tpu.memory_space<vmem>>
    %dma_start3A_106 = arith.constant 0 : i32
    %dma_start3A_107 = arith.constant 0 : i32
    %dma_start3A_108 = tpu.memref_slice %arg4[%add3A, %dma_start3A_92, %dma_start3A_106, %dma_start3A_107] : memref<32x80x1x128xi32, #tpu.memory_space<hbm>> -> memref<1x1x1x128xi32, #tpu.memory_space<hbm>>
    %dma_start3A_109 = tpu.memref_squeeze %dma_start3A_108 : memref<1x1x1x128xi32, #tpu.memory_space<hbm>> -> memref<1x128xi32, #tpu.memory_space<hbm>>
    tpu.enqueue_dma source(%dma_start3A_109 : memref<1x128xi32, #tpu.memory_space<hbm>>) target(%dma_start3A_105 : memref<1x128xi32, #tpu.memory_space<vmem>>) target_semaphore(%arg22 : memref<!tpu.dma_semaphore, #tpu.memory_space<semaphore_mem>>)
    %dma_start3A_110 = arith.constant 3 : i32
    %dma_start3A_111 = arith.constant 3 : i32
    %dma_start3A_112 = arith.constant 0 : i32
    %dma_start3A_113 = arith.constant 0 : i32
    %dma_start3A_114 = tpu.memref_slice %arg7[%dma_start3A_111, %dma_start3A_112, %dma_start3A_113] : memref<4x1x128xi32, #tpu.memory_space<vmem>> -> memref<1x1x128xi32, #tpu.memory_space<vmem>>
    %dma_start3A_115 = tpu.memref_squeeze %dma_start3A_114 : memref<1x1x128xi32, #tpu.memory_space<vmem>> -> memref<1x128xi32, #tpu.memory_space<vmem>>
    %dma_start3A_116 = arith.constant 0 : i32
    %dma_start3A_117 = arith.constant 0 : i32
    %dma_start3A_118 = tpu.memref_slice %arg3[%add3A, %dma_start3A_110, %dma_start3A_116, %dma_start3A_117] : memref<32x80x1x128xi32, #tpu.memory_space<hbm>> -> memref<1x1x1x128xi32, #tpu.memory_space<hbm>>
    %dma_start3A_119 = tpu.memref_squeeze %dma_start3A_118 : memref<1x1x1x128xi32, #tpu.memory_space<hbm>> -> memref<1x128xi32, #tpu.memory_space<hbm>>
    %dma_start3A_120 = arith.constant 0 : i32
    %dma_start3A_121 = arith.constant 0 : i32
    %dma_start3A_122 = tpu.memref_slice %arg7[%dma_start3A_111, %dma_start3A_120, %dma_start3A_121] : memref<4x1x128xi32, #tpu.memory_space<vmem>> -> memref<1x1x128xi32, #tpu.memory_space<vmem>>
    %dma_start3A_123 = tpu.memref_squeeze %dma_start3A_122 : memref<1x1x128xi32, #tpu.memory_space<vmem>> -> memref<1x128xi32, #tpu.memory_space<vmem>>
    %dma_start3A_124 = arith.constant 0 : i32
    %dma_start3A_125 = arith.constant 0 : i32
    %dma_start3A_126 = tpu.memref_slice %arg3[%add3A, %dma_start3A_110, %dma_start3A_124, %dma_start3A_125] : memref<32x80x1x128xi32, #tpu.memory_space<hbm>> -> memref<1x1x1x128xi32, #tpu.memory_space<hbm>>
    %dma_start3A_127 = tpu.memref_squeeze %dma_start3A_126 : memref<1x1x1x128xi32, #tpu.memory_space<hbm>> -> memref<1x128xi32, #tpu.memory_space<hbm>>
    tpu.enqueue_dma source(%dma_start3A_127 : memref<1x128xi32, #tpu.memory_space<hbm>>) target(%dma_start3A_123 : memref<1x128xi32, #tpu.memory_space<vmem>>) target_semaphore(%arg19 : memref<!tpu.dma_semaphore, #tpu.memory_space<semaphore_mem>>)
    %dma_start3A_128 = arith.constant 3 : i32
    %dma_start3A_129 = arith.constant 3 : i32
    %dma_start3A_130 = arith.constant 0 : i32
    %dma_start3A_131 = arith.constant 0 : i32
    %dma_start3A_132 = tpu.memref_slice %arg8[%dma_start3A_129, %dma_start3A_130, %dma_start3A_131] : memref<4x1x128xi32, #tpu.memory_space<vmem>> -> memref<1x1x128xi32, #tpu.memory_space<vmem>>
    %dma_start3A_133 = tpu.memref_squeeze %dma_start3A_132 : memref<1x1x128xi32, #tpu.memory_space<vmem>> -> memref<1x128xi32, #tpu.memory_space<vmem>>
    %dma_start3A_134 = arith.constant 0 : i32
    %dma_start3A_135 = arith.constant 0 : i32
    %dma_start3A_136 = tpu.memref_slice %arg4[%add3A, %dma_start3A_128, %dma_start3A_134, %dma_start3A_135] : memref<32x80x1x128xi32, #tpu.memory_space<hbm>> -> memref<1x1x1x128xi32, #tpu.memory_space<hbm>>
    %dma_start3A_137 = tpu.memref_squeeze %dma_start3A_136 : memref<1x1x1x128xi32, #tpu.memory_space<hbm>> -> memref<1x128xi32, #tpu.memory_space<hbm>>
    %dma_start3A_138 = arith.constant 0 : i32
    %dma_start3A_139 = arith.constant 0 : i32
    %dma_start3A_140 = tpu.memref_slice %arg8[%dma_start3A_129, %dma_start3A_138, %dma_start3A_139] : memref<4x1x128xi32, #tpu.memory_space<vmem>> -> memref<1x1x128xi32, #tpu.memory_space<vmem>>
    %dma_start3A_141 = tpu.memref_squeeze %dma_start3A_140 : memref<1x1x128xi32, #tpu.memory_space<vmem>> -> memref<1x128xi32, #tpu.memory_space<vmem>>
    %dma_start3A_142 = arith.constant 0 : i32
    %dma_start3A_143 = arith.constant 0 : i32
    %dma_start3A_144 = tpu.memref_slice %arg4[%add3A, %dma_start3A_128, %dma_start3A_142, %dma_start3A_143] : memref<32x80x1x128xi32, #tpu.memory_space<hbm>> -> memref<1x1x1x128xi32, #tpu.memory_space<hbm>>
    %dma_start3A_145 = tpu.memref_squeeze %dma_start3A_144 : memref<1x1x1x128xi32, #tpu.memory_space<hbm>> -> memref<1x128xi32, #tpu.memory_space<hbm>>
    tpu.enqueue_dma source(%dma_start3A_145 : memref<1x128xi32, #tpu.memory_space<hbm>>) target(%dma_start3A_141 : memref<1x128xi32, #tpu.memory_space<vmem>>) target_semaphore(%arg23 : memref<!tpu.dma_semaphore, #tpu.memory_space<semaphore_mem>>)
    %dma_wait3A = arith.constant 0 : i32
    %dma_wait3A_146 = arith.constant 0 : i32
    %dma_wait3A_147 = arith.constant 0 : i32
    %dma_wait3A_148 = arith.constant 0 : i32
    %dma_wait3A_149 = tpu.memref_slice %arg7[%dma_wait3A_146, %dma_wait3A_147, %dma_wait3A_148] : memref<4x1x128xi32, #tpu.memory_space<vmem>> -> memref<1x1x128xi32, #tpu.memory_space<vmem>>
    %dma_wait3A_150 = tpu.memref_squeeze %dma_wait3A_149 : memref<1x1x128xi32, #tpu.memory_space<vmem>> -> memref<1x128xi32, #tpu.memory_space<vmem>>
    %dma_wait3A_151 = arith.constant 0 : i32
    %dma_wait3A_152 = arith.constant 0 : i32
    %dma_wait3A_153 = tpu.memref_slice %arg3[%add3A, %dma_wait3A, %dma_wait3A_151, %dma_wait3A_152] : memref<32x80x1x128xi32, #tpu.memory_space<hbm>> -> memref<1x1x1x128xi32, #tpu.memory_space<hbm>>
    %dma_wait3A_154 = tpu.memref_squeeze %dma_wait3A_153 : memref<1x1x1x128xi32, #tpu.memory_space<hbm>> -> memref<1x128xi32, #tpu.memory_space<hbm>>
    %dma_wait3A_155 = arith.constant 0 : i32
    %dma_wait3A_156 = arith.constant 0 : i32
    %dma_wait3A_157 = tpu.memref_slice %arg7[%dma_wait3A_146, %dma_wait3A_155, %dma_wait3A_156] : memref<4x1x128xi32, #tpu.memory_space<vmem>> -> memref<1x1x128xi32, #tpu.memory_space<vmem>>
    %dma_wait3A_158 = tpu.memref_squeeze %dma_wait3A_157 : memref<1x1x128xi32, #tpu.memory_space<vmem>> -> memref<1x128xi32, #tpu.memory_space<vmem>>
    %dma_wait3A_159 = arith.constant 0 : i32
    %dma_wait3A_160 = arith.constant 0 : i32
    %dma_wait3A_161 = tpu.memref_slice %arg3[%add3A, %dma_wait3A, %dma_wait3A_159, %dma_wait3A_160] : memref<32x80x1x128xi32, #tpu.memory_space<hbm>> -> memref<1x1x1x128xi32, #tpu.memory_space<hbm>>
    %dma_wait3A_162 = tpu.memref_squeeze %dma_wait3A_161 : memref<1x1x1x128xi32, #tpu.memory_space<hbm>> -> memref<1x128xi32, #tpu.memory_space<hbm>>
    tpu.wait_dma2 semaphore(%arg16 : memref<!tpu.dma_semaphore, #tpu.memory_space<semaphore_mem>>) src(%dma_wait3A_162 : memref<1x128xi32, #tpu.memory_space<hbm>>) dst(%dma_wait3A_158 : memref<1x128xi32, #tpu.memory_space<vmem>>)
    %dma_start3A_163 = arith.constant 0 : i32
    %dma_start3A_164 = arith.constant 0 : i32
    %dma_start3A_165 = arith.constant 0 : i32
    %dma_start3A_166 = tpu.memref_slice %arg7[%dma_start3A_163, %dma_start3A_164, %dma_start3A_165] : memref<4x1x128xi32, #tpu.memory_space<vmem>> -> memref<1x1x128xi32, #tpu.memory_space<vmem>>
    %dma_start3A_167 = tpu.memref_squeeze %dma_start3A_166 : memref<1x1x128xi32, #tpu.memory_space<vmem>> -> memref<128xi32, #tpu.memory_space<vmem>>
    %dma_start3A_168 = arith.constant 0 : i32
    %dma_start3A_169 = arith.constant 0 : i32
    %dma_start3A_170 = tpu.memref_slice %arg2[%dma_start3A_168, %dma_start3A_169] : memref<10000x128xf32, #tpu.memory_space<hbm>> -> memref<10000x128xf32, #tpu.memory_space<hbm>>
    tpu.enqueue_indirect_dma source(%dma_start3A_170 : memref<10000x128xf32, #tpu.memory_space<hbm>>) target(%arg9 : memref<128x128xf32, #tpu.memory_space<vmem>>) offsets(%dma_start3A_167 : memref<128xi32, #tpu.memory_space<vmem>>) semaphore(%arg12 : memref<!tpu.dma_semaphore, #tpu.memory_space<semaphore_mem>>)
    %dma_wait3A_171 = arith.constant 0 : i32
    %dma_wait3A_172 = arith.constant 1 : i32
    %dma_wait3A_173 = arith.constant 0 : i32
    %dma_wait3A_174 = arith.constant 0 : i32
    %dma_wait3A_175 = tpu.memref_slice %arg7[%dma_wait3A_172, %dma_wait3A_173, %dma_wait3A_174] : memref<4x1x128xi32, #tpu.memory_space<vmem>> -> memref<1x1x128xi32, #tpu.memory_space<vmem>>
    %dma_wait3A_176 = tpu.memref_squeeze %dma_wait3A_175 : memref<1x1x128xi32, #tpu.memory_space<vmem>> -> memref<1x128xi32, #tpu.memory_space<vmem>>
    %dma_wait3A_177 = arith.constant 0 : i32
    %dma_wait3A_178 = arith.constant 0 : i32
    %dma_wait3A_179 = tpu.memref_slice %arg3[%add3A, %dma_wait3A_171, %dma_wait3A_177, %dma_wait3A_178] : memref<32x80x1x128xi32, #tpu.memory_space<hbm>> -> memref<1x1x1x128xi32, #tpu.memory_space<hbm>>
    %dma_wait3A_180 = tpu.memref_squeeze %dma_wait3A_179 : memref<1x1x1x128xi32, #tpu.memory_space<hbm>> -> memref<1x128xi32, #tpu.memory_space<hbm>>
    %dma_wait3A_181 = arith.constant 0 : i32
    %dma_wait3A_182 = arith.constant 0 : i32
    %dma_wait3A_183 = tpu.memref_slice %arg7[%dma_wait3A_172, %dma_wait3A_181, %dma_wait3A_182] : memref<4x1x128xi32, #tpu.memory_space<vmem>> -> memref<1x1x128xi32, #tpu.memory_space<vmem>>
    %dma_wait3A_184 = tpu.memref_squeeze %dma_wait3A_183 : memref<1x1x128xi32, #tpu.memory_space<vmem>> -> memref<1x128xi32, #tpu.memory_space<vmem>>
    %dma_wait3A_185 = arith.constant 0 : i32
    %dma_wait3A_186 = arith.constant 0 : i32
    %dma_wait3A_187 = tpu.memref_slice %arg3[%add3A, %dma_wait3A_171, %dma_wait3A_185, %dma_wait3A_186] : memref<32x80x1x128xi32, #tpu.memory_space<hbm>> -> memref<1x1x1x128xi32, #tpu.memory_space<hbm>>
    %dma_wait3A_188 = tpu.memref_squeeze %dma_wait3A_187 : memref<1x1x1x128xi32, #tpu.memory_space<hbm>> -> memref<1x128xi32, #tpu.memory_space<hbm>>
    tpu.wait_dma2 semaphore(%arg17 : memref<!tpu.dma_semaphore, #tpu.memory_space<semaphore_mem>>) src(%dma_wait3A_188 : memref<1x128xi32, #tpu.memory_space<hbm>>) dst(%dma_wait3A_184 : memref<1x128xi32, #tpu.memory_space<vmem>>)
    %dma_start3A_189 = arith.constant 1 : i32
    %dma_start3A_190 = arith.constant 0 : i32
    %dma_start3A_191 = arith.constant 0 : i32
    %dma_start3A_192 = tpu.memref_slice %arg7[%dma_start3A_189, %dma_start3A_190, %dma_start3A_191] : memref<4x1x128xi32, #tpu.memory_space<vmem>> -> memref<1x1x128xi32, #tpu.memory_space<vmem>>
    %dma_start3A_193 = tpu.memref_squeeze %dma_start3A_192 : memref<1x1x128xi32, #tpu.memory_space<vmem>> -> memref<128xi32, #tpu.memory_space<vmem>>
    %dma_start3A_194 = arith.constant 0 : i32
    %dma_start3A_195 = arith.constant 0 : i32
    %dma_start3A_196 = tpu.memref_slice %arg2[%dma_start3A_194, %dma_start3A_195] : memref<10000x128xf32, #tpu.memory_space<hbm>> -> memref<10000x128xf32, #tpu.memory_space<hbm>>
    tpu.enqueue_indirect_dma source(%dma_start3A_196 : memref<10000x128xf32, #tpu.memory_space<hbm>>) target(%arg10 : memref<128x128xf32, #tpu.memory_space<vmem>>) offsets(%dma_start3A_193 : memref<128xi32, #tpu.memory_space<vmem>>) semaphore(%arg13 : memref<!tpu.dma_semaphore, #tpu.memory_space<semaphore_mem>>)
    %dma_wait3A_197 = arith.constant 0 : i32
    %dma_wait3A_198 = arith.constant 0 : i32
    %dma_wait3A_199 = arith.constant 0 : i32
    %dma_wait3A_200 = tpu.memref_slice %arg7[%dma_wait3A_197, %dma_wait3A_198, %dma_wait3A_199] : memref<4x1x128xi32, #tpu.memory_space<vmem>> -> memref<1x1x128xi32, #tpu.memory_space<vmem>>
    %dma_wait3A_201 = tpu.memref_squeeze %dma_wait3A_200 : memref<1x1x128xi32, #tpu.memory_space<vmem>> -> memref<128xi32, #tpu.memory_space<vmem>>
    %dma_wait3A_202 = arith.constant 0 : i32
    %dma_wait3A_203 = arith.constant 0 : i32
    %dma_wait3A_204 = tpu.memref_slice %arg2[%dma_wait3A_202, %dma_wait3A_203] : memref<10000x128xf32, #tpu.memory_space<hbm>> -> memref<10000x128xf32, #tpu.memory_space<hbm>>
    tpu.wait_indirect_dma semaphore(%arg12 : memref<!tpu.dma_semaphore, #tpu.memory_space<semaphore_mem>>) src(%dma_wait3A_204 : memref<10000x128xf32, #tpu.memory_space<hbm>>) dst(%arg9 : memref<128x128xf32, #tpu.memory_space<vmem>>)
    %dma_wait3A_205 = arith.constant 0 : i32
    %dma_wait3A_206 = arith.constant 0 : i32
    %dma_wait3A_207 = arith.constant 0 : i32
    %dma_wait3A_208 = arith.constant 0 : i32
    %dma_wait3A_209 = tpu.memref_slice %arg8[%dma_wait3A_206, %dma_wait3A_207, %dma_wait3A_208] : memref<4x1x128xi32, #tpu.memory_space<vmem>> -> memref<1x1x128xi32, #tpu.memory_space<vmem>>
    %dma_wait3A_210 = tpu.memref_squeeze %dma_wait3A_209 : memref<1x1x128xi32, #tpu.memory_space<vmem>> -> memref<1x128xi32, #tpu.memory_space<vmem>>
    %dma_wait3A_211 = arith.constant 0 : i32
    %dma_wait3A_212 = arith.constant 0 : i32
    %dma_wait3A_213 = tpu.memref_slice %arg4[%add3A, %dma_wait3A_205, %dma_wait3A_211, %dma_wait3A_212] : memref<32x80x1x128xi32, #tpu.memory_space<hbm>> -> memref<1x1x1x128xi32, #tpu.memory_space<hbm>>
    %dma_wait3A_214 = tpu.memref_squeeze %dma_wait3A_213 : memref<1x1x1x128xi32, #tpu.memory_space<hbm>> -> memref<1x128xi32, #tpu.memory_space<hbm>>
    %dma_wait3A_215 = arith.constant 0 : i32
    %dma_wait3A_216 = arith.constant 0 : i32
    %dma_wait3A_217 = tpu.memref_slice %arg8[%dma_wait3A_206, %dma_wait3A_215, %dma_wait3A_216] : memref<4x1x128xi32, #tpu.memory_space<vmem>> -> memref<1x1x128xi32, #tpu.memory_space<vmem>>
    %dma_wait3A_218 = tpu.memref_squeeze %dma_wait3A_217 : memref<1x1x128xi32, #tpu.memory_space<vmem>> -> memref<1x128xi32, #tpu.memory_space<vmem>>
    %dma_wait3A_219 = arith.constant 0 : i32
    %dma_wait3A_220 = arith.constant 0 : i32
    %dma_wait3A_221 = tpu.memref_slice %arg4[%add3A, %dma_wait3A_205, %dma_wait3A_219, %dma_wait3A_220] : memref<32x80x1x128xi32, #tpu.memory_space<hbm>> -> memref<1x1x1x128xi32, #tpu.memory_space<hbm>>
    %dma_wait3A_222 = tpu.memref_squeeze %dma_wait3A_221 : memref<1x1x1x128xi32, #tpu.memory_space<hbm>> -> memref<1x128xi32, #tpu.memory_space<hbm>>
    tpu.wait_dma2 semaphore(%arg20 : memref<!tpu.dma_semaphore, #tpu.memory_space<semaphore_mem>>) src(%dma_wait3A_222 : memref<1x128xi32, #tpu.memory_space<hbm>>) dst(%dma_wait3A_218 : memref<1x128xi32, #tpu.memory_space<vmem>>)
    %dma_start3A_223 = arith.constant 0 : i32
    %dma_start3A_224 = arith.constant 0 : i32
    %dma_start3A_225 = arith.constant 0 : i32
    %dma_start3A_226 = tpu.memref_slice %arg8[%dma_start3A_223, %dma_start3A_224, %dma_start3A_225] : memref<4x1x128xi32, #tpu.memory_space<vmem>> -> memref<1x1x128xi32, #tpu.memory_space<vmem>>
    %dma_start3A_227 = tpu.memref_squeeze %dma_start3A_226 : memref<1x1x128xi32, #tpu.memory_space<vmem>> -> memref<128xi32, #tpu.memory_space<vmem>>
    %dma_start3A_228 = arith.constant 0 : i32
    %dma_start3A_229 = arith.constant 0 : i32
    %dma_start3A_230 = tpu.memref_slice %arg11[%dma_start3A_228, %dma_start3A_229] : memref<10112x128xf32, #tpu.memory_space<vmem_shared>> -> memref<10112x128xf32, #tpu.memory_space<vmem_shared>>
    tpu.enqueue_indirect_dma source(%arg9 : memref<128x128xf32, #tpu.memory_space<vmem>>) target(%dma_start3A_230 : memref<10112x128xf32, #tpu.memory_space<vmem_shared>>) offsets(%dma_start3A_227 : memref<128xi32, #tpu.memory_space<vmem>>) semaphore(%arg14 : memref<!tpu.dma_semaphore, #tpu.memory_space<semaphore_mem>>) {add = true}
    %scan3A = arith.constant 0 : i32
    %scan3A_231 = arith.constant 0 : i32
    %scan3A_232 = arith.constant 19 : i32
    %scan3A_233 = arith.addi %scan3A_231, %scan3A_232 : i32
    %scan3A_234 = arith.constant 1 : i32
    scf.for %scan3A_427 = %scan3A_231 to %scan3A_233 step %scan3A_234  : i32 {
      %mul3A_428 = arith.constant 4 : i32
      %mul3A_429 = arith.muli %mul3A_428, %scan3A_427 : i32
      %add3A_430 = arith.constant 2 : i32
      %add3A_431 = arith.addi %add3A_430, %mul3A_429 : i32
      %dma_wait3A_432 = arith.constant 0 : i32
      %dma_wait3A_433 = arith.constant 0 : i32
      %dma_wait3A_434 = arith.constant 0 : i32
      %dma_wait3A_435 = tpu.memref_slice %arg8[%dma_wait3A_432, %dma_wait3A_433, %dma_wait3A_434] : memref<4x1x128xi32, #tpu.memory_space<vmem>> -> memref<1x1x128xi32, #tpu.memory_space<vmem>>
      %dma_wait3A_436 = tpu.memref_squeeze %dma_wait3A_435 : memref<1x1x128xi32, #tpu.memory_space<vmem>> -> memref<128xi32, #tpu.memory_space<vmem>>
      %dma_wait3A_437 = arith.constant 0 : i32
      %dma_wait3A_438 = arith.constant 0 : i32
      %dma_wait3A_439 = tpu.memref_slice %arg11[%dma_wait3A_437, %dma_wait3A_438] : memref<10112x128xf32, #tpu.memory_space<vmem_shared>> -> memref<10112x128xf32, #tpu.memory_space<vmem_shared>>
      tpu.wait_indirect_dma semaphore(%arg14 : memref<!tpu.dma_semaphore, #tpu.memory_space<semaphore_mem>>) src(%arg9 : memref<128x128xf32, #tpu.memory_space<vmem>>) dst(%dma_wait3A_439 : memref<10112x128xf32, #tpu.memory_space<vmem_shared>>)
      %add3A_440 = arith.constant 0 : i32
      %add3A_441 = arith.addi %add3A_431, %add3A_440 : i32
      %add3A_442 = arith.constant 2 : i32
      %add3A_443 = arith.addi %add3A_441, %add3A_442 : i32
      %dma_start3A_444 = arith.constant 0 : i32
      %dma_start3A_445 = arith.constant 0 : i32
      %dma_start3A_446 = arith.constant 0 : i32
      %dma_start3A_447 = tpu.memref_slice %arg7[%dma_start3A_444, %dma_start3A_445, %dma_start3A_446] : memref<4x1x128xi32, #tpu.memory_space<vmem>> -> memref<1x1x128xi32, #tpu.memory_space<vmem>>
      %dma_start3A_448 = tpu.memref_squeeze %dma_start3A_447 : memref<1x1x128xi32, #tpu.memory_space<vmem>> -> memref<1x128xi32, #tpu.memory_space<vmem>>
      %dma_start3A_449 = arith.constant 0 : i32
      %dma_start3A_450 = arith.constant 0 : i32
      %dma_start3A_451 = tpu.memref_slice %arg3[%add3A, %add3A_443, %dma_start3A_449, %dma_start3A_450] : memref<32x80x1x128xi32, #tpu.memory_space<hbm>> -> memref<1x1x1x128xi32, #tpu.memory_space<hbm>>
      %dma_start3A_452 = tpu.memref_squeeze %dma_start3A_451 : memref<1x1x1x128xi32, #tpu.memory_space<hbm>> -> memref<1x128xi32, #tpu.memory_space<hbm>>
      %dma_start3A_453 = arith.constant 0 : i32
      %dma_start3A_454 = arith.constant 0 : i32
      %dma_start3A_455 = tpu.memref_slice %arg7[%dma_start3A_444, %dma_start3A_453, %dma_start3A_454] : memref<4x1x128xi32, #tpu.memory_space<vmem>> -> memref<1x1x128xi32, #tpu.memory_space<vmem>>
      %dma_start3A_456 = tpu.memref_squeeze %dma_start3A_455 : memref<1x1x128xi32, #tpu.memory_space<vmem>> -> memref<1x128xi32, #tpu.memory_space<vmem>>
      %dma_start3A_457 = arith.constant 0 : i32
      %dma_start3A_458 = arith.constant 0 : i32
      %dma_start3A_459 = tpu.memref_slice %arg3[%add3A, %add3A_443, %dma_start3A_457, %dma_start3A_458] : memref<32x80x1x128xi32, #tpu.memory_space<hbm>> -> memref<1x1x1x128xi32, #tpu.memory_space<hbm>>
      %dma_start3A_460 = tpu.memref_squeeze %dma_start3A_459 : memref<1x1x1x128xi32, #tpu.memory_space<hbm>> -> memref<1x128xi32, #tpu.memory_space<hbm>>
      tpu.enqueue_dma source(%dma_start3A_460 : memref<1x128xi32, #tpu.memory_space<hbm>>) target(%dma_start3A_456 : memref<1x128xi32, #tpu.memory_space<vmem>>) target_semaphore(%arg16 : memref<!tpu.dma_semaphore, #tpu.memory_space<semaphore_mem>>)
      %dma_start3A_461 = arith.constant 0 : i32
      %dma_start3A_462 = arith.constant 0 : i32
      %dma_start3A_463 = arith.constant 0 : i32
      %dma_start3A_464 = tpu.memref_slice %arg8[%dma_start3A_461, %dma_start3A_462, %dma_start3A_463] : memref<4x1x128xi32, #tpu.memory_space<vmem>> -> memref<1x1x128xi32, #tpu.memory_space<vmem>>
      %dma_start3A_465 = tpu.memref_squeeze %dma_start3A_464 : memref<1x1x128xi32, #tpu.memory_space<vmem>> -> memref<1x128xi32, #tpu.memory_space<vmem>>
      %dma_start3A_466 = arith.constant 0 : i32
      %dma_start3A_467 = arith.constant 0 : i32
      %dma_start3A_468 = tpu.memref_slice %arg4[%add3A, %add3A_443, %dma_start3A_466, %dma_start3A_467] : memref<32x80x1x128xi32, #tpu.memory_space<hbm>> -> memref<1x1x1x128xi32, #tpu.memory_space<hbm>>
      %dma_start3A_469 = tpu.memref_squeeze %dma_start3A_468 : memref<1x1x1x128xi32, #tpu.memory_space<hbm>> -> memref<1x128xi32, #tpu.memory_space<hbm>>
      %dma_start3A_470 = arith.constant 0 : i32
      %dma_start3A_471 = arith.constant 0 : i32
      %dma_start3A_472 = tpu.memref_slice %arg8[%dma_start3A_461, %dma_start3A_470, %dma_start3A_471] : memref<4x1x128xi32, #tpu.memory_space<vmem>> -> memref<1x1x128xi32, #tpu.memory_space<vmem>>
      %dma_start3A_473 = tpu.memref_squeeze %dma_start3A_472 : memref<1x1x128xi32, #tpu.memory_space<vmem>> -> memref<1x128xi32, #tpu.memory_space<vmem>>
      %dma_start3A_474 = arith.constant 0 : i32
      %dma_start3A_475 = arith.constant 0 : i32
      %dma_start3A_476 = tpu.memref_slice %arg4[%add3A, %add3A_443, %dma_start3A_474, %dma_start3A_475] : memref<32x80x1x128xi32, #tpu.memory_space<hbm>> -> memref<1x1x1x128xi32, #tpu.memory_space<hbm>>
      %dma_start3A_477 = tpu.memref_squeeze %dma_start3A_476 : memref<1x1x1x128xi32, #tpu.memory_space<hbm>> -> memref<1x128xi32, #tpu.memory_space<hbm>>
      tpu.enqueue_dma source(%dma_start3A_477 : memref<1x128xi32, #tpu.memory_space<hbm>>) target(%dma_start3A_473 : memref<1x128xi32, #tpu.memory_space<vmem>>) target_semaphore(%arg20 : memref<!tpu.dma_semaphore, #tpu.memory_space<semaphore_mem>>)
      %dma_wait3A_478 = arith.constant 0 : i32
      %dma_wait3A_479 = arith.constant 2 : i32
      %dma_wait3A_480 = arith.constant 0 : i32
      %dma_wait3A_481 = arith.constant 0 : i32
      %dma_wait3A_482 = tpu.memref_slice %arg7[%dma_wait3A_479, %dma_wait3A_480, %dma_wait3A_481] : memref<4x1x128xi32, #tpu.memory_space<vmem>> -> memref<1x1x128xi32, #tpu.memory_space<vmem>>
      %dma_wait3A_483 = tpu.memref_squeeze %dma_wait3A_482 : memref<1x1x128xi32, #tpu.memory_space<vmem>> -> memref<1x128xi32, #tpu.memory_space<vmem>>
      %dma_wait3A_484 = arith.constant 0 : i32
      %dma_wait3A_485 = arith.constant 0 : i32
      %dma_wait3A_486 = tpu.memref_slice %arg3[%add3A, %dma_wait3A_478, %dma_wait3A_484, %dma_wait3A_485] : memref<32x80x1x128xi32, #tpu.memory_space<hbm>> -> memref<1x1x1x128xi32, #tpu.memory_space<hbm>>
      %dma_wait3A_487 = tpu.memref_squeeze %dma_wait3A_486 : memref<1x1x1x128xi32, #tpu.memory_space<hbm>> -> memref<1x128xi32, #tpu.memory_space<hbm>>
      %dma_wait3A_488 = arith.constant 0 : i32
      %dma_wait3A_489 = arith.constant 0 : i32
      %dma_wait3A_490 = tpu.memref_slice %arg7[%dma_wait3A_479, %dma_wait3A_488, %dma_wait3A_489] : memref<4x1x128xi32, #tpu.memory_space<vmem>> -> memref<1x1x128xi32, #tpu.memory_space<vmem>>
      %dma_wait3A_491 = tpu.memref_squeeze %dma_wait3A_490 : memref<1x1x128xi32, #tpu.memory_space<vmem>> -> memref<1x128xi32, #tpu.memory_space<vmem>>
      %dma_wait3A_492 = arith.constant 0 : i32
      %dma_wait3A_493 = arith.constant 0 : i32
      %dma_wait3A_494 = tpu.memref_slice %arg3[%add3A, %dma_wait3A_478, %dma_wait3A_492, %dma_wait3A_493] : memref<32x80x1x128xi32, #tpu.memory_space<hbm>> -> memref<1x1x1x128xi32, #tpu.memory_space<hbm>>
      %dma_wait3A_495 = tpu.memref_squeeze %dma_wait3A_494 : memref<1x1x1x128xi32, #tpu.memory_space<hbm>> -> memref<1x128xi32, #tpu.memory_space<hbm>>
      tpu.wait_dma2 semaphore(%arg18 : memref<!tpu.dma_semaphore, #tpu.memory_space<semaphore_mem>>) src(%dma_wait3A_495 : memref<1x128xi32, #tpu.memory_space<hbm>>) dst(%dma_wait3A_491 : memref<1x128xi32, #tpu.memory_space<vmem>>)
      %dma_start3A_496 = arith.constant 2 : i32
      %dma_start3A_497 = arith.constant 0 : i32
      %dma_start3A_498 = arith.constant 0 : i32
      %dma_start3A_499 = tpu.memref_slice %arg7[%dma_start3A_496, %dma_start3A_497, %dma_start3A_498] : memref<4x1x128xi32, #tpu.memory_space<vmem>> -> memref<1x1x128xi32, #tpu.memory_space<vmem>>
      %dma_start3A_500 = tpu.memref_squeeze %dma_start3A_499 : memref<1x1x128xi32, #tpu.memory_space<vmem>> -> memref<128xi32, #tpu.memory_space<vmem>>
      %dma_start3A_501 = arith.constant 0 : i32
      %dma_start3A_502 = arith.constant 0 : i32
      %dma_start3A_503 = tpu.memref_slice %arg2[%dma_start3A_501, %dma_start3A_502] : memref<10000x128xf32, #tpu.memory_space<hbm>> -> memref<10000x128xf32, #tpu.memory_space<hbm>>
      tpu.enqueue_indirect_dma source(%dma_start3A_503 : memref<10000x128xf32, #tpu.memory_space<hbm>>) target(%arg9 : memref<128x128xf32, #tpu.memory_space<vmem>>) offsets(%dma_start3A_500 : memref<128xi32, #tpu.memory_space<vmem>>) semaphore(%arg12 : memref<!tpu.dma_semaphore, #tpu.memory_space<semaphore_mem>>)
      %dma_wait3A_504 = arith.constant 0 : i32
      %dma_wait3A_505 = arith.constant 0 : i32
      %dma_wait3A_506 = arith.constant 0 : i32
      %dma_wait3A_507 = tpu.memref_slice %arg7[%dma_wait3A_504, %dma_wait3A_505, %dma_wait3A_506] : memref<4x1x128xi32, #tpu.memory_space<vmem>> -> memref<1x1x128xi32, #tpu.memory_space<vmem>>
      %dma_wait3A_508 = tpu.memref_squeeze %dma_wait3A_507 : memref<1x1x128xi32, #tpu.memory_space<vmem>> -> memref<128xi32, #tpu.memory_space<vmem>>
      %dma_wait3A_509 = arith.constant 0 : i32
      %dma_wait3A_510 = arith.constant 0 : i32
      %dma_wait3A_511 = tpu.memref_slice %arg2[%dma_wait3A_509, %dma_wait3A_510] : memref<10000x128xf32, #tpu.memory_space<hbm>> -> memref<10000x128xf32, #tpu.memory_space<hbm>>
      tpu.wait_indirect_dma semaphore(%arg13 : memref<!tpu.dma_semaphore, #tpu.memory_space<semaphore_mem>>) src(%dma_wait3A_511 : memref<10000x128xf32, #tpu.memory_space<hbm>>) dst(%arg10 : memref<128x128xf32, #tpu.memory_space<vmem>>)
      %dma_wait3A_512 = arith.constant 0 : i32
      %dma_wait3A_513 = arith.constant 1 : i32
      %dma_wait3A_514 = arith.constant 0 : i32
      %dma_wait3A_515 = arith.constant 0 : i32
      %dma_wait3A_516 = tpu.memref_slice %arg8[%dma_wait3A_513, %dma_wait3A_514, %dma_wait3A_515] : memref<4x1x128xi32, #tpu.memory_space<vmem>> -> memref<1x1x128xi32, #tpu.memory_space<vmem>>
      %dma_wait3A_517 = tpu.memref_squeeze %dma_wait3A_516 : memref<1x1x128xi32, #tpu.memory_space<vmem>> -> memref<1x128xi32, #tpu.memory_space<vmem>>
      %dma_wait3A_518 = arith.constant 0 : i32
      %dma_wait3A_519 = arith.constant 0 : i32
      %dma_wait3A_520 = tpu.memref_slice %arg4[%add3A, %dma_wait3A_512, %dma_wait3A_518, %dma_wait3A_519] : memref<32x80x1x128xi32, #tpu.memory_space<hbm>> -> memref<1x1x1x128xi32, #tpu.memory_space<hbm>>
      %dma_wait3A_521 = tpu.memref_squeeze %dma_wait3A_520 : memref<1x1x1x128xi32, #tpu.memory_space<hbm>> -> memref<1x128xi32, #tpu.memory_space<hbm>>
      %dma_wait3A_522 = arith.constant 0 : i32
      %dma_wait3A_523 = arith.constant 0 : i32
      %dma_wait3A_524 = tpu.memref_slice %arg8[%dma_wait3A_513, %dma_wait3A_522, %dma_wait3A_523] : memref<4x1x128xi32, #tpu.memory_space<vmem>> -> memref<1x1x128xi32, #tpu.memory_space<vmem>>
      %dma_wait3A_525 = tpu.memref_squeeze %dma_wait3A_524 : memref<1x1x128xi32, #tpu.memory_space<vmem>> -> memref<1x128xi32, #tpu.memory_space<vmem>>
      %dma_wait3A_526 = arith.constant 0 : i32
      %dma_wait3A_527 = arith.constant 0 : i32
      %dma_wait3A_528 = tpu.memref_slice %arg4[%add3A, %dma_wait3A_512, %dma_wait3A_526, %dma_wait3A_527] : memref<32x80x1x128xi32, #tpu.memory_space<hbm>> -> memref<1x1x1x128xi32, #tpu.memory_space<hbm>>
      %dma_wait3A_529 = tpu.memref_squeeze %dma_wait3A_528 : memref<1x1x1x128xi32, #tpu.memory_space<hbm>> -> memref<1x128xi32, #tpu.memory_space<hbm>>
      tpu.wait_dma2 semaphore(%arg21 : memref<!tpu.dma_semaphore, #tpu.memory_space<semaphore_mem>>) src(%dma_wait3A_529 : memref<1x128xi32, #tpu.memory_space<hbm>>) dst(%dma_wait3A_525 : memref<1x128xi32, #tpu.memory_space<vmem>>)
      %dma_start3A_530 = arith.constant 1 : i32
      %dma_start3A_531 = arith.constant 0 : i32
      %dma_start3A_532 = arith.constant 0 : i32
      %dma_start3A_533 = tpu.memref_slice %arg8[%dma_start3A_530, %dma_start3A_531, %dma_start3A_532] : memref<4x1x128xi32, #tpu.memory_space<vmem>> -> memref<1x1x128xi32, #tpu.memory_space<vmem>>
      %dma_start3A_534 = tpu.memref_squeeze %dma_start3A_533 : memref<1x1x128xi32, #tpu.memory_space<vmem>> -> memref<128xi32, #tpu.memory_space<vmem>>
      %dma_start3A_535 = arith.constant 0 : i32
      %dma_start3A_536 = arith.constant 0 : i32
      %dma_start3A_537 = tpu.memref_slice %arg11[%dma_start3A_535, %dma_start3A_536] : memref<10112x128xf32, #tpu.memory_space<vmem_shared>> -> memref<10112x128xf32, #tpu.memory_space<vmem_shared>>
      tpu.enqueue_indirect_dma source(%arg10 : memref<128x128xf32, #tpu.memory_space<vmem>>) target(%dma_start3A_537 : memref<10112x128xf32, #tpu.memory_space<vmem_shared>>) offsets(%dma_start3A_534 : memref<128xi32, #tpu.memory_space<vmem>>) semaphore(%arg15 : memref<!tpu.dma_semaphore, #tpu.memory_space<semaphore_mem>>) {add = true}
      %dma_wait3A_538 = arith.constant 0 : i32
      %dma_wait3A_539 = arith.constant 0 : i32
      %dma_wait3A_540 = arith.constant 0 : i32
      %dma_wait3A_541 = tpu.memref_slice %arg8[%dma_wait3A_538, %dma_wait3A_539, %dma_wait3A_540] : memref<4x1x128xi32, #tpu.memory_space<vmem>> -> memref<1x1x128xi32, #tpu.memory_space<vmem>>
      %dma_wait3A_542 = tpu.memref_squeeze %dma_wait3A_541 : memref<1x1x128xi32, #tpu.memory_space<vmem>> -> memref<128xi32, #tpu.memory_space<vmem>>
      %dma_wait3A_543 = arith.constant 0 : i32
      %dma_wait3A_544 = arith.constant 0 : i32
      %dma_wait3A_545 = tpu.memref_slice %arg11[%dma_wait3A_543, %dma_wait3A_544] : memref<10112x128xf32, #tpu.memory_space<vmem_shared>> -> memref<10112x128xf32, #tpu.memory_space<vmem_shared>>
      tpu.wait_indirect_dma semaphore(%arg15 : memref<!tpu.dma_semaphore, #tpu.memory_space<semaphore_mem>>) src(%arg10 : memref<128x128xf32, #tpu.memory_space<vmem>>) dst(%dma_wait3A_545 : memref<10112x128xf32, #tpu.memory_space<vmem_shared>>)
      %add3A_546 = arith.constant 1 : i32
      %add3A_547 = arith.addi %add3A_431, %add3A_546 : i32
      %add3A_548 = arith.constant 2 : i32
      %add3A_549 = arith.addi %add3A_547, %add3A_548 : i32
      %dma_start3A_550 = arith.constant 1 : i32
      %dma_start3A_551 = arith.constant 0 : i32
      %dma_start3A_552 = arith.constant 0 : i32
      %dma_start3A_553 = tpu.memref_slice %arg7[%dma_start3A_550, %dma_start3A_551, %dma_start3A_552] : memref<4x1x128xi32, #tpu.memory_space<vmem>> -> memref<1x1x128xi32, #tpu.memory_space<vmem>>
      %dma_start3A_554 = tpu.memref_squeeze %dma_start3A_553 : memref<1x1x128xi32, #tpu.memory_space<vmem>> -> memref<1x128xi32, #tpu.memory_space<vmem>>
      %dma_start3A_555 = arith.constant 0 : i32
      %dma_start3A_556 = arith.constant 0 : i32
      %dma_start3A_557 = tpu.memref_slice %arg3[%add3A, %add3A_549, %dma_start3A_555, %dma_start3A_556] : memref<32x80x1x128xi32, #tpu.memory_space<hbm>> -> memref<1x1x1x128xi32, #tpu.memory_space<hbm>>
      %dma_start3A_558 = tpu.memref_squeeze %dma_start3A_557 : memref<1x1x1x128xi32, #tpu.memory_space<hbm>> -> memref<1x128xi32, #tpu.memory_space<hbm>>
      %dma_start3A_559 = arith.constant 0 : i32
      %dma_start3A_560 = arith.constant 0 : i32
      %dma_start3A_561 = tpu.memref_slice %arg7[%dma_start3A_550, %dma_start3A_559, %dma_start3A_560] : memref<4x1x128xi32, #tpu.memory_space<vmem>> -> memref<1x1x128xi32, #tpu.memory_space<vmem>>
      %dma_start3A_562 = tpu.memref_squeeze %dma_start3A_561 : memref<1x1x128xi32, #tpu.memory_space<vmem>> -> memref<1x128xi32, #tpu.memory_space<vmem>>
      %dma_start3A_563 = arith.constant 0 : i32
      %dma_start3A_564 = arith.constant 0 : i32
      %dma_start3A_565 = tpu.memref_slice %arg3[%add3A, %add3A_549, %dma_start3A_563, %dma_start3A_564] : memref<32x80x1x128xi32, #tpu.memory_space<hbm>> -> memref<1x1x1x128xi32, #tpu.memory_space<hbm>>
      %dma_start3A_566 = tpu.memref_squeeze %dma_start3A_565 : memref<1x1x1x128xi32, #tpu.memory_space<hbm>> -> memref<1x128xi32, #tpu.memory_space<hbm>>
      tpu.enqueue_dma source(%dma_start3A_566 : memref<1x128xi32, #tpu.memory_space<hbm>>) target(%dma_start3A_562 : memref<1x128xi32, #tpu.memory_space<vmem>>) target_semaphore(%arg17 : memref<!tpu.dma_semaphore, #tpu.memory_space<semaphore_mem>>)
      %dma_start3A_567 = arith.constant 1 : i32
      %dma_start3A_568 = arith.constant 0 : i32
      %dma_start3A_569 = arith.constant 0 : i32
      %dma_start3A_570 = tpu.memref_slice %arg8[%dma_start3A_567, %dma_start3A_568, %dma_start3A_569] : memref<4x1x128xi32, #tpu.memory_space<vmem>> -> memref<1x1x128xi32, #tpu.memory_space<vmem>>
      %dma_start3A_571 = tpu.memref_squeeze %dma_start3A_570 : memref<1x1x128xi32, #tpu.memory_space<vmem>> -> memref<1x128xi32, #tpu.memory_space<vmem>>
      %dma_start3A_572 = arith.constant 0 : i32
      %dma_start3A_573 = arith.constant 0 : i32
      %dma_start3A_574 = tpu.memref_slice %arg4[%add3A, %add3A_549, %dma_start3A_572, %dma_start3A_573] : memref<32x80x1x128xi32, #tpu.memory_space<hbm>> -> memref<1x1x1x128xi32, #tpu.memory_space<hbm>>
      %dma_start3A_575 = tpu.memref_squeeze %dma_start3A_574 : memref<1x1x1x128xi32, #tpu.memory_space<hbm>> -> memref<1x128xi32, #tpu.memory_space<hbm>>
      %dma_start3A_576 = arith.constant 0 : i32
      %dma_start3A_577 = arith.constant 0 : i32
      %dma_start3A_578 = tpu.memref_slice %arg8[%dma_start3A_567, %dma_start3A_576, %dma_start3A_577] : memref<4x1x128xi32, #tpu.memory_space<vmem>> -> memref<1x1x128xi32, #tpu.memory_space<vmem>>
      %dma_start3A_579 = tpu.memref_squeeze %dma_start3A_578 : memref<1x1x128xi32, #tpu.memory_space<vmem>> -> memref<1x128xi32, #tpu.memory_space<vmem>>
      %dma_start3A_580 = arith.constant 0 : i32
      %dma_start3A_581 = arith.constant 0 : i32
      %dma_start3A_582 = tpu.memref_slice %arg4[%add3A, %add3A_549, %dma_start3A_580, %dma_start3A_581] : memref<32x80x1x128xi32, #tpu.memory_space<hbm>> -> memref<1x1x1x128xi32, #tpu.memory_space<hbm>>
      %dma_start3A_583 = tpu.memref_squeeze %dma_start3A_582 : memref<1x1x1x128xi32, #tpu.memory_space<hbm>> -> memref<1x128xi32, #tpu.memory_space<hbm>>
      tpu.enqueue_dma source(%dma_start3A_583 : memref<1x128xi32, #tpu.memory_space<hbm>>) target(%dma_start3A_579 : memref<1x128xi32, #tpu.memory_space<vmem>>) target_semaphore(%arg21 : memref<!tpu.dma_semaphore, #tpu.memory_space<semaphore_mem>>)
      %dma_wait3A_584 = arith.constant 0 : i32
      %dma_wait3A_585 = arith.constant 3 : i32
      %dma_wait3A_586 = arith.constant 0 : i32
      %dma_wait3A_587 = arith.constant 0 : i32
      %dma_wait3A_588 = tpu.memref_slice %arg7[%dma_wait3A_585, %dma_wait3A_586, %dma_wait3A_587] : memref<4x1x128xi32, #tpu.memory_space<vmem>> -> memref<1x1x128xi32, #tpu.memory_space<vmem>>
      %dma_wait3A_589 = tpu.memref_squeeze %dma_wait3A_588 : memref<1x1x128xi32, #tpu.memory_space<vmem>> -> memref<1x128xi32, #tpu.memory_space<vmem>>
      %dma_wait3A_590 = arith.constant 0 : i32
      %dma_wait3A_591 = arith.constant 0 : i32
      %dma_wait3A_592 = tpu.memref_slice %arg3[%add3A, %dma_wait3A_584, %dma_wait3A_590, %dma_wait3A_591] : memref<32x80x1x128xi32, #tpu.memory_space<hbm>> -> memref<1x1x1x128xi32, #tpu.memory_space<hbm>>
      %dma_wait3A_593 = tpu.memref_squeeze %dma_wait3A_592 : memref<1x1x1x128xi32, #tpu.memory_space<hbm>> -> memref<1x128xi32, #tpu.memory_space<hbm>>
      %dma_wait3A_594 = arith.constant 0 : i32
      %dma_wait3A_595 = arith.constant 0 : i32
      %dma_wait3A_596 = tpu.memref_slice %arg7[%dma_wait3A_585, %dma_wait3A_594, %dma_wait3A_595] : memref<4x1x128xi32, #tpu.memory_space<vmem>> -> memref<1x1x128xi32, #tpu.memory_space<vmem>>
      %dma_wait3A_597 = tpu.memref_squeeze %dma_wait3A_596 : memref<1x1x128xi32, #tpu.memory_space<vmem>> -> memref<1x128xi32, #tpu.memory_space<vmem>>
      %dma_wait3A_598 = arith.constant 0 : i32
      %dma_wait3A_599 = arith.constant 0 : i32
      %dma_wait3A_600 = tpu.memref_slice %arg3[%add3A, %dma_wait3A_584, %dma_wait3A_598, %dma_wait3A_599] : memref<32x80x1x128xi32, #tpu.memory_space<hbm>> -> memref<1x1x1x128xi32, #tpu.memory_space<hbm>>
      %dma_wait3A_601 = tpu.memref_squeeze %dma_wait3A_600 : memref<1x1x1x128xi32, #tpu.memory_space<hbm>> -> memref<1x128xi32, #tpu.memory_space<hbm>>
      tpu.wait_dma2 semaphore(%arg19 : memref<!tpu.dma_semaphore, #tpu.memory_space<semaphore_mem>>) src(%dma_wait3A_601 : memref<1x128xi32, #tpu.memory_space<hbm>>) dst(%dma_wait3A_597 : memref<1x128xi32, #tpu.memory_space<vmem>>)
      %dma_start3A_602 = arith.constant 3 : i32
      %dma_start3A_603 = arith.constant 0 : i32
      %dma_start3A_604 = arith.constant 0 : i32
      %dma_start3A_605 = tpu.memref_slice %arg7[%dma_start3A_602, %dma_start3A_603, %dma_start3A_604] : memref<4x1x128xi32, #tpu.memory_space<vmem>> -> memref<1x1x128xi32, #tpu.memory_space<vmem>>
      %dma_start3A_606 = tpu.memref_squeeze %dma_start3A_605 : memref<1x1x128xi32, #tpu.memory_space<vmem>> -> memref<128xi32, #tpu.memory_space<vmem>>
      %dma_start3A_607 = arith.constant 0 : i32
      %dma_start3A_608 = arith.constant 0 : i32
      %dma_start3A_609 = tpu.memref_slice %arg2[%dma_start3A_607, %dma_start3A_608] : memref<10000x128xf32, #tpu.memory_space<hbm>> -> memref<10000x128xf32, #tpu.memory_space<hbm>>
      tpu.enqueue_indirect_dma source(%dma_start3A_609 : memref<10000x128xf32, #tpu.memory_space<hbm>>) target(%arg10 : memref<128x128xf32, #tpu.memory_space<vmem>>) offsets(%dma_start3A_606 : memref<128xi32, #tpu.memory_space<vmem>>) semaphore(%arg13 : memref<!tpu.dma_semaphore, #tpu.memory_space<semaphore_mem>>)
      %dma_wait3A_610 = arith.constant 0 : i32
      %dma_wait3A_611 = arith.constant 0 : i32
      %dma_wait3A_612 = arith.constant 0 : i32
      %dma_wait3A_613 = tpu.memref_slice %arg7[%dma_wait3A_610, %dma_wait3A_611, %dma_wait3A_612] : memref<4x1x128xi32, #tpu.memory_space<vmem>> -> memref<1x1x128xi32, #tpu.memory_space<vmem>>
      %dma_wait3A_614 = tpu.memref_squeeze %dma_wait3A_613 : memref<1x1x128xi32, #tpu.memory_space<vmem>> -> memref<128xi32, #tpu.memory_space<vmem>>
      %dma_wait3A_615 = arith.constant 0 : i32
      %dma_wait3A_616 = arith.constant 0 : i32
      %dma_wait3A_617 = tpu.memref_slice %arg2[%dma_wait3A_615, %dma_wait3A_616] : memref<10000x128xf32, #tpu.memory_space<hbm>> -> memref<10000x128xf32, #tpu.memory_space<hbm>>
      tpu.wait_indirect_dma semaphore(%arg12 : memref<!tpu.dma_semaphore, #tpu.memory_space<semaphore_mem>>) src(%dma_wait3A_617 : memref<10000x128xf32, #tpu.memory_space<hbm>>) dst(%arg9 : memref<128x128xf32, #tpu.memory_space<vmem>>)
      %dma_wait3A_618 = arith.constant 0 : i32
      %dma_wait3A_619 = arith.constant 2 : i32
      %dma_wait3A_620 = arith.constant 0 : i32
      %dma_wait3A_621 = arith.constant 0 : i32
      %dma_wait3A_622 = tpu.memref_slice %arg8[%dma_wait3A_619, %dma_wait3A_620, %dma_wait3A_621] : memref<4x1x128xi32, #tpu.memory_space<vmem>> -> memref<1x1x128xi32, #tpu.memory_space<vmem>>
      %dma_wait3A_623 = tpu.memref_squeeze %dma_wait3A_622 : memref<1x1x128xi32, #tpu.memory_space<vmem>> -> memref<1x128xi32, #tpu.memory_space<vmem>>
      %dma_wait3A_624 = arith.constant 0 : i32
      %dma_wait3A_625 = arith.constant 0 : i32
      %dma_wait3A_626 = tpu.memref_slice %arg4[%add3A, %dma_wait3A_618, %dma_wait3A_624, %dma_wait3A_625] : memref<32x80x1x128xi32, #tpu.memory_space<hbm>> -> memref<1x1x1x128xi32, #tpu.memory_space<hbm>>
      %dma_wait3A_627 = tpu.memref_squeeze %dma_wait3A_626 : memref<1x1x1x128xi32, #tpu.memory_space<hbm>> -> memref<1x128xi32, #tpu.memory_space<hbm>>
      %dma_wait3A_628 = arith.constant 0 : i32
      %dma_wait3A_629 = arith.constant 0 : i32
      %dma_wait3A_630 = tpu.memref_slice %arg8[%dma_wait3A_619, %dma_wait3A_628, %dma_wait3A_629] : memref<4x1x128xi32, #tpu.memory_space<vmem>> -> memref<1x1x128xi32, #tpu.memory_space<vmem>>
      %dma_wait3A_631 = tpu.memref_squeeze %dma_wait3A_630 : memref<1x1x128xi32, #tpu.memory_space<vmem>> -> memref<1x128xi32, #tpu.memory_space<vmem>>
      %dma_wait3A_632 = arith.constant 0 : i32
      %dma_wait3A_633 = arith.constant 0 : i32
      %dma_wait3A_634 = tpu.memref_slice %arg4[%add3A, %dma_wait3A_618, %dma_wait3A_632, %dma_wait3A_633] : memref<32x80x1x128xi32, #tpu.memory_space<hbm>> -> memref<1x1x1x128xi32, #tpu.memory_space<hbm>>
      %dma_wait3A_635 = tpu.memref_squeeze %dma_wait3A_634 : memref<1x1x1x128xi32, #tpu.memory_space<hbm>> -> memref<1x128xi32, #tpu.memory_space<hbm>>
      tpu.wait_dma2 semaphore(%arg22 : memref<!tpu.dma_semaphore, #tpu.memory_space<semaphore_mem>>) src(%dma_wait3A_635 : memref<1x128xi32, #tpu.memory_space<hbm>>) dst(%dma_wait3A_631 : memref<1x128xi32, #tpu.memory_space<vmem>>)
      %dma_start3A_636 = arith.constant 2 : i32
      %dma_start3A_637 = arith.constant 0 : i32
      %dma_start3A_638 = arith.constant 0 : i32
      %dma_start3A_639 = tpu.memref_slice %arg8[%dma_start3A_636, %dma_start3A_637, %dma_start3A_638] : memref<4x1x128xi32, #tpu.memory_space<vmem>> -> memref<1x1x128xi32, #tpu.memory_space<vmem>>
      %dma_start3A_640 = tpu.memref_squeeze %dma_start3A_639 : memref<1x1x128xi32, #tpu.memory_space<vmem>> -> memref<128xi32, #tpu.memory_space<vmem>>
      %dma_start3A_641 = arith.constant 0 : i32
      %dma_start3A_642 = arith.constant 0 : i32
      %dma_start3A_643 = tpu.memref_slice %arg11[%dma_start3A_641, %dma_start3A_642] : memref<10112x128xf32, #tpu.memory_space<vmem_shared>> -> memref<10112x128xf32, #tpu.memory_space<vmem_shared>>
      tpu.enqueue_indirect_dma source(%arg9 : memref<128x128xf32, #tpu.memory_space<vmem>>) target(%dma_start3A_643 : memref<10112x128xf32, #tpu.memory_space<vmem_shared>>) offsets(%dma_start3A_640 : memref<128xi32, #tpu.memory_space<vmem>>) semaphore(%arg14 : memref<!tpu.dma_semaphore, #tpu.memory_space<semaphore_mem>>) {add = true}
      %dma_wait3A_644 = arith.constant 0 : i32
      %dma_wait3A_645 = arith.constant 0 : i32
      %dma_wait3A_646 = arith.constant 0 : i32
      %dma_wait3A_647 = tpu.memref_slice %arg8[%dma_wait3A_644, %dma_wait3A_645, %dma_wait3A_646] : memref<4x1x128xi32, #tpu.memory_space<vmem>> -> memref<1x1x128xi32, #tpu.memory_space<vmem>>
      %dma_wait3A_648 = tpu.memref_squeeze %dma_wait3A_647 : memref<1x1x128xi32, #tpu.memory_space<vmem>> -> memref<128xi32, #tpu.memory_space<vmem>>
      %dma_wait3A_649 = arith.constant 0 : i32
      %dma_wait3A_650 = arith.constant 0 : i32
      %dma_wait3A_651 = tpu.memref_slice %arg11[%dma_wait3A_649, %dma_wait3A_650] : memref<10112x128xf32, #tpu.memory_space<vmem_shared>> -> memref<10112x128xf32, #tpu.memory_space<vmem_shared>>
      tpu.wait_indirect_dma semaphore(%arg14 : memref<!tpu.dma_semaphore, #tpu.memory_space<semaphore_mem>>) src(%arg9 : memref<128x128xf32, #tpu.memory_space<vmem>>) dst(%dma_wait3A_651 : memref<10112x128xf32, #tpu.memory_space<vmem_shared>>)
      %add3A_652 = arith.constant 2 : i32
      %add3A_653 = arith.addi %add3A_431, %add3A_652 : i32
      %add3A_654 = arith.constant 2 : i32
      %add3A_655 = arith.addi %add3A_653, %add3A_654 : i32
      %dma_start3A_656 = arith.constant 2 : i32
      %dma_start3A_657 = arith.constant 0 : i32
      %dma_start3A_658 = arith.constant 0 : i32
      %dma_start3A_659 = tpu.memref_slice %arg7[%dma_start3A_656, %dma_start3A_657, %dma_start3A_658] : memref<4x1x128xi32, #tpu.memory_space<vmem>> -> memref<1x1x128xi32, #tpu.memory_space<vmem>>
      %dma_start3A_660 = tpu.memref_squeeze %dma_start3A_659 : memref<1x1x128xi32, #tpu.memory_space<vmem>> -> memref<1x128xi32, #tpu.memory_space<vmem>>
      %dma_start3A_661 = arith.constant 0 : i32
      %dma_start3A_662 = arith.constant 0 : i32
      %dma_start3A_663 = tpu.memref_slice %arg3[%add3A, %add3A_655, %dma_start3A_661, %dma_start3A_662] : memref<32x80x1x128xi32, #tpu.memory_space<hbm>> -> memref<1x1x1x128xi32, #tpu.memory_space<hbm>>
      %dma_start3A_664 = tpu.memref_squeeze %dma_start3A_663 : memref<1x1x1x128xi32, #tpu.memory_space<hbm>> -> memref<1x128xi32, #tpu.memory_space<hbm>>
      %dma_start3A_665 = arith.constant 0 : i32
      %dma_start3A_666 = arith.constant 0 : i32
      %dma_start3A_667 = tpu.memref_slice %arg7[%dma_start3A_656, %dma_start3A_665, %dma_start3A_666] : memref<4x1x128xi32, #tpu.memory_space<vmem>> -> memref<1x1x128xi32, #tpu.memory_space<vmem>>
      %dma_start3A_668 = tpu.memref_squeeze %dma_start3A_667 : memref<1x1x128xi32, #tpu.memory_space<vmem>> -> memref<1x128xi32, #tpu.memory_space<vmem>>
      %dma_start3A_669 = arith.constant 0 : i32
      %dma_start3A_670 = arith.constant 0 : i32
      %dma_start3A_671 = tpu.memref_slice %arg3[%add3A, %add3A_655, %dma_start3A_669, %dma_start3A_670] : memref<32x80x1x128xi32, #tpu.memory_space<hbm>> -> memref<1x1x1x128xi32, #tpu.memory_space<hbm>>
      %dma_start3A_672 = tpu.memref_squeeze %dma_start3A_671 : memref<1x1x1x128xi32, #tpu.memory_space<hbm>> -> memref<1x128xi32, #tpu.memory_space<hbm>>
      tpu.enqueue_dma source(%dma_start3A_672 : memref<1x128xi32, #tpu.memory_space<hbm>>) target(%dma_start3A_668 : memref<1x128xi32, #tpu.memory_space<vmem>>) target_semaphore(%arg18 : memref<!tpu.dma_semaphore, #tpu.memory_space<semaphore_mem>>)
      %dma_start3A_673 = arith.constant 2 : i32
      %dma_start3A_674 = arith.constant 0 : i32
      %dma_start3A_675 = arith.constant 0 : i32
      %dma_start3A_676 = tpu.memref_slice %arg8[%dma_start3A_673, %dma_start3A_674, %dma_start3A_675] : memref<4x1x128xi32, #tpu.memory_space<vmem>> -> memref<1x1x128xi32, #tpu.memory_space<vmem>>
      %dma_start3A_677 = tpu.memref_squeeze %dma_start3A_676 : memref<1x1x128xi32, #tpu.memory_space<vmem>> -> memref<1x128xi32, #tpu.memory_space<vmem>>
      %dma_start3A_678 = arith.constant 0 : i32
      %dma_start3A_679 = arith.constant 0 : i32
      %dma_start3A_680 = tpu.memref_slice %arg4[%add3A, %add3A_655, %dma_start3A_678, %dma_start3A_679] : memref<32x80x1x128xi32, #tpu.memory_space<hbm>> -> memref<1x1x1x128xi32, #tpu.memory_space<hbm>>
      %dma_start3A_681 = tpu.memref_squeeze %dma_start3A_680 : memref<1x1x1x128xi32, #tpu.memory_space<hbm>> -> memref<1x128xi32, #tpu.memory_space<hbm>>
      %dma_start3A_682 = arith.constant 0 : i32
      %dma_start3A_683 = arith.constant 0 : i32
      %dma_start3A_684 = tpu.memref_slice %arg8[%dma_start3A_673, %dma_start3A_682, %dma_start3A_683] : memref<4x1x128xi32, #tpu.memory_space<vmem>> -> memref<1x1x128xi32, #tpu.memory_space<vmem>>
      %dma_start3A_685 = tpu.memref_squeeze %dma_start3A_684 : memref<1x1x128xi32, #tpu.memory_space<vmem>> -> memref<1x128xi32, #tpu.memory_space<vmem>>
      %dma_start3A_686 = arith.constant 0 : i32
      %dma_start3A_687 = arith.constant 0 : i32
      %dma_start3A_688 = tpu.memref_slice %arg4[%add3A, %add3A_655, %dma_start3A_686, %dma_start3A_687] : memref<32x80x1x128xi32, #tpu.memory_space<hbm>> -> memref<1x1x1x128xi32, #tpu.memory_space<hbm>>
      %dma_start3A_689 = tpu.memref_squeeze %dma_start3A_688 : memref<1x1x1x128xi32, #tpu.memory_space<hbm>> -> memref<1x128xi32, #tpu.memory_space<hbm>>
      tpu.enqueue_dma source(%dma_start3A_689 : memref<1x128xi32, #tpu.memory_space<hbm>>) target(%dma_start3A_685 : memref<1x128xi32, #tpu.memory_space<vmem>>) target_semaphore(%arg22 : memref<!tpu.dma_semaphore, #tpu.memory_space<semaphore_mem>>)
      %dma_wait3A_690 = arith.constant 0 : i32
      %dma_wait3A_691 = arith.constant 0 : i32
      %dma_wait3A_692 = arith.constant 0 : i32
      %dma_wait3A_693 = arith.constant 0 : i32
      %dma_wait3A_694 = tpu.memref_slice %arg7[%dma_wait3A_691, %dma_wait3A_692, %dma_wait3A_693] : memref<4x1x128xi32, #tpu.memory_space<vmem>> -> memref<1x1x128xi32, #tpu.memory_space<vmem>>
      %dma_wait3A_695 = tpu.memref_squeeze %dma_wait3A_694 : memref<1x1x128xi32, #tpu.memory_space<vmem>> -> memref<1x128xi32, #tpu.memory_space<vmem>>
      %dma_wait3A_696 = arith.constant 0 : i32
      %dma_wait3A_697 = arith.constant 0 : i32
      %dma_wait3A_698 = tpu.memref_slice %arg3[%add3A, %dma_wait3A_690, %dma_wait3A_696, %dma_wait3A_697] : memref<32x80x1x128xi32, #tpu.memory_space<hbm>> -> memref<1x1x1x128xi32, #tpu.memory_space<hbm>>
      %dma_wait3A_699 = tpu.memref_squeeze %dma_wait3A_698 : memref<1x1x1x128xi32, #tpu.memory_space<hbm>> -> memref<1x128xi32, #tpu.memory_space<hbm>>
      %dma_wait3A_700 = arith.constant 0 : i32
      %dma_wait3A_701 = arith.constant 0 : i32
      %dma_wait3A_702 = tpu.memref_slice %arg7[%dma_wait3A_691, %dma_wait3A_700, %dma_wait3A_701] : memref<4x1x128xi32, #tpu.memory_space<vmem>> -> memref<1x1x128xi32, #tpu.memory_space<vmem>>
      %dma_wait3A_703 = tpu.memref_squeeze %dma_wait3A_702 : memref<1x1x128xi32, #tpu.memory_space<vmem>> -> memref<1x128xi32, #tpu.memory_space<vmem>>
      %dma_wait3A_704 = arith.constant 0 : i32
      %dma_wait3A_705 = arith.constant 0 : i32
      %dma_wait3A_706 = tpu.memref_slice %arg3[%add3A, %dma_wait3A_690, %dma_wait3A_704, %dma_wait3A_705] : memref<32x80x1x128xi32, #tpu.memory_space<hbm>> -> memref<1x1x1x128xi32, #tpu.memory_space<hbm>>
      %dma_wait3A_707 = tpu.memref_squeeze %dma_wait3A_706 : memref<1x1x1x128xi32, #tpu.memory_space<hbm>> -> memref<1x128xi32, #tpu.memory_space<hbm>>
      tpu.wait_dma2 semaphore(%arg16 : memref<!tpu.dma_semaphore, #tpu.memory_space<semaphore_mem>>) src(%dma_wait3A_707 : memref<1x128xi32, #tpu.memory_space<hbm>>) dst(%dma_wait3A_703 : memref<1x128xi32, #tpu.memory_space<vmem>>)
      %dma_start3A_708 = arith.constant 0 : i32
      %dma_start3A_709 = arith.constant 0 : i32
      %dma_start3A_710 = arith.constant 0 : i32
      %dma_start3A_711 = tpu.memref_slice %arg7[%dma_start3A_708, %dma_start3A_709, %dma_start3A_710] : memref<4x1x128xi32, #tpu.memory_space<vmem>> -> memref<1x1x128xi32, #tpu.memory_space<vmem>>
      %dma_start3A_712 = tpu.memref_squeeze %dma_start3A_711 : memref<1x1x128xi32, #tpu.memory_space<vmem>> -> memref<128xi32, #tpu.memory_space<vmem>>
      %dma_start3A_713 = arith.constant 0 : i32
      %dma_start3A_714 = arith.constant 0 : i32
      %dma_start3A_715 = tpu.memref_slice %arg2[%dma_start3A_713, %dma_start3A_714] : memref<10000x128xf32, #tpu.memory_space<hbm>> -> memref<10000x128xf32, #tpu.memory_space<hbm>>
      tpu.enqueue_indirect_dma source(%dma_start3A_715 : memref<10000x128xf32, #tpu.memory_space<hbm>>) target(%arg9 : memref<128x128xf32, #tpu.memory_space<vmem>>) offsets(%dma_start3A_712 : memref<128xi32, #tpu.memory_space<vmem>>) semaphore(%arg12 : memref<!tpu.dma_semaphore, #tpu.memory_space<semaphore_mem>>)
      %dma_wait3A_716 = arith.constant 0 : i32
      %dma_wait3A_717 = arith.constant 0 : i32
      %dma_wait3A_718 = arith.constant 0 : i32
      %dma_wait3A_719 = tpu.memref_slice %arg7[%dma_wait3A_716, %dma_wait3A_717, %dma_wait3A_718] : memref<4x1x128xi32, #tpu.memory_space<vmem>> -> memref<1x1x128xi32, #tpu.memory_space<vmem>>
      %dma_wait3A_720 = tpu.memref_squeeze %dma_wait3A_719 : memref<1x1x128xi32, #tpu.memory_space<vmem>> -> memref<128xi32, #tpu.memory_space<vmem>>
      %dma_wait3A_721 = arith.constant 0 : i32
      %dma_wait3A_722 = arith.constant 0 : i32
      %dma_wait3A_723 = tpu.memref_slice %arg2[%dma_wait3A_721, %dma_wait3A_722] : memref<10000x128xf32, #tpu.memory_space<hbm>> -> memref<10000x128xf32, #tpu.memory_space<hbm>>
      tpu.wait_indirect_dma semaphore(%arg13 : memref<!tpu.dma_semaphore, #tpu.memory_space<semaphore_mem>>) src(%dma_wait3A_723 : memref<10000x128xf32, #tpu.memory_space<hbm>>) dst(%arg10 : memref<128x128xf32, #tpu.memory_space<vmem>>)
      %dma_wait3A_724 = arith.constant 0 : i32
      %dma_wait3A_725 = arith.constant 3 : i32
      %dma_wait3A_726 = arith.constant 0 : i32
      %dma_wait3A_727 = arith.constant 0 : i32
      %dma_wait3A_728 = tpu.memref_slice %arg8[%dma_wait3A_725, %dma_wait3A_726, %dma_wait3A_727] : memref<4x1x128xi32, #tpu.memory_space<vmem>> -> memref<1x1x128xi32, #tpu.memory_space<vmem>>
      %dma_wait3A_729 = tpu.memref_squeeze %dma_wait3A_728 : memref<1x1x128xi32, #tpu.memory_space<vmem>> -> memref<1x128xi32, #tpu.memory_space<vmem>>
      %dma_wait3A_730 = arith.constant 0 : i32
      %dma_wait3A_731 = arith.constant 0 : i32
      %dma_wait3A_732 = tpu.memref_slice %arg4[%add3A, %dma_wait3A_724, %dma_wait3A_730, %dma_wait3A_731] : memref<32x80x1x128xi32, #tpu.memory_space<hbm>> -> memref<1x1x1x128xi32, #tpu.memory_space<hbm>>
      %dma_wait3A_733 = tpu.memref_squeeze %dma_wait3A_732 : memref<1x1x1x128xi32, #tpu.memory_space<hbm>> -> memref<1x128xi32, #tpu.memory_space<hbm>>
      %dma_wait3A_734 = arith.constant 0 : i32
      %dma_wait3A_735 = arith.constant 0 : i32
      %dma_wait3A_736 = tpu.memref_slice %arg8[%dma_wait3A_725, %dma_wait3A_734, %dma_wait3A_735] : memref<4x1x128xi32, #tpu.memory_space<vmem>> -> memref<1x1x128xi32, #tpu.memory_space<vmem>>
      %dma_wait3A_737 = tpu.memref_squeeze %dma_wait3A_736 : memref<1x1x128xi32, #tpu.memory_space<vmem>> -> memref<1x128xi32, #tpu.memory_space<vmem>>
      %dma_wait3A_738 = arith.constant 0 : i32
      %dma_wait3A_739 = arith.constant 0 : i32
      %dma_wait3A_740 = tpu.memref_slice %arg4[%add3A, %dma_wait3A_724, %dma_wait3A_738, %dma_wait3A_739] : memref<32x80x1x128xi32, #tpu.memory_space<hbm>> -> memref<1x1x1x128xi32, #tpu.memory_space<hbm>>
      %dma_wait3A_741 = tpu.memref_squeeze %dma_wait3A_740 : memref<1x1x1x128xi32, #tpu.memory_space<hbm>> -> memref<1x128xi32, #tpu.memory_space<hbm>>
      tpu.wait_dma2 semaphore(%arg23 : memref<!tpu.dma_semaphore, #tpu.memory_space<semaphore_mem>>) src(%dma_wait3A_741 : memref<1x128xi32, #tpu.memory_space<hbm>>) dst(%dma_wait3A_737 : memref<1x128xi32, #tpu.memory_space<vmem>>)
      %dma_start3A_742 = arith.constant 3 : i32
      %dma_start3A_743 = arith.constant 0 : i32
      %dma_start3A_744 = arith.constant 0 : i32
      %dma_start3A_745 = tpu.memref_slice %arg8[%dma_start3A_742, %dma_start3A_743, %dma_start3A_744] : memref<4x1x128xi32, #tpu.memory_space<vmem>> -> memref<1x1x128xi32, #tpu.memory_space<vmem>>
      %dma_start3A_746 = tpu.memref_squeeze %dma_start3A_745 : memref<1x1x128xi32, #tpu.memory_space<vmem>> -> memref<128xi32, #tpu.memory_space<vmem>>
      %dma_start3A_747 = arith.constant 0 : i32
      %dma_start3A_748 = arith.constant 0 : i32
      %dma_start3A_749 = tpu.memref_slice %arg11[%dma_start3A_747, %dma_start3A_748] : memref<10112x128xf32, #tpu.memory_space<vmem_shared>> -> memref<10112x128xf32, #tpu.memory_space<vmem_shared>>
      tpu.enqueue_indirect_dma source(%arg10 : memref<128x128xf32, #tpu.memory_space<vmem>>) target(%dma_start3A_749 : memref<10112x128xf32, #tpu.memory_space<vmem_shared>>) offsets(%dma_start3A_746 : memref<128xi32, #tpu.memory_space<vmem>>) semaphore(%arg15 : memref<!tpu.dma_semaphore, #tpu.memory_space<semaphore_mem>>) {add = true}
      %dma_wait3A_750 = arith.constant 0 : i32
      %dma_wait3A_751 = arith.constant 0 : i32
      %dma_wait3A_752 = arith.constant 0 : i32
      %dma_wait3A_753 = tpu.memref_slice %arg8[%dma_wait3A_750, %dma_wait3A_751, %dma_wait3A_752] : memref<4x1x128xi32, #tpu.memory_space<vmem>> -> memref<1x1x128xi32, #tpu.memory_space<vmem>>
      %dma_wait3A_754 = tpu.memref_squeeze %dma_wait3A_753 : memref<1x1x128xi32, #tpu.memory_space<vmem>> -> memref<128xi32, #tpu.memory_space<vmem>>
      %dma_wait3A_755 = arith.constant 0 : i32
      %dma_wait3A_756 = arith.constant 0 : i32
      %dma_wait3A_757 = tpu.memref_slice %arg11[%dma_wait3A_755, %dma_wait3A_756] : memref<10112x128xf32, #tpu.memory_space<vmem_shared>> -> memref<10112x128xf32, #tpu.memory_space<vmem_shared>>
      tpu.wait_indirect_dma semaphore(%arg15 : memref<!tpu.dma_semaphore, #tpu.memory_space<semaphore_mem>>) src(%arg10 : memref<128x128xf32, #tpu.memory_space<vmem>>) dst(%dma_wait3A_757 : memref<10112x128xf32, #tpu.memory_space<vmem_shared>>)
      %add3A_758 = arith.constant 3 : i32
      %add3A_759 = arith.addi %add3A_431, %add3A_758 : i32
      %add3A_760 = arith.constant 2 : i32
      %add3A_761 = arith.addi %add3A_759, %add3A_760 : i32
      %dma_start3A_762 = arith.constant 3 : i32
      %dma_start3A_763 = arith.constant 0 : i32
      %dma_start3A_764 = arith.constant 0 : i32
      %dma_start3A_765 = tpu.memref_slice %arg7[%dma_start3A_762, %dma_start3A_763, %dma_start3A_764] : memref<4x1x128xi32, #tpu.memory_space<vmem>> -> memref<1x1x128xi32, #tpu.memory_space<vmem>>
      %dma_start3A_766 = tpu.memref_squeeze %dma_start3A_765 : memref<1x1x128xi32, #tpu.memory_space<vmem>> -> memref<1x128xi32, #tpu.memory_space<vmem>>
      %dma_start3A_767 = arith.constant 0 : i32
      %dma_start3A_768 = arith.constant 0 : i32
      %dma_start3A_769 = tpu.memref_slice %arg3[%add3A, %add3A_761, %dma_start3A_767, %dma_start3A_768] : memref<32x80x1x128xi32, #tpu.memory_space<hbm>> -> memref<1x1x1x128xi32, #tpu.memory_space<hbm>>
      %dma_start3A_770 = tpu.memref_squeeze %dma_start3A_769 : memref<1x1x1x128xi32, #tpu.memory_space<hbm>> -> memref<1x128xi32, #tpu.memory_space<hbm>>
      %dma_start3A_771 = arith.constant 0 : i32
      %dma_start3A_772 = arith.constant 0 : i32
      %dma_start3A_773 = tpu.memref_slice %arg7[%dma_start3A_762, %dma_start3A_771, %dma_start3A_772] : memref<4x1x128xi32, #tpu.memory_space<vmem>> -> memref<1x1x128xi32, #tpu.memory_space<vmem>>
      %dma_start3A_774 = tpu.memref_squeeze %dma_start3A_773 : memref<1x1x128xi32, #tpu.memory_space<vmem>> -> memref<1x128xi32, #tpu.memory_space<vmem>>
      %dma_start3A_775 = arith.constant 0 : i32
      %dma_start3A_776 = arith.constant 0 : i32
      %dma_start3A_777 = tpu.memref_slice %arg3[%add3A, %add3A_761, %dma_start3A_775, %dma_start3A_776] : memref<32x80x1x128xi32, #tpu.memory_space<hbm>> -> memref<1x1x1x128xi32, #tpu.memory_space<hbm>>
      %dma_start3A_778 = tpu.memref_squeeze %dma_start3A_777 : memref<1x1x1x128xi32, #tpu.memory_space<hbm>> -> memref<1x128xi32, #tpu.memory_space<hbm>>
      tpu.enqueue_dma source(%dma_start3A_778 : memref<1x128xi32, #tpu.memory_space<hbm>>) target(%dma_start3A_774 : memref<1x128xi32, #tpu.memory_space<vmem>>) target_semaphore(%arg19 : memref<!tpu.dma_semaphore, #tpu.memory_space<semaphore_mem>>)
      %dma_start3A_779 = arith.constant 3 : i32
      %dma_start3A_780 = arith.constant 0 : i32
      %dma_start3A_781 = arith.constant 0 : i32
      %dma_start3A_782 = tpu.memref_slice %arg8[%dma_start3A_779, %dma_start3A_780, %dma_start3A_781] : memref<4x1x128xi32, #tpu.memory_space<vmem>> -> memref<1x1x128xi32, #tpu.memory_space<vmem>>
      %dma_start3A_783 = tpu.memref_squeeze %dma_start3A_782 : memref<1x1x128xi32, #tpu.memory_space<vmem>> -> memref<1x128xi32, #tpu.memory_space<vmem>>
      %dma_start3A_784 = arith.constant 0 : i32
      %dma_start3A_785 = arith.constant 0 : i32
      %dma_start3A_786 = tpu.memref_slice %arg4[%add3A, %add3A_761, %dma_start3A_784, %dma_start3A_785] : memref<32x80x1x128xi32, #tpu.memory_space<hbm>> -> memref<1x1x1x128xi32, #tpu.memory_space<hbm>>
      %dma_start3A_787 = tpu.memref_squeeze %dma_start3A_786 : memref<1x1x1x128xi32, #tpu.memory_space<hbm>> -> memref<1x128xi32, #tpu.memory_space<hbm>>
      %dma_start3A_788 = arith.constant 0 : i32
      %dma_start3A_789 = arith.constant 0 : i32
      %dma_start3A_790 = tpu.memref_slice %arg8[%dma_start3A_779, %dma_start3A_788, %dma_start3A_789] : memref<4x1x128xi32, #tpu.memory_space<vmem>> -> memref<1x1x128xi32, #tpu.memory_space<vmem>>
      %dma_start3A_791 = tpu.memref_squeeze %dma_start3A_790 : memref<1x1x128xi32, #tpu.memory_space<vmem>> -> memref<1x128xi32, #tpu.memory_space<vmem>>
      %dma_start3A_792 = arith.constant 0 : i32
      %dma_start3A_793 = arith.constant 0 : i32
      %dma_start3A_794 = tpu.memref_slice %arg4[%add3A, %add3A_761, %dma_start3A_792, %dma_start3A_793] : memref<32x80x1x128xi32, #tpu.memory_space<hbm>> -> memref<1x1x1x128xi32, #tpu.memory_space<hbm>>
      %dma_start3A_795 = tpu.memref_squeeze %dma_start3A_794 : memref<1x1x1x128xi32, #tpu.memory_space<hbm>> -> memref<1x128xi32, #tpu.memory_space<hbm>>
      tpu.enqueue_dma source(%dma_start3A_795 : memref<1x128xi32, #tpu.memory_space<hbm>>) target(%dma_start3A_791 : memref<1x128xi32, #tpu.memory_space<vmem>>) target_semaphore(%arg23 : memref<!tpu.dma_semaphore, #tpu.memory_space<semaphore_mem>>)
      %dma_wait3A_796 = arith.constant 0 : i32
      %dma_wait3A_797 = arith.constant 1 : i32
      %dma_wait3A_798 = arith.constant 0 : i32
      %dma_wait3A_799 = arith.constant 0 : i32
      %dma_wait3A_800 = tpu.memref_slice %arg7[%dma_wait3A_797, %dma_wait3A_798, %dma_wait3A_799] : memref<4x1x128xi32, #tpu.memory_space<vmem>> -> memref<1x1x128xi32, #tpu.memory_space<vmem>>
      %dma_wait3A_801 = tpu.memref_squeeze %dma_wait3A_800 : memref<1x1x128xi32, #tpu.memory_space<vmem>> -> memref<1x128xi32, #tpu.memory_space<vmem>>
      %dma_wait3A_802 = arith.constant 0 : i32
      %dma_wait3A_803 = arith.constant 0 : i32
      %dma_wait3A_804 = tpu.memref_slice %arg3[%add3A, %dma_wait3A_796, %dma_wait3A_802, %dma_wait3A_803] : memref<32x80x1x128xi32, #tpu.memory_space<hbm>> -> memref<1x1x1x128xi32, #tpu.memory_space<hbm>>
      %dma_wait3A_805 = tpu.memref_squeeze %dma_wait3A_804 : memref<1x1x1x128xi32, #tpu.memory_space<hbm>> -> memref<1x128xi32, #tpu.memory_space<hbm>>
      %dma_wait3A_806 = arith.constant 0 : i32
      %dma_wait3A_807 = arith.constant 0 : i32
      %dma_wait3A_808 = tpu.memref_slice %arg7[%dma_wait3A_797, %dma_wait3A_806, %dma_wait3A_807] : memref<4x1x128xi32, #tpu.memory_space<vmem>> -> memref<1x1x128xi32, #tpu.memory_space<vmem>>
      %dma_wait3A_809 = tpu.memref_squeeze %dma_wait3A_808 : memref<1x1x128xi32, #tpu.memory_space<vmem>> -> memref<1x128xi32, #tpu.memory_space<vmem>>
      %dma_wait3A_810 = arith.constant 0 : i32
      %dma_wait3A_811 = arith.constant 0 : i32
      %dma_wait3A_812 = tpu.memref_slice %arg3[%add3A, %dma_wait3A_796, %dma_wait3A_810, %dma_wait3A_811] : memref<32x80x1x128xi32, #tpu.memory_space<hbm>> -> memref<1x1x1x128xi32, #tpu.memory_space<hbm>>
      %dma_wait3A_813 = tpu.memref_squeeze %dma_wait3A_812 : memref<1x1x1x128xi32, #tpu.memory_space<hbm>> -> memref<1x128xi32, #tpu.memory_space<hbm>>
      tpu.wait_dma2 semaphore(%arg17 : memref<!tpu.dma_semaphore, #tpu.memory_space<semaphore_mem>>) src(%dma_wait3A_813 : memref<1x128xi32, #tpu.memory_space<hbm>>) dst(%dma_wait3A_809 : memref<1x128xi32, #tpu.memory_space<vmem>>)
      %dma_start3A_814 = arith.constant 1 : i32
      %dma_start3A_815 = arith.constant 0 : i32
      %dma_start3A_816 = arith.constant 0 : i32
      %dma_start3A_817 = tpu.memref_slice %arg7[%dma_start3A_814, %dma_start3A_815, %dma_start3A_816] : memref<4x1x128xi32, #tpu.memory_space<vmem>> -> memref<1x1x128xi32, #tpu.memory_space<vmem>>
      %dma_start3A_818 = tpu.memref_squeeze %dma_start3A_817 : memref<1x1x128xi32, #tpu.memory_space<vmem>> -> memref<128xi32, #tpu.memory_space<vmem>>
      %dma_start3A_819 = arith.constant 0 : i32
      %dma_start3A_820 = arith.constant 0 : i32
      %dma_start3A_821 = tpu.memref_slice %arg2[%dma_start3A_819, %dma_start3A_820] : memref<10000x128xf32, #tpu.memory_space<hbm>> -> memref<10000x128xf32, #tpu.memory_space<hbm>>
      tpu.enqueue_indirect_dma source(%dma_start3A_821 : memref<10000x128xf32, #tpu.memory_space<hbm>>) target(%arg10 : memref<128x128xf32, #tpu.memory_space<vmem>>) offsets(%dma_start3A_818 : memref<128xi32, #tpu.memory_space<vmem>>) semaphore(%arg13 : memref<!tpu.dma_semaphore, #tpu.memory_space<semaphore_mem>>)
      %dma_wait3A_822 = arith.constant 0 : i32
      %dma_wait3A_823 = arith.constant 0 : i32
      %dma_wait3A_824 = arith.constant 0 : i32
      %dma_wait3A_825 = tpu.memref_slice %arg7[%dma_wait3A_822, %dma_wait3A_823, %dma_wait3A_824] : memref<4x1x128xi32, #tpu.memory_space<vmem>> -> memref<1x1x128xi32, #tpu.memory_space<vmem>>
      %dma_wait3A_826 = tpu.memref_squeeze %dma_wait3A_825 : memref<1x1x128xi32, #tpu.memory_space<vmem>> -> memref<128xi32, #tpu.memory_space<vmem>>
      %dma_wait3A_827 = arith.constant 0 : i32
      %dma_wait3A_828 = arith.constant 0 : i32
      %dma_wait3A_829 = tpu.memref_slice %arg2[%dma_wait3A_827, %dma_wait3A_828] : memref<10000x128xf32, #tpu.memory_space<hbm>> -> memref<10000x128xf32, #tpu.memory_space<hbm>>
      tpu.wait_indirect_dma semaphore(%arg12 : memref<!tpu.dma_semaphore, #tpu.memory_space<semaphore_mem>>) src(%dma_wait3A_829 : memref<10000x128xf32, #tpu.memory_space<hbm>>) dst(%arg9 : memref<128x128xf32, #tpu.memory_space<vmem>>)
      %dma_wait3A_830 = arith.constant 0 : i32
      %dma_wait3A_831 = arith.constant 0 : i32
      %dma_wait3A_832 = arith.constant 0 : i32
      %dma_wait3A_833 = arith.constant 0 : i32
      %dma_wait3A_834 = tpu.memref_slice %arg8[%dma_wait3A_831, %dma_wait3A_832, %dma_wait3A_833] : memref<4x1x128xi32, #tpu.memory_space<vmem>> -> memref<1x1x128xi32, #tpu.memory_space<vmem>>
      %dma_wait3A_835 = tpu.memref_squeeze %dma_wait3A_834 : memref<1x1x128xi32, #tpu.memory_space<vmem>> -> memref<1x128xi32, #tpu.memory_space<vmem>>
      %dma_wait3A_836 = arith.constant 0 : i32
      %dma_wait3A_837 = arith.constant 0 : i32
      %dma_wait3A_838 = tpu.memref_slice %arg4[%add3A, %dma_wait3A_830, %dma_wait3A_836, %dma_wait3A_837] : memref<32x80x1x128xi32, #tpu.memory_space<hbm>> -> memref<1x1x1x128xi32, #tpu.memory_space<hbm>>
      %dma_wait3A_839 = tpu.memref_squeeze %dma_wait3A_838 : memref<1x1x1x128xi32, #tpu.memory_space<hbm>> -> memref<1x128xi32, #tpu.memory_space<hbm>>
      %dma_wait3A_840 = arith.constant 0 : i32
      %dma_wait3A_841 = arith.constant 0 : i32
      %dma_wait3A_842 = tpu.memref_slice %arg8[%dma_wait3A_831, %dma_wait3A_840, %dma_wait3A_841] : memref<4x1x128xi32, #tpu.memory_space<vmem>> -> memref<1x1x128xi32, #tpu.memory_space<vmem>>
      %dma_wait3A_843 = tpu.memref_squeeze %dma_wait3A_842 : memref<1x1x128xi32, #tpu.memory_space<vmem>> -> memref<1x128xi32, #tpu.memory_space<vmem>>
      %dma_wait3A_844 = arith.constant 0 : i32
      %dma_wait3A_845 = arith.constant 0 : i32
      %dma_wait3A_846 = tpu.memref_slice %arg4[%add3A, %dma_wait3A_830, %dma_wait3A_844, %dma_wait3A_845] : memref<32x80x1x128xi32, #tpu.memory_space<hbm>> -> memref<1x1x1x128xi32, #tpu.memory_space<hbm>>
      %dma_wait3A_847 = tpu.memref_squeeze %dma_wait3A_846 : memref<1x1x1x128xi32, #tpu.memory_space<hbm>> -> memref<1x128xi32, #tpu.memory_space<hbm>>
      tpu.wait_dma2 semaphore(%arg20 : memref<!tpu.dma_semaphore, #tpu.memory_space<semaphore_mem>>) src(%dma_wait3A_847 : memref<1x128xi32, #tpu.memory_space<hbm>>) dst(%dma_wait3A_843 : memref<1x128xi32, #tpu.memory_space<vmem>>)
      %dma_start3A_848 = arith.constant 0 : i32
      %dma_start3A_849 = arith.constant 0 : i32
      %dma_start3A_850 = arith.constant 0 : i32
      %dma_start3A_851 = tpu.memref_slice %arg8[%dma_start3A_848, %dma_start3A_849, %dma_start3A_850] : memref<4x1x128xi32, #tpu.memory_space<vmem>> -> memref<1x1x128xi32, #tpu.memory_space<vmem>>
      %dma_start3A_852 = tpu.memref_squeeze %dma_start3A_851 : memref<1x1x128xi32, #tpu.memory_space<vmem>> -> memref<128xi32, #tpu.memory_space<vmem>>
      %dma_start3A_853 = arith.constant 0 : i32
      %dma_start3A_854 = arith.constant 0 : i32
      %dma_start3A_855 = tpu.memref_slice %arg11[%dma_start3A_853, %dma_start3A_854] : memref<10112x128xf32, #tpu.memory_space<vmem_shared>> -> memref<10112x128xf32, #tpu.memory_space<vmem_shared>>
      tpu.enqueue_indirect_dma source(%arg9 : memref<128x128xf32, #tpu.memory_space<vmem>>) target(%dma_start3A_855 : memref<10112x128xf32, #tpu.memory_space<vmem_shared>>) offsets(%dma_start3A_852 : memref<128xi32, #tpu.memory_space<vmem>>) semaphore(%arg14 : memref<!tpu.dma_semaphore, #tpu.memory_space<semaphore_mem>>) {add = true}
    }
    %scan3A_235 = arith.constant 19 : i32
    %dma_wait3A_236 = arith.constant 0 : i32
    %dma_wait3A_237 = arith.constant 0 : i32
    %dma_wait3A_238 = arith.constant 0 : i32
    %dma_wait3A_239 = tpu.memref_slice %arg8[%dma_wait3A_236, %dma_wait3A_237, %dma_wait3A_238] : memref<4x1x128xi32, #tpu.memory_space<vmem>> -> memref<1x1x128xi32, #tpu.memory_space<vmem>>
    %dma_wait3A_240 = tpu.memref_squeeze %dma_wait3A_239 : memref<1x1x128xi32, #tpu.memory_space<vmem>> -> memref<128xi32, #tpu.memory_space<vmem>>
    %dma_wait3A_241 = arith.constant 0 : i32
    %dma_wait3A_242 = arith.constant 0 : i32
    %dma_wait3A_243 = tpu.memref_slice %arg11[%dma_wait3A_241, %dma_wait3A_242] : memref<10112x128xf32, #tpu.memory_space<vmem_shared>> -> memref<10112x128xf32, #tpu.memory_space<vmem_shared>>
    tpu.wait_indirect_dma semaphore(%arg14 : memref<!tpu.dma_semaphore, #tpu.memory_space<semaphore_mem>>) src(%arg9 : memref<128x128xf32, #tpu.memory_space<vmem>>) dst(%dma_wait3A_243 : memref<10112x128xf32, #tpu.memory_space<vmem_shared>>)
    %dma_wait3A_244 = arith.constant 0 : i32
    %dma_wait3A_245 = arith.constant 2 : i32
    %dma_wait3A_246 = arith.constant 0 : i32
    %dma_wait3A_247 = arith.constant 0 : i32
    %dma_wait3A_248 = tpu.memref_slice %arg7[%dma_wait3A_245, %dma_wait3A_246, %dma_wait3A_247] : memref<4x1x128xi32, #tpu.memory_space<vmem>> -> memref<1x1x128xi32, #tpu.memory_space<vmem>>
    %dma_wait3A_249 = tpu.memref_squeeze %dma_wait3A_248 : memref<1x1x128xi32, #tpu.memory_space<vmem>> -> memref<1x128xi32, #tpu.memory_space<vmem>>
    %dma_wait3A_250 = arith.constant 0 : i32
    %dma_wait3A_251 = arith.constant 0 : i32
    %dma_wait3A_252 = tpu.memref_slice %arg3[%add3A, %dma_wait3A_244, %dma_wait3A_250, %dma_wait3A_251] : memref<32x80x1x128xi32, #tpu.memory_space<hbm>> -> memref<1x1x1x128xi32, #tpu.memory_space<hbm>>
    %dma_wait3A_253 = tpu.memref_squeeze %dma_wait3A_252 : memref<1x1x1x128xi32, #tpu.memory_space<hbm>> -> memref<1x128xi32, #tpu.memory_space<hbm>>
    %dma_wait3A_254 = arith.constant 0 : i32
    %dma_wait3A_255 = arith.constant 0 : i32
    %dma_wait3A_256 = tpu.memref_slice %arg7[%dma_wait3A_245, %dma_wait3A_254, %dma_wait3A_255] : memref<4x1x128xi32, #tpu.memory_space<vmem>> -> memref<1x1x128xi32, #tpu.memory_space<vmem>>
    %dma_wait3A_257 = tpu.memref_squeeze %dma_wait3A_256 : memref<1x1x128xi32, #tpu.memory_space<vmem>> -> memref<1x128xi32, #tpu.memory_space<vmem>>
    %dma_wait3A_258 = arith.constant 0 : i32
    %dma_wait3A_259 = arith.constant 0 : i32
    %dma_wait3A_260 = tpu.memref_slice %arg3[%add3A, %dma_wait3A_244, %dma_wait3A_258, %dma_wait3A_259] : memref<32x80x1x128xi32, #tpu.memory_space<hbm>> -> memref<1x1x1x128xi32, #tpu.memory_space<hbm>>
    %dma_wait3A_261 = tpu.memref_squeeze %dma_wait3A_260 : memref<1x1x1x128xi32, #tpu.memory_space<hbm>> -> memref<1x128xi32, #tpu.memory_space<hbm>>
    tpu.wait_dma2 semaphore(%arg18 : memref<!tpu.dma_semaphore, #tpu.memory_space<semaphore_mem>>) src(%dma_wait3A_261 : memref<1x128xi32, #tpu.memory_space<hbm>>) dst(%dma_wait3A_257 : memref<1x128xi32, #tpu.memory_space<vmem>>)
    %dma_start3A_262 = arith.constant 2 : i32
    %dma_start3A_263 = arith.constant 0 : i32
    %dma_start3A_264 = arith.constant 0 : i32
    %dma_start3A_265 = tpu.memref_slice %arg7[%dma_start3A_262, %dma_start3A_263, %dma_start3A_264] : memref<4x1x128xi32, #tpu.memory_space<vmem>> -> memref<1x1x128xi32, #tpu.memory_space<vmem>>
    %dma_start3A_266 = tpu.memref_squeeze %dma_start3A_265 : memref<1x1x128xi32, #tpu.memory_space<vmem>> -> memref<128xi32, #tpu.memory_space<vmem>>
    %dma_start3A_267 = arith.constant 0 : i32
    %dma_start3A_268 = arith.constant 0 : i32
    %dma_start3A_269 = tpu.memref_slice %arg2[%dma_start3A_267, %dma_start3A_268] : memref<10000x128xf32, #tpu.memory_space<hbm>> -> memref<10000x128xf32, #tpu.memory_space<hbm>>
    tpu.enqueue_indirect_dma source(%dma_start3A_269 : memref<10000x128xf32, #tpu.memory_space<hbm>>) target(%arg9 : memref<128x128xf32, #tpu.memory_space<vmem>>) offsets(%dma_start3A_266 : memref<128xi32, #tpu.memory_space<vmem>>) semaphore(%arg12 : memref<!tpu.dma_semaphore, #tpu.memory_space<semaphore_mem>>)
    %dma_wait3A_270 = arith.constant 0 : i32
    %dma_wait3A_271 = arith.constant 0 : i32
    %dma_wait3A_272 = arith.constant 0 : i32
    %dma_wait3A_273 = tpu.memref_slice %arg7[%dma_wait3A_270, %dma_wait3A_271, %dma_wait3A_272] : memref<4x1x128xi32, #tpu.memory_space<vmem>> -> memref<1x1x128xi32, #tpu.memory_space<vmem>>
    %dma_wait3A_274 = tpu.memref_squeeze %dma_wait3A_273 : memref<1x1x128xi32, #tpu.memory_space<vmem>> -> memref<128xi32, #tpu.memory_space<vmem>>
    %dma_wait3A_275 = arith.constant 0 : i32
    %dma_wait3A_276 = arith.constant 0 : i32
    %dma_wait3A_277 = tpu.memref_slice %arg2[%dma_wait3A_275, %dma_wait3A_276] : memref<10000x128xf32, #tpu.memory_space<hbm>> -> memref<10000x128xf32, #tpu.memory_space<hbm>>
    tpu.wait_indirect_dma semaphore(%arg13 : memref<!tpu.dma_semaphore, #tpu.memory_space<semaphore_mem>>) src(%dma_wait3A_277 : memref<10000x128xf32, #tpu.memory_space<hbm>>) dst(%arg10 : memref<128x128xf32, #tpu.memory_space<vmem>>)
    %dma_wait3A_278 = arith.constant 0 : i32
    %dma_wait3A_279 = arith.constant 1 : i32
    %dma_wait3A_280 = arith.constant 0 : i32
    %dma_wait3A_281 = arith.constant 0 : i32
    %dma_wait3A_282 = tpu.memref_slice %arg8[%dma_wait3A_279, %dma_wait3A_280, %dma_wait3A_281] : memref<4x1x128xi32, #tpu.memory_space<vmem>> -> memref<1x1x128xi32, #tpu.memory_space<vmem>>
    %dma_wait3A_283 = tpu.memref_squeeze %dma_wait3A_282 : memref<1x1x128xi32, #tpu.memory_space<vmem>> -> memref<1x128xi32, #tpu.memory_space<vmem>>
    %dma_wait3A_284 = arith.constant 0 : i32
    %dma_wait3A_285 = arith.constant 0 : i32
    %dma_wait3A_286 = tpu.memref_slice %arg4[%add3A, %dma_wait3A_278, %dma_wait3A_284, %dma_wait3A_285] : memref<32x80x1x128xi32, #tpu.memory_space<hbm>> -> memref<1x1x1x128xi32, #tpu.memory_space<hbm>>
    %dma_wait3A_287 = tpu.memref_squeeze %dma_wait3A_286 : memref<1x1x1x128xi32, #tpu.memory_space<hbm>> -> memref<1x128xi32, #tpu.memory_space<hbm>>
    %dma_wait3A_288 = arith.constant 0 : i32
    %dma_wait3A_289 = arith.constant 0 : i32
    %dma_wait3A_290 = tpu.memref_slice %arg8[%dma_wait3A_279, %dma_wait3A_288, %dma_wait3A_289] : memref<4x1x128xi32, #tpu.memory_space<vmem>> -> memref<1x1x128xi32, #tpu.memory_space<vmem>>
    %dma_wait3A_291 = tpu.memref_squeeze %dma_wait3A_290 : memref<1x1x128xi32, #tpu.memory_space<vmem>> -> memref<1x128xi32, #tpu.memory_space<vmem>>
    %dma_wait3A_292 = arith.constant 0 : i32
    %dma_wait3A_293 = arith.constant 0 : i32
    %dma_wait3A_294 = tpu.memref_slice %arg4[%add3A, %dma_wait3A_278, %dma_wait3A_292, %dma_wait3A_293] : memref<32x80x1x128xi32, #tpu.memory_space<hbm>> -> memref<1x1x1x128xi32, #tpu.memory_space<hbm>>
    %dma_wait3A_295 = tpu.memref_squeeze %dma_wait3A_294 : memref<1x1x1x128xi32, #tpu.memory_space<hbm>> -> memref<1x128xi32, #tpu.memory_space<hbm>>
    tpu.wait_dma2 semaphore(%arg21 : memref<!tpu.dma_semaphore, #tpu.memory_space<semaphore_mem>>) src(%dma_wait3A_295 : memref<1x128xi32, #tpu.memory_space<hbm>>) dst(%dma_wait3A_291 : memref<1x128xi32, #tpu.memory_space<vmem>>)
    %dma_start3A_296 = arith.constant 1 : i32
    %dma_start3A_297 = arith.constant 0 : i32
    %dma_start3A_298 = arith.constant 0 : i32
    %dma_start3A_299 = tpu.memref_slice %arg8[%dma_start3A_296, %dma_start3A_297, %dma_start3A_298] : memref<4x1x128xi32, #tpu.memory_space<vmem>> -> memref<1x1x128xi32, #tpu.memory_space<vmem>>
    %dma_start3A_300 = tpu.memref_squeeze %dma_start3A_299 : memref<1x1x128xi32, #tpu.memory_space<vmem>> -> memref<128xi32, #tpu.memory_space<vmem>>
    %dma_start3A_301 = arith.constant 0 : i32
    %dma_start3A_302 = arith.constant 0 : i32
    %dma_start3A_303 = tpu.memref_slice %arg11[%dma_start3A_301, %dma_start3A_302] : memref<10112x128xf32, #tpu.memory_space<vmem_shared>> -> memref<10112x128xf32, #tpu.memory_space<vmem_shared>>
    tpu.enqueue_indirect_dma source(%arg10 : memref<128x128xf32, #tpu.memory_space<vmem>>) target(%dma_start3A_303 : memref<10112x128xf32, #tpu.memory_space<vmem_shared>>) offsets(%dma_start3A_300 : memref<128xi32, #tpu.memory_space<vmem>>) semaphore(%arg15 : memref<!tpu.dma_semaphore, #tpu.memory_space<semaphore_mem>>) {add = true}
    %dma_wait3A_304 = arith.constant 0 : i32
    %dma_wait3A_305 = arith.constant 0 : i32
    %dma_wait3A_306 = arith.constant 0 : i32
    %dma_wait3A_307 = tpu.memref_slice %arg8[%dma_wait3A_304, %dma_wait3A_305, %dma_wait3A_306] : memref<4x1x128xi32, #tpu.memory_space<vmem>> -> memref<1x1x128xi32, #tpu.memory_space<vmem>>
    %dma_wait3A_308 = tpu.memref_squeeze %dma_wait3A_307 : memref<1x1x128xi32, #tpu.memory_space<vmem>> -> memref<128xi32, #tpu.memory_space<vmem>>
    %dma_wait3A_309 = arith.constant 0 : i32
    %dma_wait3A_310 = arith.constant 0 : i32
    %dma_wait3A_311 = tpu.memref_slice %arg11[%dma_wait3A_309, %dma_wait3A_310] : memref<10112x128xf32, #tpu.memory_space<vmem_shared>> -> memref<10112x128xf32, #tpu.memory_space<vmem_shared>>
    tpu.wait_indirect_dma semaphore(%arg15 : memref<!tpu.dma_semaphore, #tpu.memory_space<semaphore_mem>>) src(%arg10 : memref<128x128xf32, #tpu.memory_space<vmem>>) dst(%dma_wait3A_311 : memref<10112x128xf32, #tpu.memory_space<vmem_shared>>)
    %dma_wait3A_312 = arith.constant 0 : i32
    %dma_wait3A_313 = arith.constant 3 : i32
    %dma_wait3A_314 = arith.constant 0 : i32
    %dma_wait3A_315 = arith.constant 0 : i32
    %dma_wait3A_316 = tpu.memref_slice %arg7[%dma_wait3A_313, %dma_wait3A_314, %dma_wait3A_315] : memref<4x1x128xi32, #tpu.memory_space<vmem>> -> memref<1x1x128xi32, #tpu.memory_space<vmem>>
    %dma_wait3A_317 = tpu.memref_squeeze %dma_wait3A_316 : memref<1x1x128xi32, #tpu.memory_space<vmem>> -> memref<1x128xi32, #tpu.memory_space<vmem>>
    %dma_wait3A_318 = arith.constant 0 : i32
    %dma_wait3A_319 = arith.constant 0 : i32
    %dma_wait3A_320 = tpu.memref_slice %arg3[%add3A, %dma_wait3A_312, %dma_wait3A_318, %dma_wait3A_319] : memref<32x80x1x128xi32, #tpu.memory_space<hbm>> -> memref<1x1x1x128xi32, #tpu.memory_space<hbm>>
    %dma_wait3A_321 = tpu.memref_squeeze %dma_wait3A_320 : memref<1x1x1x128xi32, #tpu.memory_space<hbm>> -> memref<1x128xi32, #tpu.memory_space<hbm>>
    %dma_wait3A_322 = arith.constant 0 : i32
    %dma_wait3A_323 = arith.constant 0 : i32
    %dma_wait3A_324 = tpu.memref_slice %arg7[%dma_wait3A_313, %dma_wait3A_322, %dma_wait3A_323] : memref<4x1x128xi32, #tpu.memory_space<vmem>> -> memref<1x1x128xi32, #tpu.memory_space<vmem>>
    %dma_wait3A_325 = tpu.memref_squeeze %dma_wait3A_324 : memref<1x1x128xi32, #tpu.memory_space<vmem>> -> memref<1x128xi32, #tpu.memory_space<vmem>>
    %dma_wait3A_326 = arith.constant 0 : i32
    %dma_wait3A_327 = arith.constant 0 : i32
    %dma_wait3A_328 = tpu.memref_slice %arg3[%add3A, %dma_wait3A_312, %dma_wait3A_326, %dma_wait3A_327] : memref<32x80x1x128xi32, #tpu.memory_space<hbm>> -> memref<1x1x1x128xi32, #tpu.memory_space<hbm>>
    %dma_wait3A_329 = tpu.memref_squeeze %dma_wait3A_328 : memref<1x1x1x128xi32, #tpu.memory_space<hbm>> -> memref<1x128xi32, #tpu.memory_space<hbm>>
    tpu.wait_dma2 semaphore(%arg19 : memref<!tpu.dma_semaphore, #tpu.memory_space<semaphore_mem>>) src(%dma_wait3A_329 : memref<1x128xi32, #tpu.memory_space<hbm>>) dst(%dma_wait3A_325 : memref<1x128xi32, #tpu.memory_space<vmem>>)
    %dma_start3A_330 = arith.constant 3 : i32
    %dma_start3A_331 = arith.constant 0 : i32
    %dma_start3A_332 = arith.constant 0 : i32
    %dma_start3A_333 = tpu.memref_slice %arg7[%dma_start3A_330, %dma_start3A_331, %dma_start3A_332] : memref<4x1x128xi32, #tpu.memory_space<vmem>> -> memref<1x1x128xi32, #tpu.memory_space<vmem>>
    %dma_start3A_334 = tpu.memref_squeeze %dma_start3A_333 : memref<1x1x128xi32, #tpu.memory_space<vmem>> -> memref<128xi32, #tpu.memory_space<vmem>>
    %dma_start3A_335 = arith.constant 0 : i32
    %dma_start3A_336 = arith.constant 0 : i32
    %dma_start3A_337 = tpu.memref_slice %arg2[%dma_start3A_335, %dma_start3A_336] : memref<10000x128xf32, #tpu.memory_space<hbm>> -> memref<10000x128xf32, #tpu.memory_space<hbm>>
    tpu.enqueue_indirect_dma source(%dma_start3A_337 : memref<10000x128xf32, #tpu.memory_space<hbm>>) target(%arg10 : memref<128x128xf32, #tpu.memory_space<vmem>>) offsets(%dma_start3A_334 : memref<128xi32, #tpu.memory_space<vmem>>) semaphore(%arg13 : memref<!tpu.dma_semaphore, #tpu.memory_space<semaphore_mem>>)
    %dma_wait3A_338 = arith.constant 0 : i32
    %dma_wait3A_339 = arith.constant 0 : i32
    %dma_wait3A_340 = arith.constant 0 : i32
    %dma_wait3A_341 = tpu.memref_slice %arg7[%dma_wait3A_338, %dma_wait3A_339, %dma_wait3A_340] : memref<4x1x128xi32, #tpu.memory_space<vmem>> -> memref<1x1x128xi32, #tpu.memory_space<vmem>>
    %dma_wait3A_342 = tpu.memref_squeeze %dma_wait3A_341 : memref<1x1x128xi32, #tpu.memory_space<vmem>> -> memref<128xi32, #tpu.memory_space<vmem>>
    %dma_wait3A_343 = arith.constant 0 : i32
    %dma_wait3A_344 = arith.constant 0 : i32
    %dma_wait3A_345 = tpu.memref_slice %arg2[%dma_wait3A_343, %dma_wait3A_344] : memref<10000x128xf32, #tpu.memory_space<hbm>> -> memref<10000x128xf32, #tpu.memory_space<hbm>>
    tpu.wait_indirect_dma semaphore(%arg12 : memref<!tpu.dma_semaphore, #tpu.memory_space<semaphore_mem>>) src(%dma_wait3A_345 : memref<10000x128xf32, #tpu.memory_space<hbm>>) dst(%arg9 : memref<128x128xf32, #tpu.memory_space<vmem>>)
    %dma_wait3A_346 = arith.constant 0 : i32
    %dma_wait3A_347 = arith.constant 2 : i32
    %dma_wait3A_348 = arith.constant 0 : i32
    %dma_wait3A_349 = arith.constant 0 : i32
    %dma_wait3A_350 = tpu.memref_slice %arg8[%dma_wait3A_347, %dma_wait3A_348, %dma_wait3A_349] : memref<4x1x128xi32, #tpu.memory_space<vmem>> -> memref<1x1x128xi32, #tpu.memory_space<vmem>>
    %dma_wait3A_351 = tpu.memref_squeeze %dma_wait3A_350 : memref<1x1x128xi32, #tpu.memory_space<vmem>> -> memref<1x128xi32, #tpu.memory_space<vmem>>
    %dma_wait3A_352 = arith.constant 0 : i32
    %dma_wait3A_353 = arith.constant 0 : i32
    %dma_wait3A_354 = tpu.memref_slice %arg4[%add3A, %dma_wait3A_346, %dma_wait3A_352, %dma_wait3A_353] : memref<32x80x1x128xi32, #tpu.memory_space<hbm>> -> memref<1x1x1x128xi32, #tpu.memory_space<hbm>>
    %dma_wait3A_355 = tpu.memref_squeeze %dma_wait3A_354 : memref<1x1x1x128xi32, #tpu.memory_space<hbm>> -> memref<1x128xi32, #tpu.memory_space<hbm>>
    %dma_wait3A_356 = arith.constant 0 : i32
    %dma_wait3A_357 = arith.constant 0 : i32
    %dma_wait3A_358 = tpu.memref_slice %arg8[%dma_wait3A_347, %dma_wait3A_356, %dma_wait3A_357] : memref<4x1x128xi32, #tpu.memory_space<vmem>> -> memref<1x1x128xi32, #tpu.memory_space<vmem>>
    %dma_wait3A_359 = tpu.memref_squeeze %dma_wait3A_358 : memref<1x1x128xi32, #tpu.memory_space<vmem>> -> memref<1x128xi32, #tpu.memory_space<vmem>>
    %dma_wait3A_360 = arith.constant 0 : i32
    %dma_wait3A_361 = arith.constant 0 : i32
    %dma_wait3A_362 = tpu.memref_slice %arg4[%add3A, %dma_wait3A_346, %dma_wait3A_360, %dma_wait3A_361] : memref<32x80x1x128xi32, #tpu.memory_space<hbm>> -> memref<1x1x1x128xi32, #tpu.memory_space<hbm>>
    %dma_wait3A_363 = tpu.memref_squeeze %dma_wait3A_362 : memref<1x1x1x128xi32, #tpu.memory_space<hbm>> -> memref<1x128xi32, #tpu.memory_space<hbm>>
    tpu.wait_dma2 semaphore(%arg22 : memref<!tpu.dma_semaphore, #tpu.memory_space<semaphore_mem>>) src(%dma_wait3A_363 : memref<1x128xi32, #tpu.memory_space<hbm>>) dst(%dma_wait3A_359 : memref<1x128xi32, #tpu.memory_space<vmem>>)
    %dma_start3A_364 = arith.constant 2 : i32
    %dma_start3A_365 = arith.constant 0 : i32
    %dma_start3A_366 = arith.constant 0 : i32
    %dma_start3A_367 = tpu.memref_slice %arg8[%dma_start3A_364, %dma_start3A_365, %dma_start3A_366] : memref<4x1x128xi32, #tpu.memory_space<vmem>> -> memref<1x1x128xi32, #tpu.memory_space<vmem>>
    %dma_start3A_368 = tpu.memref_squeeze %dma_start3A_367 : memref<1x1x128xi32, #tpu.memory_space<vmem>> -> memref<128xi32, #tpu.memory_space<vmem>>
    %dma_start3A_369 = arith.constant 0 : i32
    %dma_start3A_370 = arith.constant 0 : i32
    %dma_start3A_371 = tpu.memref_slice %arg11[%dma_start3A_369, %dma_start3A_370] : memref<10112x128xf32, #tpu.memory_space<vmem_shared>> -> memref<10112x128xf32, #tpu.memory_space<vmem_shared>>
    tpu.enqueue_indirect_dma source(%arg9 : memref<128x128xf32, #tpu.memory_space<vmem>>) target(%dma_start3A_371 : memref<10112x128xf32, #tpu.memory_space<vmem_shared>>) offsets(%dma_start3A_368 : memref<128xi32, #tpu.memory_space<vmem>>) semaphore(%arg14 : memref<!tpu.dma_semaphore, #tpu.memory_space<semaphore_mem>>) {add = true}
    %dma_wait3A_372 = arith.constant 0 : i32
    %dma_wait3A_373 = arith.constant 0 : i32
    %dma_wait3A_374 = arith.constant 0 : i32
    %dma_wait3A_375 = tpu.memref_slice %arg7[%dma_wait3A_372, %dma_wait3A_373, %dma_wait3A_374] : memref<4x1x128xi32, #tpu.memory_space<vmem>> -> memref<1x1x128xi32, #tpu.memory_space<vmem>>
    %dma_wait3A_376 = tpu.memref_squeeze %dma_wait3A_375 : memref<1x1x128xi32, #tpu.memory_space<vmem>> -> memref<128xi32, #tpu.memory_space<vmem>>
    %dma_wait3A_377 = arith.constant 0 : i32
    %dma_wait3A_378 = arith.constant 0 : i32
    %dma_wait3A_379 = tpu.memref_slice %arg2[%dma_wait3A_377, %dma_wait3A_378] : memref<10000x128xf32, #tpu.memory_space<hbm>> -> memref<10000x128xf32, #tpu.memory_space<hbm>>
    tpu.wait_indirect_dma semaphore(%arg13 : memref<!tpu.dma_semaphore, #tpu.memory_space<semaphore_mem>>) src(%dma_wait3A_379 : memref<10000x128xf32, #tpu.memory_space<hbm>>) dst(%arg10 : memref<128x128xf32, #tpu.memory_space<vmem>>)
    %dma_wait3A_380 = arith.constant 0 : i32
    %dma_wait3A_381 = arith.constant 3 : i32
    %dma_wait3A_382 = arith.constant 0 : i32
    %dma_wait3A_383 = arith.constant 0 : i32
    %dma_wait3A_384 = tpu.memref_slice %arg8[%dma_wait3A_381, %dma_wait3A_382, %dma_wait3A_383] : memref<4x1x128xi32, #tpu.memory_space<vmem>> -> memref<1x1x128xi32, #tpu.memory_space<vmem>>
    %dma_wait3A_385 = tpu.memref_squeeze %dma_wait3A_384 : memref<1x1x128xi32, #tpu.memory_space<vmem>> -> memref<1x128xi32, #tpu.memory_space<vmem>>
    %dma_wait3A_386 = arith.constant 0 : i32
    %dma_wait3A_387 = arith.constant 0 : i32
    %dma_wait3A_388 = tpu.memref_slice %arg4[%add3A, %dma_wait3A_380, %dma_wait3A_386, %dma_wait3A_387] : memref<32x80x1x128xi32, #tpu.memory_space<hbm>> -> memref<1x1x1x128xi32, #tpu.memory_space<hbm>>
    %dma_wait3A_389 = tpu.memref_squeeze %dma_wait3A_388 : memref<1x1x1x128xi32, #tpu.memory_space<hbm>> -> memref<1x128xi32, #tpu.memory_space<hbm>>
    %dma_wait3A_390 = arith.constant 0 : i32
    %dma_wait3A_391 = arith.constant 0 : i32
    %dma_wait3A_392 = tpu.memref_slice %arg8[%dma_wait3A_381, %dma_wait3A_390, %dma_wait3A_391] : memref<4x1x128xi32, #tpu.memory_space<vmem>> -> memref<1x1x128xi32, #tpu.memory_space<vmem>>
    %dma_wait3A_393 = tpu.memref_squeeze %dma_wait3A_392 : memref<1x1x128xi32, #tpu.memory_space<vmem>> -> memref<1x128xi32, #tpu.memory_space<vmem>>
    %dma_wait3A_394 = arith.constant 0 : i32
    %dma_wait3A_395 = arith.constant 0 : i32
    %dma_wait3A_396 = tpu.memref_slice %arg4[%add3A, %dma_wait3A_380, %dma_wait3A_394, %dma_wait3A_395] : memref<32x80x1x128xi32, #tpu.memory_space<hbm>> -> memref<1x1x1x128xi32, #tpu.memory_space<hbm>>
    %dma_wait3A_397 = tpu.memref_squeeze %dma_wait3A_396 : memref<1x1x1x128xi32, #tpu.memory_space<hbm>> -> memref<1x128xi32, #tpu.memory_space<hbm>>
    tpu.wait_dma2 semaphore(%arg23 : memref<!tpu.dma_semaphore, #tpu.memory_space<semaphore_mem>>) src(%dma_wait3A_397 : memref<1x128xi32, #tpu.memory_space<hbm>>) dst(%dma_wait3A_393 : memref<1x128xi32, #tpu.memory_space<vmem>>)
    %dma_start3A_398 = arith.constant 3 : i32
    %dma_start3A_399 = arith.constant 0 : i32
    %dma_start3A_400 = arith.constant 0 : i32
    %dma_start3A_401 = tpu.memref_slice %arg8[%dma_start3A_398, %dma_start3A_399, %dma_start3A_400] : memref<4x1x128xi32, #tpu.memory_space<vmem>> -> memref<1x1x128xi32, #tpu.memory_space<vmem>>
    %dma_start3A_402 = tpu.memref_squeeze %dma_start3A_401 : memref<1x1x128xi32, #tpu.memory_space<vmem>> -> memref<128xi32, #tpu.memory_space<vmem>>
    %dma_start3A_403 = arith.constant 0 : i32
    %dma_start3A_404 = arith.constant 0 : i32
    %dma_start3A_405 = tpu.memref_slice %arg11[%dma_start3A_403, %dma_start3A_404] : memref<10112x128xf32, #tpu.memory_space<vmem_shared>> -> memref<10112x128xf32, #tpu.memory_space<vmem_shared>>
    tpu.enqueue_indirect_dma source(%arg10 : memref<128x128xf32, #tpu.memory_space<vmem>>) target(%dma_start3A_405 : memref<10112x128xf32, #tpu.memory_space<vmem_shared>>) offsets(%dma_start3A_402 : memref<128xi32, #tpu.memory_space<vmem>>) semaphore(%arg15 : memref<!tpu.dma_semaphore, #tpu.memory_space<semaphore_mem>>) {add = true}
    %dma_wait3A_406 = arith.constant 0 : i32
    %dma_wait3A_407 = arith.constant 0 : i32
    %dma_wait3A_408 = arith.constant 0 : i32
    %dma_wait3A_409 = tpu.memref_slice %arg8[%dma_wait3A_406, %dma_wait3A_407, %dma_wait3A_408] : memref<4x1x128xi32, #tpu.memory_space<vmem>> -> memref<1x1x128xi32, #tpu.memory_space<vmem>>
    %dma_wait3A_410 = tpu.memref_squeeze %dma_wait3A_409 : memref<1x1x128xi32, #tpu.memory_space<vmem>> -> memref<128xi32, #tpu.memory_space<vmem>>
    %dma_wait3A_411 = arith.constant 0 : i32
    %dma_wait3A_412 = arith.constant 0 : i32
    %dma_wait3A_413 = tpu.memref_slice %arg11[%dma_wait3A_411, %dma_wait3A_412] : memref<10112x128xf32, #tpu.memory_space<vmem_shared>> -> memref<10112x128xf32, #tpu.memory_space<vmem_shared>>
    tpu.wait_indirect_dma semaphore(%arg14 : memref<!tpu.dma_semaphore, #tpu.memory_space<semaphore_mem>>) src(%arg9 : memref<128x128xf32, #tpu.memory_space<vmem>>) dst(%dma_wait3A_413 : memref<10112x128xf32, #tpu.memory_space<vmem_shared>>)
    %dma_wait3A_414 = arith.constant 0 : i32
    %dma_wait3A_415 = arith.constant 0 : i32
    %dma_wait3A_416 = arith.constant 0 : i32
    %dma_wait3A_417 = tpu.memref_slice %arg8[%dma_wait3A_414, %dma_wait3A_415, %dma_wait3A_416] : memref<4x1x128xi32, #tpu.memory_space<vmem>> -> memref<1x1x128xi32, #tpu.memory_space<vmem>>
    %dma_wait3A_418 = tpu.memref_squeeze %dma_wait3A_417 : memref<1x1x128xi32, #tpu.memory_space<vmem>> -> memref<128xi32, #tpu.memory_space<vmem>>
    %dma_wait3A_419 = arith.constant 0 : i32
    %dma_wait3A_420 = arith.constant 0 : i32
    %dma_wait3A_421 = tpu.memref_slice %arg11[%dma_wait3A_419, %dma_wait3A_420] : memref<10112x128xf32, #tpu.memory_space<vmem_shared>> -> memref<10112x128xf32, #tpu.memory_space<vmem_shared>>
    tpu.wait_indirect_dma semaphore(%arg15 : memref<!tpu.dma_semaphore, #tpu.memory_space<semaphore_mem>>) src(%arg10 : memref<128x128xf32, #tpu.memory_space<vmem>>) dst(%dma_wait3A_421 : memref<10112x128xf32, #tpu.memory_space<vmem_shared>>)
    %barrier3A_422 = arith.constant 0 : index
    tpu.barrier barrier_id(%barrier3A_422)
    %mul3A_423 = arith.constant 632 : i32
    %mul3A_424 = arith.muli %arg1, %mul3A_423 : i32
    %mul3A_425 = arith.constant 632 : i32
    %mul3A_426 = arith.muli %arg1, %mul3A_425 : i32
    "tpu.region"() ({
      %run_scoped3A = tpu.sem_alloc : memref<!tpu.dma_semaphore, #tpu.memory_space<semaphore_mem>>
      %dma_start3A_427 = arith.constant 0 : i32
      %dma_start3A_428 = tpu.memref_slice %arg6[%arg0, %mul3A_426, %dma_start3A_427] : memref<2x10112x128xf32, #tpu.memory_space<hbm>> -> memref<1x632x128xf32, #tpu.memory_space<hbm>>
      %dma_start3A_429 = tpu.memref_squeeze %dma_start3A_428 : memref<1x632x128xf32, #tpu.memory_space<hbm>> -> memref<632x128xf32, #tpu.memory_space<hbm>>
      %dma_start3A_430 = arith.constant 0 : i32
      %dma_start3A_431 = tpu.memref_slice %arg11[%mul3A_424, %dma_start3A_430] : memref<10112x128xf32, #tpu.memory_space<vmem_shared>> -> memref<632x128xf32, #tpu.memory_space<vmem_shared>>
      tpu.enqueue_dma source(%dma_start3A_431 : memref<632x128xf32, #tpu.memory_space<vmem_shared>>) target(%dma_start3A_429 : memref<632x128xf32, #tpu.memory_space<hbm>>) target_semaphore(%run_scoped3A : memref<!tpu.dma_semaphore, #tpu.memory_space<semaphore_mem>>)
      %dma_wait3A_432 = arith.constant 0 : i32
      %dma_wait3A_433 = tpu.memref_slice %arg6[%arg0, %mul3A_426, %dma_wait3A_432] : memref<2x10112x128xf32, #tpu.memory_space<hbm>> -> memref<1x632x128xf32, #tpu.memory_space<hbm>>
      %dma_wait3A_434 = tpu.memref_squeeze %dma_wait3A_433 : memref<1x632x128xf32, #tpu.memory_space<hbm>> -> memref<632x128xf32, #tpu.memory_space<hbm>>
      %dma_wait3A_435 = arith.constant 0 : i32
      %dma_wait3A_436 = tpu.memref_slice %arg11[%mul3A_424, %dma_wait3A_435] : memref<10112x128xf32, #tpu.memory_space<vmem_shared>> -> memref<632x128xf32, #tpu.memory_space<vmem_shared>>
      tpu.wait_dma2 semaphore(%run_scoped3A : memref<!tpu.dma_semaphore, #tpu.memory_space<semaphore_mem>>) src(%dma_wait3A_436 : memref<632x128xf32, #tpu.memory_space<vmem_shared>>) dst(%dma_wait3A_434 : memref<632x128xf32, #tpu.memory_space<hbm>>)
      tpu.yield
    }) : () -> ()
    return
  }
}

#map = affine_map<(d0, d1) -> (0, 0)>
#map1 = affine_map<(d0, d1) -> (0, 0, 0, 0)>
#map2 = affine_map<(d0, d1) -> (0, 0, 0)>
module attributes {stable_mosaic.version = 14 : i64} {
  func.func @_sc_agg(%arg0: i32, %arg1: i32, %arg2: memref<10000x128xf32, #tpu.memory_space<hbm>>, %arg3: memref<32x80x1x128xi32, #tpu.memory_space<hbm>>, %arg4: memref<32x80x1x128xi32, #tpu.memory_space<hbm>>, %arg5: memref<632x128xf32, #tpu.memory_space<hbm>>, %arg6: memref<2x10112x128xf32, #tpu.memory_space<hbm>>, %arg7: memref<4x1x128xi32, #tpu.memory_space<vmem>>, %arg8: memref<4x1x128xi32, #tpu.memory_space<vmem>>, %arg9: memref<128x128xf32, #tpu.memory_space<vmem>>, %arg10: memref<128x128xf32, #tpu.memory_space<vmem>>, %arg11: memref<10112x128xf32, #tpu.memory_space<vmem_shared>>, %arg12: memref<!tpu.dma_semaphore, #tpu.memory_space<semaphore_mem>>, %arg13: memref<!tpu.dma_semaphore, #tpu.memory_space<semaphore_mem>>, %arg14: memref<!tpu.dma_semaphore, #tpu.memory_space<semaphore_mem>>, %arg15: memref<!tpu.dma_semaphore, #tpu.memory_space<semaphore_mem>>, %arg16: memref<!tpu.dma_semaphore, #tpu.memory_space<semaphore_mem>>, %arg17: memref<!tpu.dma_semaphore, #tpu.memory_space<semaphore_mem>>, %arg18: memref<!tpu.dma_semaphore, #tpu.memory_space<semaphore_mem>>, %arg19: memref<!tpu.dma_semaphore, #tpu.memory_space<semaphore_mem>>, %arg20: memref<!tpu.dma_semaphore, #tpu.memory_space<semaphore_mem>>, %arg21: memref<!tpu.dma_semaphore, #tpu.memory_space<semaphore_mem>>, %arg22: memref<!tpu.dma_semaphore, #tpu.memory_space<semaphore_mem>>, %arg23: memref<!tpu.dma_semaphore, #tpu.memory_space<semaphore_mem>>) attributes {dimension_semantics = [#tpu.dimension_semantics<core_parallel>, #tpu.dimension_semantics<subcore_parallel>], iteration_bounds = array<i64: 2, 16>, scalar_prefetch = 0 : i64, scratch_operands = 17 : i64, tpu.core_type = #tpu.core_type<sc_vector_subcore>, window_params = [{transform_indices = #map}, {transform_indices = #map1}, {transform_indices = #map1}, {transform_indices = #map}, {transform_indices = #map2}]} {
    %mul3A = arith.constant 2 : i32
    %mul3A_0 = arith.muli %arg1, %mul3A : i32
    %add3A = arith.addi %mul3A_0, %arg0 : i32
    %mul3A_1 = arith.constant 632 : i32
    %mul3A_2 = arith.muli %arg1, %mul3A_1 : i32
    "tpu.region"() ({
      %run_scoped3A = tpu.sem_alloc : memref<!tpu.dma_semaphore, #tpu.memory_space<semaphore_mem>>
      %dma_start3A_427 = arith.constant 0 : i32
      %dma_start3A_428 = tpu.memref_slice %arg11[%mul3A_2, %dma_start3A_427] : memref<10112x128xf32, #tpu.memory_space<vmem_shared>> -> memref<632x128xf32, #tpu.memory_space<vmem_shared>>
      tpu.enqueue_dma source(%arg5 : memref<632x128xf32, #tpu.memory_space<hbm>>) target(%dma_start3A_428 : memref<632x128xf32, #tpu.memory_space<vmem_shared>>) target_semaphore(%run_scoped3A : memref<!tpu.dma_semaphore, #tpu.memory_space<semaphore_mem>>)
      %dma_wait3A_429 = arith.constant 0 : i32
      %dma_wait3A_430 = tpu.memref_slice %arg11[%mul3A_2, %dma_wait3A_429] : memref<10112x128xf32, #tpu.memory_space<vmem_shared>> -> memref<632x128xf32, #tpu.memory_space<vmem_shared>>
      tpu.wait_dma2 semaphore(%run_scoped3A : memref<!tpu.dma_semaphore, #tpu.memory_space<semaphore_mem>>) src(%arg5 : memref<632x128xf32, #tpu.memory_space<hbm>>) dst(%dma_wait3A_430 : memref<632x128xf32, #tpu.memory_space<vmem_shared>>)
      tpu.yield
    }) : () -> ()
    %barrier3A = arith.constant 0 : index
    tpu.barrier barrier_id(%barrier3A)
    %dma_start3A = arith.constant 0 : i32
    %dma_start3A_3 = arith.constant 0 : i32
    %dma_start3A_4 = arith.constant 0 : i32
    %dma_start3A_5 = arith.constant 0 : i32
    %dma_start3A_6 = tpu.memref_slice %arg7[%dma_start3A_3, %dma_start3A_4, %dma_start3A_5] : memref<4x1x128xi32, #tpu.memory_space<vmem>> -> memref<1x1x128xi32, #tpu.memory_space<vmem>>
    %dma_start3A_7 = tpu.memref_squeeze %dma_start3A_6 : memref<1x1x128xi32, #tpu.memory_space<vmem>> -> memref<1x128xi32, #tpu.memory_space<vmem>>
    %dma_start3A_8 = arith.constant 0 : i32
    %dma_start3A_9 = arith.constant 0 : i32
    %dma_start3A_10 = tpu.memref_slice %arg3[%add3A, %dma_start3A, %dma_start3A_8, %dma_start3A_9] : memref<32x80x1x128xi32, #tpu.memory_space<hbm>> -> memref<1x1x1x128xi32, #tpu.memory_space<hbm>>
    %dma_start3A_11 = tpu.memref_squeeze %dma_start3A_10 : memref<1x1x1x128xi32, #tpu.memory_space<hbm>> -> memref<1x128xi32, #tpu.memory_space<hbm>>
    %dma_start3A_12 = arith.constant 0 : i32
    %dma_start3A_13 = arith.constant 0 : i32
    %dma_start3A_14 = tpu.memref_slice %arg7[%dma_start3A_3, %dma_start3A_12, %dma_start3A_13] : memref<4x1x128xi32, #tpu.memory_space<vmem>> -> memref<1x1x128xi32, #tpu.memory_space<vmem>>
    %dma_start3A_15 = tpu.memref_squeeze %dma_start3A_14 : memref<1x1x128xi32, #tpu.memory_space<vmem>> -> memref<1x128xi32, #tpu.memory_space<vmem>>
    %dma_start3A_16 = arith.constant 0 : i32
    %dma_start3A_17 = arith.constant 0 : i32
    %dma_start3A_18 = tpu.memref_slice %arg3[%add3A, %dma_start3A, %dma_start3A_16, %dma_start3A_17] : memref<32x80x1x128xi32, #tpu.memory_space<hbm>> -> memref<1x1x1x128xi32, #tpu.memory_space<hbm>>
    %dma_start3A_19 = tpu.memref_squeeze %dma_start3A_18 : memref<1x1x1x128xi32, #tpu.memory_space<hbm>> -> memref<1x128xi32, #tpu.memory_space<hbm>>
    tpu.enqueue_dma source(%dma_start3A_19 : memref<1x128xi32, #tpu.memory_space<hbm>>) target(%dma_start3A_15 : memref<1x128xi32, #tpu.memory_space<vmem>>) target_semaphore(%arg16 : memref<!tpu.dma_semaphore, #tpu.memory_space<semaphore_mem>>)
    %dma_start3A_20 = arith.constant 0 : i32
    %dma_start3A_21 = arith.constant 0 : i32
    %dma_start3A_22 = arith.constant 0 : i32
    %dma_start3A_23 = arith.constant 0 : i32
    %dma_start3A_24 = tpu.memref_slice %arg8[%dma_start3A_21, %dma_start3A_22, %dma_start3A_23] : memref<4x1x128xi32, #tpu.memory_space<vmem>> -> memref<1x1x128xi32, #tpu.memory_space<vmem>>
    %dma_start3A_25 = tpu.memref_squeeze %dma_start3A_24 : memref<1x1x128xi32, #tpu.memory_space<vmem>> -> memref<1x128xi32, #tpu.memory_space<vmem>>
    %dma_start3A_26 = arith.constant 0 : i32
    %dma_start3A_27 = arith.constant 0 : i32
    %dma_start3A_28 = tpu.memref_slice %arg4[%add3A, %dma_start3A_20, %dma_start3A_26, %dma_start3A_27] : memref<32x80x1x128xi32, #tpu.memory_space<hbm>> -> memref<1x1x1x128xi32, #tpu.memory_space<hbm>>
    %dma_start3A_29 = tpu.memref_squeeze %dma_start3A_28 : memref<1x1x1x128xi32, #tpu.memory_space<hbm>> -> memref<1x128xi32, #tpu.memory_space<hbm>>
    %dma_start3A_30 = arith.constant 0 : i32
    %dma_start3A_31 = arith.constant 0 : i32
    %dma_start3A_32 = tpu.memref_slice %arg8[%dma_start3A_21, %dma_start3A_30, %dma_start3A_31] : memref<4x1x128xi32, #tpu.memory_space<vmem>> -> memref<1x1x128xi32, #tpu.memory_space<vmem>>
    %dma_start3A_33 = tpu.memref_squeeze %dma_start3A_32 : memref<1x1x128xi32, #tpu.memory_space<vmem>> -> memref<1x128xi32, #tpu.memory_space<vmem>>
    %dma_start3A_34 = arith.constant 0 : i32
    %dma_start3A_35 = arith.constant 0 : i32
    %dma_start3A_36 = tpu.memref_slice %arg4[%add3A, %dma_start3A_20, %dma_start3A_34, %dma_start3A_35] : memref<32x80x1x128xi32, #tpu.memory_space<hbm>> -> memref<1x1x1x128xi32, #tpu.memory_space<hbm>>
    %dma_start3A_37 = tpu.memref_squeeze %dma_start3A_36 : memref<1x1x1x128xi32, #tpu.memory_space<hbm>> -> memref<1x128xi32, #tpu.memory_space<hbm>>
    tpu.enqueue_dma source(%dma_start3A_37 : memref<1x128xi32, #tpu.memory_space<hbm>>) target(%dma_start3A_33 : memref<1x128xi32, #tpu.memory_space<vmem>>) target_semaphore(%arg20 : memref<!tpu.dma_semaphore, #tpu.memory_space<semaphore_mem>>)
    %dma_start3A_38 = arith.constant 1 : i32
    %dma_start3A_39 = arith.constant 1 : i32
    %dma_start3A_40 = arith.constant 0 : i32
    %dma_start3A_41 = arith.constant 0 : i32
    %dma_start3A_42 = tpu.memref_slice %arg7[%dma_start3A_39, %dma_start3A_40, %dma_start3A_41] : memref<4x1x128xi32, #tpu.memory_space<vmem>> -> memref<1x1x128xi32, #tpu.memory_space<vmem>>
    %dma_start3A_43 = tpu.memref_squeeze %dma_start3A_42 : memref<1x1x128xi32, #tpu.memory_space<vmem>> -> memref<1x128xi32, #tpu.memory_space<vmem>>
    %dma_start3A_44 = arith.constant 0 : i32
    %dma_start3A_45 = arith.constant 0 : i32
    %dma_start3A_46 = tpu.memref_slice %arg3[%add3A, %dma_start3A_38, %dma_start3A_44, %dma_start3A_45] : memref<32x80x1x128xi32, #tpu.memory_space<hbm>> -> memref<1x1x1x128xi32, #tpu.memory_space<hbm>>
    %dma_start3A_47 = tpu.memref_squeeze %dma_start3A_46 : memref<1x1x1x128xi32, #tpu.memory_space<hbm>> -> memref<1x128xi32, #tpu.memory_space<hbm>>
    %dma_start3A_48 = arith.constant 0 : i32
    %dma_start3A_49 = arith.constant 0 : i32
    %dma_start3A_50 = tpu.memref_slice %arg7[%dma_start3A_39, %dma_start3A_48, %dma_start3A_49] : memref<4x1x128xi32, #tpu.memory_space<vmem>> -> memref<1x1x128xi32, #tpu.memory_space<vmem>>
    %dma_start3A_51 = tpu.memref_squeeze %dma_start3A_50 : memref<1x1x128xi32, #tpu.memory_space<vmem>> -> memref<1x128xi32, #tpu.memory_space<vmem>>
    %dma_start3A_52 = arith.constant 0 : i32
    %dma_start3A_53 = arith.constant 0 : i32
    %dma_start3A_54 = tpu.memref_slice %arg3[%add3A, %dma_start3A_38, %dma_start3A_52, %dma_start3A_53] : memref<32x80x1x128xi32, #tpu.memory_space<hbm>> -> memref<1x1x1x128xi32, #tpu.memory_space<hbm>>
    %dma_start3A_55 = tpu.memref_squeeze %dma_start3A_54 : memref<1x1x1x128xi32, #tpu.memory_space<hbm>> -> memref<1x128xi32, #tpu.memory_space<hbm>>
    tpu.enqueue_dma source(%dma_start3A_55 : memref<1x128xi32, #tpu.memory_space<hbm>>) target(%dma_start3A_51 : memref<1x128xi32, #tpu.memory_space<vmem>>) target_semaphore(%arg17 : memref<!tpu.dma_semaphore, #tpu.memory_space<semaphore_mem>>)
    %dma_start3A_56 = arith.constant 1 : i32
    %dma_start3A_57 = arith.constant 1 : i32
    %dma_start3A_58 = arith.constant 0 : i32
    %dma_start3A_59 = arith.constant 0 : i32
    %dma_start3A_60 = tpu.memref_slice %arg8[%dma_start3A_57, %dma_start3A_58, %dma_start3A_59] : memref<4x1x128xi32, #tpu.memory_space<vmem>> -> memref<1x1x128xi32, #tpu.memory_space<vmem>>
    %dma_start3A_61 = tpu.memref_squeeze %dma_start3A_60 : memref<1x1x128xi32, #tpu.memory_space<vmem>> -> memref<1x128xi32, #tpu.memory_space<vmem>>
    %dma_start3A_62 = arith.constant 0 : i32
    %dma_start3A_63 = arith.constant 0 : i32
    %dma_start3A_64 = tpu.memref_slice %arg4[%add3A, %dma_start3A_56, %dma_start3A_62, %dma_start3A_63] : memref<32x80x1x128xi32, #tpu.memory_space<hbm>> -> memref<1x1x1x128xi32, #tpu.memory_space<hbm>>
    %dma_start3A_65 = tpu.memref_squeeze %dma_start3A_64 : memref<1x1x1x128xi32, #tpu.memory_space<hbm>> -> memref<1x128xi32, #tpu.memory_space<hbm>>
    %dma_start3A_66 = arith.constant 0 : i32
    %dma_start3A_67 = arith.constant 0 : i32
    %dma_start3A_68 = tpu.memref_slice %arg8[%dma_start3A_57, %dma_start3A_66, %dma_start3A_67] : memref<4x1x128xi32, #tpu.memory_space<vmem>> -> memref<1x1x128xi32, #tpu.memory_space<vmem>>
    %dma_start3A_69 = tpu.memref_squeeze %dma_start3A_68 : memref<1x1x128xi32, #tpu.memory_space<vmem>> -> memref<1x128xi32, #tpu.memory_space<vmem>>
    %dma_start3A_70 = arith.constant 0 : i32
    %dma_start3A_71 = arith.constant 0 : i32
    %dma_start3A_72 = tpu.memref_slice %arg4[%add3A, %dma_start3A_56, %dma_start3A_70, %dma_start3A_71] : memref<32x80x1x128xi32, #tpu.memory_space<hbm>> -> memref<1x1x1x128xi32, #tpu.memory_space<hbm>>
    %dma_start3A_73 = tpu.memref_squeeze %dma_start3A_72 : memref<1x1x1x128xi32, #tpu.memory_space<hbm>> -> memref<1x128xi32, #tpu.memory_space<hbm>>
    tpu.enqueue_dma source(%dma_start3A_73 : memref<1x128xi32, #tpu.memory_space<hbm>>) target(%dma_start3A_69 : memref<1x128xi32, #tpu.memory_space<vmem>>) target_semaphore(%arg21 : memref<!tpu.dma_semaphore, #tpu.memory_space<semaphore_mem>>)
    %dma_start3A_74 = arith.constant 2 : i32
    %dma_start3A_75 = arith.constant 2 : i32
    %dma_start3A_76 = arith.constant 0 : i32
    %dma_start3A_77 = arith.constant 0 : i32
    %dma_start3A_78 = tpu.memref_slice %arg7[%dma_start3A_75, %dma_start3A_76, %dma_start3A_77] : memref<4x1x128xi32, #tpu.memory_space<vmem>> -> memref<1x1x128xi32, #tpu.memory_space<vmem>>
    %dma_start3A_79 = tpu.memref_squeeze %dma_start3A_78 : memref<1x1x128xi32, #tpu.memory_space<vmem>> -> memref<1x128xi32, #tpu.memory_space<vmem>>
    %dma_start3A_80 = arith.constant 0 : i32
    %dma_start3A_81 = arith.constant 0 : i32
    %dma_start3A_82 = tpu.memref_slice %arg3[%add3A, %dma_start3A_74, %dma_start3A_80, %dma_start3A_81] : memref<32x80x1x128xi32, #tpu.memory_space<hbm>> -> memref<1x1x1x128xi32, #tpu.memory_space<hbm>>
    %dma_start3A_83 = tpu.memref_squeeze %dma_start3A_82 : memref<1x1x1x128xi32, #tpu.memory_space<hbm>> -> memref<1x128xi32, #tpu.memory_space<hbm>>
    %dma_start3A_84 = arith.constant 0 : i32
    %dma_start3A_85 = arith.constant 0 : i32
    %dma_start3A_86 = tpu.memref_slice %arg7[%dma_start3A_75, %dma_start3A_84, %dma_start3A_85] : memref<4x1x128xi32, #tpu.memory_space<vmem>> -> memref<1x1x128xi32, #tpu.memory_space<vmem>>
    %dma_start3A_87 = tpu.memref_squeeze %dma_start3A_86 : memref<1x1x128xi32, #tpu.memory_space<vmem>> -> memref<1x128xi32, #tpu.memory_space<vmem>>
    %dma_start3A_88 = arith.constant 0 : i32
    %dma_start3A_89 = arith.constant 0 : i32
    %dma_start3A_90 = tpu.memref_slice %arg3[%add3A, %dma_start3A_74, %dma_start3A_88, %dma_start3A_89] : memref<32x80x1x128xi32, #tpu.memory_space<hbm>> -> memref<1x1x1x128xi32, #tpu.memory_space<hbm>>
    %dma_start3A_91 = tpu.memref_squeeze %dma_start3A_90 : memref<1x1x1x128xi32, #tpu.memory_space<hbm>> -> memref<1x128xi32, #tpu.memory_space<hbm>>
    tpu.enqueue_dma source(%dma_start3A_91 : memref<1x128xi32, #tpu.memory_space<hbm>>) target(%dma_start3A_87 : memref<1x128xi32, #tpu.memory_space<vmem>>) target_semaphore(%arg18 : memref<!tpu.dma_semaphore, #tpu.memory_space<semaphore_mem>>)
    %dma_start3A_92 = arith.constant 2 : i32
    %dma_start3A_93 = arith.constant 2 : i32
    %dma_start3A_94 = arith.constant 0 : i32
    %dma_start3A_95 = arith.constant 0 : i32
    %dma_start3A_96 = tpu.memref_slice %arg8[%dma_start3A_93, %dma_start3A_94, %dma_start3A_95] : memref<4x1x128xi32, #tpu.memory_space<vmem>> -> memref<1x1x128xi32, #tpu.memory_space<vmem>>
    %dma_start3A_97 = tpu.memref_squeeze %dma_start3A_96 : memref<1x1x128xi32, #tpu.memory_space<vmem>> -> memref<1x128xi32, #tpu.memory_space<vmem>>
    %dma_start3A_98 = arith.constant 0 : i32
    %dma_start3A_99 = arith.constant 0 : i32
    %dma_start3A_100 = tpu.memref_slice %arg4[%add3A, %dma_start3A_92, %dma_start3A_98, %dma_start3A_99] : memref<32x80x1x128xi32, #tpu.memory_space<hbm>> -> memref<1x1x1x128xi32, #tpu.memory_space<hbm>>
    %dma_start3A_101 = tpu.memref_squeeze %dma_start3A_100 : memref<1x1x1x128xi32, #tpu.memory_space<hbm>> -> memref<1x128xi32, #tpu.memory_space<hbm>>
    %dma_start3A_102 = arith.constant 0 : i32
    %dma_start3A_103 = arith.constant 0 : i32
    %dma_start3A_104 = tpu.memref_slice %arg8[%dma_start3A_93, %dma_start3A_102, %dma_start3A_103] : memref<4x1x128xi32, #tpu.memory_space<vmem>> -> memref<1x1x128xi32, #tpu.memory_space<vmem>>
    %dma_start3A_105 = tpu.memref_squeeze %dma_start3A_104 : memref<1x1x128xi32, #tpu.memory_space<vmem>> -> memref<1x128xi32, #tpu.memory_space<vmem>>
    %dma_start3A_106 = arith.constant 0 : i32
    %dma_start3A_107 = arith.constant 0 : i32
    %dma_start3A_108 = tpu.memref_slice %arg4[%add3A, %dma_start3A_92, %dma_start3A_106, %dma_start3A_107] : memref<32x80x1x128xi32, #tpu.memory_space<hbm>> -> memref<1x1x1x128xi32, #tpu.memory_space<hbm>>
    %dma_start3A_109 = tpu.memref_squeeze %dma_start3A_108 : memref<1x1x1x128xi32, #tpu.memory_space<hbm>> -> memref<1x128xi32, #tpu.memory_space<hbm>>
    tpu.enqueue_dma source(%dma_start3A_109 : memref<1x128xi32, #tpu.memory_space<hbm>>) target(%dma_start3A_105 : memref<1x128xi32, #tpu.memory_space<vmem>>) target_semaphore(%arg22 : memref<!tpu.dma_semaphore, #tpu.memory_space<semaphore_mem>>)
    %dma_start3A_110 = arith.constant 3 : i32
    %dma_start3A_111 = arith.constant 3 : i32
    %dma_start3A_112 = arith.constant 0 : i32
    %dma_start3A_113 = arith.constant 0 : i32
    %dma_start3A_114 = tpu.memref_slice %arg7[%dma_start3A_111, %dma_start3A_112, %dma_start3A_113] : memref<4x1x128xi32, #tpu.memory_space<vmem>> -> memref<1x1x128xi32, #tpu.memory_space<vmem>>
    %dma_start3A_115 = tpu.memref_squeeze %dma_start3A_114 : memref<1x1x128xi32, #tpu.memory_space<vmem>> -> memref<1x128xi32, #tpu.memory_space<vmem>>
    %dma_start3A_116 = arith.constant 0 : i32
    %dma_start3A_117 = arith.constant 0 : i32
    %dma_start3A_118 = tpu.memref_slice %arg3[%add3A, %dma_start3A_110, %dma_start3A_116, %dma_start3A_117] : memref<32x80x1x128xi32, #tpu.memory_space<hbm>> -> memref<1x1x1x128xi32, #tpu.memory_space<hbm>>
    %dma_start3A_119 = tpu.memref_squeeze %dma_start3A_118 : memref<1x1x1x128xi32, #tpu.memory_space<hbm>> -> memref<1x128xi32, #tpu.memory_space<hbm>>
    %dma_start3A_120 = arith.constant 0 : i32
    %dma_start3A_121 = arith.constant 0 : i32
    %dma_start3A_122 = tpu.memref_slice %arg7[%dma_start3A_111, %dma_start3A_120, %dma_start3A_121] : memref<4x1x128xi32, #tpu.memory_space<vmem>> -> memref<1x1x128xi32, #tpu.memory_space<vmem>>
    %dma_start3A_123 = tpu.memref_squeeze %dma_start3A_122 : memref<1x1x128xi32, #tpu.memory_space<vmem>> -> memref<1x128xi32, #tpu.memory_space<vmem>>
    %dma_start3A_124 = arith.constant 0 : i32
    %dma_start3A_125 = arith.constant 0 : i32
    %dma_start3A_126 = tpu.memref_slice %arg3[%add3A, %dma_start3A_110, %dma_start3A_124, %dma_start3A_125] : memref<32x80x1x128xi32, #tpu.memory_space<hbm>> -> memref<1x1x1x128xi32, #tpu.memory_space<hbm>>
    %dma_start3A_127 = tpu.memref_squeeze %dma_start3A_126 : memref<1x1x1x128xi32, #tpu.memory_space<hbm>> -> memref<1x128xi32, #tpu.memory_space<hbm>>
    tpu.enqueue_dma source(%dma_start3A_127 : memref<1x128xi32, #tpu.memory_space<hbm>>) target(%dma_start3A_123 : memref<1x128xi32, #tpu.memory_space<vmem>>) target_semaphore(%arg19 : memref<!tpu.dma_semaphore, #tpu.memory_space<semaphore_mem>>)
    %dma_start3A_128 = arith.constant 3 : i32
    %dma_start3A_129 = arith.constant 3 : i32
    %dma_start3A_130 = arith.constant 0 : i32
    %dma_start3A_131 = arith.constant 0 : i32
    %dma_start3A_132 = tpu.memref_slice %arg8[%dma_start3A_129, %dma_start3A_130, %dma_start3A_131] : memref<4x1x128xi32, #tpu.memory_space<vmem>> -> memref<1x1x128xi32, #tpu.memory_space<vmem>>
    %dma_start3A_133 = tpu.memref_squeeze %dma_start3A_132 : memref<1x1x128xi32, #tpu.memory_space<vmem>> -> memref<1x128xi32, #tpu.memory_space<vmem>>
    %dma_start3A_134 = arith.constant 0 : i32
    %dma_start3A_135 = arith.constant 0 : i32
    %dma_start3A_136 = tpu.memref_slice %arg4[%add3A, %dma_start3A_128, %dma_start3A_134, %dma_start3A_135] : memref<32x80x1x128xi32, #tpu.memory_space<hbm>> -> memref<1x1x1x128xi32, #tpu.memory_space<hbm>>
    %dma_start3A_137 = tpu.memref_squeeze %dma_start3A_136 : memref<1x1x1x128xi32, #tpu.memory_space<hbm>> -> memref<1x128xi32, #tpu.memory_space<hbm>>
    %dma_start3A_138 = arith.constant 0 : i32
    %dma_start3A_139 = arith.constant 0 : i32
    %dma_start3A_140 = tpu.memref_slice %arg8[%dma_start3A_129, %dma_start3A_138, %dma_start3A_139] : memref<4x1x128xi32, #tpu.memory_space<vmem>> -> memref<1x1x128xi32, #tpu.memory_space<vmem>>
    %dma_start3A_141 = tpu.memref_squeeze %dma_start3A_140 : memref<1x1x128xi32, #tpu.memory_space<vmem>> -> memref<1x128xi32, #tpu.memory_space<vmem>>
    %dma_start3A_142 = arith.constant 0 : i32
    %dma_start3A_143 = arith.constant 0 : i32
    %dma_start3A_144 = tpu.memref_slice %arg4[%add3A, %dma_start3A_128, %dma_start3A_142, %dma_start3A_143] : memref<32x80x1x128xi32, #tpu.memory_space<hbm>> -> memref<1x1x1x128xi32, #tpu.memory_space<hbm>>
    %dma_start3A_145 = tpu.memref_squeeze %dma_start3A_144 : memref<1x1x1x128xi32, #tpu.memory_space<hbm>> -> memref<1x128xi32, #tpu.memory_space<hbm>>
    tpu.enqueue_dma source(%dma_start3A_145 : memref<1x128xi32, #tpu.memory_space<hbm>>) target(%dma_start3A_141 : memref<1x128xi32, #tpu.memory_space<vmem>>) target_semaphore(%arg23 : memref<!tpu.dma_semaphore, #tpu.memory_space<semaphore_mem>>)
    %dma_wait3A = arith.constant 0 : i32
    %dma_wait3A_146 = arith.constant 0 : i32
    %dma_wait3A_147 = arith.constant 0 : i32
    %dma_wait3A_148 = arith.constant 0 : i32
    %dma_wait3A_149 = tpu.memref_slice %arg7[%dma_wait3A_146, %dma_wait3A_147, %dma_wait3A_148] : memref<4x1x128xi32, #tpu.memory_space<vmem>> -> memref<1x1x128xi32, #tpu.memory_space<vmem>>
    %dma_wait3A_150 = tpu.memref_squeeze %dma_wait3A_149 : memref<1x1x128xi32, #tpu.memory_space<vmem>> -> memref<1x128xi32, #tpu.memory_space<vmem>>
    %dma_wait3A_151 = arith.constant 0 : i32
    %dma_wait3A_152 = arith.constant 0 : i32
    %dma_wait3A_153 = tpu.memref_slice %arg3[%add3A, %dma_wait3A, %dma_wait3A_151, %dma_wait3A_152] : memref<32x80x1x128xi32, #tpu.memory_space<hbm>> -> memref<1x1x1x128xi32, #tpu.memory_space<hbm>>
    %dma_wait3A_154 = tpu.memref_squeeze %dma_wait3A_153 : memref<1x1x1x128xi32, #tpu.memory_space<hbm>> -> memref<1x128xi32, #tpu.memory_space<hbm>>
    %dma_wait3A_155 = arith.constant 0 : i32
    %dma_wait3A_156 = arith.constant 0 : i32
    %dma_wait3A_157 = tpu.memref_slice %arg7[%dma_wait3A_146, %dma_wait3A_155, %dma_wait3A_156] : memref<4x1x128xi32, #tpu.memory_space<vmem>> -> memref<1x1x128xi32, #tpu.memory_space<vmem>>
    %dma_wait3A_158 = tpu.memref_squeeze %dma_wait3A_157 : memref<1x1x128xi32, #tpu.memory_space<vmem>> -> memref<1x128xi32, #tpu.memory_space<vmem>>
    %dma_wait3A_159 = arith.constant 0 : i32
    %dma_wait3A_160 = arith.constant 0 : i32
    %dma_wait3A_161 = tpu.memref_slice %arg3[%add3A, %dma_wait3A, %dma_wait3A_159, %dma_wait3A_160] : memref<32x80x1x128xi32, #tpu.memory_space<hbm>> -> memref<1x1x1x128xi32, #tpu.memory_space<hbm>>
    %dma_wait3A_162 = tpu.memref_squeeze %dma_wait3A_161 : memref<1x1x1x128xi32, #tpu.memory_space<hbm>> -> memref<1x128xi32, #tpu.memory_space<hbm>>
    tpu.wait_dma2 semaphore(%arg16 : memref<!tpu.dma_semaphore, #tpu.memory_space<semaphore_mem>>) src(%dma_wait3A_162 : memref<1x128xi32, #tpu.memory_space<hbm>>) dst(%dma_wait3A_158 : memref<1x128xi32, #tpu.memory_space<vmem>>)
    %dma_start3A_163 = arith.constant 0 : i32
    %dma_start3A_164 = arith.constant 0 : i32
    %dma_start3A_165 = arith.constant 0 : i32
    %dma_start3A_166 = tpu.memref_slice %arg7[%dma_start3A_163, %dma_start3A_164, %dma_start3A_165] : memref<4x1x128xi32, #tpu.memory_space<vmem>> -> memref<1x1x128xi32, #tpu.memory_space<vmem>>
    %dma_start3A_167 = tpu.memref_squeeze %dma_start3A_166 : memref<1x1x128xi32, #tpu.memory_space<vmem>> -> memref<128xi32, #tpu.memory_space<vmem>>
    %dma_start3A_168 = arith.constant 0 : i32
    %dma_start3A_169 = arith.constant 0 : i32
    %dma_start3A_170 = tpu.memref_slice %arg2[%dma_start3A_168, %dma_start3A_169] : memref<10000x128xf32, #tpu.memory_space<hbm>> -> memref<10000x128xf32, #tpu.memory_space<hbm>>
    tpu.enqueue_indirect_dma source(%dma_start3A_170 : memref<10000x128xf32, #tpu.memory_space<hbm>>) target(%arg9 : memref<128x128xf32, #tpu.memory_space<vmem>>) offsets(%dma_start3A_167 : memref<128xi32, #tpu.memory_space<vmem>>) semaphore(%arg12 : memref<!tpu.dma_semaphore, #tpu.memory_space<semaphore_mem>>)
    %dma_wait3A_171 = arith.constant 0 : i32
    %dma_wait3A_172 = arith.constant 1 : i32
    %dma_wait3A_173 = arith.constant 0 : i32
    %dma_wait3A_174 = arith.constant 0 : i32
    %dma_wait3A_175 = tpu.memref_slice %arg7[%dma_wait3A_172, %dma_wait3A_173, %dma_wait3A_174] : memref<4x1x128xi32, #tpu.memory_space<vmem>> -> memref<1x1x128xi32, #tpu.memory_space<vmem>>
    %dma_wait3A_176 = tpu.memref_squeeze %dma_wait3A_175 : memref<1x1x128xi32, #tpu.memory_space<vmem>> -> memref<1x128xi32, #tpu.memory_space<vmem>>
    %dma_wait3A_177 = arith.constant 0 : i32
    %dma_wait3A_178 = arith.constant 0 : i32
    %dma_wait3A_179 = tpu.memref_slice %arg3[%add3A, %dma_wait3A_171, %dma_wait3A_177, %dma_wait3A_178] : memref<32x80x1x128xi32, #tpu.memory_space<hbm>> -> memref<1x1x1x128xi32, #tpu.memory_space<hbm>>
    %dma_wait3A_180 = tpu.memref_squeeze %dma_wait3A_179 : memref<1x1x1x128xi32, #tpu.memory_space<hbm>> -> memref<1x128xi32, #tpu.memory_space<hbm>>
    %dma_wait3A_181 = arith.constant 0 : i32
    %dma_wait3A_182 = arith.constant 0 : i32
    %dma_wait3A_183 = tpu.memref_slice %arg7[%dma_wait3A_172, %dma_wait3A_181, %dma_wait3A_182] : memref<4x1x128xi32, #tpu.memory_space<vmem>> -> memref<1x1x128xi32, #tpu.memory_space<vmem>>
    %dma_wait3A_184 = tpu.memref_squeeze %dma_wait3A_183 : memref<1x1x128xi32, #tpu.memory_space<vmem>> -> memref<1x128xi32, #tpu.memory_space<vmem>>
    %dma_wait3A_185 = arith.constant 0 : i32
    %dma_wait3A_186 = arith.constant 0 : i32
    %dma_wait3A_187 = tpu.memref_slice %arg3[%add3A, %dma_wait3A_171, %dma_wait3A_185, %dma_wait3A_186] : memref<32x80x1x128xi32, #tpu.memory_space<hbm>> -> memref<1x1x1x128xi32, #tpu.memory_space<hbm>>
    %dma_wait3A_188 = tpu.memref_squeeze %dma_wait3A_187 : memref<1x1x1x128xi32, #tpu.memory_space<hbm>> -> memref<1x128xi32, #tpu.memory_space<hbm>>
    tpu.wait_dma2 semaphore(%arg17 : memref<!tpu.dma_semaphore, #tpu.memory_space<semaphore_mem>>) src(%dma_wait3A_188 : memref<1x128xi32, #tpu.memory_space<hbm>>) dst(%dma_wait3A_184 : memref<1x128xi32, #tpu.memory_space<vmem>>)
    %dma_start3A_189 = arith.constant 1 : i32
    %dma_start3A_190 = arith.constant 0 : i32
    %dma_start3A_191 = arith.constant 0 : i32
    %dma_start3A_192 = tpu.memref_slice %arg7[%dma_start3A_189, %dma_start3A_190, %dma_start3A_191] : memref<4x1x128xi32, #tpu.memory_space<vmem>> -> memref<1x1x128xi32, #tpu.memory_space<vmem>>
    %dma_start3A_193 = tpu.memref_squeeze %dma_start3A_192 : memref<1x1x128xi32, #tpu.memory_space<vmem>> -> memref<128xi32, #tpu.memory_space<vmem>>
    %dma_start3A_194 = arith.constant 0 : i32
    %dma_start3A_195 = arith.constant 0 : i32
    %dma_start3A_196 = tpu.memref_slice %arg2[%dma_start3A_194, %dma_start3A_195] : memref<10000x128xf32, #tpu.memory_space<hbm>> -> memref<10000x128xf32, #tpu.memory_space<hbm>>
    tpu.enqueue_indirect_dma source(%dma_start3A_196 : memref<10000x128xf32, #tpu.memory_space<hbm>>) target(%arg10 : memref<128x128xf32, #tpu.memory_space<vmem>>) offsets(%dma_start3A_193 : memref<128xi32, #tpu.memory_space<vmem>>) semaphore(%arg13 : memref<!tpu.dma_semaphore, #tpu.memory_space<semaphore_mem>>)
    %dma_wait3A_197 = arith.constant 0 : i32
    %dma_wait3A_198 = arith.constant 0 : i32
    %dma_wait3A_199 = arith.constant 0 : i32
    %dma_wait3A_200 = tpu.memref_slice %arg7[%dma_wait3A_197, %dma_wait3A_198, %dma_wait3A_199] : memref<4x1x128xi32, #tpu.memory_space<vmem>> -> memref<1x1x128xi32, #tpu.memory_space<vmem>>
    %dma_wait3A_201 = tpu.memref_squeeze %dma_wait3A_200 : memref<1x1x128xi32, #tpu.memory_space<vmem>> -> memref<128xi32, #tpu.memory_space<vmem>>
    %dma_wait3A_202 = arith.constant 0 : i32
    %dma_wait3A_203 = arith.constant 0 : i32
    %dma_wait3A_204 = tpu.memref_slice %arg2[%dma_wait3A_202, %dma_wait3A_203] : memref<10000x128xf32, #tpu.memory_space<hbm>> -> memref<10000x128xf32, #tpu.memory_space<hbm>>
    tpu.wait_indirect_dma semaphore(%arg12 : memref<!tpu.dma_semaphore, #tpu.memory_space<semaphore_mem>>) src(%dma_wait3A_204 : memref<10000x128xf32, #tpu.memory_space<hbm>>) dst(%arg9 : memref<128x128xf32, #tpu.memory_space<vmem>>)
    %dma_wait3A_205 = arith.constant 0 : i32
    %dma_wait3A_206 = arith.constant 0 : i32
    %dma_wait3A_207 = arith.constant 0 : i32
    %dma_wait3A_208 = arith.constant 0 : i32
    %dma_wait3A_209 = tpu.memref_slice %arg8[%dma_wait3A_206, %dma_wait3A_207, %dma_wait3A_208] : memref<4x1x128xi32, #tpu.memory_space<vmem>> -> memref<1x1x128xi32, #tpu.memory_space<vmem>>
    %dma_wait3A_210 = tpu.memref_squeeze %dma_wait3A_209 : memref<1x1x128xi32, #tpu.memory_space<vmem>> -> memref<1x128xi32, #tpu.memory_space<vmem>>
    %dma_wait3A_211 = arith.constant 0 : i32
    %dma_wait3A_212 = arith.constant 0 : i32
    %dma_wait3A_213 = tpu.memref_slice %arg4[%add3A, %dma_wait3A_205, %dma_wait3A_211, %dma_wait3A_212] : memref<32x80x1x128xi32, #tpu.memory_space<hbm>> -> memref<1x1x1x128xi32, #tpu.memory_space<hbm>>
    %dma_wait3A_214 = tpu.memref_squeeze %dma_wait3A_213 : memref<1x1x1x128xi32, #tpu.memory_space<hbm>> -> memref<1x128xi32, #tpu.memory_space<hbm>>
    %dma_wait3A_215 = arith.constant 0 : i32
    %dma_wait3A_216 = arith.constant 0 : i32
    %dma_wait3A_217 = tpu.memref_slice %arg8[%dma_wait3A_206, %dma_wait3A_215, %dma_wait3A_216] : memref<4x1x128xi32, #tpu.memory_space<vmem>> -> memref<1x1x128xi32, #tpu.memory_space<vmem>>
    %dma_wait3A_218 = tpu.memref_squeeze %dma_wait3A_217 : memref<1x1x128xi32, #tpu.memory_space<vmem>> -> memref<1x128xi32, #tpu.memory_space<vmem>>
    %dma_wait3A_219 = arith.constant 0 : i32
    %dma_wait3A_220 = arith.constant 0 : i32
    %dma_wait3A_221 = tpu.memref_slice %arg4[%add3A, %dma_wait3A_205, %dma_wait3A_219, %dma_wait3A_220] : memref<32x80x1x128xi32, #tpu.memory_space<hbm>> -> memref<1x1x1x128xi32, #tpu.memory_space<hbm>>
    %dma_wait3A_222 = tpu.memref_squeeze %dma_wait3A_221 : memref<1x1x1x128xi32, #tpu.memory_space<hbm>> -> memref<1x128xi32, #tpu.memory_space<hbm>>
    tpu.wait_dma2 semaphore(%arg20 : memref<!tpu.dma_semaphore, #tpu.memory_space<semaphore_mem>>) src(%dma_wait3A_222 : memref<1x128xi32, #tpu.memory_space<hbm>>) dst(%dma_wait3A_218 : memref<1x128xi32, #tpu.memory_space<vmem>>)
    %dma_start3A_223 = arith.constant 0 : i32
    %dma_start3A_224 = arith.constant 0 : i32
    %dma_start3A_225 = arith.constant 0 : i32
    %dma_start3A_226 = tpu.memref_slice %arg8[%dma_start3A_223, %dma_start3A_224, %dma_start3A_225] : memref<4x1x128xi32, #tpu.memory_space<vmem>> -> memref<1x1x128xi32, #tpu.memory_space<vmem>>
    %dma_start3A_227 = tpu.memref_squeeze %dma_start3A_226 : memref<1x1x128xi32, #tpu.memory_space<vmem>> -> memref<128xi32, #tpu.memory_space<vmem>>
    %dma_start3A_228 = arith.constant 0 : i32
    %dma_start3A_229 = arith.constant 0 : i32
    %dma_start3A_230 = tpu.memref_slice %arg11[%dma_start3A_228, %dma_start3A_229] : memref<10112x128xf32, #tpu.memory_space<vmem_shared>> -> memref<10112x128xf32, #tpu.memory_space<vmem_shared>>
    tpu.enqueue_indirect_dma source(%arg9 : memref<128x128xf32, #tpu.memory_space<vmem>>) target(%dma_start3A_230 : memref<10112x128xf32, #tpu.memory_space<vmem_shared>>) offsets(%dma_start3A_227 : memref<128xi32, #tpu.memory_space<vmem>>) semaphore(%arg14 : memref<!tpu.dma_semaphore, #tpu.memory_space<semaphore_mem>>) {add = true}
    %scan3A = arith.constant 0 : i32
    %scan3A_231 = arith.constant 0 : i32
    %scan3A_232 = arith.constant 19 : i32
    %scan3A_233 = arith.addi %scan3A_231, %scan3A_232 : i32
    %scan3A_234 = arith.constant 1 : i32
    scf.for %scan3A_427 = %scan3A_231 to %scan3A_233 step %scan3A_234  : i32 {
      %mul3A_428 = arith.constant 4 : i32
      %mul3A_429 = arith.muli %mul3A_428, %scan3A_427 : i32
      %add3A_430 = arith.constant 2 : i32
      %add3A_431 = arith.addi %add3A_430, %mul3A_429 : i32
      %dma_wait3A_432 = arith.constant 0 : i32
      %dma_wait3A_433 = arith.constant 0 : i32
      %dma_wait3A_434 = arith.constant 0 : i32
      %dma_wait3A_435 = tpu.memref_slice %arg8[%dma_wait3A_432, %dma_wait3A_433, %dma_wait3A_434] : memref<4x1x128xi32, #tpu.memory_space<vmem>> -> memref<1x1x128xi32, #tpu.memory_space<vmem>>
      %dma_wait3A_436 = tpu.memref_squeeze %dma_wait3A_435 : memref<1x1x128xi32, #tpu.memory_space<vmem>> -> memref<128xi32, #tpu.memory_space<vmem>>
      %dma_wait3A_437 = arith.constant 0 : i32
      %dma_wait3A_438 = arith.constant 0 : i32
      %dma_wait3A_439 = tpu.memref_slice %arg11[%dma_wait3A_437, %dma_wait3A_438] : memref<10112x128xf32, #tpu.memory_space<vmem_shared>> -> memref<10112x128xf32, #tpu.memory_space<vmem_shared>>
      tpu.wait_indirect_dma semaphore(%arg14 : memref<!tpu.dma_semaphore, #tpu.memory_space<semaphore_mem>>) src(%arg9 : memref<128x128xf32, #tpu.memory_space<vmem>>) dst(%dma_wait3A_439 : memref<10112x128xf32, #tpu.memory_space<vmem_shared>>)
      %add3A_440 = arith.constant 0 : i32
      %add3A_441 = arith.addi %add3A_431, %add3A_440 : i32
      %add3A_442 = arith.constant 2 : i32
      %add3A_443 = arith.addi %add3A_441, %add3A_442 : i32
      %dma_start3A_444 = arith.constant 0 : i32
      %dma_start3A_445 = arith.constant 0 : i32
      %dma_start3A_446 = arith.constant 0 : i32
      %dma_start3A_447 = tpu.memref_slice %arg7[%dma_start3A_444, %dma_start3A_445, %dma_start3A_446] : memref<4x1x128xi32, #tpu.memory_space<vmem>> -> memref<1x1x128xi32, #tpu.memory_space<vmem>>
      %dma_start3A_448 = tpu.memref_squeeze %dma_start3A_447 : memref<1x1x128xi32, #tpu.memory_space<vmem>> -> memref<1x128xi32, #tpu.memory_space<vmem>>
      %dma_start3A_449 = arith.constant 0 : i32
      %dma_start3A_450 = arith.constant 0 : i32
      %dma_start3A_451 = tpu.memref_slice %arg3[%add3A, %add3A_443, %dma_start3A_449, %dma_start3A_450] : memref<32x80x1x128xi32, #tpu.memory_space<hbm>> -> memref<1x1x1x128xi32, #tpu.memory_space<hbm>>
      %dma_start3A_452 = tpu.memref_squeeze %dma_start3A_451 : memref<1x1x1x128xi32, #tpu.memory_space<hbm>> -> memref<1x128xi32, #tpu.memory_space<hbm>>
      %dma_start3A_453 = arith.constant 0 : i32
      %dma_start3A_454 = arith.constant 0 : i32
      %dma_start3A_455 = tpu.memref_slice %arg7[%dma_start3A_444, %dma_start3A_453, %dma_start3A_454] : memref<4x1x128xi32, #tpu.memory_space<vmem>> -> memref<1x1x128xi32, #tpu.memory_space<vmem>>
      %dma_start3A_456 = tpu.memref_squeeze %dma_start3A_455 : memref<1x1x128xi32, #tpu.memory_space<vmem>> -> memref<1x128xi32, #tpu.memory_space<vmem>>
      %dma_start3A_457 = arith.constant 0 : i32
      %dma_start3A_458 = arith.constant 0 : i32
      %dma_start3A_459 = tpu.memref_slice %arg3[%add3A, %add3A_443, %dma_start3A_457, %dma_start3A_458] : memref<32x80x1x128xi32, #tpu.memory_space<hbm>> -> memref<1x1x1x128xi32, #tpu.memory_space<hbm>>
      %dma_start3A_460 = tpu.memref_squeeze %dma_start3A_459 : memref<1x1x1x128xi32, #tpu.memory_space<hbm>> -> memref<1x128xi32, #tpu.memory_space<hbm>>
      tpu.enqueue_dma source(%dma_start3A_460 : memref<1x128xi32, #tpu.memory_space<hbm>>) target(%dma_start3A_456 : memref<1x128xi32, #tpu.memory_space<vmem>>) target_semaphore(%arg16 : memref<!tpu.dma_semaphore, #tpu.memory_space<semaphore_mem>>)
      %dma_start3A_461 = arith.constant 0 : i32
      %dma_start3A_462 = arith.constant 0 : i32
      %dma_start3A_463 = arith.constant 0 : i32
      %dma_start3A_464 = tpu.memref_slice %arg8[%dma_start3A_461, %dma_start3A_462, %dma_start3A_463] : memref<4x1x128xi32, #tpu.memory_space<vmem>> -> memref<1x1x128xi32, #tpu.memory_space<vmem>>
      %dma_start3A_465 = tpu.memref_squeeze %dma_start3A_464 : memref<1x1x128xi32, #tpu.memory_space<vmem>> -> memref<1x128xi32, #tpu.memory_space<vmem>>
      %dma_start3A_466 = arith.constant 0 : i32
      %dma_start3A_467 = arith.constant 0 : i32
      %dma_start3A_468 = tpu.memref_slice %arg4[%add3A, %add3A_443, %dma_start3A_466, %dma_start3A_467] : memref<32x80x1x128xi32, #tpu.memory_space<hbm>> -> memref<1x1x1x128xi32, #tpu.memory_space<hbm>>
      %dma_start3A_469 = tpu.memref_squeeze %dma_start3A_468 : memref<1x1x1x128xi32, #tpu.memory_space<hbm>> -> memref<1x128xi32, #tpu.memory_space<hbm>>
      %dma_start3A_470 = arith.constant 0 : i32
      %dma_start3A_471 = arith.constant 0 : i32
      %dma_start3A_472 = tpu.memref_slice %arg8[%dma_start3A_461, %dma_start3A_470, %dma_start3A_471] : memref<4x1x128xi32, #tpu.memory_space<vmem>> -> memref<1x1x128xi32, #tpu.memory_space<vmem>>
      %dma_start3A_473 = tpu.memref_squeeze %dma_start3A_472 : memref<1x1x128xi32, #tpu.memory_space<vmem>> -> memref<1x128xi32, #tpu.memory_space<vmem>>
      %dma_start3A_474 = arith.constant 0 : i32
      %dma_start3A_475 = arith.constant 0 : i32
      %dma_start3A_476 = tpu.memref_slice %arg4[%add3A, %add3A_443, %dma_start3A_474, %dma_start3A_475] : memref<32x80x1x128xi32, #tpu.memory_space<hbm>> -> memref<1x1x1x128xi32, #tpu.memory_space<hbm>>
      %dma_start3A_477 = tpu.memref_squeeze %dma_start3A_476 : memref<1x1x1x128xi32, #tpu.memory_space<hbm>> -> memref<1x128xi32, #tpu.memory_space<hbm>>
      tpu.enqueue_dma source(%dma_start3A_477 : memref<1x128xi32, #tpu.memory_space<hbm>>) target(%dma_start3A_473 : memref<1x128xi32, #tpu.memory_space<vmem>>) target_semaphore(%arg20 : memref<!tpu.dma_semaphore, #tpu.memory_space<semaphore_mem>>)
      %dma_wait3A_478 = arith.constant 0 : i32
      %dma_wait3A_479 = arith.constant 2 : i32
      %dma_wait3A_480 = arith.constant 0 : i32
      %dma_wait3A_481 = arith.constant 0 : i32
      %dma_wait3A_482 = tpu.memref_slice %arg7[%dma_wait3A_479, %dma_wait3A_480, %dma_wait3A_481] : memref<4x1x128xi32, #tpu.memory_space<vmem>> -> memref<1x1x128xi32, #tpu.memory_space<vmem>>
      %dma_wait3A_483 = tpu.memref_squeeze %dma_wait3A_482 : memref<1x1x128xi32, #tpu.memory_space<vmem>> -> memref<1x128xi32, #tpu.memory_space<vmem>>
      %dma_wait3A_484 = arith.constant 0 : i32
      %dma_wait3A_485 = arith.constant 0 : i32
      %dma_wait3A_486 = tpu.memref_slice %arg3[%add3A, %dma_wait3A_478, %dma_wait3A_484, %dma_wait3A_485] : memref<32x80x1x128xi32, #tpu.memory_space<hbm>> -> memref<1x1x1x128xi32, #tpu.memory_space<hbm>>
      %dma_wait3A_487 = tpu.memref_squeeze %dma_wait3A_486 : memref<1x1x1x128xi32, #tpu.memory_space<hbm>> -> memref<1x128xi32, #tpu.memory_space<hbm>>
      %dma_wait3A_488 = arith.constant 0 : i32
      %dma_wait3A_489 = arith.constant 0 : i32
      %dma_wait3A_490 = tpu.memref_slice %arg7[%dma_wait3A_479, %dma_wait3A_488, %dma_wait3A_489] : memref<4x1x128xi32, #tpu.memory_space<vmem>> -> memref<1x1x128xi32, #tpu.memory_space<vmem>>
      %dma_wait3A_491 = tpu.memref_squeeze %dma_wait3A_490 : memref<1x1x128xi32, #tpu.memory_space<vmem>> -> memref<1x128xi32, #tpu.memory_space<vmem>>
      %dma_wait3A_492 = arith.constant 0 : i32
      %dma_wait3A_493 = arith.constant 0 : i32
      %dma_wait3A_494 = tpu.memref_slice %arg3[%add3A, %dma_wait3A_478, %dma_wait3A_492, %dma_wait3A_493] : memref<32x80x1x128xi32, #tpu.memory_space<hbm>> -> memref<1x1x1x128xi32, #tpu.memory_space<hbm>>
      %dma_wait3A_495 = tpu.memref_squeeze %dma_wait3A_494 : memref<1x1x1x128xi32, #tpu.memory_space<hbm>> -> memref<1x128xi32, #tpu.memory_space<hbm>>
      tpu.wait_dma2 semaphore(%arg18 : memref<!tpu.dma_semaphore, #tpu.memory_space<semaphore_mem>>) src(%dma_wait3A_495 : memref<1x128xi32, #tpu.memory_space<hbm>>) dst(%dma_wait3A_491 : memref<1x128xi32, #tpu.memory_space<vmem>>)
      %dma_start3A_496 = arith.constant 2 : i32
      %dma_start3A_497 = arith.constant 0 : i32
      %dma_start3A_498 = arith.constant 0 : i32
      %dma_start3A_499 = tpu.memref_slice %arg7[%dma_start3A_496, %dma_start3A_497, %dma_start3A_498] : memref<4x1x128xi32, #tpu.memory_space<vmem>> -> memref<1x1x128xi32, #tpu.memory_space<vmem>>
      %dma_start3A_500 = tpu.memref_squeeze %dma_start3A_499 : memref<1x1x128xi32, #tpu.memory_space<vmem>> -> memref<128xi32, #tpu.memory_space<vmem>>
      %dma_start3A_501 = arith.constant 0 : i32
      %dma_start3A_502 = arith.constant 0 : i32
      %dma_start3A_503 = tpu.memref_slice %arg2[%dma_start3A_501, %dma_start3A_502] : memref<10000x128xf32, #tpu.memory_space<hbm>> -> memref<10000x128xf32, #tpu.memory_space<hbm>>
      tpu.enqueue_indirect_dma source(%dma_start3A_503 : memref<10000x128xf32, #tpu.memory_space<hbm>>) target(%arg9 : memref<128x128xf32, #tpu.memory_space<vmem>>) offsets(%dma_start3A_500 : memref<128xi32, #tpu.memory_space<vmem>>) semaphore(%arg12 : memref<!tpu.dma_semaphore, #tpu.memory_space<semaphore_mem>>)
      %dma_wait3A_504 = arith.constant 0 : i32
      %dma_wait3A_505 = arith.constant 0 : i32
      %dma_wait3A_506 = arith.constant 0 : i32
      %dma_wait3A_507 = tpu.memref_slice %arg7[%dma_wait3A_504, %dma_wait3A_505, %dma_wait3A_506] : memref<4x1x128xi32, #tpu.memory_space<vmem>> -> memref<1x1x128xi32, #tpu.memory_space<vmem>>
      %dma_wait3A_508 = tpu.memref_squeeze %dma_wait3A_507 : memref<1x1x128xi32, #tpu.memory_space<vmem>> -> memref<128xi32, #tpu.memory_space<vmem>>
      %dma_wait3A_509 = arith.constant 0 : i32
      %dma_wait3A_510 = arith.constant 0 : i32
      %dma_wait3A_511 = tpu.memref_slice %arg2[%dma_wait3A_509, %dma_wait3A_510] : memref<10000x128xf32, #tpu.memory_space<hbm>> -> memref<10000x128xf32, #tpu.memory_space<hbm>>
      tpu.wait_indirect_dma semaphore(%arg13 : memref<!tpu.dma_semaphore, #tpu.memory_space<semaphore_mem>>) src(%dma_wait3A_511 : memref<10000x128xf32, #tpu.memory_space<hbm>>) dst(%arg10 : memref<128x128xf32, #tpu.memory_space<vmem>>)
      %dma_wait3A_512 = arith.constant 0 : i32
      %dma_wait3A_513 = arith.constant 1 : i32
      %dma_wait3A_514 = arith.constant 0 : i32
      %dma_wait3A_515 = arith.constant 0 : i32
      %dma_wait3A_516 = tpu.memref_slice %arg8[%dma_wait3A_513, %dma_wait3A_514, %dma_wait3A_515] : memref<4x1x128xi32, #tpu.memory_space<vmem>> -> memref<1x1x128xi32, #tpu.memory_space<vmem>>
      %dma_wait3A_517 = tpu.memref_squeeze %dma_wait3A_516 : memref<1x1x128xi32, #tpu.memory_space<vmem>> -> memref<1x128xi32, #tpu.memory_space<vmem>>
      %dma_wait3A_518 = arith.constant 0 : i32
      %dma_wait3A_519 = arith.constant 0 : i32
      %dma_wait3A_520 = tpu.memref_slice %arg4[%add3A, %dma_wait3A_512, %dma_wait3A_518, %dma_wait3A_519] : memref<32x80x1x128xi32, #tpu.memory_space<hbm>> -> memref<1x1x1x128xi32, #tpu.memory_space<hbm>>
      %dma_wait3A_521 = tpu.memref_squeeze %dma_wait3A_520 : memref<1x1x1x128xi32, #tpu.memory_space<hbm>> -> memref<1x128xi32, #tpu.memory_space<hbm>>
      %dma_wait3A_522 = arith.constant 0 : i32
      %dma_wait3A_523 = arith.constant 0 : i32
      %dma_wait3A_524 = tpu.memref_slice %arg8[%dma_wait3A_513, %dma_wait3A_522, %dma_wait3A_523] : memref<4x1x128xi32, #tpu.memory_space<vmem>> -> memref<1x1x128xi32, #tpu.memory_space<vmem>>
      %dma_wait3A_525 = tpu.memref_squeeze %dma_wait3A_524 : memref<1x1x128xi32, #tpu.memory_space<vmem>> -> memref<1x128xi32, #tpu.memory_space<vmem>>
      %dma_wait3A_526 = arith.constant 0 : i32
      %dma_wait3A_527 = arith.constant 0 : i32
      %dma_wait3A_528 = tpu.memref_slice %arg4[%add3A, %dma_wait3A_512, %dma_wait3A_526, %dma_wait3A_527] : memref<32x80x1x128xi32, #tpu.memory_space<hbm>> -> memref<1x1x1x128xi32, #tpu.memory_space<hbm>>
      %dma_wait3A_529 = tpu.memref_squeeze %dma_wait3A_528 : memref<1x1x1x128xi32, #tpu.memory_space<hbm>> -> memref<1x128xi32, #tpu.memory_space<hbm>>
      tpu.wait_dma2 semaphore(%arg21 : memref<!tpu.dma_semaphore, #tpu.memory_space<semaphore_mem>>) src(%dma_wait3A_529 : memref<1x128xi32, #tpu.memory_space<hbm>>) dst(%dma_wait3A_525 : memref<1x128xi32, #tpu.memory_space<vmem>>)
      %dma_start3A_530 = arith.constant 1 : i32
      %dma_start3A_531 = arith.constant 0 : i32
      %dma_start3A_532 = arith.constant 0 : i32
      %dma_start3A_533 = tpu.memref_slice %arg8[%dma_start3A_530, %dma_start3A_531, %dma_start3A_532] : memref<4x1x128xi32, #tpu.memory_space<vmem>> -> memref<1x1x128xi32, #tpu.memory_space<vmem>>
      %dma_start3A_534 = tpu.memref_squeeze %dma_start3A_533 : memref<1x1x128xi32, #tpu.memory_space<vmem>> -> memref<128xi32, #tpu.memory_space<vmem>>
      %dma_start3A_535 = arith.constant 0 : i32
      %dma_start3A_536 = arith.constant 0 : i32
      %dma_start3A_537 = tpu.memref_slice %arg11[%dma_start3A_535, %dma_start3A_536] : memref<10112x128xf32, #tpu.memory_space<vmem_shared>> -> memref<10112x128xf32, #tpu.memory_space<vmem_shared>>
      tpu.enqueue_indirect_dma source(%arg10 : memref<128x128xf32, #tpu.memory_space<vmem>>) target(%dma_start3A_537 : memref<10112x128xf32, #tpu.memory_space<vmem_shared>>) offsets(%dma_start3A_534 : memref<128xi32, #tpu.memory_space<vmem>>) semaphore(%arg15 : memref<!tpu.dma_semaphore, #tpu.memory_space<semaphore_mem>>) {add = true}
      %dma_wait3A_538 = arith.constant 0 : i32
      %dma_wait3A_539 = arith.constant 0 : i32
      %dma_wait3A_540 = arith.constant 0 : i32
      %dma_wait3A_541 = tpu.memref_slice %arg8[%dma_wait3A_538, %dma_wait3A_539, %dma_wait3A_540] : memref<4x1x128xi32, #tpu.memory_space<vmem>> -> memref<1x1x128xi32, #tpu.memory_space<vmem>>
      %dma_wait3A_542 = tpu.memref_squeeze %dma_wait3A_541 : memref<1x1x128xi32, #tpu.memory_space<vmem>> -> memref<128xi32, #tpu.memory_space<vmem>>
      %dma_wait3A_543 = arith.constant 0 : i32
      %dma_wait3A_544 = arith.constant 0 : i32
      %dma_wait3A_545 = tpu.memref_slice %arg11[%dma_wait3A_543, %dma_wait3A_544] : memref<10112x128xf32, #tpu.memory_space<vmem_shared>> -> memref<10112x128xf32, #tpu.memory_space<vmem_shared>>
      tpu.wait_indirect_dma semaphore(%arg15 : memref<!tpu.dma_semaphore, #tpu.memory_space<semaphore_mem>>) src(%arg10 : memref<128x128xf32, #tpu.memory_space<vmem>>) dst(%dma_wait3A_545 : memref<10112x128xf32, #tpu.memory_space<vmem_shared>>)
      %add3A_546 = arith.constant 1 : i32
      %add3A_547 = arith.addi %add3A_431, %add3A_546 : i32
      %add3A_548 = arith.constant 2 : i32
      %add3A_549 = arith.addi %add3A_547, %add3A_548 : i32
      %dma_start3A_550 = arith.constant 1 : i32
      %dma_start3A_551 = arith.constant 0 : i32
      %dma_start3A_552 = arith.constant 0 : i32
      %dma_start3A_553 = tpu.memref_slice %arg7[%dma_start3A_550, %dma_start3A_551, %dma_start3A_552] : memref<4x1x128xi32, #tpu.memory_space<vmem>> -> memref<1x1x128xi32, #tpu.memory_space<vmem>>
      %dma_start3A_554 = tpu.memref_squeeze %dma_start3A_553 : memref<1x1x128xi32, #tpu.memory_space<vmem>> -> memref<1x128xi32, #tpu.memory_space<vmem>>
      %dma_start3A_555 = arith.constant 0 : i32
      %dma_start3A_556 = arith.constant 0 : i32
      %dma_start3A_557 = tpu.memref_slice %arg3[%add3A, %add3A_549, %dma_start3A_555, %dma_start3A_556] : memref<32x80x1x128xi32, #tpu.memory_space<hbm>> -> memref<1x1x1x128xi32, #tpu.memory_space<hbm>>
      %dma_start3A_558 = tpu.memref_squeeze %dma_start3A_557 : memref<1x1x1x128xi32, #tpu.memory_space<hbm>> -> memref<1x128xi32, #tpu.memory_space<hbm>>
      %dma_start3A_559 = arith.constant 0 : i32
      %dma_start3A_560 = arith.constant 0 : i32
      %dma_start3A_561 = tpu.memref_slice %arg7[%dma_start3A_550, %dma_start3A_559, %dma_start3A_560] : memref<4x1x128xi32, #tpu.memory_space<vmem>> -> memref<1x1x128xi32, #tpu.memory_space<vmem>>
      %dma_start3A_562 = tpu.memref_squeeze %dma_start3A_561 : memref<1x1x128xi32, #tpu.memory_space<vmem>> -> memref<1x128xi32, #tpu.memory_space<vmem>>
      %dma_start3A_563 = arith.constant 0 : i32
      %dma_start3A_564 = arith.constant 0 : i32
      %dma_start3A_565 = tpu.memref_slice %arg3[%add3A, %add3A_549, %dma_start3A_563, %dma_start3A_564] : memref<32x80x1x128xi32, #tpu.memory_space<hbm>> -> memref<1x1x1x128xi32, #tpu.memory_space<hbm>>
      %dma_start3A_566 = tpu.memref_squeeze %dma_start3A_565 : memref<1x1x1x128xi32, #tpu.memory_space<hbm>> -> memref<1x128xi32, #tpu.memory_space<hbm>>
      tpu.enqueue_dma source(%dma_start3A_566 : memref<1x128xi32, #tpu.memory_space<hbm>>) target(%dma_start3A_562 : memref<1x128xi32, #tpu.memory_space<vmem>>) target_semaphore(%arg17 : memref<!tpu.dma_semaphore, #tpu.memory_space<semaphore_mem>>)
      %dma_start3A_567 = arith.constant 1 : i32
      %dma_start3A_568 = arith.constant 0 : i32
      %dma_start3A_569 = arith.constant 0 : i32
      %dma_start3A_570 = tpu.memref_slice %arg8[%dma_start3A_567, %dma_start3A_568, %dma_start3A_569] : memref<4x1x128xi32, #tpu.memory_space<vmem>> -> memref<1x1x128xi32, #tpu.memory_space<vmem>>
      %dma_start3A_571 = tpu.memref_squeeze %dma_start3A_570 : memref<1x1x128xi32, #tpu.memory_space<vmem>> -> memref<1x128xi32, #tpu.memory_space<vmem>>
      %dma_start3A_572 = arith.constant 0 : i32
      %dma_start3A_573 = arith.constant 0 : i32
      %dma_start3A_574 = tpu.memref_slice %arg4[%add3A, %add3A_549, %dma_start3A_572, %dma_start3A_573] : memref<32x80x1x128xi32, #tpu.memory_space<hbm>> -> memref<1x1x1x128xi32, #tpu.memory_space<hbm>>
      %dma_start3A_575 = tpu.memref_squeeze %dma_start3A_574 : memref<1x1x1x128xi32, #tpu.memory_space<hbm>> -> memref<1x128xi32, #tpu.memory_space<hbm>>
      %dma_start3A_576 = arith.constant 0 : i32
      %dma_start3A_577 = arith.constant 0 : i32
      %dma_start3A_578 = tpu.memref_slice %arg8[%dma_start3A_567, %dma_start3A_576, %dma_start3A_577] : memref<4x1x128xi32, #tpu.memory_space<vmem>> -> memref<1x1x128xi32, #tpu.memory_space<vmem>>
      %dma_start3A_579 = tpu.memref_squeeze %dma_start3A_578 : memref<1x1x128xi32, #tpu.memory_space<vmem>> -> memref<1x128xi32, #tpu.memory_space<vmem>>
      %dma_start3A_580 = arith.constant 0 : i32
      %dma_start3A_581 = arith.constant 0 : i32
      %dma_start3A_582 = tpu.memref_slice %arg4[%add3A, %add3A_549, %dma_start3A_580, %dma_start3A_581] : memref<32x80x1x128xi32, #tpu.memory_space<hbm>> -> memref<1x1x1x128xi32, #tpu.memory_space<hbm>>
      %dma_start3A_583 = tpu.memref_squeeze %dma_start3A_582 : memref<1x1x1x128xi32, #tpu.memory_space<hbm>> -> memref<1x128xi32, #tpu.memory_space<hbm>>
      tpu.enqueue_dma source(%dma_start3A_583 : memref<1x128xi32, #tpu.memory_space<hbm>>) target(%dma_start3A_579 : memref<1x128xi32, #tpu.memory_space<vmem>>) target_semaphore(%arg21 : memref<!tpu.dma_semaphore, #tpu.memory_space<semaphore_mem>>)
      %dma_wait3A_584 = arith.constant 0 : i32
      %dma_wait3A_585 = arith.constant 3 : i32
      %dma_wait3A_586 = arith.constant 0 : i32
      %dma_wait3A_587 = arith.constant 0 : i32
      %dma_wait3A_588 = tpu.memref_slice %arg7[%dma_wait3A_585, %dma_wait3A_586, %dma_wait3A_587] : memref<4x1x128xi32, #tpu.memory_space<vmem>> -> memref<1x1x128xi32, #tpu.memory_space<vmem>>
      %dma_wait3A_589 = tpu.memref_squeeze %dma_wait3A_588 : memref<1x1x128xi32, #tpu.memory_space<vmem>> -> memref<1x128xi32, #tpu.memory_space<vmem>>
      %dma_wait3A_590 = arith.constant 0 : i32
      %dma_wait3A_591 = arith.constant 0 : i32
      %dma_wait3A_592 = tpu.memref_slice %arg3[%add3A, %dma_wait3A_584, %dma_wait3A_590, %dma_wait3A_591] : memref<32x80x1x128xi32, #tpu.memory_space<hbm>> -> memref<1x1x1x128xi32, #tpu.memory_space<hbm>>
      %dma_wait3A_593 = tpu.memref_squeeze %dma_wait3A_592 : memref<1x1x1x128xi32, #tpu.memory_space<hbm>> -> memref<1x128xi32, #tpu.memory_space<hbm>>
      %dma_wait3A_594 = arith.constant 0 : i32
      %dma_wait3A_595 = arith.constant 0 : i32
      %dma_wait3A_596 = tpu.memref_slice %arg7[%dma_wait3A_585, %dma_wait3A_594, %dma_wait3A_595] : memref<4x1x128xi32, #tpu.memory_space<vmem>> -> memref<1x1x128xi32, #tpu.memory_space<vmem>>
      %dma_wait3A_597 = tpu.memref_squeeze %dma_wait3A_596 : memref<1x1x128xi32, #tpu.memory_space<vmem>> -> memref<1x128xi32, #tpu.memory_space<vmem>>
      %dma_wait3A_598 = arith.constant 0 : i32
      %dma_wait3A_599 = arith.constant 0 : i32
      %dma_wait3A_600 = tpu.memref_slice %arg3[%add3A, %dma_wait3A_584, %dma_wait3A_598, %dma_wait3A_599] : memref<32x80x1x128xi32, #tpu.memory_space<hbm>> -> memref<1x1x1x128xi32, #tpu.memory_space<hbm>>
      %dma_wait3A_601 = tpu.memref_squeeze %dma_wait3A_600 : memref<1x1x1x128xi32, #tpu.memory_space<hbm>> -> memref<1x128xi32, #tpu.memory_space<hbm>>
      tpu.wait_dma2 semaphore(%arg19 : memref<!tpu.dma_semaphore, #tpu.memory_space<semaphore_mem>>) src(%dma_wait3A_601 : memref<1x128xi32, #tpu.memory_space<hbm>>) dst(%dma_wait3A_597 : memref<1x128xi32, #tpu.memory_space<vmem>>)
      %dma_start3A_602 = arith.constant 3 : i32
      %dma_start3A_603 = arith.constant 0 : i32
      %dma_start3A_604 = arith.constant 0 : i32
      %dma_start3A_605 = tpu.memref_slice %arg7[%dma_start3A_602, %dma_start3A_603, %dma_start3A_604] : memref<4x1x128xi32, #tpu.memory_space<vmem>> -> memref<1x1x128xi32, #tpu.memory_space<vmem>>
      %dma_start3A_606 = tpu.memref_squeeze %dma_start3A_605 : memref<1x1x128xi32, #tpu.memory_space<vmem>> -> memref<128xi32, #tpu.memory_space<vmem>>
      %dma_start3A_607 = arith.constant 0 : i32
      %dma_start3A_608 = arith.constant 0 : i32
      %dma_start3A_609 = tpu.memref_slice %arg2[%dma_start3A_607, %dma_start3A_608] : memref<10000x128xf32, #tpu.memory_space<hbm>> -> memref<10000x128xf32, #tpu.memory_space<hbm>>
      tpu.enqueue_indirect_dma source(%dma_start3A_609 : memref<10000x128xf32, #tpu.memory_space<hbm>>) target(%arg10 : memref<128x128xf32, #tpu.memory_space<vmem>>) offsets(%dma_start3A_606 : memref<128xi32, #tpu.memory_space<vmem>>) semaphore(%arg13 : memref<!tpu.dma_semaphore, #tpu.memory_space<semaphore_mem>>)
      %dma_wait3A_610 = arith.constant 0 : i32
      %dma_wait3A_611 = arith.constant 0 : i32
      %dma_wait3A_612 = arith.constant 0 : i32
      %dma_wait3A_613 = tpu.memref_slice %arg7[%dma_wait3A_610, %dma_wait3A_611, %dma_wait3A_612] : memref<4x1x128xi32, #tpu.memory_space<vmem>> -> memref<1x1x128xi32, #tpu.memory_space<vmem>>
      %dma_wait3A_614 = tpu.memref_squeeze %dma_wait3A_613 : memref<1x1x128xi32, #tpu.memory_space<vmem>> -> memref<128xi32, #tpu.memory_space<vmem>>
      %dma_wait3A_615 = arith.constant 0 : i32
      %dma_wait3A_616 = arith.constant 0 : i32
      %dma_wait3A_617 = tpu.memref_slice %arg2[%dma_wait3A_615, %dma_wait3A_616] : memref<10000x128xf32, #tpu.memory_space<hbm>> -> memref<10000x128xf32, #tpu.memory_space<hbm>>
      tpu.wait_indirect_dma semaphore(%arg12 : memref<!tpu.dma_semaphore, #tpu.memory_space<semaphore_mem>>) src(%dma_wait3A_617 : memref<10000x128xf32, #tpu.memory_space<hbm>>) dst(%arg9 : memref<128x128xf32, #tpu.memory_space<vmem>>)
      %dma_wait3A_618 = arith.constant 0 : i32
      %dma_wait3A_619 = arith.constant 2 : i32
      %dma_wait3A_620 = arith.constant 0 : i32
      %dma_wait3A_621 = arith.constant 0 : i32
      %dma_wait3A_622 = tpu.memref_slice %arg8[%dma_wait3A_619, %dma_wait3A_620, %dma_wait3A_621] : memref<4x1x128xi32, #tpu.memory_space<vmem>> -> memref<1x1x128xi32, #tpu.memory_space<vmem>>
      %dma_wait3A_623 = tpu.memref_squeeze %dma_wait3A_622 : memref<1x1x128xi32, #tpu.memory_space<vmem>> -> memref<1x128xi32, #tpu.memory_space<vmem>>
      %dma_wait3A_624 = arith.constant 0 : i32
      %dma_wait3A_625 = arith.constant 0 : i32
      %dma_wait3A_626 = tpu.memref_slice %arg4[%add3A, %dma_wait3A_618, %dma_wait3A_624, %dma_wait3A_625] : memref<32x80x1x128xi32, #tpu.memory_space<hbm>> -> memref<1x1x1x128xi32, #tpu.memory_space<hbm>>
      %dma_wait3A_627 = tpu.memref_squeeze %dma_wait3A_626 : memref<1x1x1x128xi32, #tpu.memory_space<hbm>> -> memref<1x128xi32, #tpu.memory_space<hbm>>
      %dma_wait3A_628 = arith.constant 0 : i32
      %dma_wait3A_629 = arith.constant 0 : i32
      %dma_wait3A_630 = tpu.memref_slice %arg8[%dma_wait3A_619, %dma_wait3A_628, %dma_wait3A_629] : memref<4x1x128xi32, #tpu.memory_space<vmem>> -> memref<1x1x128xi32, #tpu.memory_space<vmem>>
      %dma_wait3A_631 = tpu.memref_squeeze %dma_wait3A_630 : memref<1x1x128xi32, #tpu.memory_space<vmem>> -> memref<1x128xi32, #tpu.memory_space<vmem>>
      %dma_wait3A_632 = arith.constant 0 : i32
      %dma_wait3A_633 = arith.constant 0 : i32
      %dma_wait3A_634 = tpu.memref_slice %arg4[%add3A, %dma_wait3A_618, %dma_wait3A_632, %dma_wait3A_633] : memref<32x80x1x128xi32, #tpu.memory_space<hbm>> -> memref<1x1x1x128xi32, #tpu.memory_space<hbm>>
      %dma_wait3A_635 = tpu.memref_squeeze %dma_wait3A_634 : memref<1x1x1x128xi32, #tpu.memory_space<hbm>> -> memref<1x128xi32, #tpu.memory_space<hbm>>
      tpu.wait_dma2 semaphore(%arg22 : memref<!tpu.dma_semaphore, #tpu.memory_space<semaphore_mem>>) src(%dma_wait3A_635 : memref<1x128xi32, #tpu.memory_space<hbm>>) dst(%dma_wait3A_631 : memref<1x128xi32, #tpu.memory_space<vmem>>)
      %dma_start3A_636 = arith.constant 2 : i32
      %dma_start3A_637 = arith.constant 0 : i32
      %dma_start3A_638 = arith.constant 0 : i32
      %dma_start3A_639 = tpu.memref_slice %arg8[%dma_start3A_636, %dma_start3A_637, %dma_start3A_638] : memref<4x1x128xi32, #tpu.memory_space<vmem>> -> memref<1x1x128xi32, #tpu.memory_space<vmem>>
      %dma_start3A_640 = tpu.memref_squeeze %dma_start3A_639 : memref<1x1x128xi32, #tpu.memory_space<vmem>> -> memref<128xi32, #tpu.memory_space<vmem>>
      %dma_start3A_641 = arith.constant 0 : i32
      %dma_start3A_642 = arith.constant 0 : i32
      %dma_start3A_643 = tpu.memref_slice %arg11[%dma_start3A_641, %dma_start3A_642] : memref<10112x128xf32, #tpu.memory_space<vmem_shared>> -> memref<10112x128xf32, #tpu.memory_space<vmem_shared>>
      tpu.enqueue_indirect_dma source(%arg9 : memref<128x128xf32, #tpu.memory_space<vmem>>) target(%dma_start3A_643 : memref<10112x128xf32, #tpu.memory_space<vmem_shared>>) offsets(%dma_start3A_640 : memref<128xi32, #tpu.memory_space<vmem>>) semaphore(%arg14 : memref<!tpu.dma_semaphore, #tpu.memory_space<semaphore_mem>>) {add = true}
      %dma_wait3A_644 = arith.constant 0 : i32
      %dma_wait3A_645 = arith.constant 0 : i32
      %dma_wait3A_646 = arith.constant 0 : i32
      %dma_wait3A_647 = tpu.memref_slice %arg8[%dma_wait3A_644, %dma_wait3A_645, %dma_wait3A_646] : memref<4x1x128xi32, #tpu.memory_space<vmem>> -> memref<1x1x128xi32, #tpu.memory_space<vmem>>
      %dma_wait3A_648 = tpu.memref_squeeze %dma_wait3A_647 : memref<1x1x128xi32, #tpu.memory_space<vmem>> -> memref<128xi32, #tpu.memory_space<vmem>>
      %dma_wait3A_649 = arith.constant 0 : i32
      %dma_wait3A_650 = arith.constant 0 : i32
      %dma_wait3A_651 = tpu.memref_slice %arg11[%dma_wait3A_649, %dma_wait3A_650] : memref<10112x128xf32, #tpu.memory_space<vmem_shared>> -> memref<10112x128xf32, #tpu.memory_space<vmem_shared>>
      tpu.wait_indirect_dma semaphore(%arg14 : memref<!tpu.dma_semaphore, #tpu.memory_space<semaphore_mem>>) src(%arg9 : memref<128x128xf32, #tpu.memory_space<vmem>>) dst(%dma_wait3A_651 : memref<10112x128xf32, #tpu.memory_space<vmem_shared>>)
      %add3A_652 = arith.constant 2 : i32
      %add3A_653 = arith.addi %add3A_431, %add3A_652 : i32
      %add3A_654 = arith.constant 2 : i32
      %add3A_655 = arith.addi %add3A_653, %add3A_654 : i32
      %dma_start3A_656 = arith.constant 2 : i32
      %dma_start3A_657 = arith.constant 0 : i32
      %dma_start3A_658 = arith.constant 0 : i32
      %dma_start3A_659 = tpu.memref_slice %arg7[%dma_start3A_656, %dma_start3A_657, %dma_start3A_658] : memref<4x1x128xi32, #tpu.memory_space<vmem>> -> memref<1x1x128xi32, #tpu.memory_space<vmem>>
      %dma_start3A_660 = tpu.memref_squeeze %dma_start3A_659 : memref<1x1x128xi32, #tpu.memory_space<vmem>> -> memref<1x128xi32, #tpu.memory_space<vmem>>
      %dma_start3A_661 = arith.constant 0 : i32
      %dma_start3A_662 = arith.constant 0 : i32
      %dma_start3A_663 = tpu.memref_slice %arg3[%add3A, %add3A_655, %dma_start3A_661, %dma_start3A_662] : memref<32x80x1x128xi32, #tpu.memory_space<hbm>> -> memref<1x1x1x128xi32, #tpu.memory_space<hbm>>
      %dma_start3A_664 = tpu.memref_squeeze %dma_start3A_663 : memref<1x1x1x128xi32, #tpu.memory_space<hbm>> -> memref<1x128xi32, #tpu.memory_space<hbm>>
      %dma_start3A_665 = arith.constant 0 : i32
      %dma_start3A_666 = arith.constant 0 : i32
      %dma_start3A_667 = tpu.memref_slice %arg7[%dma_start3A_656, %dma_start3A_665, %dma_start3A_666] : memref<4x1x128xi32, #tpu.memory_space<vmem>> -> memref<1x1x128xi32, #tpu.memory_space<vmem>>
      %dma_start3A_668 = tpu.memref_squeeze %dma_start3A_667 : memref<1x1x128xi32, #tpu.memory_space<vmem>> -> memref<1x128xi32, #tpu.memory_space<vmem>>
      %dma_start3A_669 = arith.constant 0 : i32
      %dma_start3A_670 = arith.constant 0 : i32
      %dma_start3A_671 = tpu.memref_slice %arg3[%add3A, %add3A_655, %dma_start3A_669, %dma_start3A_670] : memref<32x80x1x128xi32, #tpu.memory_space<hbm>> -> memref<1x1x1x128xi32, #tpu.memory_space<hbm>>
      %dma_start3A_672 = tpu.memref_squeeze %dma_start3A_671 : memref<1x1x1x128xi32, #tpu.memory_space<hbm>> -> memref<1x128xi32, #tpu.memory_space<hbm>>
      tpu.enqueue_dma source(%dma_start3A_672 : memref<1x128xi32, #tpu.memory_space<hbm>>) target(%dma_start3A_668 : memref<1x128xi32, #tpu.memory_space<vmem>>) target_semaphore(%arg18 : memref<!tpu.dma_semaphore, #tpu.memory_space<semaphore_mem>>)
      %dma_start3A_673 = arith.constant 2 : i32
      %dma_start3A_674 = arith.constant 0 : i32
      %dma_start3A_675 = arith.constant 0 : i32
      %dma_start3A_676 = tpu.memref_slice %arg8[%dma_start3A_673, %dma_start3A_674, %dma_start3A_675] : memref<4x1x128xi32, #tpu.memory_space<vmem>> -> memref<1x1x128xi32, #tpu.memory_space<vmem>>
      %dma_start3A_677 = tpu.memref_squeeze %dma_start3A_676 : memref<1x1x128xi32, #tpu.memory_space<vmem>> -> memref<1x128xi32, #tpu.memory_space<vmem>>
      %dma_start3A_678 = arith.constant 0 : i32
      %dma_start3A_679 = arith.constant 0 : i32
      %dma_start3A_680 = tpu.memref_slice %arg4[%add3A, %add3A_655, %dma_start3A_678, %dma_start3A_679] : memref<32x80x1x128xi32, #tpu.memory_space<hbm>> -> memref<1x1x1x128xi32, #tpu.memory_space<hbm>>
      %dma_start3A_681 = tpu.memref_squeeze %dma_start3A_680 : memref<1x1x1x128xi32, #tpu.memory_space<hbm>> -> memref<1x128xi32, #tpu.memory_space<hbm>>
      %dma_start3A_682 = arith.constant 0 : i32
      %dma_start3A_683 = arith.constant 0 : i32
      %dma_start3A_684 = tpu.memref_slice %arg8[%dma_start3A_673, %dma_start3A_682, %dma_start3A_683] : memref<4x1x128xi32, #tpu.memory_space<vmem>> -> memref<1x1x128xi32, #tpu.memory_space<vmem>>
      %dma_start3A_685 = tpu.memref_squeeze %dma_start3A_684 : memref<1x1x128xi32, #tpu.memory_space<vmem>> -> memref<1x128xi32, #tpu.memory_space<vmem>>
      %dma_start3A_686 = arith.constant 0 : i32
      %dma_start3A_687 = arith.constant 0 : i32
      %dma_start3A_688 = tpu.memref_slice %arg4[%add3A, %add3A_655, %dma_start3A_686, %dma_start3A_687] : memref<32x80x1x128xi32, #tpu.memory_space<hbm>> -> memref<1x1x1x128xi32, #tpu.memory_space<hbm>>
      %dma_start3A_689 = tpu.memref_squeeze %dma_start3A_688 : memref<1x1x1x128xi32, #tpu.memory_space<hbm>> -> memref<1x128xi32, #tpu.memory_space<hbm>>
      tpu.enqueue_dma source(%dma_start3A_689 : memref<1x128xi32, #tpu.memory_space<hbm>>) target(%dma_start3A_685 : memref<1x128xi32, #tpu.memory_space<vmem>>) target_semaphore(%arg22 : memref<!tpu.dma_semaphore, #tpu.memory_space<semaphore_mem>>)
      %dma_wait3A_690 = arith.constant 0 : i32
      %dma_wait3A_691 = arith.constant 0 : i32
      %dma_wait3A_692 = arith.constant 0 : i32
      %dma_wait3A_693 = arith.constant 0 : i32
      %dma_wait3A_694 = tpu.memref_slice %arg7[%dma_wait3A_691, %dma_wait3A_692, %dma_wait3A_693] : memref<4x1x128xi32, #tpu.memory_space<vmem>> -> memref<1x1x128xi32, #tpu.memory_space<vmem>>
      %dma_wait3A_695 = tpu.memref_squeeze %dma_wait3A_694 : memref<1x1x128xi32, #tpu.memory_space<vmem>> -> memref<1x128xi32, #tpu.memory_space<vmem>>
      %dma_wait3A_696 = arith.constant 0 : i32
      %dma_wait3A_697 = arith.constant 0 : i32
      %dma_wait3A_698 = tpu.memref_slice %arg3[%add3A, %dma_wait3A_690, %dma_wait3A_696, %dma_wait3A_697] : memref<32x80x1x128xi32, #tpu.memory_space<hbm>> -> memref<1x1x1x128xi32, #tpu.memory_space<hbm>>
      %dma_wait3A_699 = tpu.memref_squeeze %dma_wait3A_698 : memref<1x1x1x128xi32, #tpu.memory_space<hbm>> -> memref<1x128xi32, #tpu.memory_space<hbm>>
      %dma_wait3A_700 = arith.constant 0 : i32
      %dma_wait3A_701 = arith.constant 0 : i32
      %dma_wait3A_702 = tpu.memref_slice %arg7[%dma_wait3A_691, %dma_wait3A_700, %dma_wait3A_701] : memref<4x1x128xi32, #tpu.memory_space<vmem>> -> memref<1x1x128xi32, #tpu.memory_space<vmem>>
      %dma_wait3A_703 = tpu.memref_squeeze %dma_wait3A_702 : memref<1x1x128xi32, #tpu.memory_space<vmem>> -> memref<1x128xi32, #tpu.memory_space<vmem>>
      %dma_wait3A_704 = arith.constant 0 : i32
      %dma_wait3A_705 = arith.constant 0 : i32
      %dma_wait3A_706 = tpu.memref_slice %arg3[%add3A, %dma_wait3A_690, %dma_wait3A_704, %dma_wait3A_705] : memref<32x80x1x128xi32, #tpu.memory_space<hbm>> -> memref<1x1x1x128xi32, #tpu.memory_space<hbm>>
      %dma_wait3A_707 = tpu.memref_squeeze %dma_wait3A_706 : memref<1x1x1x128xi32, #tpu.memory_space<hbm>> -> memref<1x128xi32, #tpu.memory_space<hbm>>
      tpu.wait_dma2 semaphore(%arg16 : memref<!tpu.dma_semaphore, #tpu.memory_space<semaphore_mem>>) src(%dma_wait3A_707 : memref<1x128xi32, #tpu.memory_space<hbm>>) dst(%dma_wait3A_703 : memref<1x128xi32, #tpu.memory_space<vmem>>)
      %dma_start3A_708 = arith.constant 0 : i32
      %dma_start3A_709 = arith.constant 0 : i32
      %dma_start3A_710 = arith.constant 0 : i32
      %dma_start3A_711 = tpu.memref_slice %arg7[%dma_start3A_708, %dma_start3A_709, %dma_start3A_710] : memref<4x1x128xi32, #tpu.memory_space<vmem>> -> memref<1x1x128xi32, #tpu.memory_space<vmem>>
      %dma_start3A_712 = tpu.memref_squeeze %dma_start3A_711 : memref<1x1x128xi32, #tpu.memory_space<vmem>> -> memref<128xi32, #tpu.memory_space<vmem>>
      %dma_start3A_713 = arith.constant 0 : i32
      %dma_start3A_714 = arith.constant 0 : i32
      %dma_start3A_715 = tpu.memref_slice %arg2[%dma_start3A_713, %dma_start3A_714] : memref<10000x128xf32, #tpu.memory_space<hbm>> -> memref<10000x128xf32, #tpu.memory_space<hbm>>
      tpu.enqueue_indirect_dma source(%dma_start3A_715 : memref<10000x128xf32, #tpu.memory_space<hbm>>) target(%arg9 : memref<128x128xf32, #tpu.memory_space<vmem>>) offsets(%dma_start3A_712 : memref<128xi32, #tpu.memory_space<vmem>>) semaphore(%arg12 : memref<!tpu.dma_semaphore, #tpu.memory_space<semaphore_mem>>)
      %dma_wait3A_716 = arith.constant 0 : i32
      %dma_wait3A_717 = arith.constant 0 : i32
      %dma_wait3A_718 = arith.constant 0 : i32
      %dma_wait3A_719 = tpu.memref_slice %arg7[%dma_wait3A_716, %dma_wait3A_717, %dma_wait3A_718] : memref<4x1x128xi32, #tpu.memory_space<vmem>> -> memref<1x1x128xi32, #tpu.memory_space<vmem>>
      %dma_wait3A_720 = tpu.memref_squeeze %dma_wait3A_719 : memref<1x1x128xi32, #tpu.memory_space<vmem>> -> memref<128xi32, #tpu.memory_space<vmem>>
      %dma_wait3A_721 = arith.constant 0 : i32
      %dma_wait3A_722 = arith.constant 0 : i32
      %dma_wait3A_723 = tpu.memref_slice %arg2[%dma_wait3A_721, %dma_wait3A_722] : memref<10000x128xf32, #tpu.memory_space<hbm>> -> memref<10000x128xf32, #tpu.memory_space<hbm>>
      tpu.wait_indirect_dma semaphore(%arg13 : memref<!tpu.dma_semaphore, #tpu.memory_space<semaphore_mem>>) src(%dma_wait3A_723 : memref<10000x128xf32, #tpu.memory_space<hbm>>) dst(%arg10 : memref<128x128xf32, #tpu.memory_space<vmem>>)
      %dma_wait3A_724 = arith.constant 0 : i32
      %dma_wait3A_725 = arith.constant 3 : i32
      %dma_wait3A_726 = arith.constant 0 : i32
      %dma_wait3A_727 = arith.constant 0 : i32
      %dma_wait3A_728 = tpu.memref_slice %arg8[%dma_wait3A_725, %dma_wait3A_726, %dma_wait3A_727] : memref<4x1x128xi32, #tpu.memory_space<vmem>> -> memref<1x1x128xi32, #tpu.memory_space<vmem>>
      %dma_wait3A_729 = tpu.memref_squeeze %dma_wait3A_728 : memref<1x1x128xi32, #tpu.memory_space<vmem>> -> memref<1x128xi32, #tpu.memory_space<vmem>>
      %dma_wait3A_730 = arith.constant 0 : i32
      %dma_wait3A_731 = arith.constant 0 : i32
      %dma_wait3A_732 = tpu.memref_slice %arg4[%add3A, %dma_wait3A_724, %dma_wait3A_730, %dma_wait3A_731] : memref<32x80x1x128xi32, #tpu.memory_space<hbm>> -> memref<1x1x1x128xi32, #tpu.memory_space<hbm>>
      %dma_wait3A_733 = tpu.memref_squeeze %dma_wait3A_732 : memref<1x1x1x128xi32, #tpu.memory_space<hbm>> -> memref<1x128xi32, #tpu.memory_space<hbm>>
      %dma_wait3A_734 = arith.constant 0 : i32
      %dma_wait3A_735 = arith.constant 0 : i32
      %dma_wait3A_736 = tpu.memref_slice %arg8[%dma_wait3A_725, %dma_wait3A_734, %dma_wait3A_735] : memref<4x1x128xi32, #tpu.memory_space<vmem>> -> memref<1x1x128xi32, #tpu.memory_space<vmem>>
      %dma_wait3A_737 = tpu.memref_squeeze %dma_wait3A_736 : memref<1x1x128xi32, #tpu.memory_space<vmem>> -> memref<1x128xi32, #tpu.memory_space<vmem>>
      %dma_wait3A_738 = arith.constant 0 : i32
      %dma_wait3A_739 = arith.constant 0 : i32
      %dma_wait3A_740 = tpu.memref_slice %arg4[%add3A, %dma_wait3A_724, %dma_wait3A_738, %dma_wait3A_739] : memref<32x80x1x128xi32, #tpu.memory_space<hbm>> -> memref<1x1x1x128xi32, #tpu.memory_space<hbm>>
      %dma_wait3A_741 = tpu.memref_squeeze %dma_wait3A_740 : memref<1x1x1x128xi32, #tpu.memory_space<hbm>> -> memref<1x128xi32, #tpu.memory_space<hbm>>
      tpu.wait_dma2 semaphore(%arg23 : memref<!tpu.dma_semaphore, #tpu.memory_space<semaphore_mem>>) src(%dma_wait3A_741 : memref<1x128xi32, #tpu.memory_space<hbm>>) dst(%dma_wait3A_737 : memref<1x128xi32, #tpu.memory_space<vmem>>)
      %dma_start3A_742 = arith.constant 3 : i32
      %dma_start3A_743 = arith.constant 0 : i32
      %dma_start3A_744 = arith.constant 0 : i32
      %dma_start3A_745 = tpu.memref_slice %arg8[%dma_start3A_742, %dma_start3A_743, %dma_start3A_744] : memref<4x1x128xi32, #tpu.memory_space<vmem>> -> memref<1x1x128xi32, #tpu.memory_space<vmem>>
      %dma_start3A_746 = tpu.memref_squeeze %dma_start3A_745 : memref<1x1x128xi32, #tpu.memory_space<vmem>> -> memref<128xi32, #tpu.memory_space<vmem>>
      %dma_start3A_747 = arith.constant 0 : i32
      %dma_start3A_748 = arith.constant 0 : i32
      %dma_start3A_749 = tpu.memref_slice %arg11[%dma_start3A_747, %dma_start3A_748] : memref<10112x128xf32, #tpu.memory_space<vmem_shared>> -> memref<10112x128xf32, #tpu.memory_space<vmem_shared>>
      tpu.enqueue_indirect_dma source(%arg10 : memref<128x128xf32, #tpu.memory_space<vmem>>) target(%dma_start3A_749 : memref<10112x128xf32, #tpu.memory_space<vmem_shared>>) offsets(%dma_start3A_746 : memref<128xi32, #tpu.memory_space<vmem>>) semaphore(%arg15 : memref<!tpu.dma_semaphore, #tpu.memory_space<semaphore_mem>>) {add = true}
      %dma_wait3A_750 = arith.constant 0 : i32
      %dma_wait3A_751 = arith.constant 0 : i32
      %dma_wait3A_752 = arith.constant 0 : i32
      %dma_wait3A_753 = tpu.memref_slice %arg8[%dma_wait3A_750, %dma_wait3A_751, %dma_wait3A_752] : memref<4x1x128xi32, #tpu.memory_space<vmem>> -> memref<1x1x128xi32, #tpu.memory_space<vmem>>
      %dma_wait3A_754 = tpu.memref_squeeze %dma_wait3A_753 : memref<1x1x128xi32, #tpu.memory_space<vmem>> -> memref<128xi32, #tpu.memory_space<vmem>>
      %dma_wait3A_755 = arith.constant 0 : i32
      %dma_wait3A_756 = arith.constant 0 : i32
      %dma_wait3A_757 = tpu.memref_slice %arg11[%dma_wait3A_755, %dma_wait3A_756] : memref<10112x128xf32, #tpu.memory_space<vmem_shared>> -> memref<10112x128xf32, #tpu.memory_space<vmem_shared>>
      tpu.wait_indirect_dma semaphore(%arg15 : memref<!tpu.dma_semaphore, #tpu.memory_space<semaphore_mem>>) src(%arg10 : memref<128x128xf32, #tpu.memory_space<vmem>>) dst(%dma_wait3A_757 : memref<10112x128xf32, #tpu.memory_space<vmem_shared>>)
      %add3A_758 = arith.constant 3 : i32
      %add3A_759 = arith.addi %add3A_431, %add3A_758 : i32
      %add3A_760 = arith.constant 2 : i32
      %add3A_761 = arith.addi %add3A_759, %add3A_760 : i32
      %dma_start3A_762 = arith.constant 3 : i32
      %dma_start3A_763 = arith.constant 0 : i32
      %dma_start3A_764 = arith.constant 0 : i32
      %dma_start3A_765 = tpu.memref_slice %arg7[%dma_start3A_762, %dma_start3A_763, %dma_start3A_764] : memref<4x1x128xi32, #tpu.memory_space<vmem>> -> memref<1x1x128xi32, #tpu.memory_space<vmem>>
      %dma_start3A_766 = tpu.memref_squeeze %dma_start3A_765 : memref<1x1x128xi32, #tpu.memory_space<vmem>> -> memref<1x128xi32, #tpu.memory_space<vmem>>
      %dma_start3A_767 = arith.constant 0 : i32
      %dma_start3A_768 = arith.constant 0 : i32
      %dma_start3A_769 = tpu.memref_slice %arg3[%add3A, %add3A_761, %dma_start3A_767, %dma_start3A_768] : memref<32x80x1x128xi32, #tpu.memory_space<hbm>> -> memref<1x1x1x128xi32, #tpu.memory_space<hbm>>
      %dma_start3A_770 = tpu.memref_squeeze %dma_start3A_769 : memref<1x1x1x128xi32, #tpu.memory_space<hbm>> -> memref<1x128xi32, #tpu.memory_space<hbm>>
      %dma_start3A_771 = arith.constant 0 : i32
      %dma_start3A_772 = arith.constant 0 : i32
      %dma_start3A_773 = tpu.memref_slice %arg7[%dma_start3A_762, %dma_start3A_771, %dma_start3A_772] : memref<4x1x128xi32, #tpu.memory_space<vmem>> -> memref<1x1x128xi32, #tpu.memory_space<vmem>>
      %dma_start3A_774 = tpu.memref_squeeze %dma_start3A_773 : memref<1x1x128xi32, #tpu.memory_space<vmem>> -> memref<1x128xi32, #tpu.memory_space<vmem>>
      %dma_start3A_775 = arith.constant 0 : i32
      %dma_start3A_776 = arith.constant 0 : i32
      %dma_start3A_777 = tpu.memref_slice %arg3[%add3A, %add3A_761, %dma_start3A_775, %dma_start3A_776] : memref<32x80x1x128xi32, #tpu.memory_space<hbm>> -> memref<1x1x1x128xi32, #tpu.memory_space<hbm>>
      %dma_start3A_778 = tpu.memref_squeeze %dma_start3A_777 : memref<1x1x1x128xi32, #tpu.memory_space<hbm>> -> memref<1x128xi32, #tpu.memory_space<hbm>>
      tpu.enqueue_dma source(%dma_start3A_778 : memref<1x128xi32, #tpu.memory_space<hbm>>) target(%dma_start3A_774 : memref<1x128xi32, #tpu.memory_space<vmem>>) target_semaphore(%arg19 : memref<!tpu.dma_semaphore, #tpu.memory_space<semaphore_mem>>)
      %dma_start3A_779 = arith.constant 3 : i32
      %dma_start3A_780 = arith.constant 0 : i32
      %dma_start3A_781 = arith.constant 0 : i32
      %dma_start3A_782 = tpu.memref_slice %arg8[%dma_start3A_779, %dma_start3A_780, %dma_start3A_781] : memref<4x1x128xi32, #tpu.memory_space<vmem>> -> memref<1x1x128xi32, #tpu.memory_space<vmem>>
      %dma_start3A_783 = tpu.memref_squeeze %dma_start3A_782 : memref<1x1x128xi32, #tpu.memory_space<vmem>> -> memref<1x128xi32, #tpu.memory_space<vmem>>
      %dma_start3A_784 = arith.constant 0 : i32
      %dma_start3A_785 = arith.constant 0 : i32
      %dma_start3A_786 = tpu.memref_slice %arg4[%add3A, %add3A_761, %dma_start3A_784, %dma_start3A_785] : memref<32x80x1x128xi32, #tpu.memory_space<hbm>> -> memref<1x1x1x128xi32, #tpu.memory_space<hbm>>
      %dma_start3A_787 = tpu.memref_squeeze %dma_start3A_786 : memref<1x1x1x128xi32, #tpu.memory_space<hbm>> -> memref<1x128xi32, #tpu.memory_space<hbm>>
      %dma_start3A_788 = arith.constant 0 : i32
      %dma_start3A_789 = arith.constant 0 : i32
      %dma_start3A_790 = tpu.memref_slice %arg8[%dma_start3A_779, %dma_start3A_788, %dma_start3A_789] : memref<4x1x128xi32, #tpu.memory_space<vmem>> -> memref<1x1x128xi32, #tpu.memory_space<vmem>>
      %dma_start3A_791 = tpu.memref_squeeze %dma_start3A_790 : memref<1x1x128xi32, #tpu.memory_space<vmem>> -> memref<1x128xi32, #tpu.memory_space<vmem>>
      %dma_start3A_792 = arith.constant 0 : i32
      %dma_start3A_793 = arith.constant 0 : i32
      %dma_start3A_794 = tpu.memref_slice %arg4[%add3A, %add3A_761, %dma_start3A_792, %dma_start3A_793] : memref<32x80x1x128xi32, #tpu.memory_space<hbm>> -> memref<1x1x1x128xi32, #tpu.memory_space<hbm>>
      %dma_start3A_795 = tpu.memref_squeeze %dma_start3A_794 : memref<1x1x1x128xi32, #tpu.memory_space<hbm>> -> memref<1x128xi32, #tpu.memory_space<hbm>>
      tpu.enqueue_dma source(%dma_start3A_795 : memref<1x128xi32, #tpu.memory_space<hbm>>) target(%dma_start3A_791 : memref<1x128xi32, #tpu.memory_space<vmem>>) target_semaphore(%arg23 : memref<!tpu.dma_semaphore, #tpu.memory_space<semaphore_mem>>)
      %dma_wait3A_796 = arith.constant 0 : i32
      %dma_wait3A_797 = arith.constant 1 : i32
      %dma_wait3A_798 = arith.constant 0 : i32
      %dma_wait3A_799 = arith.constant 0 : i32
      %dma_wait3A_800 = tpu.memref_slice %arg7[%dma_wait3A_797, %dma_wait3A_798, %dma_wait3A_799] : memref<4x1x128xi32, #tpu.memory_space<vmem>> -> memref<1x1x128xi32, #tpu.memory_space<vmem>>
      %dma_wait3A_801 = tpu.memref_squeeze %dma_wait3A_800 : memref<1x1x128xi32, #tpu.memory_space<vmem>> -> memref<1x128xi32, #tpu.memory_space<vmem>>
      %dma_wait3A_802 = arith.constant 0 : i32
      %dma_wait3A_803 = arith.constant 0 : i32
      %dma_wait3A_804 = tpu.memref_slice %arg3[%add3A, %dma_wait3A_796, %dma_wait3A_802, %dma_wait3A_803] : memref<32x80x1x128xi32, #tpu.memory_space<hbm>> -> memref<1x1x1x128xi32, #tpu.memory_space<hbm>>
      %dma_wait3A_805 = tpu.memref_squeeze %dma_wait3A_804 : memref<1x1x1x128xi32, #tpu.memory_space<hbm>> -> memref<1x128xi32, #tpu.memory_space<hbm>>
      %dma_wait3A_806 = arith.constant 0 : i32
      %dma_wait3A_807 = arith.constant 0 : i32
      %dma_wait3A_808 = tpu.memref_slice %arg7[%dma_wait3A_797, %dma_wait3A_806, %dma_wait3A_807] : memref<4x1x128xi32, #tpu.memory_space<vmem>> -> memref<1x1x128xi32, #tpu.memory_space<vmem>>
      %dma_wait3A_809 = tpu.memref_squeeze %dma_wait3A_808 : memref<1x1x128xi32, #tpu.memory_space<vmem>> -> memref<1x128xi32, #tpu.memory_space<vmem>>
      %dma_wait3A_810 = arith.constant 0 : i32
      %dma_wait3A_811 = arith.constant 0 : i32
      %dma_wait3A_812 = tpu.memref_slice %arg3[%add3A, %dma_wait3A_796, %dma_wait3A_810, %dma_wait3A_811] : memref<32x80x1x128xi32, #tpu.memory_space<hbm>> -> memref<1x1x1x128xi32, #tpu.memory_space<hbm>>
      %dma_wait3A_813 = tpu.memref_squeeze %dma_wait3A_812 : memref<1x1x1x128xi32, #tpu.memory_space<hbm>> -> memref<1x128xi32, #tpu.memory_space<hbm>>
      tpu.wait_dma2 semaphore(%arg17 : memref<!tpu.dma_semaphore, #tpu.memory_space<semaphore_mem>>) src(%dma_wait3A_813 : memref<1x128xi32, #tpu.memory_space<hbm>>) dst(%dma_wait3A_809 : memref<1x128xi32, #tpu.memory_space<vmem>>)
      %dma_start3A_814 = arith.constant 1 : i32
      %dma_start3A_815 = arith.constant 0 : i32
      %dma_start3A_816 = arith.constant 0 : i32
      %dma_start3A_817 = tpu.memref_slice %arg7[%dma_start3A_814, %dma_start3A_815, %dma_start3A_816] : memref<4x1x128xi32, #tpu.memory_space<vmem>> -> memref<1x1x128xi32, #tpu.memory_space<vmem>>
      %dma_start3A_818 = tpu.memref_squeeze %dma_start3A_817 : memref<1x1x128xi32, #tpu.memory_space<vmem>> -> memref<128xi32, #tpu.memory_space<vmem>>
      %dma_start3A_819 = arith.constant 0 : i32
      %dma_start3A_820 = arith.constant 0 : i32
      %dma_start3A_821 = tpu.memref_slice %arg2[%dma_start3A_819, %dma_start3A_820] : memref<10000x128xf32, #tpu.memory_space<hbm>> -> memref<10000x128xf32, #tpu.memory_space<hbm>>
      tpu.enqueue_indirect_dma source(%dma_start3A_821 : memref<10000x128xf32, #tpu.memory_space<hbm>>) target(%arg10 : memref<128x128xf32, #tpu.memory_space<vmem>>) offsets(%dma_start3A_818 : memref<128xi32, #tpu.memory_space<vmem>>) semaphore(%arg13 : memref<!tpu.dma_semaphore, #tpu.memory_space<semaphore_mem>>)
      %dma_wait3A_822 = arith.constant 0 : i32
      %dma_wait3A_823 = arith.constant 0 : i32
      %dma_wait3A_824 = arith.constant 0 : i32
      %dma_wait3A_825 = tpu.memref_slice %arg7[%dma_wait3A_822, %dma_wait3A_823, %dma_wait3A_824] : memref<4x1x128xi32, #tpu.memory_space<vmem>> -> memref<1x1x128xi32, #tpu.memory_space<vmem>>
      %dma_wait3A_826 = tpu.memref_squeeze %dma_wait3A_825 : memref<1x1x128xi32, #tpu.memory_space<vmem>> -> memref<128xi32, #tpu.memory_space<vmem>>
      %dma_wait3A_827 = arith.constant 0 : i32
      %dma_wait3A_828 = arith.constant 0 : i32
      %dma_wait3A_829 = tpu.memref_slice %arg2[%dma_wait3A_827, %dma_wait3A_828] : memref<10000x128xf32, #tpu.memory_space<hbm>> -> memref<10000x128xf32, #tpu.memory_space<hbm>>
      tpu.wait_indirect_dma semaphore(%arg12 : memref<!tpu.dma_semaphore, #tpu.memory_space<semaphore_mem>>) src(%dma_wait3A_829 : memref<10000x128xf32, #tpu.memory_space<hbm>>) dst(%arg9 : memref<128x128xf32, #tpu.memory_space<vmem>>)
      %dma_wait3A_830 = arith.constant 0 : i32
      %dma_wait3A_831 = arith.constant 0 : i32
      %dma_wait3A_832 = arith.constant 0 : i32
      %dma_wait3A_833 = arith.constant 0 : i32
      %dma_wait3A_834 = tpu.memref_slice %arg8[%dma_wait3A_831, %dma_wait3A_832, %dma_wait3A_833] : memref<4x1x128xi32, #tpu.memory_space<vmem>> -> memref<1x1x128xi32, #tpu.memory_space<vmem>>
      %dma_wait3A_835 = tpu.memref_squeeze %dma_wait3A_834 : memref<1x1x128xi32, #tpu.memory_space<vmem>> -> memref<1x128xi32, #tpu.memory_space<vmem>>
      %dma_wait3A_836 = arith.constant 0 : i32
      %dma_wait3A_837 = arith.constant 0 : i32
      %dma_wait3A_838 = tpu.memref_slice %arg4[%add3A, %dma_wait3A_830, %dma_wait3A_836, %dma_wait3A_837] : memref<32x80x1x128xi32, #tpu.memory_space<hbm>> -> memref<1x1x1x128xi32, #tpu.memory_space<hbm>>
      %dma_wait3A_839 = tpu.memref_squeeze %dma_wait3A_838 : memref<1x1x1x128xi32, #tpu.memory_space<hbm>> -> memref<1x128xi32, #tpu.memory_space<hbm>>
      %dma_wait3A_840 = arith.constant 0 : i32
      %dma_wait3A_841 = arith.constant 0 : i32
      %dma_wait3A_842 = tpu.memref_slice %arg8[%dma_wait3A_831, %dma_wait3A_840, %dma_wait3A_841] : memref<4x1x128xi32, #tpu.memory_space<vmem>> -> memref<1x1x128xi32, #tpu.memory_space<vmem>>
      %dma_wait3A_843 = tpu.memref_squeeze %dma_wait3A_842 : memref<1x1x128xi32, #tpu.memory_space<vmem>> -> memref<1x128xi32, #tpu.memory_space<vmem>>
      %dma_wait3A_844 = arith.constant 0 : i32
      %dma_wait3A_845 = arith.constant 0 : i32
      %dma_wait3A_846 = tpu.memref_slice %arg4[%add3A, %dma_wait3A_830, %dma_wait3A_844, %dma_wait3A_845] : memref<32x80x1x128xi32, #tpu.memory_space<hbm>> -> memref<1x1x1x128xi32, #tpu.memory_space<hbm>>
      %dma_wait3A_847 = tpu.memref_squeeze %dma_wait3A_846 : memref<1x1x1x128xi32, #tpu.memory_space<hbm>> -> memref<1x128xi32, #tpu.memory_space<hbm>>
      tpu.wait_dma2 semaphore(%arg20 : memref<!tpu.dma_semaphore, #tpu.memory_space<semaphore_mem>>) src(%dma_wait3A_847 : memref<1x128xi32, #tpu.memory_space<hbm>>) dst(%dma_wait3A_843 : memref<1x128xi32, #tpu.memory_space<vmem>>)
      %dma_start3A_848 = arith.constant 0 : i32
      %dma_start3A_849 = arith.constant 0 : i32
      %dma_start3A_850 = arith.constant 0 : i32
      %dma_start3A_851 = tpu.memref_slice %arg8[%dma_start3A_848, %dma_start3A_849, %dma_start3A_850] : memref<4x1x128xi32, #tpu.memory_space<vmem>> -> memref<1x1x128xi32, #tpu.memory_space<vmem>>
      %dma_start3A_852 = tpu.memref_squeeze %dma_start3A_851 : memref<1x1x128xi32, #tpu.memory_space<vmem>> -> memref<128xi32, #tpu.memory_space<vmem>>
      %dma_start3A_853 = arith.constant 0 : i32
      %dma_start3A_854 = arith.constant 0 : i32
      %dma_start3A_855 = tpu.memref_slice %arg11[%dma_start3A_853, %dma_start3A_854] : memref<10112x128xf32, #tpu.memory_space<vmem_shared>> -> memref<10112x128xf32, #tpu.memory_space<vmem_shared>>
      tpu.enqueue_indirect_dma source(%arg9 : memref<128x128xf32, #tpu.memory_space<vmem>>) target(%dma_start3A_855 : memref<10112x128xf32, #tpu.memory_space<vmem_shared>>) offsets(%dma_start3A_852 : memref<128xi32, #tpu.memory_space<vmem>>) semaphore(%arg14 : memref<!tpu.dma_semaphore, #tpu.memory_space<semaphore_mem>>) {add = true}
    }
    %scan3A_235 = arith.constant 19 : i32
    %dma_wait3A_236 = arith.constant 0 : i32
    %dma_wait3A_237 = arith.constant 0 : i32
    %dma_wait3A_238 = arith.constant 0 : i32
    %dma_wait3A_239 = tpu.memref_slice %arg8[%dma_wait3A_236, %dma_wait3A_237, %dma_wait3A_238] : memref<4x1x128xi32, #tpu.memory_space<vmem>> -> memref<1x1x128xi32, #tpu.memory_space<vmem>>
    %dma_wait3A_240 = tpu.memref_squeeze %dma_wait3A_239 : memref<1x1x128xi32, #tpu.memory_space<vmem>> -> memref<128xi32, #tpu.memory_space<vmem>>
    %dma_wait3A_241 = arith.constant 0 : i32
    %dma_wait3A_242 = arith.constant 0 : i32
    %dma_wait3A_243 = tpu.memref_slice %arg11[%dma_wait3A_241, %dma_wait3A_242] : memref<10112x128xf32, #tpu.memory_space<vmem_shared>> -> memref<10112x128xf32, #tpu.memory_space<vmem_shared>>
    tpu.wait_indirect_dma semaphore(%arg14 : memref<!tpu.dma_semaphore, #tpu.memory_space<semaphore_mem>>) src(%arg9 : memref<128x128xf32, #tpu.memory_space<vmem>>) dst(%dma_wait3A_243 : memref<10112x128xf32, #tpu.memory_space<vmem_shared>>)
    %dma_wait3A_244 = arith.constant 0 : i32
    %dma_wait3A_245 = arith.constant 2 : i32
    %dma_wait3A_246 = arith.constant 0 : i32
    %dma_wait3A_247 = arith.constant 0 : i32
    %dma_wait3A_248 = tpu.memref_slice %arg7[%dma_wait3A_245, %dma_wait3A_246, %dma_wait3A_247] : memref<4x1x128xi32, #tpu.memory_space<vmem>> -> memref<1x1x128xi32, #tpu.memory_space<vmem>>
    %dma_wait3A_249 = tpu.memref_squeeze %dma_wait3A_248 : memref<1x1x128xi32, #tpu.memory_space<vmem>> -> memref<1x128xi32, #tpu.memory_space<vmem>>
    %dma_wait3A_250 = arith.constant 0 : i32
    %dma_wait3A_251 = arith.constant 0 : i32
    %dma_wait3A_252 = tpu.memref_slice %arg3[%add3A, %dma_wait3A_244, %dma_wait3A_250, %dma_wait3A_251] : memref<32x80x1x128xi32, #tpu.memory_space<hbm>> -> memref<1x1x1x128xi32, #tpu.memory_space<hbm>>
    %dma_wait3A_253 = tpu.memref_squeeze %dma_wait3A_252 : memref<1x1x1x128xi32, #tpu.memory_space<hbm>> -> memref<1x128xi32, #tpu.memory_space<hbm>>
    %dma_wait3A_254 = arith.constant 0 : i32
    %dma_wait3A_255 = arith.constant 0 : i32
    %dma_wait3A_256 = tpu.memref_slice %arg7[%dma_wait3A_245, %dma_wait3A_254, %dma_wait3A_255] : memref<4x1x128xi32, #tpu.memory_space<vmem>> -> memref<1x1x128xi32, #tpu.memory_space<vmem>>
    %dma_wait3A_257 = tpu.memref_squeeze %dma_wait3A_256 : memref<1x1x128xi32, #tpu.memory_space<vmem>> -> memref<1x128xi32, #tpu.memory_space<vmem>>
    %dma_wait3A_258 = arith.constant 0 : i32
    %dma_wait3A_259 = arith.constant 0 : i32
    %dma_wait3A_260 = tpu.memref_slice %arg3[%add3A, %dma_wait3A_244, %dma_wait3A_258, %dma_wait3A_259] : memref<32x80x1x128xi32, #tpu.memory_space<hbm>> -> memref<1x1x1x128xi32, #tpu.memory_space<hbm>>
    %dma_wait3A_261 = tpu.memref_squeeze %dma_wait3A_260 : memref<1x1x1x128xi32, #tpu.memory_space<hbm>> -> memref<1x128xi32, #tpu.memory_space<hbm>>
    tpu.wait_dma2 semaphore(%arg18 : memref<!tpu.dma_semaphore, #tpu.memory_space<semaphore_mem>>) src(%dma_wait3A_261 : memref<1x128xi32, #tpu.memory_space<hbm>>) dst(%dma_wait3A_257 : memref<1x128xi32, #tpu.memory_space<vmem>>)
    %dma_start3A_262 = arith.constant 2 : i32
    %dma_start3A_263 = arith.constant 0 : i32
    %dma_start3A_264 = arith.constant 0 : i32
    %dma_start3A_265 = tpu.memref_slice %arg7[%dma_start3A_262, %dma_start3A_263, %dma_start3A_264] : memref<4x1x128xi32, #tpu.memory_space<vmem>> -> memref<1x1x128xi32, #tpu.memory_space<vmem>>
    %dma_start3A_266 = tpu.memref_squeeze %dma_start3A_265 : memref<1x1x128xi32, #tpu.memory_space<vmem>> -> memref<128xi32, #tpu.memory_space<vmem>>
    %dma_start3A_267 = arith.constant 0 : i32
    %dma_start3A_268 = arith.constant 0 : i32
    %dma_start3A_269 = tpu.memref_slice %arg2[%dma_start3A_267, %dma_start3A_268] : memref<10000x128xf32, #tpu.memory_space<hbm>> -> memref<10000x128xf32, #tpu.memory_space<hbm>>
    tpu.enqueue_indirect_dma source(%dma_start3A_269 : memref<10000x128xf32, #tpu.memory_space<hbm>>) target(%arg9 : memref<128x128xf32, #tpu.memory_space<vmem>>) offsets(%dma_start3A_266 : memref<128xi32, #tpu.memory_space<vmem>>) semaphore(%arg12 : memref<!tpu.dma_semaphore, #tpu.memory_space<semaphore_mem>>)
    %dma_wait3A_270 = arith.constant 0 : i32
    %dma_wait3A_271 = arith.constant 0 : i32
    %dma_wait3A_272 = arith.constant 0 : i32
    %dma_wait3A_273 = tpu.memref_slice %arg7[%dma_wait3A_270, %dma_wait3A_271, %dma_wait3A_272] : memref<4x1x128xi32, #tpu.memory_space<vmem>> -> memref<1x1x128xi32, #tpu.memory_space<vmem>>
    %dma_wait3A_274 = tpu.memref_squeeze %dma_wait3A_273 : memref<1x1x128xi32, #tpu.memory_space<vmem>> -> memref<128xi32, #tpu.memory_space<vmem>>
    %dma_wait3A_275 = arith.constant 0 : i32
    %dma_wait3A_276 = arith.constant 0 : i32
    %dma_wait3A_277 = tpu.memref_slice %arg2[%dma_wait3A_275, %dma_wait3A_276] : memref<10000x128xf32, #tpu.memory_space<hbm>> -> memref<10000x128xf32, #tpu.memory_space<hbm>>
    tpu.wait_indirect_dma semaphore(%arg13 : memref<!tpu.dma_semaphore, #tpu.memory_space<semaphore_mem>>) src(%dma_wait3A_277 : memref<10000x128xf32, #tpu.memory_space<hbm>>) dst(%arg10 : memref<128x128xf32, #tpu.memory_space<vmem>>)
    %dma_wait3A_278 = arith.constant 0 : i32
    %dma_wait3A_279 = arith.constant 1 : i32
    %dma_wait3A_280 = arith.constant 0 : i32
    %dma_wait3A_281 = arith.constant 0 : i32
    %dma_wait3A_282 = tpu.memref_slice %arg8[%dma_wait3A_279, %dma_wait3A_280, %dma_wait3A_281] : memref<4x1x128xi32, #tpu.memory_space<vmem>> -> memref<1x1x128xi32, #tpu.memory_space<vmem>>
    %dma_wait3A_283 = tpu.memref_squeeze %dma_wait3A_282 : memref<1x1x128xi32, #tpu.memory_space<vmem>> -> memref<1x128xi32, #tpu.memory_space<vmem>>
    %dma_wait3A_284 = arith.constant 0 : i32
    %dma_wait3A_285 = arith.constant 0 : i32
    %dma_wait3A_286 = tpu.memref_slice %arg4[%add3A, %dma_wait3A_278, %dma_wait3A_284, %dma_wait3A_285] : memref<32x80x1x128xi32, #tpu.memory_space<hbm>> -> memref<1x1x1x128xi32, #tpu.memory_space<hbm>>
    %dma_wait3A_287 = tpu.memref_squeeze %dma_wait3A_286 : memref<1x1x1x128xi32, #tpu.memory_space<hbm>> -> memref<1x128xi32, #tpu.memory_space<hbm>>
    %dma_wait3A_288 = arith.constant 0 : i32
    %dma_wait3A_289 = arith.constant 0 : i32
    %dma_wait3A_290 = tpu.memref_slice %arg8[%dma_wait3A_279, %dma_wait3A_288, %dma_wait3A_289] : memref<4x1x128xi32, #tpu.memory_space<vmem>> -> memref<1x1x128xi32, #tpu.memory_space<vmem>>
    %dma_wait3A_291 = tpu.memref_squeeze %dma_wait3A_290 : memref<1x1x128xi32, #tpu.memory_space<vmem>> -> memref<1x128xi32, #tpu.memory_space<vmem>>
    %dma_wait3A_292 = arith.constant 0 : i32
    %dma_wait3A_293 = arith.constant 0 : i32
    %dma_wait3A_294 = tpu.memref_slice %arg4[%add3A, %dma_wait3A_278, %dma_wait3A_292, %dma_wait3A_293] : memref<32x80x1x128xi32, #tpu.memory_space<hbm>> -> memref<1x1x1x128xi32, #tpu.memory_space<hbm>>
    %dma_wait3A_295 = tpu.memref_squeeze %dma_wait3A_294 : memref<1x1x1x128xi32, #tpu.memory_space<hbm>> -> memref<1x128xi32, #tpu.memory_space<hbm>>
    tpu.wait_dma2 semaphore(%arg21 : memref<!tpu.dma_semaphore, #tpu.memory_space<semaphore_mem>>) src(%dma_wait3A_295 : memref<1x128xi32, #tpu.memory_space<hbm>>) dst(%dma_wait3A_291 : memref<1x128xi32, #tpu.memory_space<vmem>>)
    %dma_start3A_296 = arith.constant 1 : i32
    %dma_start3A_297 = arith.constant 0 : i32
    %dma_start3A_298 = arith.constant 0 : i32
    %dma_start3A_299 = tpu.memref_slice %arg8[%dma_start3A_296, %dma_start3A_297, %dma_start3A_298] : memref<4x1x128xi32, #tpu.memory_space<vmem>> -> memref<1x1x128xi32, #tpu.memory_space<vmem>>
    %dma_start3A_300 = tpu.memref_squeeze %dma_start3A_299 : memref<1x1x128xi32, #tpu.memory_space<vmem>> -> memref<128xi32, #tpu.memory_space<vmem>>
    %dma_start3A_301 = arith.constant 0 : i32
    %dma_start3A_302 = arith.constant 0 : i32
    %dma_start3A_303 = tpu.memref_slice %arg11[%dma_start3A_301, %dma_start3A_302] : memref<10112x128xf32, #tpu.memory_space<vmem_shared>> -> memref<10112x128xf32, #tpu.memory_space<vmem_shared>>
    tpu.enqueue_indirect_dma source(%arg10 : memref<128x128xf32, #tpu.memory_space<vmem>>) target(%dma_start3A_303 : memref<10112x128xf32, #tpu.memory_space<vmem_shared>>) offsets(%dma_start3A_300 : memref<128xi32, #tpu.memory_space<vmem>>) semaphore(%arg15 : memref<!tpu.dma_semaphore, #tpu.memory_space<semaphore_mem>>) {add = true}
    %dma_wait3A_304 = arith.constant 0 : i32
    %dma_wait3A_305 = arith.constant 0 : i32
    %dma_wait3A_306 = arith.constant 0 : i32
    %dma_wait3A_307 = tpu.memref_slice %arg8[%dma_wait3A_304, %dma_wait3A_305, %dma_wait3A_306] : memref<4x1x128xi32, #tpu.memory_space<vmem>> -> memref<1x1x128xi32, #tpu.memory_space<vmem>>
    %dma_wait3A_308 = tpu.memref_squeeze %dma_wait3A_307 : memref<1x1x128xi32, #tpu.memory_space<vmem>> -> memref<128xi32, #tpu.memory_space<vmem>>
    %dma_wait3A_309 = arith.constant 0 : i32
    %dma_wait3A_310 = arith.constant 0 : i32
    %dma_wait3A_311 = tpu.memref_slice %arg11[%dma_wait3A_309, %dma_wait3A_310] : memref<10112x128xf32, #tpu.memory_space<vmem_shared>> -> memref<10112x128xf32, #tpu.memory_space<vmem_shared>>
    tpu.wait_indirect_dma semaphore(%arg15 : memref<!tpu.dma_semaphore, #tpu.memory_space<semaphore_mem>>) src(%arg10 : memref<128x128xf32, #tpu.memory_space<vmem>>) dst(%dma_wait3A_311 : memref<10112x128xf32, #tpu.memory_space<vmem_shared>>)
    %dma_wait3A_312 = arith.constant 0 : i32
    %dma_wait3A_313 = arith.constant 3 : i32
    %dma_wait3A_314 = arith.constant 0 : i32
    %dma_wait3A_315 = arith.constant 0 : i32
    %dma_wait3A_316 = tpu.memref_slice %arg7[%dma_wait3A_313, %dma_wait3A_314, %dma_wait3A_315] : memref<4x1x128xi32, #tpu.memory_space<vmem>> -> memref<1x1x128xi32, #tpu.memory_space<vmem>>
    %dma_wait3A_317 = tpu.memref_squeeze %dma_wait3A_316 : memref<1x1x128xi32, #tpu.memory_space<vmem>> -> memref<1x128xi32, #tpu.memory_space<vmem>>
    %dma_wait3A_318 = arith.constant 0 : i32
    %dma_wait3A_319 = arith.constant 0 : i32
    %dma_wait3A_320 = tpu.memref_slice %arg3[%add3A, %dma_wait3A_312, %dma_wait3A_318, %dma_wait3A_319] : memref<32x80x1x128xi32, #tpu.memory_space<hbm>> -> memref<1x1x1x128xi32, #tpu.memory_space<hbm>>
    %dma_wait3A_321 = tpu.memref_squeeze %dma_wait3A_320 : memref<1x1x1x128xi32, #tpu.memory_space<hbm>> -> memref<1x128xi32, #tpu.memory_space<hbm>>
    %dma_wait3A_322 = arith.constant 0 : i32
    %dma_wait3A_323 = arith.constant 0 : i32
    %dma_wait3A_324 = tpu.memref_slice %arg7[%dma_wait3A_313, %dma_wait3A_322, %dma_wait3A_323] : memref<4x1x128xi32, #tpu.memory_space<vmem>> -> memref<1x1x128xi32, #tpu.memory_space<vmem>>
    %dma_wait3A_325 = tpu.memref_squeeze %dma_wait3A_324 : memref<1x1x128xi32, #tpu.memory_space<vmem>> -> memref<1x128xi32, #tpu.memory_space<vmem>>
    %dma_wait3A_326 = arith.constant 0 : i32
    %dma_wait3A_327 = arith.constant 0 : i32
    %dma_wait3A_328 = tpu.memref_slice %arg3[%add3A, %dma_wait3A_312, %dma_wait3A_326, %dma_wait3A_327] : memref<32x80x1x128xi32, #tpu.memory_space<hbm>> -> memref<1x1x1x128xi32, #tpu.memory_space<hbm>>
    %dma_wait3A_329 = tpu.memref_squeeze %dma_wait3A_328 : memref<1x1x1x128xi32, #tpu.memory_space<hbm>> -> memref<1x128xi32, #tpu.memory_space<hbm>>
    tpu.wait_dma2 semaphore(%arg19 : memref<!tpu.dma_semaphore, #tpu.memory_space<semaphore_mem>>) src(%dma_wait3A_329 : memref<1x128xi32, #tpu.memory_space<hbm>>) dst(%dma_wait3A_325 : memref<1x128xi32, #tpu.memory_space<vmem>>)
    %dma_start3A_330 = arith.constant 3 : i32
    %dma_start3A_331 = arith.constant 0 : i32
    %dma_start3A_332 = arith.constant 0 : i32
    %dma_start3A_333 = tpu.memref_slice %arg7[%dma_start3A_330, %dma_start3A_331, %dma_start3A_332] : memref<4x1x128xi32, #tpu.memory_space<vmem>> -> memref<1x1x128xi32, #tpu.memory_space<vmem>>
    %dma_start3A_334 = tpu.memref_squeeze %dma_start3A_333 : memref<1x1x128xi32, #tpu.memory_space<vmem>> -> memref<128xi32, #tpu.memory_space<vmem>>
    %dma_start3A_335 = arith.constant 0 : i32
    %dma_start3A_336 = arith.constant 0 : i32
    %dma_start3A_337 = tpu.memref_slice %arg2[%dma_start3A_335, %dma_start3A_336] : memref<10000x128xf32, #tpu.memory_space<hbm>> -> memref<10000x128xf32, #tpu.memory_space<hbm>>
    tpu.enqueue_indirect_dma source(%dma_start3A_337 : memref<10000x128xf32, #tpu.memory_space<hbm>>) target(%arg10 : memref<128x128xf32, #tpu.memory_space<vmem>>) offsets(%dma_start3A_334 : memref<128xi32, #tpu.memory_space<vmem>>) semaphore(%arg13 : memref<!tpu.dma_semaphore, #tpu.memory_space<semaphore_mem>>)
    %dma_wait3A_338 = arith.constant 0 : i32
    %dma_wait3A_339 = arith.constant 0 : i32
    %dma_wait3A_340 = arith.constant 0 : i32
    %dma_wait3A_341 = tpu.memref_slice %arg7[%dma_wait3A_338, %dma_wait3A_339, %dma_wait3A_340] : memref<4x1x128xi32, #tpu.memory_space<vmem>> -> memref<1x1x128xi32, #tpu.memory_space<vmem>>
    %dma_wait3A_342 = tpu.memref_squeeze %dma_wait3A_341 : memref<1x1x128xi32, #tpu.memory_space<vmem>> -> memref<128xi32, #tpu.memory_space<vmem>>
    %dma_wait3A_343 = arith.constant 0 : i32
    %dma_wait3A_344 = arith.constant 0 : i32
    %dma_wait3A_345 = tpu.memref_slice %arg2[%dma_wait3A_343, %dma_wait3A_344] : memref<10000x128xf32, #tpu.memory_space<hbm>> -> memref<10000x128xf32, #tpu.memory_space<hbm>>
    tpu.wait_indirect_dma semaphore(%arg12 : memref<!tpu.dma_semaphore, #tpu.memory_space<semaphore_mem>>) src(%dma_wait3A_345 : memref<10000x128xf32, #tpu.memory_space<hbm>>) dst(%arg9 : memref<128x128xf32, #tpu.memory_space<vmem>>)
    %dma_wait3A_346 = arith.constant 0 : i32
    %dma_wait3A_347 = arith.constant 2 : i32
    %dma_wait3A_348 = arith.constant 0 : i32
    %dma_wait3A_349 = arith.constant 0 : i32
    %dma_wait3A_350 = tpu.memref_slice %arg8[%dma_wait3A_347, %dma_wait3A_348, %dma_wait3A_349] : memref<4x1x128xi32, #tpu.memory_space<vmem>> -> memref<1x1x128xi32, #tpu.memory_space<vmem>>
    %dma_wait3A_351 = tpu.memref_squeeze %dma_wait3A_350 : memref<1x1x128xi32, #tpu.memory_space<vmem>> -> memref<1x128xi32, #tpu.memory_space<vmem>>
    %dma_wait3A_352 = arith.constant 0 : i32
    %dma_wait3A_353 = arith.constant 0 : i32
    %dma_wait3A_354 = tpu.memref_slice %arg4[%add3A, %dma_wait3A_346, %dma_wait3A_352, %dma_wait3A_353] : memref<32x80x1x128xi32, #tpu.memory_space<hbm>> -> memref<1x1x1x128xi32, #tpu.memory_space<hbm>>
    %dma_wait3A_355 = tpu.memref_squeeze %dma_wait3A_354 : memref<1x1x1x128xi32, #tpu.memory_space<hbm>> -> memref<1x128xi32, #tpu.memory_space<hbm>>
    %dma_wait3A_356 = arith.constant 0 : i32
    %dma_wait3A_357 = arith.constant 0 : i32
    %dma_wait3A_358 = tpu.memref_slice %arg8[%dma_wait3A_347, %dma_wait3A_356, %dma_wait3A_357] : memref<4x1x128xi32, #tpu.memory_space<vmem>> -> memref<1x1x128xi32, #tpu.memory_space<vmem>>
    %dma_wait3A_359 = tpu.memref_squeeze %dma_wait3A_358 : memref<1x1x128xi32, #tpu.memory_space<vmem>> -> memref<1x128xi32, #tpu.memory_space<vmem>>
    %dma_wait3A_360 = arith.constant 0 : i32
    %dma_wait3A_361 = arith.constant 0 : i32
    %dma_wait3A_362 = tpu.memref_slice %arg4[%add3A, %dma_wait3A_346, %dma_wait3A_360, %dma_wait3A_361] : memref<32x80x1x128xi32, #tpu.memory_space<hbm>> -> memref<1x1x1x128xi32, #tpu.memory_space<hbm>>
    %dma_wait3A_363 = tpu.memref_squeeze %dma_wait3A_362 : memref<1x1x1x128xi32, #tpu.memory_space<hbm>> -> memref<1x128xi32, #tpu.memory_space<hbm>>
    tpu.wait_dma2 semaphore(%arg22 : memref<!tpu.dma_semaphore, #tpu.memory_space<semaphore_mem>>) src(%dma_wait3A_363 : memref<1x128xi32, #tpu.memory_space<hbm>>) dst(%dma_wait3A_359 : memref<1x128xi32, #tpu.memory_space<vmem>>)
    %dma_start3A_364 = arith.constant 2 : i32
    %dma_start3A_365 = arith.constant 0 : i32
    %dma_start3A_366 = arith.constant 0 : i32
    %dma_start3A_367 = tpu.memref_slice %arg8[%dma_start3A_364, %dma_start3A_365, %dma_start3A_366] : memref<4x1x128xi32, #tpu.memory_space<vmem>> -> memref<1x1x128xi32, #tpu.memory_space<vmem>>
    %dma_start3A_368 = tpu.memref_squeeze %dma_start3A_367 : memref<1x1x128xi32, #tpu.memory_space<vmem>> -> memref<128xi32, #tpu.memory_space<vmem>>
    %dma_start3A_369 = arith.constant 0 : i32
    %dma_start3A_370 = arith.constant 0 : i32
    %dma_start3A_371 = tpu.memref_slice %arg11[%dma_start3A_369, %dma_start3A_370] : memref<10112x128xf32, #tpu.memory_space<vmem_shared>> -> memref<10112x128xf32, #tpu.memory_space<vmem_shared>>
    tpu.enqueue_indirect_dma source(%arg9 : memref<128x128xf32, #tpu.memory_space<vmem>>) target(%dma_start3A_371 : memref<10112x128xf32, #tpu.memory_space<vmem_shared>>) offsets(%dma_start3A_368 : memref<128xi32, #tpu.memory_space<vmem>>) semaphore(%arg14 : memref<!tpu.dma_semaphore, #tpu.memory_space<semaphore_mem>>) {add = true}
    %dma_wait3A_372 = arith.constant 0 : i32
    %dma_wait3A_373 = arith.constant 0 : i32
    %dma_wait3A_374 = arith.constant 0 : i32
    %dma_wait3A_375 = tpu.memref_slice %arg7[%dma_wait3A_372, %dma_wait3A_373, %dma_wait3A_374] : memref<4x1x128xi32, #tpu.memory_space<vmem>> -> memref<1x1x128xi32, #tpu.memory_space<vmem>>
    %dma_wait3A_376 = tpu.memref_squeeze %dma_wait3A_375 : memref<1x1x128xi32, #tpu.memory_space<vmem>> -> memref<128xi32, #tpu.memory_space<vmem>>
    %dma_wait3A_377 = arith.constant 0 : i32
    %dma_wait3A_378 = arith.constant 0 : i32
    %dma_wait3A_379 = tpu.memref_slice %arg2[%dma_wait3A_377, %dma_wait3A_378] : memref<10000x128xf32, #tpu.memory_space<hbm>> -> memref<10000x128xf32, #tpu.memory_space<hbm>>
    tpu.wait_indirect_dma semaphore(%arg13 : memref<!tpu.dma_semaphore, #tpu.memory_space<semaphore_mem>>) src(%dma_wait3A_379 : memref<10000x128xf32, #tpu.memory_space<hbm>>) dst(%arg10 : memref<128x128xf32, #tpu.memory_space<vmem>>)
    %dma_wait3A_380 = arith.constant 0 : i32
    %dma_wait3A_381 = arith.constant 3 : i32
    %dma_wait3A_382 = arith.constant 0 : i32
    %dma_wait3A_383 = arith.constant 0 : i32
    %dma_wait3A_384 = tpu.memref_slice %arg8[%dma_wait3A_381, %dma_wait3A_382, %dma_wait3A_383] : memref<4x1x128xi32, #tpu.memory_space<vmem>> -> memref<1x1x128xi32, #tpu.memory_space<vmem>>
    %dma_wait3A_385 = tpu.memref_squeeze %dma_wait3A_384 : memref<1x1x128xi32, #tpu.memory_space<vmem>> -> memref<1x128xi32, #tpu.memory_space<vmem>>
    %dma_wait3A_386 = arith.constant 0 : i32
    %dma_wait3A_387 = arith.constant 0 : i32
    %dma_wait3A_388 = tpu.memref_slice %arg4[%add3A, %dma_wait3A_380, %dma_wait3A_386, %dma_wait3A_387] : memref<32x80x1x128xi32, #tpu.memory_space<hbm>> -> memref<1x1x1x128xi32, #tpu.memory_space<hbm>>
    %dma_wait3A_389 = tpu.memref_squeeze %dma_wait3A_388 : memref<1x1x1x128xi32, #tpu.memory_space<hbm>> -> memref<1x128xi32, #tpu.memory_space<hbm>>
    %dma_wait3A_390 = arith.constant 0 : i32
    %dma_wait3A_391 = arith.constant 0 : i32
    %dma_wait3A_392 = tpu.memref_slice %arg8[%dma_wait3A_381, %dma_wait3A_390, %dma_wait3A_391] : memref<4x1x128xi32, #tpu.memory_space<vmem>> -> memref<1x1x128xi32, #tpu.memory_space<vmem>>
    %dma_wait3A_393 = tpu.memref_squeeze %dma_wait3A_392 : memref<1x1x128xi32, #tpu.memory_space<vmem>> -> memref<1x128xi32, #tpu.memory_space<vmem>>
    %dma_wait3A_394 = arith.constant 0 : i32
    %dma_wait3A_395 = arith.constant 0 : i32
    %dma_wait3A_396 = tpu.memref_slice %arg4[%add3A, %dma_wait3A_380, %dma_wait3A_394, %dma_wait3A_395] : memref<32x80x1x128xi32, #tpu.memory_space<hbm>> -> memref<1x1x1x128xi32, #tpu.memory_space<hbm>>
    %dma_wait3A_397 = tpu.memref_squeeze %dma_wait3A_396 : memref<1x1x1x128xi32, #tpu.memory_space<hbm>> -> memref<1x128xi32, #tpu.memory_space<hbm>>
    tpu.wait_dma2 semaphore(%arg23 : memref<!tpu.dma_semaphore, #tpu.memory_space<semaphore_mem>>) src(%dma_wait3A_397 : memref<1x128xi32, #tpu.memory_space<hbm>>) dst(%dma_wait3A_393 : memref<1x128xi32, #tpu.memory_space<vmem>>)
    %dma_start3A_398 = arith.constant 3 : i32
    %dma_start3A_399 = arith.constant 0 : i32
    %dma_start3A_400 = arith.constant 0 : i32
    %dma_start3A_401 = tpu.memref_slice %arg8[%dma_start3A_398, %dma_start3A_399, %dma_start3A_400] : memref<4x1x128xi32, #tpu.memory_space<vmem>> -> memref<1x1x128xi32, #tpu.memory_space<vmem>>
    %dma_start3A_402 = tpu.memref_squeeze %dma_start3A_401 : memref<1x1x128xi32, #tpu.memory_space<vmem>> -> memref<128xi32, #tpu.memory_space<vmem>>
    %dma_start3A_403 = arith.constant 0 : i32
    %dma_start3A_404 = arith.constant 0 : i32
    %dma_start3A_405 = tpu.memref_slice %arg11[%dma_start3A_403, %dma_start3A_404] : memref<10112x128xf32, #tpu.memory_space<vmem_shared>> -> memref<10112x128xf32, #tpu.memory_space<vmem_shared>>
    tpu.enqueue_indirect_dma source(%arg10 : memref<128x128xf32, #tpu.memory_space<vmem>>) target(%dma_start3A_405 : memref<10112x128xf32, #tpu.memory_space<vmem_shared>>) offsets(%dma_start3A_402 : memref<128xi32, #tpu.memory_space<vmem>>) semaphore(%arg15 : memref<!tpu.dma_semaphore, #tpu.memory_space<semaphore_mem>>) {add = true}
    %dma_wait3A_406 = arith.constant 0 : i32
    %dma_wait3A_407 = arith.constant 0 : i32
    %dma_wait3A_408 = arith.constant 0 : i32
    %dma_wait3A_409 = tpu.memref_slice %arg8[%dma_wait3A_406, %dma_wait3A_407, %dma_wait3A_408] : memref<4x1x128xi32, #tpu.memory_space<vmem>> -> memref<1x1x128xi32, #tpu.memory_space<vmem>>
    %dma_wait3A_410 = tpu.memref_squeeze %dma_wait3A_409 : memref<1x1x128xi32, #tpu.memory_space<vmem>> -> memref<128xi32, #tpu.memory_space<vmem>>
    %dma_wait3A_411 = arith.constant 0 : i32
    %dma_wait3A_412 = arith.constant 0 : i32
    %dma_wait3A_413 = tpu.memref_slice %arg11[%dma_wait3A_411, %dma_wait3A_412] : memref<10112x128xf32, #tpu.memory_space<vmem_shared>> -> memref<10112x128xf32, #tpu.memory_space<vmem_shared>>
    tpu.wait_indirect_dma semaphore(%arg14 : memref<!tpu.dma_semaphore, #tpu.memory_space<semaphore_mem>>) src(%arg9 : memref<128x128xf32, #tpu.memory_space<vmem>>) dst(%dma_wait3A_413 : memref<10112x128xf32, #tpu.memory_space<vmem_shared>>)
    %dma_wait3A_414 = arith.constant 0 : i32
    %dma_wait3A_415 = arith.constant 0 : i32
    %dma_wait3A_416 = arith.constant 0 : i32
    %dma_wait3A_417 = tpu.memref_slice %arg8[%dma_wait3A_414, %dma_wait3A_415, %dma_wait3A_416] : memref<4x1x128xi32, #tpu.memory_space<vmem>> -> memref<1x1x128xi32, #tpu.memory_space<vmem>>
    %dma_wait3A_418 = tpu.memref_squeeze %dma_wait3A_417 : memref<1x1x128xi32, #tpu.memory_space<vmem>> -> memref<128xi32, #tpu.memory_space<vmem>>
    %dma_wait3A_419 = arith.constant 0 : i32
    %dma_wait3A_420 = arith.constant 0 : i32
    %dma_wait3A_421 = tpu.memref_slice %arg11[%dma_wait3A_419, %dma_wait3A_420] : memref<10112x128xf32, #tpu.memory_space<vmem_shared>> -> memref<10112x128xf32, #tpu.memory_space<vmem_shared>>
    tpu.wait_indirect_dma semaphore(%arg15 : memref<!tpu.dma_semaphore, #tpu.memory_space<semaphore_mem>>) src(%arg10 : memref<128x128xf32, #tpu.memory_space<vmem>>) dst(%dma_wait3A_421 : memref<10112x128xf32, #tpu.memory_space<vmem_shared>>)
    %barrier3A_422 = arith.constant 0 : index
    tpu.barrier barrier_id(%barrier3A_422)
    %mul3A_423 = arith.constant 632 : i32
    %mul3A_424 = arith.muli %arg1, %mul3A_423 : i32
    %mul3A_425 = arith.constant 632 : i32
    %mul3A_426 = arith.muli %arg1, %mul3A_425 : i32
    "tpu.region"() ({
      %run_scoped3A = tpu.sem_alloc : memref<!tpu.dma_semaphore, #tpu.memory_space<semaphore_mem>>
      %dma_start3A_427 = arith.constant 0 : i32
      %dma_start3A_428 = tpu.memref_slice %arg6[%arg0, %mul3A_426, %dma_start3A_427] : memref<2x10112x128xf32, #tpu.memory_space<hbm>> -> memref<1x632x128xf32, #tpu.memory_space<hbm>>
      %dma_start3A_429 = tpu.memref_squeeze %dma_start3A_428 : memref<1x632x128xf32, #tpu.memory_space<hbm>> -> memref<632x128xf32, #tpu.memory_space<hbm>>
      %dma_start3A_430 = arith.constant 0 : i32
      %dma_start3A_431 = tpu.memref_slice %arg11[%mul3A_424, %dma_start3A_430] : memref<10112x128xf32, #tpu.memory_space<vmem_shared>> -> memref<632x128xf32, #tpu.memory_space<vmem_shared>>
      tpu.enqueue_dma source(%dma_start3A_431 : memref<632x128xf32, #tpu.memory_space<vmem_shared>>) target(%dma_start3A_429 : memref<632x128xf32, #tpu.memory_space<hbm>>) target_semaphore(%run_scoped3A : memref<!tpu.dma_semaphore, #tpu.memory_space<semaphore_mem>>)
      %dma_wait3A_432 = arith.constant 0 : i32
      %dma_wait3A_433 = tpu.memref_slice %arg6[%arg0, %mul3A_426, %dma_wait3A_432] : memref<2x10112x128xf32, #tpu.memory_space<hbm>> -> memref<1x632x128xf32, #tpu.memory_space<hbm>>
      %dma_wait3A_434 = tpu.memref_squeeze %dma_wait3A_433 : memref<1x632x128xf32, #tpu.memory_space<hbm>> -> memref<632x128xf32, #tpu.memory_space<hbm>>
      %dma_wait3A_435 = arith.constant 0 : i32
      %dma_wait3A_436 = tpu.memref_slice %arg11[%mul3A_424, %dma_wait3A_435] : memref<10112x128xf32, #tpu.memory_space<vmem_shared>> -> memref<632x128xf32, #tpu.memory_space<vmem_shared>>
      tpu.wait_dma2 semaphore(%run_scoped3A : memref<!tpu.dma_semaphore, #tpu.memory_space<semaphore_mem>>) src(%dma_wait3A_436 : memref<632x128xf32, #tpu.memory_space<vmem_shared>>) dst(%dma_wait3A_434 : memref<632x128xf32, #tpu.memory_space<hbm>>)
      tpu.yield
    }) : () -> ()
    return
  }
}

#map = affine_map<(d0, d1) -> (0, 0)>
#map1 = affine_map<(d0, d1) -> (0, 0, 0, 0)>
#map2 = affine_map<(d0, d1) -> (0, 0, 0)>
module attributes {stable_mosaic.version = 14 : i64} {
  func.func @_sc_agg(%arg0: i32, %arg1: i32, %arg2: memref<10000x128xf32, #tpu.memory_space<hbm>>, %arg3: memref<32x80x1x128xi32, #tpu.memory_space<hbm>>, %arg4: memref<32x80x1x128xi32, #tpu.memory_space<hbm>>, %arg5: memref<632x128xf32, #tpu.memory_space<hbm>>, %arg6: memref<2x10112x128xf32, #tpu.memory_space<hbm>>, %arg7: memref<4x1x128xi32, #tpu.memory_space<vmem>>, %arg8: memref<4x1x128xi32, #tpu.memory_space<vmem>>, %arg9: memref<128x128xf32, #tpu.memory_space<vmem>>, %arg10: memref<128x128xf32, #tpu.memory_space<vmem>>, %arg11: memref<10112x128xf32, #tpu.memory_space<vmem_shared>>, %arg12: memref<!tpu.dma_semaphore, #tpu.memory_space<semaphore_mem>>, %arg13: memref<!tpu.dma_semaphore, #tpu.memory_space<semaphore_mem>>, %arg14: memref<!tpu.dma_semaphore, #tpu.memory_space<semaphore_mem>>, %arg15: memref<!tpu.dma_semaphore, #tpu.memory_space<semaphore_mem>>, %arg16: memref<!tpu.dma_semaphore, #tpu.memory_space<semaphore_mem>>, %arg17: memref<!tpu.dma_semaphore, #tpu.memory_space<semaphore_mem>>, %arg18: memref<!tpu.dma_semaphore, #tpu.memory_space<semaphore_mem>>, %arg19: memref<!tpu.dma_semaphore, #tpu.memory_space<semaphore_mem>>, %arg20: memref<!tpu.dma_semaphore, #tpu.memory_space<semaphore_mem>>, %arg21: memref<!tpu.dma_semaphore, #tpu.memory_space<semaphore_mem>>, %arg22: memref<!tpu.dma_semaphore, #tpu.memory_space<semaphore_mem>>, %arg23: memref<!tpu.dma_semaphore, #tpu.memory_space<semaphore_mem>>) attributes {dimension_semantics = [#tpu.dimension_semantics<core_parallel>, #tpu.dimension_semantics<subcore_parallel>], iteration_bounds = array<i64: 2, 16>, scalar_prefetch = 0 : i64, scratch_operands = 17 : i64, tpu.core_type = #tpu.core_type<sc_vector_subcore>, window_params = [{transform_indices = #map}, {transform_indices = #map1}, {transform_indices = #map1}, {transform_indices = #map}, {transform_indices = #map2}]} {
    %mul3A = arith.constant 2 : i32
    %mul3A_0 = arith.muli %arg1, %mul3A : i32
    %add3A = arith.addi %mul3A_0, %arg0 : i32
    %mul3A_1 = arith.constant 632 : i32
    %mul3A_2 = arith.muli %arg1, %mul3A_1 : i32
    "tpu.region"() ({
      %run_scoped3A = tpu.sem_alloc : memref<!tpu.dma_semaphore, #tpu.memory_space<semaphore_mem>>
      %dma_start3A_427 = arith.constant 0 : i32
      %dma_start3A_428 = tpu.memref_slice %arg11[%mul3A_2, %dma_start3A_427] : memref<10112x128xf32, #tpu.memory_space<vmem_shared>> -> memref<632x128xf32, #tpu.memory_space<vmem_shared>>
      tpu.enqueue_dma source(%arg5 : memref<632x128xf32, #tpu.memory_space<hbm>>) target(%dma_start3A_428 : memref<632x128xf32, #tpu.memory_space<vmem_shared>>) target_semaphore(%run_scoped3A : memref<!tpu.dma_semaphore, #tpu.memory_space<semaphore_mem>>)
      %dma_wait3A_429 = arith.constant 0 : i32
      %dma_wait3A_430 = tpu.memref_slice %arg11[%mul3A_2, %dma_wait3A_429] : memref<10112x128xf32, #tpu.memory_space<vmem_shared>> -> memref<632x128xf32, #tpu.memory_space<vmem_shared>>
      tpu.wait_dma2 semaphore(%run_scoped3A : memref<!tpu.dma_semaphore, #tpu.memory_space<semaphore_mem>>) src(%arg5 : memref<632x128xf32, #tpu.memory_space<hbm>>) dst(%dma_wait3A_430 : memref<632x128xf32, #tpu.memory_space<vmem_shared>>)
      tpu.yield
    }) : () -> ()
    %barrier3A = arith.constant 0 : index
    tpu.barrier barrier_id(%barrier3A)
    %dma_start3A = arith.constant 0 : i32
    %dma_start3A_3 = arith.constant 0 : i32
    %dma_start3A_4 = arith.constant 0 : i32
    %dma_start3A_5 = arith.constant 0 : i32
    %dma_start3A_6 = tpu.memref_slice %arg7[%dma_start3A_3, %dma_start3A_4, %dma_start3A_5] : memref<4x1x128xi32, #tpu.memory_space<vmem>> -> memref<1x1x128xi32, #tpu.memory_space<vmem>>
    %dma_start3A_7 = tpu.memref_squeeze %dma_start3A_6 : memref<1x1x128xi32, #tpu.memory_space<vmem>> -> memref<1x128xi32, #tpu.memory_space<vmem>>
    %dma_start3A_8 = arith.constant 0 : i32
    %dma_start3A_9 = arith.constant 0 : i32
    %dma_start3A_10 = tpu.memref_slice %arg3[%add3A, %dma_start3A, %dma_start3A_8, %dma_start3A_9] : memref<32x80x1x128xi32, #tpu.memory_space<hbm>> -> memref<1x1x1x128xi32, #tpu.memory_space<hbm>>
    %dma_start3A_11 = tpu.memref_squeeze %dma_start3A_10 : memref<1x1x1x128xi32, #tpu.memory_space<hbm>> -> memref<1x128xi32, #tpu.memory_space<hbm>>
    %dma_start3A_12 = arith.constant 0 : i32
    %dma_start3A_13 = arith.constant 0 : i32
    %dma_start3A_14 = tpu.memref_slice %arg7[%dma_start3A_3, %dma_start3A_12, %dma_start3A_13] : memref<4x1x128xi32, #tpu.memory_space<vmem>> -> memref<1x1x128xi32, #tpu.memory_space<vmem>>
    %dma_start3A_15 = tpu.memref_squeeze %dma_start3A_14 : memref<1x1x128xi32, #tpu.memory_space<vmem>> -> memref<1x128xi32, #tpu.memory_space<vmem>>
    %dma_start3A_16 = arith.constant 0 : i32
    %dma_start3A_17 = arith.constant 0 : i32
    %dma_start3A_18 = tpu.memref_slice %arg3[%add3A, %dma_start3A, %dma_start3A_16, %dma_start3A_17] : memref<32x80x1x128xi32, #tpu.memory_space<hbm>> -> memref<1x1x1x128xi32, #tpu.memory_space<hbm>>
    %dma_start3A_19 = tpu.memref_squeeze %dma_start3A_18 : memref<1x1x1x128xi32, #tpu.memory_space<hbm>> -> memref<1x128xi32, #tpu.memory_space<hbm>>
    tpu.enqueue_dma source(%dma_start3A_19 : memref<1x128xi32, #tpu.memory_space<hbm>>) target(%dma_start3A_15 : memref<1x128xi32, #tpu.memory_space<vmem>>) target_semaphore(%arg16 : memref<!tpu.dma_semaphore, #tpu.memory_space<semaphore_mem>>)
    %dma_start3A_20 = arith.constant 0 : i32
    %dma_start3A_21 = arith.constant 0 : i32
    %dma_start3A_22 = arith.constant 0 : i32
    %dma_start3A_23 = arith.constant 0 : i32
    %dma_start3A_24 = tpu.memref_slice %arg8[%dma_start3A_21, %dma_start3A_22, %dma_start3A_23] : memref<4x1x128xi32, #tpu.memory_space<vmem>> -> memref<1x1x128xi32, #tpu.memory_space<vmem>>
    %dma_start3A_25 = tpu.memref_squeeze %dma_start3A_24 : memref<1x1x128xi32, #tpu.memory_space<vmem>> -> memref<1x128xi32, #tpu.memory_space<vmem>>
    %dma_start3A_26 = arith.constant 0 : i32
    %dma_start3A_27 = arith.constant 0 : i32
    %dma_start3A_28 = tpu.memref_slice %arg4[%add3A, %dma_start3A_20, %dma_start3A_26, %dma_start3A_27] : memref<32x80x1x128xi32, #tpu.memory_space<hbm>> -> memref<1x1x1x128xi32, #tpu.memory_space<hbm>>
    %dma_start3A_29 = tpu.memref_squeeze %dma_start3A_28 : memref<1x1x1x128xi32, #tpu.memory_space<hbm>> -> memref<1x128xi32, #tpu.memory_space<hbm>>
    %dma_start3A_30 = arith.constant 0 : i32
    %dma_start3A_31 = arith.constant 0 : i32
    %dma_start3A_32 = tpu.memref_slice %arg8[%dma_start3A_21, %dma_start3A_30, %dma_start3A_31] : memref<4x1x128xi32, #tpu.memory_space<vmem>> -> memref<1x1x128xi32, #tpu.memory_space<vmem>>
    %dma_start3A_33 = tpu.memref_squeeze %dma_start3A_32 : memref<1x1x128xi32, #tpu.memory_space<vmem>> -> memref<1x128xi32, #tpu.memory_space<vmem>>
    %dma_start3A_34 = arith.constant 0 : i32
    %dma_start3A_35 = arith.constant 0 : i32
    %dma_start3A_36 = tpu.memref_slice %arg4[%add3A, %dma_start3A_20, %dma_start3A_34, %dma_start3A_35] : memref<32x80x1x128xi32, #tpu.memory_space<hbm>> -> memref<1x1x1x128xi32, #tpu.memory_space<hbm>>
    %dma_start3A_37 = tpu.memref_squeeze %dma_start3A_36 : memref<1x1x1x128xi32, #tpu.memory_space<hbm>> -> memref<1x128xi32, #tpu.memory_space<hbm>>
    tpu.enqueue_dma source(%dma_start3A_37 : memref<1x128xi32, #tpu.memory_space<hbm>>) target(%dma_start3A_33 : memref<1x128xi32, #tpu.memory_space<vmem>>) target_semaphore(%arg20 : memref<!tpu.dma_semaphore, #tpu.memory_space<semaphore_mem>>)
    %dma_start3A_38 = arith.constant 1 : i32
    %dma_start3A_39 = arith.constant 1 : i32
    %dma_start3A_40 = arith.constant 0 : i32
    %dma_start3A_41 = arith.constant 0 : i32
    %dma_start3A_42 = tpu.memref_slice %arg7[%dma_start3A_39, %dma_start3A_40, %dma_start3A_41] : memref<4x1x128xi32, #tpu.memory_space<vmem>> -> memref<1x1x128xi32, #tpu.memory_space<vmem>>
    %dma_start3A_43 = tpu.memref_squeeze %dma_start3A_42 : memref<1x1x128xi32, #tpu.memory_space<vmem>> -> memref<1x128xi32, #tpu.memory_space<vmem>>
    %dma_start3A_44 = arith.constant 0 : i32
    %dma_start3A_45 = arith.constant 0 : i32
    %dma_start3A_46 = tpu.memref_slice %arg3[%add3A, %dma_start3A_38, %dma_start3A_44, %dma_start3A_45] : memref<32x80x1x128xi32, #tpu.memory_space<hbm>> -> memref<1x1x1x128xi32, #tpu.memory_space<hbm>>
    %dma_start3A_47 = tpu.memref_squeeze %dma_start3A_46 : memref<1x1x1x128xi32, #tpu.memory_space<hbm>> -> memref<1x128xi32, #tpu.memory_space<hbm>>
    %dma_start3A_48 = arith.constant 0 : i32
    %dma_start3A_49 = arith.constant 0 : i32
    %dma_start3A_50 = tpu.memref_slice %arg7[%dma_start3A_39, %dma_start3A_48, %dma_start3A_49] : memref<4x1x128xi32, #tpu.memory_space<vmem>> -> memref<1x1x128xi32, #tpu.memory_space<vmem>>
    %dma_start3A_51 = tpu.memref_squeeze %dma_start3A_50 : memref<1x1x128xi32, #tpu.memory_space<vmem>> -> memref<1x128xi32, #tpu.memory_space<vmem>>
    %dma_start3A_52 = arith.constant 0 : i32
    %dma_start3A_53 = arith.constant 0 : i32
    %dma_start3A_54 = tpu.memref_slice %arg3[%add3A, %dma_start3A_38, %dma_start3A_52, %dma_start3A_53] : memref<32x80x1x128xi32, #tpu.memory_space<hbm>> -> memref<1x1x1x128xi32, #tpu.memory_space<hbm>>
    %dma_start3A_55 = tpu.memref_squeeze %dma_start3A_54 : memref<1x1x1x128xi32, #tpu.memory_space<hbm>> -> memref<1x128xi32, #tpu.memory_space<hbm>>
    tpu.enqueue_dma source(%dma_start3A_55 : memref<1x128xi32, #tpu.memory_space<hbm>>) target(%dma_start3A_51 : memref<1x128xi32, #tpu.memory_space<vmem>>) target_semaphore(%arg17 : memref<!tpu.dma_semaphore, #tpu.memory_space<semaphore_mem>>)
    %dma_start3A_56 = arith.constant 1 : i32
    %dma_start3A_57 = arith.constant 1 : i32
    %dma_start3A_58 = arith.constant 0 : i32
    %dma_start3A_59 = arith.constant 0 : i32
    %dma_start3A_60 = tpu.memref_slice %arg8[%dma_start3A_57, %dma_start3A_58, %dma_start3A_59] : memref<4x1x128xi32, #tpu.memory_space<vmem>> -> memref<1x1x128xi32, #tpu.memory_space<vmem>>
    %dma_start3A_61 = tpu.memref_squeeze %dma_start3A_60 : memref<1x1x128xi32, #tpu.memory_space<vmem>> -> memref<1x128xi32, #tpu.memory_space<vmem>>
    %dma_start3A_62 = arith.constant 0 : i32
    %dma_start3A_63 = arith.constant 0 : i32
    %dma_start3A_64 = tpu.memref_slice %arg4[%add3A, %dma_start3A_56, %dma_start3A_62, %dma_start3A_63] : memref<32x80x1x128xi32, #tpu.memory_space<hbm>> -> memref<1x1x1x128xi32, #tpu.memory_space<hbm>>
    %dma_start3A_65 = tpu.memref_squeeze %dma_start3A_64 : memref<1x1x1x128xi32, #tpu.memory_space<hbm>> -> memref<1x128xi32, #tpu.memory_space<hbm>>
    %dma_start3A_66 = arith.constant 0 : i32
    %dma_start3A_67 = arith.constant 0 : i32
    %dma_start3A_68 = tpu.memref_slice %arg8[%dma_start3A_57, %dma_start3A_66, %dma_start3A_67] : memref<4x1x128xi32, #tpu.memory_space<vmem>> -> memref<1x1x128xi32, #tpu.memory_space<vmem>>
    %dma_start3A_69 = tpu.memref_squeeze %dma_start3A_68 : memref<1x1x128xi32, #tpu.memory_space<vmem>> -> memref<1x128xi32, #tpu.memory_space<vmem>>
    %dma_start3A_70 = arith.constant 0 : i32
    %dma_start3A_71 = arith.constant 0 : i32
    %dma_start3A_72 = tpu.memref_slice %arg4[%add3A, %dma_start3A_56, %dma_start3A_70, %dma_start3A_71] : memref<32x80x1x128xi32, #tpu.memory_space<hbm>> -> memref<1x1x1x128xi32, #tpu.memory_space<hbm>>
    %dma_start3A_73 = tpu.memref_squeeze %dma_start3A_72 : memref<1x1x1x128xi32, #tpu.memory_space<hbm>> -> memref<1x128xi32, #tpu.memory_space<hbm>>
    tpu.enqueue_dma source(%dma_start3A_73 : memref<1x128xi32, #tpu.memory_space<hbm>>) target(%dma_start3A_69 : memref<1x128xi32, #tpu.memory_space<vmem>>) target_semaphore(%arg21 : memref<!tpu.dma_semaphore, #tpu.memory_space<semaphore_mem>>)
    %dma_start3A_74 = arith.constant 2 : i32
    %dma_start3A_75 = arith.constant 2 : i32
    %dma_start3A_76 = arith.constant 0 : i32
    %dma_start3A_77 = arith.constant 0 : i32
    %dma_start3A_78 = tpu.memref_slice %arg7[%dma_start3A_75, %dma_start3A_76, %dma_start3A_77] : memref<4x1x128xi32, #tpu.memory_space<vmem>> -> memref<1x1x128xi32, #tpu.memory_space<vmem>>
    %dma_start3A_79 = tpu.memref_squeeze %dma_start3A_78 : memref<1x1x128xi32, #tpu.memory_space<vmem>> -> memref<1x128xi32, #tpu.memory_space<vmem>>
    %dma_start3A_80 = arith.constant 0 : i32
    %dma_start3A_81 = arith.constant 0 : i32
    %dma_start3A_82 = tpu.memref_slice %arg3[%add3A, %dma_start3A_74, %dma_start3A_80, %dma_start3A_81] : memref<32x80x1x128xi32, #tpu.memory_space<hbm>> -> memref<1x1x1x128xi32, #tpu.memory_space<hbm>>
    %dma_start3A_83 = tpu.memref_squeeze %dma_start3A_82 : memref<1x1x1x128xi32, #tpu.memory_space<hbm>> -> memref<1x128xi32, #tpu.memory_space<hbm>>
    %dma_start3A_84 = arith.constant 0 : i32
    %dma_start3A_85 = arith.constant 0 : i32
    %dma_start3A_86 = tpu.memref_slice %arg7[%dma_start3A_75, %dma_start3A_84, %dma_start3A_85] : memref<4x1x128xi32, #tpu.memory_space<vmem>> -> memref<1x1x128xi32, #tpu.memory_space<vmem>>
    %dma_start3A_87 = tpu.memref_squeeze %dma_start3A_86 : memref<1x1x128xi32, #tpu.memory_space<vmem>> -> memref<1x128xi32, #tpu.memory_space<vmem>>
    %dma_start3A_88 = arith.constant 0 : i32
    %dma_start3A_89 = arith.constant 0 : i32
    %dma_start3A_90 = tpu.memref_slice %arg3[%add3A, %dma_start3A_74, %dma_start3A_88, %dma_start3A_89] : memref<32x80x1x128xi32, #tpu.memory_space<hbm>> -> memref<1x1x1x128xi32, #tpu.memory_space<hbm>>
    %dma_start3A_91 = tpu.memref_squeeze %dma_start3A_90 : memref<1x1x1x128xi32, #tpu.memory_space<hbm>> -> memref<1x128xi32, #tpu.memory_space<hbm>>
    tpu.enqueue_dma source(%dma_start3A_91 : memref<1x128xi32, #tpu.memory_space<hbm>>) target(%dma_start3A_87 : memref<1x128xi32, #tpu.memory_space<vmem>>) target_semaphore(%arg18 : memref<!tpu.dma_semaphore, #tpu.memory_space<semaphore_mem>>)
    %dma_start3A_92 = arith.constant 2 : i32
    %dma_start3A_93 = arith.constant 2 : i32
    %dma_start3A_94 = arith.constant 0 : i32
    %dma_start3A_95 = arith.constant 0 : i32
    %dma_start3A_96 = tpu.memref_slice %arg8[%dma_start3A_93, %dma_start3A_94, %dma_start3A_95] : memref<4x1x128xi32, #tpu.memory_space<vmem>> -> memref<1x1x128xi32, #tpu.memory_space<vmem>>
    %dma_start3A_97 = tpu.memref_squeeze %dma_start3A_96 : memref<1x1x128xi32, #tpu.memory_space<vmem>> -> memref<1x128xi32, #tpu.memory_space<vmem>>
    %dma_start3A_98 = arith.constant 0 : i32
    %dma_start3A_99 = arith.constant 0 : i32
    %dma_start3A_100 = tpu.memref_slice %arg4[%add3A, %dma_start3A_92, %dma_start3A_98, %dma_start3A_99] : memref<32x80x1x128xi32, #tpu.memory_space<hbm>> -> memref<1x1x1x128xi32, #tpu.memory_space<hbm>>
    %dma_start3A_101 = tpu.memref_squeeze %dma_start3A_100 : memref<1x1x1x128xi32, #tpu.memory_space<hbm>> -> memref<1x128xi32, #tpu.memory_space<hbm>>
    %dma_start3A_102 = arith.constant 0 : i32
    %dma_start3A_103 = arith.constant 0 : i32
    %dma_start3A_104 = tpu.memref_slice %arg8[%dma_start3A_93, %dma_start3A_102, %dma_start3A_103] : memref<4x1x128xi32, #tpu.memory_space<vmem>> -> memref<1x1x128xi32, #tpu.memory_space<vmem>>
    %dma_start3A_105 = tpu.memref_squeeze %dma_start3A_104 : memref<1x1x128xi32, #tpu.memory_space<vmem>> -> memref<1x128xi32, #tpu.memory_space<vmem>>
    %dma_start3A_106 = arith.constant 0 : i32
    %dma_start3A_107 = arith.constant 0 : i32
    %dma_start3A_108 = tpu.memref_slice %arg4[%add3A, %dma_start3A_92, %dma_start3A_106, %dma_start3A_107] : memref<32x80x1x128xi32, #tpu.memory_space<hbm>> -> memref<1x1x1x128xi32, #tpu.memory_space<hbm>>
    %dma_start3A_109 = tpu.memref_squeeze %dma_start3A_108 : memref<1x1x1x128xi32, #tpu.memory_space<hbm>> -> memref<1x128xi32, #tpu.memory_space<hbm>>
    tpu.enqueue_dma source(%dma_start3A_109 : memref<1x128xi32, #tpu.memory_space<hbm>>) target(%dma_start3A_105 : memref<1x128xi32, #tpu.memory_space<vmem>>) target_semaphore(%arg22 : memref<!tpu.dma_semaphore, #tpu.memory_space<semaphore_mem>>)
    %dma_start3A_110 = arith.constant 3 : i32
    %dma_start3A_111 = arith.constant 3 : i32
    %dma_start3A_112 = arith.constant 0 : i32
    %dma_start3A_113 = arith.constant 0 : i32
    %dma_start3A_114 = tpu.memref_slice %arg7[%dma_start3A_111, %dma_start3A_112, %dma_start3A_113] : memref<4x1x128xi32, #tpu.memory_space<vmem>> -> memref<1x1x128xi32, #tpu.memory_space<vmem>>
    %dma_start3A_115 = tpu.memref_squeeze %dma_start3A_114 : memref<1x1x128xi32, #tpu.memory_space<vmem>> -> memref<1x128xi32, #tpu.memory_space<vmem>>
    %dma_start3A_116 = arith.constant 0 : i32
    %dma_start3A_117 = arith.constant 0 : i32
    %dma_start3A_118 = tpu.memref_slice %arg3[%add3A, %dma_start3A_110, %dma_start3A_116, %dma_start3A_117] : memref<32x80x1x128xi32, #tpu.memory_space<hbm>> -> memref<1x1x1x128xi32, #tpu.memory_space<hbm>>
    %dma_start3A_119 = tpu.memref_squeeze %dma_start3A_118 : memref<1x1x1x128xi32, #tpu.memory_space<hbm>> -> memref<1x128xi32, #tpu.memory_space<hbm>>
    %dma_start3A_120 = arith.constant 0 : i32
    %dma_start3A_121 = arith.constant 0 : i32
    %dma_start3A_122 = tpu.memref_slice %arg7[%dma_start3A_111, %dma_start3A_120, %dma_start3A_121] : memref<4x1x128xi32, #tpu.memory_space<vmem>> -> memref<1x1x128xi32, #tpu.memory_space<vmem>>
    %dma_start3A_123 = tpu.memref_squeeze %dma_start3A_122 : memref<1x1x128xi32, #tpu.memory_space<vmem>> -> memref<1x128xi32, #tpu.memory_space<vmem>>
    %dma_start3A_124 = arith.constant 0 : i32
    %dma_start3A_125 = arith.constant 0 : i32
    %dma_start3A_126 = tpu.memref_slice %arg3[%add3A, %dma_start3A_110, %dma_start3A_124, %dma_start3A_125] : memref<32x80x1x128xi32, #tpu.memory_space<hbm>> -> memref<1x1x1x128xi32, #tpu.memory_space<hbm>>
    %dma_start3A_127 = tpu.memref_squeeze %dma_start3A_126 : memref<1x1x1x128xi32, #tpu.memory_space<hbm>> -> memref<1x128xi32, #tpu.memory_space<hbm>>
    tpu.enqueue_dma source(%dma_start3A_127 : memref<1x128xi32, #tpu.memory_space<hbm>>) target(%dma_start3A_123 : memref<1x128xi32, #tpu.memory_space<vmem>>) target_semaphore(%arg19 : memref<!tpu.dma_semaphore, #tpu.memory_space<semaphore_mem>>)
    %dma_start3A_128 = arith.constant 3 : i32
    %dma_start3A_129 = arith.constant 3 : i32
    %dma_start3A_130 = arith.constant 0 : i32
    %dma_start3A_131 = arith.constant 0 : i32
    %dma_start3A_132 = tpu.memref_slice %arg8[%dma_start3A_129, %dma_start3A_130, %dma_start3A_131] : memref<4x1x128xi32, #tpu.memory_space<vmem>> -> memref<1x1x128xi32, #tpu.memory_space<vmem>>
    %dma_start3A_133 = tpu.memref_squeeze %dma_start3A_132 : memref<1x1x128xi32, #tpu.memory_space<vmem>> -> memref<1x128xi32, #tpu.memory_space<vmem>>
    %dma_start3A_134 = arith.constant 0 : i32
    %dma_start3A_135 = arith.constant 0 : i32
    %dma_start3A_136 = tpu.memref_slice %arg4[%add3A, %dma_start3A_128, %dma_start3A_134, %dma_start3A_135] : memref<32x80x1x128xi32, #tpu.memory_space<hbm>> -> memref<1x1x1x128xi32, #tpu.memory_space<hbm>>
    %dma_start3A_137 = tpu.memref_squeeze %dma_start3A_136 : memref<1x1x1x128xi32, #tpu.memory_space<hbm>> -> memref<1x128xi32, #tpu.memory_space<hbm>>
    %dma_start3A_138 = arith.constant 0 : i32
    %dma_start3A_139 = arith.constant 0 : i32
    %dma_start3A_140 = tpu.memref_slice %arg8[%dma_start3A_129, %dma_start3A_138, %dma_start3A_139] : memref<4x1x128xi32, #tpu.memory_space<vmem>> -> memref<1x1x128xi32, #tpu.memory_space<vmem>>
    %dma_start3A_141 = tpu.memref_squeeze %dma_start3A_140 : memref<1x1x128xi32, #tpu.memory_space<vmem>> -> memref<1x128xi32, #tpu.memory_space<vmem>>
    %dma_start3A_142 = arith.constant 0 : i32
    %dma_start3A_143 = arith.constant 0 : i32
    %dma_start3A_144 = tpu.memref_slice %arg4[%add3A, %dma_start3A_128, %dma_start3A_142, %dma_start3A_143] : memref<32x80x1x128xi32, #tpu.memory_space<hbm>> -> memref<1x1x1x128xi32, #tpu.memory_space<hbm>>
    %dma_start3A_145 = tpu.memref_squeeze %dma_start3A_144 : memref<1x1x1x128xi32, #tpu.memory_space<hbm>> -> memref<1x128xi32, #tpu.memory_space<hbm>>
    tpu.enqueue_dma source(%dma_start3A_145 : memref<1x128xi32, #tpu.memory_space<hbm>>) target(%dma_start3A_141 : memref<1x128xi32, #tpu.memory_space<vmem>>) target_semaphore(%arg23 : memref<!tpu.dma_semaphore, #tpu.memory_space<semaphore_mem>>)
    %dma_wait3A = arith.constant 0 : i32
    %dma_wait3A_146 = arith.constant 0 : i32
    %dma_wait3A_147 = arith.constant 0 : i32
    %dma_wait3A_148 = arith.constant 0 : i32
    %dma_wait3A_149 = tpu.memref_slice %arg7[%dma_wait3A_146, %dma_wait3A_147, %dma_wait3A_148] : memref<4x1x128xi32, #tpu.memory_space<vmem>> -> memref<1x1x128xi32, #tpu.memory_space<vmem>>
    %dma_wait3A_150 = tpu.memref_squeeze %dma_wait3A_149 : memref<1x1x128xi32, #tpu.memory_space<vmem>> -> memref<1x128xi32, #tpu.memory_space<vmem>>
    %dma_wait3A_151 = arith.constant 0 : i32
    %dma_wait3A_152 = arith.constant 0 : i32
    %dma_wait3A_153 = tpu.memref_slice %arg3[%add3A, %dma_wait3A, %dma_wait3A_151, %dma_wait3A_152] : memref<32x80x1x128xi32, #tpu.memory_space<hbm>> -> memref<1x1x1x128xi32, #tpu.memory_space<hbm>>
    %dma_wait3A_154 = tpu.memref_squeeze %dma_wait3A_153 : memref<1x1x1x128xi32, #tpu.memory_space<hbm>> -> memref<1x128xi32, #tpu.memory_space<hbm>>
    %dma_wait3A_155 = arith.constant 0 : i32
    %dma_wait3A_156 = arith.constant 0 : i32
    %dma_wait3A_157 = tpu.memref_slice %arg7[%dma_wait3A_146, %dma_wait3A_155, %dma_wait3A_156] : memref<4x1x128xi32, #tpu.memory_space<vmem>> -> memref<1x1x128xi32, #tpu.memory_space<vmem>>
    %dma_wait3A_158 = tpu.memref_squeeze %dma_wait3A_157 : memref<1x1x128xi32, #tpu.memory_space<vmem>> -> memref<1x128xi32, #tpu.memory_space<vmem>>
    %dma_wait3A_159 = arith.constant 0 : i32
    %dma_wait3A_160 = arith.constant 0 : i32
    %dma_wait3A_161 = tpu.memref_slice %arg3[%add3A, %dma_wait3A, %dma_wait3A_159, %dma_wait3A_160] : memref<32x80x1x128xi32, #tpu.memory_space<hbm>> -> memref<1x1x1x128xi32, #tpu.memory_space<hbm>>
    %dma_wait3A_162 = tpu.memref_squeeze %dma_wait3A_161 : memref<1x1x1x128xi32, #tpu.memory_space<hbm>> -> memref<1x128xi32, #tpu.memory_space<hbm>>
    tpu.wait_dma2 semaphore(%arg16 : memref<!tpu.dma_semaphore, #tpu.memory_space<semaphore_mem>>) src(%dma_wait3A_162 : memref<1x128xi32, #tpu.memory_space<hbm>>) dst(%dma_wait3A_158 : memref<1x128xi32, #tpu.memory_space<vmem>>)
    %dma_start3A_163 = arith.constant 0 : i32
    %dma_start3A_164 = arith.constant 0 : i32
    %dma_start3A_165 = arith.constant 0 : i32
    %dma_start3A_166 = tpu.memref_slice %arg7[%dma_start3A_163, %dma_start3A_164, %dma_start3A_165] : memref<4x1x128xi32, #tpu.memory_space<vmem>> -> memref<1x1x128xi32, #tpu.memory_space<vmem>>
    %dma_start3A_167 = tpu.memref_squeeze %dma_start3A_166 : memref<1x1x128xi32, #tpu.memory_space<vmem>> -> memref<128xi32, #tpu.memory_space<vmem>>
    %dma_start3A_168 = arith.constant 0 : i32
    %dma_start3A_169 = arith.constant 0 : i32
    %dma_start3A_170 = tpu.memref_slice %arg2[%dma_start3A_168, %dma_start3A_169] : memref<10000x128xf32, #tpu.memory_space<hbm>> -> memref<10000x128xf32, #tpu.memory_space<hbm>>
    tpu.enqueue_indirect_dma source(%dma_start3A_170 : memref<10000x128xf32, #tpu.memory_space<hbm>>) target(%arg9 : memref<128x128xf32, #tpu.memory_space<vmem>>) offsets(%dma_start3A_167 : memref<128xi32, #tpu.memory_space<vmem>>) semaphore(%arg12 : memref<!tpu.dma_semaphore, #tpu.memory_space<semaphore_mem>>)
    %dma_wait3A_171 = arith.constant 0 : i32
    %dma_wait3A_172 = arith.constant 1 : i32
    %dma_wait3A_173 = arith.constant 0 : i32
    %dma_wait3A_174 = arith.constant 0 : i32
    %dma_wait3A_175 = tpu.memref_slice %arg7[%dma_wait3A_172, %dma_wait3A_173, %dma_wait3A_174] : memref<4x1x128xi32, #tpu.memory_space<vmem>> -> memref<1x1x128xi32, #tpu.memory_space<vmem>>
    %dma_wait3A_176 = tpu.memref_squeeze %dma_wait3A_175 : memref<1x1x128xi32, #tpu.memory_space<vmem>> -> memref<1x128xi32, #tpu.memory_space<vmem>>
    %dma_wait3A_177 = arith.constant 0 : i32
    %dma_wait3A_178 = arith.constant 0 : i32
    %dma_wait3A_179 = tpu.memref_slice %arg3[%add3A, %dma_wait3A_171, %dma_wait3A_177, %dma_wait3A_178] : memref<32x80x1x128xi32, #tpu.memory_space<hbm>> -> memref<1x1x1x128xi32, #tpu.memory_space<hbm>>
    %dma_wait3A_180 = tpu.memref_squeeze %dma_wait3A_179 : memref<1x1x1x128xi32, #tpu.memory_space<hbm>> -> memref<1x128xi32, #tpu.memory_space<hbm>>
    %dma_wait3A_181 = arith.constant 0 : i32
    %dma_wait3A_182 = arith.constant 0 : i32
    %dma_wait3A_183 = tpu.memref_slice %arg7[%dma_wait3A_172, %dma_wait3A_181, %dma_wait3A_182] : memref<4x1x128xi32, #tpu.memory_space<vmem>> -> memref<1x1x128xi32, #tpu.memory_space<vmem>>
    %dma_wait3A_184 = tpu.memref_squeeze %dma_wait3A_183 : memref<1x1x128xi32, #tpu.memory_space<vmem>> -> memref<1x128xi32, #tpu.memory_space<vmem>>
    %dma_wait3A_185 = arith.constant 0 : i32
    %dma_wait3A_186 = arith.constant 0 : i32
    %dma_wait3A_187 = tpu.memref_slice %arg3[%add3A, %dma_wait3A_171, %dma_wait3A_185, %dma_wait3A_186] : memref<32x80x1x128xi32, #tpu.memory_space<hbm>> -> memref<1x1x1x128xi32, #tpu.memory_space<hbm>>
    %dma_wait3A_188 = tpu.memref_squeeze %dma_wait3A_187 : memref<1x1x1x128xi32, #tpu.memory_space<hbm>> -> memref<1x128xi32, #tpu.memory_space<hbm>>
    tpu.wait_dma2 semaphore(%arg17 : memref<!tpu.dma_semaphore, #tpu.memory_space<semaphore_mem>>) src(%dma_wait3A_188 : memref<1x128xi32, #tpu.memory_space<hbm>>) dst(%dma_wait3A_184 : memref<1x128xi32, #tpu.memory_space<vmem>>)
    %dma_start3A_189 = arith.constant 1 : i32
    %dma_start3A_190 = arith.constant 0 : i32
    %dma_start3A_191 = arith.constant 0 : i32
    %dma_start3A_192 = tpu.memref_slice %arg7[%dma_start3A_189, %dma_start3A_190, %dma_start3A_191] : memref<4x1x128xi32, #tpu.memory_space<vmem>> -> memref<1x1x128xi32, #tpu.memory_space<vmem>>
    %dma_start3A_193 = tpu.memref_squeeze %dma_start3A_192 : memref<1x1x128xi32, #tpu.memory_space<vmem>> -> memref<128xi32, #tpu.memory_space<vmem>>
    %dma_start3A_194 = arith.constant 0 : i32
    %dma_start3A_195 = arith.constant 0 : i32
    %dma_start3A_196 = tpu.memref_slice %arg2[%dma_start3A_194, %dma_start3A_195] : memref<10000x128xf32, #tpu.memory_space<hbm>> -> memref<10000x128xf32, #tpu.memory_space<hbm>>
    tpu.enqueue_indirect_dma source(%dma_start3A_196 : memref<10000x128xf32, #tpu.memory_space<hbm>>) target(%arg10 : memref<128x128xf32, #tpu.memory_space<vmem>>) offsets(%dma_start3A_193 : memref<128xi32, #tpu.memory_space<vmem>>) semaphore(%arg13 : memref<!tpu.dma_semaphore, #tpu.memory_space<semaphore_mem>>)
    %dma_wait3A_197 = arith.constant 0 : i32
    %dma_wait3A_198 = arith.constant 0 : i32
    %dma_wait3A_199 = arith.constant 0 : i32
    %dma_wait3A_200 = tpu.memref_slice %arg7[%dma_wait3A_197, %dma_wait3A_198, %dma_wait3A_199] : memref<4x1x128xi32, #tpu.memory_space<vmem>> -> memref<1x1x128xi32, #tpu.memory_space<vmem>>
    %dma_wait3A_201 = tpu.memref_squeeze %dma_wait3A_200 : memref<1x1x128xi32, #tpu.memory_space<vmem>> -> memref<128xi32, #tpu.memory_space<vmem>>
    %dma_wait3A_202 = arith.constant 0 : i32
    %dma_wait3A_203 = arith.constant 0 : i32
    %dma_wait3A_204 = tpu.memref_slice %arg2[%dma_wait3A_202, %dma_wait3A_203] : memref<10000x128xf32, #tpu.memory_space<hbm>> -> memref<10000x128xf32, #tpu.memory_space<hbm>>
    tpu.wait_indirect_dma semaphore(%arg12 : memref<!tpu.dma_semaphore, #tpu.memory_space<semaphore_mem>>) src(%dma_wait3A_204 : memref<10000x128xf32, #tpu.memory_space<hbm>>) dst(%arg9 : memref<128x128xf32, #tpu.memory_space<vmem>>)
    %dma_wait3A_205 = arith.constant 0 : i32
    %dma_wait3A_206 = arith.constant 0 : i32
    %dma_wait3A_207 = arith.constant 0 : i32
    %dma_wait3A_208 = arith.constant 0 : i32
    %dma_wait3A_209 = tpu.memref_slice %arg8[%dma_wait3A_206, %dma_wait3A_207, %dma_wait3A_208] : memref<4x1x128xi32, #tpu.memory_space<vmem>> -> memref<1x1x128xi32, #tpu.memory_space<vmem>>
    %dma_wait3A_210 = tpu.memref_squeeze %dma_wait3A_209 : memref<1x1x128xi32, #tpu.memory_space<vmem>> -> memref<1x128xi32, #tpu.memory_space<vmem>>
    %dma_wait3A_211 = arith.constant 0 : i32
    %dma_wait3A_212 = arith.constant 0 : i32
    %dma_wait3A_213 = tpu.memref_slice %arg4[%add3A, %dma_wait3A_205, %dma_wait3A_211, %dma_wait3A_212] : memref<32x80x1x128xi32, #tpu.memory_space<hbm>> -> memref<1x1x1x128xi32, #tpu.memory_space<hbm>>
    %dma_wait3A_214 = tpu.memref_squeeze %dma_wait3A_213 : memref<1x1x1x128xi32, #tpu.memory_space<hbm>> -> memref<1x128xi32, #tpu.memory_space<hbm>>
    %dma_wait3A_215 = arith.constant 0 : i32
    %dma_wait3A_216 = arith.constant 0 : i32
    %dma_wait3A_217 = tpu.memref_slice %arg8[%dma_wait3A_206, %dma_wait3A_215, %dma_wait3A_216] : memref<4x1x128xi32, #tpu.memory_space<vmem>> -> memref<1x1x128xi32, #tpu.memory_space<vmem>>
    %dma_wait3A_218 = tpu.memref_squeeze %dma_wait3A_217 : memref<1x1x128xi32, #tpu.memory_space<vmem>> -> memref<1x128xi32, #tpu.memory_space<vmem>>
    %dma_wait3A_219 = arith.constant 0 : i32
    %dma_wait3A_220 = arith.constant 0 : i32
    %dma_wait3A_221 = tpu.memref_slice %arg4[%add3A, %dma_wait3A_205, %dma_wait3A_219, %dma_wait3A_220] : memref<32x80x1x128xi32, #tpu.memory_space<hbm>> -> memref<1x1x1x128xi32, #tpu.memory_space<hbm>>
    %dma_wait3A_222 = tpu.memref_squeeze %dma_wait3A_221 : memref<1x1x1x128xi32, #tpu.memory_space<hbm>> -> memref<1x128xi32, #tpu.memory_space<hbm>>
    tpu.wait_dma2 semaphore(%arg20 : memref<!tpu.dma_semaphore, #tpu.memory_space<semaphore_mem>>) src(%dma_wait3A_222 : memref<1x128xi32, #tpu.memory_space<hbm>>) dst(%dma_wait3A_218 : memref<1x128xi32, #tpu.memory_space<vmem>>)
    %dma_start3A_223 = arith.constant 0 : i32
    %dma_start3A_224 = arith.constant 0 : i32
    %dma_start3A_225 = arith.constant 0 : i32
    %dma_start3A_226 = tpu.memref_slice %arg8[%dma_start3A_223, %dma_start3A_224, %dma_start3A_225] : memref<4x1x128xi32, #tpu.memory_space<vmem>> -> memref<1x1x128xi32, #tpu.memory_space<vmem>>
    %dma_start3A_227 = tpu.memref_squeeze %dma_start3A_226 : memref<1x1x128xi32, #tpu.memory_space<vmem>> -> memref<128xi32, #tpu.memory_space<vmem>>
    %dma_start3A_228 = arith.constant 0 : i32
    %dma_start3A_229 = arith.constant 0 : i32
    %dma_start3A_230 = tpu.memref_slice %arg11[%dma_start3A_228, %dma_start3A_229] : memref<10112x128xf32, #tpu.memory_space<vmem_shared>> -> memref<10112x128xf32, #tpu.memory_space<vmem_shared>>
    tpu.enqueue_indirect_dma source(%arg9 : memref<128x128xf32, #tpu.memory_space<vmem>>) target(%dma_start3A_230 : memref<10112x128xf32, #tpu.memory_space<vmem_shared>>) offsets(%dma_start3A_227 : memref<128xi32, #tpu.memory_space<vmem>>) semaphore(%arg14 : memref<!tpu.dma_semaphore, #tpu.memory_space<semaphore_mem>>) {add = true}
    %scan3A = arith.constant 0 : i32
    %scan3A_231 = arith.constant 0 : i32
    %scan3A_232 = arith.constant 19 : i32
    %scan3A_233 = arith.addi %scan3A_231, %scan3A_232 : i32
    %scan3A_234 = arith.constant 1 : i32
    scf.for %scan3A_427 = %scan3A_231 to %scan3A_233 step %scan3A_234  : i32 {
      %mul3A_428 = arith.constant 4 : i32
      %mul3A_429 = arith.muli %mul3A_428, %scan3A_427 : i32
      %add3A_430 = arith.constant 2 : i32
      %add3A_431 = arith.addi %add3A_430, %mul3A_429 : i32
      %dma_wait3A_432 = arith.constant 0 : i32
      %dma_wait3A_433 = arith.constant 0 : i32
      %dma_wait3A_434 = arith.constant 0 : i32
      %dma_wait3A_435 = tpu.memref_slice %arg8[%dma_wait3A_432, %dma_wait3A_433, %dma_wait3A_434] : memref<4x1x128xi32, #tpu.memory_space<vmem>> -> memref<1x1x128xi32, #tpu.memory_space<vmem>>
      %dma_wait3A_436 = tpu.memref_squeeze %dma_wait3A_435 : memref<1x1x128xi32, #tpu.memory_space<vmem>> -> memref<128xi32, #tpu.memory_space<vmem>>
      %dma_wait3A_437 = arith.constant 0 : i32
      %dma_wait3A_438 = arith.constant 0 : i32
      %dma_wait3A_439 = tpu.memref_slice %arg11[%dma_wait3A_437, %dma_wait3A_438] : memref<10112x128xf32, #tpu.memory_space<vmem_shared>> -> memref<10112x128xf32, #tpu.memory_space<vmem_shared>>
      tpu.wait_indirect_dma semaphore(%arg14 : memref<!tpu.dma_semaphore, #tpu.memory_space<semaphore_mem>>) src(%arg9 : memref<128x128xf32, #tpu.memory_space<vmem>>) dst(%dma_wait3A_439 : memref<10112x128xf32, #tpu.memory_space<vmem_shared>>)
      %add3A_440 = arith.constant 0 : i32
      %add3A_441 = arith.addi %add3A_431, %add3A_440 : i32
      %add3A_442 = arith.constant 2 : i32
      %add3A_443 = arith.addi %add3A_441, %add3A_442 : i32
      %dma_start3A_444 = arith.constant 0 : i32
      %dma_start3A_445 = arith.constant 0 : i32
      %dma_start3A_446 = arith.constant 0 : i32
      %dma_start3A_447 = tpu.memref_slice %arg7[%dma_start3A_444, %dma_start3A_445, %dma_start3A_446] : memref<4x1x128xi32, #tpu.memory_space<vmem>> -> memref<1x1x128xi32, #tpu.memory_space<vmem>>
      %dma_start3A_448 = tpu.memref_squeeze %dma_start3A_447 : memref<1x1x128xi32, #tpu.memory_space<vmem>> -> memref<1x128xi32, #tpu.memory_space<vmem>>
      %dma_start3A_449 = arith.constant 0 : i32
      %dma_start3A_450 = arith.constant 0 : i32
      %dma_start3A_451 = tpu.memref_slice %arg3[%add3A, %add3A_443, %dma_start3A_449, %dma_start3A_450] : memref<32x80x1x128xi32, #tpu.memory_space<hbm>> -> memref<1x1x1x128xi32, #tpu.memory_space<hbm>>
      %dma_start3A_452 = tpu.memref_squeeze %dma_start3A_451 : memref<1x1x1x128xi32, #tpu.memory_space<hbm>> -> memref<1x128xi32, #tpu.memory_space<hbm>>
      %dma_start3A_453 = arith.constant 0 : i32
      %dma_start3A_454 = arith.constant 0 : i32
      %dma_start3A_455 = tpu.memref_slice %arg7[%dma_start3A_444, %dma_start3A_453, %dma_start3A_454] : memref<4x1x128xi32, #tpu.memory_space<vmem>> -> memref<1x1x128xi32, #tpu.memory_space<vmem>>
      %dma_start3A_456 = tpu.memref_squeeze %dma_start3A_455 : memref<1x1x128xi32, #tpu.memory_space<vmem>> -> memref<1x128xi32, #tpu.memory_space<vmem>>
      %dma_start3A_457 = arith.constant 0 : i32
      %dma_start3A_458 = arith.constant 0 : i32
      %dma_start3A_459 = tpu.memref_slice %arg3[%add3A, %add3A_443, %dma_start3A_457, %dma_start3A_458] : memref<32x80x1x128xi32, #tpu.memory_space<hbm>> -> memref<1x1x1x128xi32, #tpu.memory_space<hbm>>
      %dma_start3A_460 = tpu.memref_squeeze %dma_start3A_459 : memref<1x1x1x128xi32, #tpu.memory_space<hbm>> -> memref<1x128xi32, #tpu.memory_space<hbm>>
      tpu.enqueue_dma source(%dma_start3A_460 : memref<1x128xi32, #tpu.memory_space<hbm>>) target(%dma_start3A_456 : memref<1x128xi32, #tpu.memory_space<vmem>>) target_semaphore(%arg16 : memref<!tpu.dma_semaphore, #tpu.memory_space<semaphore_mem>>)
      %dma_start3A_461 = arith.constant 0 : i32
      %dma_start3A_462 = arith.constant 0 : i32
      %dma_start3A_463 = arith.constant 0 : i32
      %dma_start3A_464 = tpu.memref_slice %arg8[%dma_start3A_461, %dma_start3A_462, %dma_start3A_463] : memref<4x1x128xi32, #tpu.memory_space<vmem>> -> memref<1x1x128xi32, #tpu.memory_space<vmem>>
      %dma_start3A_465 = tpu.memref_squeeze %dma_start3A_464 : memref<1x1x128xi32, #tpu.memory_space<vmem>> -> memref<1x128xi32, #tpu.memory_space<vmem>>
      %dma_start3A_466 = arith.constant 0 : i32
      %dma_start3A_467 = arith.constant 0 : i32
      %dma_start3A_468 = tpu.memref_slice %arg4[%add3A, %add3A_443, %dma_start3A_466, %dma_start3A_467] : memref<32x80x1x128xi32, #tpu.memory_space<hbm>> -> memref<1x1x1x128xi32, #tpu.memory_space<hbm>>
      %dma_start3A_469 = tpu.memref_squeeze %dma_start3A_468 : memref<1x1x1x128xi32, #tpu.memory_space<hbm>> -> memref<1x128xi32, #tpu.memory_space<hbm>>
      %dma_start3A_470 = arith.constant 0 : i32
      %dma_start3A_471 = arith.constant 0 : i32
      %dma_start3A_472 = tpu.memref_slice %arg8[%dma_start3A_461, %dma_start3A_470, %dma_start3A_471] : memref<4x1x128xi32, #tpu.memory_space<vmem>> -> memref<1x1x128xi32, #tpu.memory_space<vmem>>
      %dma_start3A_473 = tpu.memref_squeeze %dma_start3A_472 : memref<1x1x128xi32, #tpu.memory_space<vmem>> -> memref<1x128xi32, #tpu.memory_space<vmem>>
      %dma_start3A_474 = arith.constant 0 : i32
      %dma_start3A_475 = arith.constant 0 : i32
      %dma_start3A_476 = tpu.memref_slice %arg4[%add3A, %add3A_443, %dma_start3A_474, %dma_start3A_475] : memref<32x80x1x128xi32, #tpu.memory_space<hbm>> -> memref<1x1x1x128xi32, #tpu.memory_space<hbm>>
      %dma_start3A_477 = tpu.memref_squeeze %dma_start3A_476 : memref<1x1x1x128xi32, #tpu.memory_space<hbm>> -> memref<1x128xi32, #tpu.memory_space<hbm>>
      tpu.enqueue_dma source(%dma_start3A_477 : memref<1x128xi32, #tpu.memory_space<hbm>>) target(%dma_start3A_473 : memref<1x128xi32, #tpu.memory_space<vmem>>) target_semaphore(%arg20 : memref<!tpu.dma_semaphore, #tpu.memory_space<semaphore_mem>>)
      %dma_wait3A_478 = arith.constant 0 : i32
      %dma_wait3A_479 = arith.constant 2 : i32
      %dma_wait3A_480 = arith.constant 0 : i32
      %dma_wait3A_481 = arith.constant 0 : i32
      %dma_wait3A_482 = tpu.memref_slice %arg7[%dma_wait3A_479, %dma_wait3A_480, %dma_wait3A_481] : memref<4x1x128xi32, #tpu.memory_space<vmem>> -> memref<1x1x128xi32, #tpu.memory_space<vmem>>
      %dma_wait3A_483 = tpu.memref_squeeze %dma_wait3A_482 : memref<1x1x128xi32, #tpu.memory_space<vmem>> -> memref<1x128xi32, #tpu.memory_space<vmem>>
      %dma_wait3A_484 = arith.constant 0 : i32
      %dma_wait3A_485 = arith.constant 0 : i32
      %dma_wait3A_486 = tpu.memref_slice %arg3[%add3A, %dma_wait3A_478, %dma_wait3A_484, %dma_wait3A_485] : memref<32x80x1x128xi32, #tpu.memory_space<hbm>> -> memref<1x1x1x128xi32, #tpu.memory_space<hbm>>
      %dma_wait3A_487 = tpu.memref_squeeze %dma_wait3A_486 : memref<1x1x1x128xi32, #tpu.memory_space<hbm>> -> memref<1x128xi32, #tpu.memory_space<hbm>>
      %dma_wait3A_488 = arith.constant 0 : i32
      %dma_wait3A_489 = arith.constant 0 : i32
      %dma_wait3A_490 = tpu.memref_slice %arg7[%dma_wait3A_479, %dma_wait3A_488, %dma_wait3A_489] : memref<4x1x128xi32, #tpu.memory_space<vmem>> -> memref<1x1x128xi32, #tpu.memory_space<vmem>>
      %dma_wait3A_491 = tpu.memref_squeeze %dma_wait3A_490 : memref<1x1x128xi32, #tpu.memory_space<vmem>> -> memref<1x128xi32, #tpu.memory_space<vmem>>
      %dma_wait3A_492 = arith.constant 0 : i32
      %dma_wait3A_493 = arith.constant 0 : i32
      %dma_wait3A_494 = tpu.memref_slice %arg3[%add3A, %dma_wait3A_478, %dma_wait3A_492, %dma_wait3A_493] : memref<32x80x1x128xi32, #tpu.memory_space<hbm>> -> memref<1x1x1x128xi32, #tpu.memory_space<hbm>>
      %dma_wait3A_495 = tpu.memref_squeeze %dma_wait3A_494 : memref<1x1x1x128xi32, #tpu.memory_space<hbm>> -> memref<1x128xi32, #tpu.memory_space<hbm>>
      tpu.wait_dma2 semaphore(%arg18 : memref<!tpu.dma_semaphore, #tpu.memory_space<semaphore_mem>>) src(%dma_wait3A_495 : memref<1x128xi32, #tpu.memory_space<hbm>>) dst(%dma_wait3A_491 : memref<1x128xi32, #tpu.memory_space<vmem>>)
      %dma_start3A_496 = arith.constant 2 : i32
      %dma_start3A_497 = arith.constant 0 : i32
      %dma_start3A_498 = arith.constant 0 : i32
      %dma_start3A_499 = tpu.memref_slice %arg7[%dma_start3A_496, %dma_start3A_497, %dma_start3A_498] : memref<4x1x128xi32, #tpu.memory_space<vmem>> -> memref<1x1x128xi32, #tpu.memory_space<vmem>>
      %dma_start3A_500 = tpu.memref_squeeze %dma_start3A_499 : memref<1x1x128xi32, #tpu.memory_space<vmem>> -> memref<128xi32, #tpu.memory_space<vmem>>
      %dma_start3A_501 = arith.constant 0 : i32
      %dma_start3A_502 = arith.constant 0 : i32
      %dma_start3A_503 = tpu.memref_slice %arg2[%dma_start3A_501, %dma_start3A_502] : memref<10000x128xf32, #tpu.memory_space<hbm>> -> memref<10000x128xf32, #tpu.memory_space<hbm>>
      tpu.enqueue_indirect_dma source(%dma_start3A_503 : memref<10000x128xf32, #tpu.memory_space<hbm>>) target(%arg9 : memref<128x128xf32, #tpu.memory_space<vmem>>) offsets(%dma_start3A_500 : memref<128xi32, #tpu.memory_space<vmem>>) semaphore(%arg12 : memref<!tpu.dma_semaphore, #tpu.memory_space<semaphore_mem>>)
      %dma_wait3A_504 = arith.constant 0 : i32
      %dma_wait3A_505 = arith.constant 0 : i32
      %dma_wait3A_506 = arith.constant 0 : i32
      %dma_wait3A_507 = tpu.memref_slice %arg7[%dma_wait3A_504, %dma_wait3A_505, %dma_wait3A_506] : memref<4x1x128xi32, #tpu.memory_space<vmem>> -> memref<1x1x128xi32, #tpu.memory_space<vmem>>
      %dma_wait3A_508 = tpu.memref_squeeze %dma_wait3A_507 : memref<1x1x128xi32, #tpu.memory_space<vmem>> -> memref<128xi32, #tpu.memory_space<vmem>>
      %dma_wait3A_509 = arith.constant 0 : i32
      %dma_wait3A_510 = arith.constant 0 : i32
      %dma_wait3A_511 = tpu.memref_slice %arg2[%dma_wait3A_509, %dma_wait3A_510] : memref<10000x128xf32, #tpu.memory_space<hbm>> -> memref<10000x128xf32, #tpu.memory_space<hbm>>
      tpu.wait_indirect_dma semaphore(%arg13 : memref<!tpu.dma_semaphore, #tpu.memory_space<semaphore_mem>>) src(%dma_wait3A_511 : memref<10000x128xf32, #tpu.memory_space<hbm>>) dst(%arg10 : memref<128x128xf32, #tpu.memory_space<vmem>>)
      %dma_wait3A_512 = arith.constant 0 : i32
      %dma_wait3A_513 = arith.constant 1 : i32
      %dma_wait3A_514 = arith.constant 0 : i32
      %dma_wait3A_515 = arith.constant 0 : i32
      %dma_wait3A_516 = tpu.memref_slice %arg8[%dma_wait3A_513, %dma_wait3A_514, %dma_wait3A_515] : memref<4x1x128xi32, #tpu.memory_space<vmem>> -> memref<1x1x128xi32, #tpu.memory_space<vmem>>
      %dma_wait3A_517 = tpu.memref_squeeze %dma_wait3A_516 : memref<1x1x128xi32, #tpu.memory_space<vmem>> -> memref<1x128xi32, #tpu.memory_space<vmem>>
      %dma_wait3A_518 = arith.constant 0 : i32
      %dma_wait3A_519 = arith.constant 0 : i32
      %dma_wait3A_520 = tpu.memref_slice %arg4[%add3A, %dma_wait3A_512, %dma_wait3A_518, %dma_wait3A_519] : memref<32x80x1x128xi32, #tpu.memory_space<hbm>> -> memref<1x1x1x128xi32, #tpu.memory_space<hbm>>
      %dma_wait3A_521 = tpu.memref_squeeze %dma_wait3A_520 : memref<1x1x1x128xi32, #tpu.memory_space<hbm>> -> memref<1x128xi32, #tpu.memory_space<hbm>>
      %dma_wait3A_522 = arith.constant 0 : i32
      %dma_wait3A_523 = arith.constant 0 : i32
      %dma_wait3A_524 = tpu.memref_slice %arg8[%dma_wait3A_513, %dma_wait3A_522, %dma_wait3A_523] : memref<4x1x128xi32, #tpu.memory_space<vmem>> -> memref<1x1x128xi32, #tpu.memory_space<vmem>>
      %dma_wait3A_525 = tpu.memref_squeeze %dma_wait3A_524 : memref<1x1x128xi32, #tpu.memory_space<vmem>> -> memref<1x128xi32, #tpu.memory_space<vmem>>
      %dma_wait3A_526 = arith.constant 0 : i32
      %dma_wait3A_527 = arith.constant 0 : i32
      %dma_wait3A_528 = tpu.memref_slice %arg4[%add3A, %dma_wait3A_512, %dma_wait3A_526, %dma_wait3A_527] : memref<32x80x1x128xi32, #tpu.memory_space<hbm>> -> memref<1x1x1x128xi32, #tpu.memory_space<hbm>>
      %dma_wait3A_529 = tpu.memref_squeeze %dma_wait3A_528 : memref<1x1x1x128xi32, #tpu.memory_space<hbm>> -> memref<1x128xi32, #tpu.memory_space<hbm>>
      tpu.wait_dma2 semaphore(%arg21 : memref<!tpu.dma_semaphore, #tpu.memory_space<semaphore_mem>>) src(%dma_wait3A_529 : memref<1x128xi32, #tpu.memory_space<hbm>>) dst(%dma_wait3A_525 : memref<1x128xi32, #tpu.memory_space<vmem>>)
      %dma_start3A_530 = arith.constant 1 : i32
      %dma_start3A_531 = arith.constant 0 : i32
      %dma_start3A_532 = arith.constant 0 : i32
      %dma_start3A_533 = tpu.memref_slice %arg8[%dma_start3A_530, %dma_start3A_531, %dma_start3A_532] : memref<4x1x128xi32, #tpu.memory_space<vmem>> -> memref<1x1x128xi32, #tpu.memory_space<vmem>>
      %dma_start3A_534 = tpu.memref_squeeze %dma_start3A_533 : memref<1x1x128xi32, #tpu.memory_space<vmem>> -> memref<128xi32, #tpu.memory_space<vmem>>
      %dma_start3A_535 = arith.constant 0 : i32
      %dma_start3A_536 = arith.constant 0 : i32
      %dma_start3A_537 = tpu.memref_slice %arg11[%dma_start3A_535, %dma_start3A_536] : memref<10112x128xf32, #tpu.memory_space<vmem_shared>> -> memref<10112x128xf32, #tpu.memory_space<vmem_shared>>
      tpu.enqueue_indirect_dma source(%arg10 : memref<128x128xf32, #tpu.memory_space<vmem>>) target(%dma_start3A_537 : memref<10112x128xf32, #tpu.memory_space<vmem_shared>>) offsets(%dma_start3A_534 : memref<128xi32, #tpu.memory_space<vmem>>) semaphore(%arg15 : memref<!tpu.dma_semaphore, #tpu.memory_space<semaphore_mem>>) {add = true}
      %dma_wait3A_538 = arith.constant 0 : i32
      %dma_wait3A_539 = arith.constant 0 : i32
      %dma_wait3A_540 = arith.constant 0 : i32
      %dma_wait3A_541 = tpu.memref_slice %arg8[%dma_wait3A_538, %dma_wait3A_539, %dma_wait3A_540] : memref<4x1x128xi32, #tpu.memory_space<vmem>> -> memref<1x1x128xi32, #tpu.memory_space<vmem>>
      %dma_wait3A_542 = tpu.memref_squeeze %dma_wait3A_541 : memref<1x1x128xi32, #tpu.memory_space<vmem>> -> memref<128xi32, #tpu.memory_space<vmem>>
      %dma_wait3A_543 = arith.constant 0 : i32
      %dma_wait3A_544 = arith.constant 0 : i32
      %dma_wait3A_545 = tpu.memref_slice %arg11[%dma_wait3A_543, %dma_wait3A_544] : memref<10112x128xf32, #tpu.memory_space<vmem_shared>> -> memref<10112x128xf32, #tpu.memory_space<vmem_shared>>
      tpu.wait_indirect_dma semaphore(%arg15 : memref<!tpu.dma_semaphore, #tpu.memory_space<semaphore_mem>>) src(%arg10 : memref<128x128xf32, #tpu.memory_space<vmem>>) dst(%dma_wait3A_545 : memref<10112x128xf32, #tpu.memory_space<vmem_shared>>)
      %add3A_546 = arith.constant 1 : i32
      %add3A_547 = arith.addi %add3A_431, %add3A_546 : i32
      %add3A_548 = arith.constant 2 : i32
      %add3A_549 = arith.addi %add3A_547, %add3A_548 : i32
      %dma_start3A_550 = arith.constant 1 : i32
      %dma_start3A_551 = arith.constant 0 : i32
      %dma_start3A_552 = arith.constant 0 : i32
      %dma_start3A_553 = tpu.memref_slice %arg7[%dma_start3A_550, %dma_start3A_551, %dma_start3A_552] : memref<4x1x128xi32, #tpu.memory_space<vmem>> -> memref<1x1x128xi32, #tpu.memory_space<vmem>>
      %dma_start3A_554 = tpu.memref_squeeze %dma_start3A_553 : memref<1x1x128xi32, #tpu.memory_space<vmem>> -> memref<1x128xi32, #tpu.memory_space<vmem>>
      %dma_start3A_555 = arith.constant 0 : i32
      %dma_start3A_556 = arith.constant 0 : i32
      %dma_start3A_557 = tpu.memref_slice %arg3[%add3A, %add3A_549, %dma_start3A_555, %dma_start3A_556] : memref<32x80x1x128xi32, #tpu.memory_space<hbm>> -> memref<1x1x1x128xi32, #tpu.memory_space<hbm>>
      %dma_start3A_558 = tpu.memref_squeeze %dma_start3A_557 : memref<1x1x1x128xi32, #tpu.memory_space<hbm>> -> memref<1x128xi32, #tpu.memory_space<hbm>>
      %dma_start3A_559 = arith.constant 0 : i32
      %dma_start3A_560 = arith.constant 0 : i32
      %dma_start3A_561 = tpu.memref_slice %arg7[%dma_start3A_550, %dma_start3A_559, %dma_start3A_560] : memref<4x1x128xi32, #tpu.memory_space<vmem>> -> memref<1x1x128xi32, #tpu.memory_space<vmem>>
      %dma_start3A_562 = tpu.memref_squeeze %dma_start3A_561 : memref<1x1x128xi32, #tpu.memory_space<vmem>> -> memref<1x128xi32, #tpu.memory_space<vmem>>
      %dma_start3A_563 = arith.constant 0 : i32
      %dma_start3A_564 = arith.constant 0 : i32
      %dma_start3A_565 = tpu.memref_slice %arg3[%add3A, %add3A_549, %dma_start3A_563, %dma_start3A_564] : memref<32x80x1x128xi32, #tpu.memory_space<hbm>> -> memref<1x1x1x128xi32, #tpu.memory_space<hbm>>
      %dma_start3A_566 = tpu.memref_squeeze %dma_start3A_565 : memref<1x1x1x128xi32, #tpu.memory_space<hbm>> -> memref<1x128xi32, #tpu.memory_space<hbm>>
      tpu.enqueue_dma source(%dma_start3A_566 : memref<1x128xi32, #tpu.memory_space<hbm>>) target(%dma_start3A_562 : memref<1x128xi32, #tpu.memory_space<vmem>>) target_semaphore(%arg17 : memref<!tpu.dma_semaphore, #tpu.memory_space<semaphore_mem>>)
      %dma_start3A_567 = arith.constant 1 : i32
      %dma_start3A_568 = arith.constant 0 : i32
      %dma_start3A_569 = arith.constant 0 : i32
      %dma_start3A_570 = tpu.memref_slice %arg8[%dma_start3A_567, %dma_start3A_568, %dma_start3A_569] : memref<4x1x128xi32, #tpu.memory_space<vmem>> -> memref<1x1x128xi32, #tpu.memory_space<vmem>>
      %dma_start3A_571 = tpu.memref_squeeze %dma_start3A_570 : memref<1x1x128xi32, #tpu.memory_space<vmem>> -> memref<1x128xi32, #tpu.memory_space<vmem>>
      %dma_start3A_572 = arith.constant 0 : i32
      %dma_start3A_573 = arith.constant 0 : i32
      %dma_start3A_574 = tpu.memref_slice %arg4[%add3A, %add3A_549, %dma_start3A_572, %dma_start3A_573] : memref<32x80x1x128xi32, #tpu.memory_space<hbm>> -> memref<1x1x1x128xi32, #tpu.memory_space<hbm>>
      %dma_start3A_575 = tpu.memref_squeeze %dma_start3A_574 : memref<1x1x1x128xi32, #tpu.memory_space<hbm>> -> memref<1x128xi32, #tpu.memory_space<hbm>>
      %dma_start3A_576 = arith.constant 0 : i32
      %dma_start3A_577 = arith.constant 0 : i32
      %dma_start3A_578 = tpu.memref_slice %arg8[%dma_start3A_567, %dma_start3A_576, %dma_start3A_577] : memref<4x1x128xi32, #tpu.memory_space<vmem>> -> memref<1x1x128xi32, #tpu.memory_space<vmem>>
      %dma_start3A_579 = tpu.memref_squeeze %dma_start3A_578 : memref<1x1x128xi32, #tpu.memory_space<vmem>> -> memref<1x128xi32, #tpu.memory_space<vmem>>
      %dma_start3A_580 = arith.constant 0 : i32
      %dma_start3A_581 = arith.constant 0 : i32
      %dma_start3A_582 = tpu.memref_slice %arg4[%add3A, %add3A_549, %dma_start3A_580, %dma_start3A_581] : memref<32x80x1x128xi32, #tpu.memory_space<hbm>> -> memref<1x1x1x128xi32, #tpu.memory_space<hbm>>
      %dma_start3A_583 = tpu.memref_squeeze %dma_start3A_582 : memref<1x1x1x128xi32, #tpu.memory_space<hbm>> -> memref<1x128xi32, #tpu.memory_space<hbm>>
      tpu.enqueue_dma source(%dma_start3A_583 : memref<1x128xi32, #tpu.memory_space<hbm>>) target(%dma_start3A_579 : memref<1x128xi32, #tpu.memory_space<vmem>>) target_semaphore(%arg21 : memref<!tpu.dma_semaphore, #tpu.memory_space<semaphore_mem>>)
      %dma_wait3A_584 = arith.constant 0 : i32
      %dma_wait3A_585 = arith.constant 3 : i32
      %dma_wait3A_586 = arith.constant 0 : i32
      %dma_wait3A_587 = arith.constant 0 : i32
      %dma_wait3A_588 = tpu.memref_slice %arg7[%dma_wait3A_585, %dma_wait3A_586, %dma_wait3A_587] : memref<4x1x128xi32, #tpu.memory_space<vmem>> -> memref<1x1x128xi32, #tpu.memory_space<vmem>>
      %dma_wait3A_589 = tpu.memref_squeeze %dma_wait3A_588 : memref<1x1x128xi32, #tpu.memory_space<vmem>> -> memref<1x128xi32, #tpu.memory_space<vmem>>
      %dma_wait3A_590 = arith.constant 0 : i32
      %dma_wait3A_591 = arith.constant 0 : i32
      %dma_wait3A_592 = tpu.memref_slice %arg3[%add3A, %dma_wait3A_584, %dma_wait3A_590, %dma_wait3A_591] : memref<32x80x1x128xi32, #tpu.memory_space<hbm>> -> memref<1x1x1x128xi32, #tpu.memory_space<hbm>>
      %dma_wait3A_593 = tpu.memref_squeeze %dma_wait3A_592 : memref<1x1x1x128xi32, #tpu.memory_space<hbm>> -> memref<1x128xi32, #tpu.memory_space<hbm>>
      %dma_wait3A_594 = arith.constant 0 : i32
      %dma_wait3A_595 = arith.constant 0 : i32
      %dma_wait3A_596 = tpu.memref_slice %arg7[%dma_wait3A_585, %dma_wait3A_594, %dma_wait3A_595] : memref<4x1x128xi32, #tpu.memory_space<vmem>> -> memref<1x1x128xi32, #tpu.memory_space<vmem>>
      %dma_wait3A_597 = tpu.memref_squeeze %dma_wait3A_596 : memref<1x1x128xi32, #tpu.memory_space<vmem>> -> memref<1x128xi32, #tpu.memory_space<vmem>>
      %dma_wait3A_598 = arith.constant 0 : i32
      %dma_wait3A_599 = arith.constant 0 : i32
      %dma_wait3A_600 = tpu.memref_slice %arg3[%add3A, %dma_wait3A_584, %dma_wait3A_598, %dma_wait3A_599] : memref<32x80x1x128xi32, #tpu.memory_space<hbm>> -> memref<1x1x1x128xi32, #tpu.memory_space<hbm>>
      %dma_wait3A_601 = tpu.memref_squeeze %dma_wait3A_600 : memref<1x1x1x128xi32, #tpu.memory_space<hbm>> -> memref<1x128xi32, #tpu.memory_space<hbm>>
      tpu.wait_dma2 semaphore(%arg19 : memref<!tpu.dma_semaphore, #tpu.memory_space<semaphore_mem>>) src(%dma_wait3A_601 : memref<1x128xi32, #tpu.memory_space<hbm>>) dst(%dma_wait3A_597 : memref<1x128xi32, #tpu.memory_space<vmem>>)
      %dma_start3A_602 = arith.constant 3 : i32
      %dma_start3A_603 = arith.constant 0 : i32
      %dma_start3A_604 = arith.constant 0 : i32
      %dma_start3A_605 = tpu.memref_slice %arg7[%dma_start3A_602, %dma_start3A_603, %dma_start3A_604] : memref<4x1x128xi32, #tpu.memory_space<vmem>> -> memref<1x1x128xi32, #tpu.memory_space<vmem>>
      %dma_start3A_606 = tpu.memref_squeeze %dma_start3A_605 : memref<1x1x128xi32, #tpu.memory_space<vmem>> -> memref<128xi32, #tpu.memory_space<vmem>>
      %dma_start3A_607 = arith.constant 0 : i32
      %dma_start3A_608 = arith.constant 0 : i32
      %dma_start3A_609 = tpu.memref_slice %arg2[%dma_start3A_607, %dma_start3A_608] : memref<10000x128xf32, #tpu.memory_space<hbm>> -> memref<10000x128xf32, #tpu.memory_space<hbm>>
      tpu.enqueue_indirect_dma source(%dma_start3A_609 : memref<10000x128xf32, #tpu.memory_space<hbm>>) target(%arg10 : memref<128x128xf32, #tpu.memory_space<vmem>>) offsets(%dma_start3A_606 : memref<128xi32, #tpu.memory_space<vmem>>) semaphore(%arg13 : memref<!tpu.dma_semaphore, #tpu.memory_space<semaphore_mem>>)
      %dma_wait3A_610 = arith.constant 0 : i32
      %dma_wait3A_611 = arith.constant 0 : i32
      %dma_wait3A_612 = arith.constant 0 : i32
      %dma_wait3A_613 = tpu.memref_slice %arg7[%dma_wait3A_610, %dma_wait3A_611, %dma_wait3A_612] : memref<4x1x128xi32, #tpu.memory_space<vmem>> -> memref<1x1x128xi32, #tpu.memory_space<vmem>>
      %dma_wait3A_614 = tpu.memref_squeeze %dma_wait3A_613 : memref<1x1x128xi32, #tpu.memory_space<vmem>> -> memref<128xi32, #tpu.memory_space<vmem>>
      %dma_wait3A_615 = arith.constant 0 : i32
      %dma_wait3A_616 = arith.constant 0 : i32
      %dma_wait3A_617 = tpu.memref_slice %arg2[%dma_wait3A_615, %dma_wait3A_616] : memref<10000x128xf32, #tpu.memory_space<hbm>> -> memref<10000x128xf32, #tpu.memory_space<hbm>>
      tpu.wait_indirect_dma semaphore(%arg12 : memref<!tpu.dma_semaphore, #tpu.memory_space<semaphore_mem>>) src(%dma_wait3A_617 : memref<10000x128xf32, #tpu.memory_space<hbm>>) dst(%arg9 : memref<128x128xf32, #tpu.memory_space<vmem>>)
      %dma_wait3A_618 = arith.constant 0 : i32
      %dma_wait3A_619 = arith.constant 2 : i32
      %dma_wait3A_620 = arith.constant 0 : i32
      %dma_wait3A_621 = arith.constant 0 : i32
      %dma_wait3A_622 = tpu.memref_slice %arg8[%dma_wait3A_619, %dma_wait3A_620, %dma_wait3A_621] : memref<4x1x128xi32, #tpu.memory_space<vmem>> -> memref<1x1x128xi32, #tpu.memory_space<vmem>>
      %dma_wait3A_623 = tpu.memref_squeeze %dma_wait3A_622 : memref<1x1x128xi32, #tpu.memory_space<vmem>> -> memref<1x128xi32, #tpu.memory_space<vmem>>
      %dma_wait3A_624 = arith.constant 0 : i32
      %dma_wait3A_625 = arith.constant 0 : i32
      %dma_wait3A_626 = tpu.memref_slice %arg4[%add3A, %dma_wait3A_618, %dma_wait3A_624, %dma_wait3A_625] : memref<32x80x1x128xi32, #tpu.memory_space<hbm>> -> memref<1x1x1x128xi32, #tpu.memory_space<hbm>>
      %dma_wait3A_627 = tpu.memref_squeeze %dma_wait3A_626 : memref<1x1x1x128xi32, #tpu.memory_space<hbm>> -> memref<1x128xi32, #tpu.memory_space<hbm>>
      %dma_wait3A_628 = arith.constant 0 : i32
      %dma_wait3A_629 = arith.constant 0 : i32
      %dma_wait3A_630 = tpu.memref_slice %arg8[%dma_wait3A_619, %dma_wait3A_628, %dma_wait3A_629] : memref<4x1x128xi32, #tpu.memory_space<vmem>> -> memref<1x1x128xi32, #tpu.memory_space<vmem>>
      %dma_wait3A_631 = tpu.memref_squeeze %dma_wait3A_630 : memref<1x1x128xi32, #tpu.memory_space<vmem>> -> memref<1x128xi32, #tpu.memory_space<vmem>>
      %dma_wait3A_632 = arith.constant 0 : i32
      %dma_wait3A_633 = arith.constant 0 : i32
      %dma_wait3A_634 = tpu.memref_slice %arg4[%add3A, %dma_wait3A_618, %dma_wait3A_632, %dma_wait3A_633] : memref<32x80x1x128xi32, #tpu.memory_space<hbm>> -> memref<1x1x1x128xi32, #tpu.memory_space<hbm>>
      %dma_wait3A_635 = tpu.memref_squeeze %dma_wait3A_634 : memref<1x1x1x128xi32, #tpu.memory_space<hbm>> -> memref<1x128xi32, #tpu.memory_space<hbm>>
      tpu.wait_dma2 semaphore(%arg22 : memref<!tpu.dma_semaphore, #tpu.memory_space<semaphore_mem>>) src(%dma_wait3A_635 : memref<1x128xi32, #tpu.memory_space<hbm>>) dst(%dma_wait3A_631 : memref<1x128xi32, #tpu.memory_space<vmem>>)
      %dma_start3A_636 = arith.constant 2 : i32
      %dma_start3A_637 = arith.constant 0 : i32
      %dma_start3A_638 = arith.constant 0 : i32
      %dma_start3A_639 = tpu.memref_slice %arg8[%dma_start3A_636, %dma_start3A_637, %dma_start3A_638] : memref<4x1x128xi32, #tpu.memory_space<vmem>> -> memref<1x1x128xi32, #tpu.memory_space<vmem>>
      %dma_start3A_640 = tpu.memref_squeeze %dma_start3A_639 : memref<1x1x128xi32, #tpu.memory_space<vmem>> -> memref<128xi32, #tpu.memory_space<vmem>>
      %dma_start3A_641 = arith.constant 0 : i32
      %dma_start3A_642 = arith.constant 0 : i32
      %dma_start3A_643 = tpu.memref_slice %arg11[%dma_start3A_641, %dma_start3A_642] : memref<10112x128xf32, #tpu.memory_space<vmem_shared>> -> memref<10112x128xf32, #tpu.memory_space<vmem_shared>>
      tpu.enqueue_indirect_dma source(%arg9 : memref<128x128xf32, #tpu.memory_space<vmem>>) target(%dma_start3A_643 : memref<10112x128xf32, #tpu.memory_space<vmem_shared>>) offsets(%dma_start3A_640 : memref<128xi32, #tpu.memory_space<vmem>>) semaphore(%arg14 : memref<!tpu.dma_semaphore, #tpu.memory_space<semaphore_mem>>) {add = true}
      %dma_wait3A_644 = arith.constant 0 : i32
      %dma_wait3A_645 = arith.constant 0 : i32
      %dma_wait3A_646 = arith.constant 0 : i32
      %dma_wait3A_647 = tpu.memref_slice %arg8[%dma_wait3A_644, %dma_wait3A_645, %dma_wait3A_646] : memref<4x1x128xi32, #tpu.memory_space<vmem>> -> memref<1x1x128xi32, #tpu.memory_space<vmem>>
      %dma_wait3A_648 = tpu.memref_squeeze %dma_wait3A_647 : memref<1x1x128xi32, #tpu.memory_space<vmem>> -> memref<128xi32, #tpu.memory_space<vmem>>
      %dma_wait3A_649 = arith.constant 0 : i32
      %dma_wait3A_650 = arith.constant 0 : i32
      %dma_wait3A_651 = tpu.memref_slice %arg11[%dma_wait3A_649, %dma_wait3A_650] : memref<10112x128xf32, #tpu.memory_space<vmem_shared>> -> memref<10112x128xf32, #tpu.memory_space<vmem_shared>>
      tpu.wait_indirect_dma semaphore(%arg14 : memref<!tpu.dma_semaphore, #tpu.memory_space<semaphore_mem>>) src(%arg9 : memref<128x128xf32, #tpu.memory_space<vmem>>) dst(%dma_wait3A_651 : memref<10112x128xf32, #tpu.memory_space<vmem_shared>>)
      %add3A_652 = arith.constant 2 : i32
      %add3A_653 = arith.addi %add3A_431, %add3A_652 : i32
      %add3A_654 = arith.constant 2 : i32
      %add3A_655 = arith.addi %add3A_653, %add3A_654 : i32
      %dma_start3A_656 = arith.constant 2 : i32
      %dma_start3A_657 = arith.constant 0 : i32
      %dma_start3A_658 = arith.constant 0 : i32
      %dma_start3A_659 = tpu.memref_slice %arg7[%dma_start3A_656, %dma_start3A_657, %dma_start3A_658] : memref<4x1x128xi32, #tpu.memory_space<vmem>> -> memref<1x1x128xi32, #tpu.memory_space<vmem>>
      %dma_start3A_660 = tpu.memref_squeeze %dma_start3A_659 : memref<1x1x128xi32, #tpu.memory_space<vmem>> -> memref<1x128xi32, #tpu.memory_space<vmem>>
      %dma_start3A_661 = arith.constant 0 : i32
      %dma_start3A_662 = arith.constant 0 : i32
      %dma_start3A_663 = tpu.memref_slice %arg3[%add3A, %add3A_655, %dma_start3A_661, %dma_start3A_662] : memref<32x80x1x128xi32, #tpu.memory_space<hbm>> -> memref<1x1x1x128xi32, #tpu.memory_space<hbm>>
      %dma_start3A_664 = tpu.memref_squeeze %dma_start3A_663 : memref<1x1x1x128xi32, #tpu.memory_space<hbm>> -> memref<1x128xi32, #tpu.memory_space<hbm>>
      %dma_start3A_665 = arith.constant 0 : i32
      %dma_start3A_666 = arith.constant 0 : i32
      %dma_start3A_667 = tpu.memref_slice %arg7[%dma_start3A_656, %dma_start3A_665, %dma_start3A_666] : memref<4x1x128xi32, #tpu.memory_space<vmem>> -> memref<1x1x128xi32, #tpu.memory_space<vmem>>
      %dma_start3A_668 = tpu.memref_squeeze %dma_start3A_667 : memref<1x1x128xi32, #tpu.memory_space<vmem>> -> memref<1x128xi32, #tpu.memory_space<vmem>>
      %dma_start3A_669 = arith.constant 0 : i32
      %dma_start3A_670 = arith.constant 0 : i32
      %dma_start3A_671 = tpu.memref_slice %arg3[%add3A, %add3A_655, %dma_start3A_669, %dma_start3A_670] : memref<32x80x1x128xi32, #tpu.memory_space<hbm>> -> memref<1x1x1x128xi32, #tpu.memory_space<hbm>>
      %dma_start3A_672 = tpu.memref_squeeze %dma_start3A_671 : memref<1x1x1x128xi32, #tpu.memory_space<hbm>> -> memref<1x128xi32, #tpu.memory_space<hbm>>
      tpu.enqueue_dma source(%dma_start3A_672 : memref<1x128xi32, #tpu.memory_space<hbm>>) target(%dma_start3A_668 : memref<1x128xi32, #tpu.memory_space<vmem>>) target_semaphore(%arg18 : memref<!tpu.dma_semaphore, #tpu.memory_space<semaphore_mem>>)
      %dma_start3A_673 = arith.constant 2 : i32
      %dma_start3A_674 = arith.constant 0 : i32
      %dma_start3A_675 = arith.constant 0 : i32
      %dma_start3A_676 = tpu.memref_slice %arg8[%dma_start3A_673, %dma_start3A_674, %dma_start3A_675] : memref<4x1x128xi32, #tpu.memory_space<vmem>> -> memref<1x1x128xi32, #tpu.memory_space<vmem>>
      %dma_start3A_677 = tpu.memref_squeeze %dma_start3A_676 : memref<1x1x128xi32, #tpu.memory_space<vmem>> -> memref<1x128xi32, #tpu.memory_space<vmem>>
      %dma_start3A_678 = arith.constant 0 : i32
      %dma_start3A_679 = arith.constant 0 : i32
      %dma_start3A_680 = tpu.memref_slice %arg4[%add3A, %add3A_655, %dma_start3A_678, %dma_start3A_679] : memref<32x80x1x128xi32, #tpu.memory_space<hbm>> -> memref<1x1x1x128xi32, #tpu.memory_space<hbm>>
      %dma_start3A_681 = tpu.memref_squeeze %dma_start3A_680 : memref<1x1x1x128xi32, #tpu.memory_space<hbm>> -> memref<1x128xi32, #tpu.memory_space<hbm>>
      %dma_start3A_682 = arith.constant 0 : i32
      %dma_start3A_683 = arith.constant 0 : i32
      %dma_start3A_684 = tpu.memref_slice %arg8[%dma_start3A_673, %dma_start3A_682, %dma_start3A_683] : memref<4x1x128xi32, #tpu.memory_space<vmem>> -> memref<1x1x128xi32, #tpu.memory_space<vmem>>
      %dma_start3A_685 = tpu.memref_squeeze %dma_start3A_684 : memref<1x1x128xi32, #tpu.memory_space<vmem>> -> memref<1x128xi32, #tpu.memory_space<vmem>>
      %dma_start3A_686 = arith.constant 0 : i32
      %dma_start3A_687 = arith.constant 0 : i32
      %dma_start3A_688 = tpu.memref_slice %arg4[%add3A, %add3A_655, %dma_start3A_686, %dma_start3A_687] : memref<32x80x1x128xi32, #tpu.memory_space<hbm>> -> memref<1x1x1x128xi32, #tpu.memory_space<hbm>>
      %dma_start3A_689 = tpu.memref_squeeze %dma_start3A_688 : memref<1x1x1x128xi32, #tpu.memory_space<hbm>> -> memref<1x128xi32, #tpu.memory_space<hbm>>
      tpu.enqueue_dma source(%dma_start3A_689 : memref<1x128xi32, #tpu.memory_space<hbm>>) target(%dma_start3A_685 : memref<1x128xi32, #tpu.memory_space<vmem>>) target_semaphore(%arg22 : memref<!tpu.dma_semaphore, #tpu.memory_space<semaphore_mem>>)
      %dma_wait3A_690 = arith.constant 0 : i32
      %dma_wait3A_691 = arith.constant 0 : i32
      %dma_wait3A_692 = arith.constant 0 : i32
      %dma_wait3A_693 = arith.constant 0 : i32
      %dma_wait3A_694 = tpu.memref_slice %arg7[%dma_wait3A_691, %dma_wait3A_692, %dma_wait3A_693] : memref<4x1x128xi32, #tpu.memory_space<vmem>> -> memref<1x1x128xi32, #tpu.memory_space<vmem>>
      %dma_wait3A_695 = tpu.memref_squeeze %dma_wait3A_694 : memref<1x1x128xi32, #tpu.memory_space<vmem>> -> memref<1x128xi32, #tpu.memory_space<vmem>>
      %dma_wait3A_696 = arith.constant 0 : i32
      %dma_wait3A_697 = arith.constant 0 : i32
      %dma_wait3A_698 = tpu.memref_slice %arg3[%add3A, %dma_wait3A_690, %dma_wait3A_696, %dma_wait3A_697] : memref<32x80x1x128xi32, #tpu.memory_space<hbm>> -> memref<1x1x1x128xi32, #tpu.memory_space<hbm>>
      %dma_wait3A_699 = tpu.memref_squeeze %dma_wait3A_698 : memref<1x1x1x128xi32, #tpu.memory_space<hbm>> -> memref<1x128xi32, #tpu.memory_space<hbm>>
      %dma_wait3A_700 = arith.constant 0 : i32
      %dma_wait3A_701 = arith.constant 0 : i32
      %dma_wait3A_702 = tpu.memref_slice %arg7[%dma_wait3A_691, %dma_wait3A_700, %dma_wait3A_701] : memref<4x1x128xi32, #tpu.memory_space<vmem>> -> memref<1x1x128xi32, #tpu.memory_space<vmem>>
      %dma_wait3A_703 = tpu.memref_squeeze %dma_wait3A_702 : memref<1x1x128xi32, #tpu.memory_space<vmem>> -> memref<1x128xi32, #tpu.memory_space<vmem>>
      %dma_wait3A_704 = arith.constant 0 : i32
      %dma_wait3A_705 = arith.constant 0 : i32
      %dma_wait3A_706 = tpu.memref_slice %arg3[%add3A, %dma_wait3A_690, %dma_wait3A_704, %dma_wait3A_705] : memref<32x80x1x128xi32, #tpu.memory_space<hbm>> -> memref<1x1x1x128xi32, #tpu.memory_space<hbm>>
      %dma_wait3A_707 = tpu.memref_squeeze %dma_wait3A_706 : memref<1x1x1x128xi32, #tpu.memory_space<hbm>> -> memref<1x128xi32, #tpu.memory_space<hbm>>
      tpu.wait_dma2 semaphore(%arg16 : memref<!tpu.dma_semaphore, #tpu.memory_space<semaphore_mem>>) src(%dma_wait3A_707 : memref<1x128xi32, #tpu.memory_space<hbm>>) dst(%dma_wait3A_703 : memref<1x128xi32, #tpu.memory_space<vmem>>)
      %dma_start3A_708 = arith.constant 0 : i32
      %dma_start3A_709 = arith.constant 0 : i32
      %dma_start3A_710 = arith.constant 0 : i32
      %dma_start3A_711 = tpu.memref_slice %arg7[%dma_start3A_708, %dma_start3A_709, %dma_start3A_710] : memref<4x1x128xi32, #tpu.memory_space<vmem>> -> memref<1x1x128xi32, #tpu.memory_space<vmem>>
      %dma_start3A_712 = tpu.memref_squeeze %dma_start3A_711 : memref<1x1x128xi32, #tpu.memory_space<vmem>> -> memref<128xi32, #tpu.memory_space<vmem>>
      %dma_start3A_713 = arith.constant 0 : i32
      %dma_start3A_714 = arith.constant 0 : i32
      %dma_start3A_715 = tpu.memref_slice %arg2[%dma_start3A_713, %dma_start3A_714] : memref<10000x128xf32, #tpu.memory_space<hbm>> -> memref<10000x128xf32, #tpu.memory_space<hbm>>
      tpu.enqueue_indirect_dma source(%dma_start3A_715 : memref<10000x128xf32, #tpu.memory_space<hbm>>) target(%arg9 : memref<128x128xf32, #tpu.memory_space<vmem>>) offsets(%dma_start3A_712 : memref<128xi32, #tpu.memory_space<vmem>>) semaphore(%arg12 : memref<!tpu.dma_semaphore, #tpu.memory_space<semaphore_mem>>)
      %dma_wait3A_716 = arith.constant 0 : i32
      %dma_wait3A_717 = arith.constant 0 : i32
      %dma_wait3A_718 = arith.constant 0 : i32
      %dma_wait3A_719 = tpu.memref_slice %arg7[%dma_wait3A_716, %dma_wait3A_717, %dma_wait3A_718] : memref<4x1x128xi32, #tpu.memory_space<vmem>> -> memref<1x1x128xi32, #tpu.memory_space<vmem>>
      %dma_wait3A_720 = tpu.memref_squeeze %dma_wait3A_719 : memref<1x1x128xi32, #tpu.memory_space<vmem>> -> memref<128xi32, #tpu.memory_space<vmem>>
      %dma_wait3A_721 = arith.constant 0 : i32
      %dma_wait3A_722 = arith.constant 0 : i32
      %dma_wait3A_723 = tpu.memref_slice %arg2[%dma_wait3A_721, %dma_wait3A_722] : memref<10000x128xf32, #tpu.memory_space<hbm>> -> memref<10000x128xf32, #tpu.memory_space<hbm>>
      tpu.wait_indirect_dma semaphore(%arg13 : memref<!tpu.dma_semaphore, #tpu.memory_space<semaphore_mem>>) src(%dma_wait3A_723 : memref<10000x128xf32, #tpu.memory_space<hbm>>) dst(%arg10 : memref<128x128xf32, #tpu.memory_space<vmem>>)
      %dma_wait3A_724 = arith.constant 0 : i32
      %dma_wait3A_725 = arith.constant 3 : i32
      %dma_wait3A_726 = arith.constant 0 : i32
      %dma_wait3A_727 = arith.constant 0 : i32
      %dma_wait3A_728 = tpu.memref_slice %arg8[%dma_wait3A_725, %dma_wait3A_726, %dma_wait3A_727] : memref<4x1x128xi32, #tpu.memory_space<vmem>> -> memref<1x1x128xi32, #tpu.memory_space<vmem>>
      %dma_wait3A_729 = tpu.memref_squeeze %dma_wait3A_728 : memref<1x1x128xi32, #tpu.memory_space<vmem>> -> memref<1x128xi32, #tpu.memory_space<vmem>>
      %dma_wait3A_730 = arith.constant 0 : i32
      %dma_wait3A_731 = arith.constant 0 : i32
      %dma_wait3A_732 = tpu.memref_slice %arg4[%add3A, %dma_wait3A_724, %dma_wait3A_730, %dma_wait3A_731] : memref<32x80x1x128xi32, #tpu.memory_space<hbm>> -> memref<1x1x1x128xi32, #tpu.memory_space<hbm>>
      %dma_wait3A_733 = tpu.memref_squeeze %dma_wait3A_732 : memref<1x1x1x128xi32, #tpu.memory_space<hbm>> -> memref<1x128xi32, #tpu.memory_space<hbm>>
      %dma_wait3A_734 = arith.constant 0 : i32
      %dma_wait3A_735 = arith.constant 0 : i32
      %dma_wait3A_736 = tpu.memref_slice %arg8[%dma_wait3A_725, %dma_wait3A_734, %dma_wait3A_735] : memref<4x1x128xi32, #tpu.memory_space<vmem>> -> memref<1x1x128xi32, #tpu.memory_space<vmem>>
      %dma_wait3A_737 = tpu.memref_squeeze %dma_wait3A_736 : memref<1x1x128xi32, #tpu.memory_space<vmem>> -> memref<1x128xi32, #tpu.memory_space<vmem>>
      %dma_wait3A_738 = arith.constant 0 : i32
      %dma_wait3A_739 = arith.constant 0 : i32
      %dma_wait3A_740 = tpu.memref_slice %arg4[%add3A, %dma_wait3A_724, %dma_wait3A_738, %dma_wait3A_739] : memref<32x80x1x128xi32, #tpu.memory_space<hbm>> -> memref<1x1x1x128xi32, #tpu.memory_space<hbm>>
      %dma_wait3A_741 = tpu.memref_squeeze %dma_wait3A_740 : memref<1x1x1x128xi32, #tpu.memory_space<hbm>> -> memref<1x128xi32, #tpu.memory_space<hbm>>
      tpu.wait_dma2 semaphore(%arg23 : memref<!tpu.dma_semaphore, #tpu.memory_space<semaphore_mem>>) src(%dma_wait3A_741 : memref<1x128xi32, #tpu.memory_space<hbm>>) dst(%dma_wait3A_737 : memref<1x128xi32, #tpu.memory_space<vmem>>)
      %dma_start3A_742 = arith.constant 3 : i32
      %dma_start3A_743 = arith.constant 0 : i32
      %dma_start3A_744 = arith.constant 0 : i32
      %dma_start3A_745 = tpu.memref_slice %arg8[%dma_start3A_742, %dma_start3A_743, %dma_start3A_744] : memref<4x1x128xi32, #tpu.memory_space<vmem>> -> memref<1x1x128xi32, #tpu.memory_space<vmem>>
      %dma_start3A_746 = tpu.memref_squeeze %dma_start3A_745 : memref<1x1x128xi32, #tpu.memory_space<vmem>> -> memref<128xi32, #tpu.memory_space<vmem>>
      %dma_start3A_747 = arith.constant 0 : i32
      %dma_start3A_748 = arith.constant 0 : i32
      %dma_start3A_749 = tpu.memref_slice %arg11[%dma_start3A_747, %dma_start3A_748] : memref<10112x128xf32, #tpu.memory_space<vmem_shared>> -> memref<10112x128xf32, #tpu.memory_space<vmem_shared>>
      tpu.enqueue_indirect_dma source(%arg10 : memref<128x128xf32, #tpu.memory_space<vmem>>) target(%dma_start3A_749 : memref<10112x128xf32, #tpu.memory_space<vmem_shared>>) offsets(%dma_start3A_746 : memref<128xi32, #tpu.memory_space<vmem>>) semaphore(%arg15 : memref<!tpu.dma_semaphore, #tpu.memory_space<semaphore_mem>>) {add = true}
      %dma_wait3A_750 = arith.constant 0 : i32
      %dma_wait3A_751 = arith.constant 0 : i32
      %dma_wait3A_752 = arith.constant 0 : i32
      %dma_wait3A_753 = tpu.memref_slice %arg8[%dma_wait3A_750, %dma_wait3A_751, %dma_wait3A_752] : memref<4x1x128xi32, #tpu.memory_space<vmem>> -> memref<1x1x128xi32, #tpu.memory_space<vmem>>
      %dma_wait3A_754 = tpu.memref_squeeze %dma_wait3A_753 : memref<1x1x128xi32, #tpu.memory_space<vmem>> -> memref<128xi32, #tpu.memory_space<vmem>>
      %dma_wait3A_755 = arith.constant 0 : i32
      %dma_wait3A_756 = arith.constant 0 : i32
      %dma_wait3A_757 = tpu.memref_slice %arg11[%dma_wait3A_755, %dma_wait3A_756] : memref<10112x128xf32, #tpu.memory_space<vmem_shared>> -> memref<10112x128xf32, #tpu.memory_space<vmem_shared>>
      tpu.wait_indirect_dma semaphore(%arg15 : memref<!tpu.dma_semaphore, #tpu.memory_space<semaphore_mem>>) src(%arg10 : memref<128x128xf32, #tpu.memory_space<vmem>>) dst(%dma_wait3A_757 : memref<10112x128xf32, #tpu.memory_space<vmem_shared>>)
      %add3A_758 = arith.constant 3 : i32
      %add3A_759 = arith.addi %add3A_431, %add3A_758 : i32
      %add3A_760 = arith.constant 2 : i32
      %add3A_761 = arith.addi %add3A_759, %add3A_760 : i32
      %dma_start3A_762 = arith.constant 3 : i32
      %dma_start3A_763 = arith.constant 0 : i32
      %dma_start3A_764 = arith.constant 0 : i32
      %dma_start3A_765 = tpu.memref_slice %arg7[%dma_start3A_762, %dma_start3A_763, %dma_start3A_764] : memref<4x1x128xi32, #tpu.memory_space<vmem>> -> memref<1x1x128xi32, #tpu.memory_space<vmem>>
      %dma_start3A_766 = tpu.memref_squeeze %dma_start3A_765 : memref<1x1x128xi32, #tpu.memory_space<vmem>> -> memref<1x128xi32, #tpu.memory_space<vmem>>
      %dma_start3A_767 = arith.constant 0 : i32
      %dma_start3A_768 = arith.constant 0 : i32
      %dma_start3A_769 = tpu.memref_slice %arg3[%add3A, %add3A_761, %dma_start3A_767, %dma_start3A_768] : memref<32x80x1x128xi32, #tpu.memory_space<hbm>> -> memref<1x1x1x128xi32, #tpu.memory_space<hbm>>
      %dma_start3A_770 = tpu.memref_squeeze %dma_start3A_769 : memref<1x1x1x128xi32, #tpu.memory_space<hbm>> -> memref<1x128xi32, #tpu.memory_space<hbm>>
      %dma_start3A_771 = arith.constant 0 : i32
      %dma_start3A_772 = arith.constant 0 : i32
      %dma_start3A_773 = tpu.memref_slice %arg7[%dma_start3A_762, %dma_start3A_771, %dma_start3A_772] : memref<4x1x128xi32, #tpu.memory_space<vmem>> -> memref<1x1x128xi32, #tpu.memory_space<vmem>>
      %dma_start3A_774 = tpu.memref_squeeze %dma_start3A_773 : memref<1x1x128xi32, #tpu.memory_space<vmem>> -> memref<1x128xi32, #tpu.memory_space<vmem>>
      %dma_start3A_775 = arith.constant 0 : i32
      %dma_start3A_776 = arith.constant 0 : i32
      %dma_start3A_777 = tpu.memref_slice %arg3[%add3A, %add3A_761, %dma_start3A_775, %dma_start3A_776] : memref<32x80x1x128xi32, #tpu.memory_space<hbm>> -> memref<1x1x1x128xi32, #tpu.memory_space<hbm>>
      %dma_start3A_778 = tpu.memref_squeeze %dma_start3A_777 : memref<1x1x1x128xi32, #tpu.memory_space<hbm>> -> memref<1x128xi32, #tpu.memory_space<hbm>>
      tpu.enqueue_dma source(%dma_start3A_778 : memref<1x128xi32, #tpu.memory_space<hbm>>) target(%dma_start3A_774 : memref<1x128xi32, #tpu.memory_space<vmem>>) target_semaphore(%arg19 : memref<!tpu.dma_semaphore, #tpu.memory_space<semaphore_mem>>)
      %dma_start3A_779 = arith.constant 3 : i32
      %dma_start3A_780 = arith.constant 0 : i32
      %dma_start3A_781 = arith.constant 0 : i32
      %dma_start3A_782 = tpu.memref_slice %arg8[%dma_start3A_779, %dma_start3A_780, %dma_start3A_781] : memref<4x1x128xi32, #tpu.memory_space<vmem>> -> memref<1x1x128xi32, #tpu.memory_space<vmem>>
      %dma_start3A_783 = tpu.memref_squeeze %dma_start3A_782 : memref<1x1x128xi32, #tpu.memory_space<vmem>> -> memref<1x128xi32, #tpu.memory_space<vmem>>
      %dma_start3A_784 = arith.constant 0 : i32
      %dma_start3A_785 = arith.constant 0 : i32
      %dma_start3A_786 = tpu.memref_slice %arg4[%add3A, %add3A_761, %dma_start3A_784, %dma_start3A_785] : memref<32x80x1x128xi32, #tpu.memory_space<hbm>> -> memref<1x1x1x128xi32, #tpu.memory_space<hbm>>
      %dma_start3A_787 = tpu.memref_squeeze %dma_start3A_786 : memref<1x1x1x128xi32, #tpu.memory_space<hbm>> -> memref<1x128xi32, #tpu.memory_space<hbm>>
      %dma_start3A_788 = arith.constant 0 : i32
      %dma_start3A_789 = arith.constant 0 : i32
      %dma_start3A_790 = tpu.memref_slice %arg8[%dma_start3A_779, %dma_start3A_788, %dma_start3A_789] : memref<4x1x128xi32, #tpu.memory_space<vmem>> -> memref<1x1x128xi32, #tpu.memory_space<vmem>>
      %dma_start3A_791 = tpu.memref_squeeze %dma_start3A_790 : memref<1x1x128xi32, #tpu.memory_space<vmem>> -> memref<1x128xi32, #tpu.memory_space<vmem>>
      %dma_start3A_792 = arith.constant 0 : i32
      %dma_start3A_793 = arith.constant 0 : i32
      %dma_start3A_794 = tpu.memref_slice %arg4[%add3A, %add3A_761, %dma_start3A_792, %dma_start3A_793] : memref<32x80x1x128xi32, #tpu.memory_space<hbm>> -> memref<1x1x1x128xi32, #tpu.memory_space<hbm>>
      %dma_start3A_795 = tpu.memref_squeeze %dma_start3A_794 : memref<1x1x1x128xi32, #tpu.memory_space<hbm>> -> memref<1x128xi32, #tpu.memory_space<hbm>>
      tpu.enqueue_dma source(%dma_start3A_795 : memref<1x128xi32, #tpu.memory_space<hbm>>) target(%dma_start3A_791 : memref<1x128xi32, #tpu.memory_space<vmem>>) target_semaphore(%arg23 : memref<!tpu.dma_semaphore, #tpu.memory_space<semaphore_mem>>)
      %dma_wait3A_796 = arith.constant 0 : i32
      %dma_wait3A_797 = arith.constant 1 : i32
      %dma_wait3A_798 = arith.constant 0 : i32
      %dma_wait3A_799 = arith.constant 0 : i32
      %dma_wait3A_800 = tpu.memref_slice %arg7[%dma_wait3A_797, %dma_wait3A_798, %dma_wait3A_799] : memref<4x1x128xi32, #tpu.memory_space<vmem>> -> memref<1x1x128xi32, #tpu.memory_space<vmem>>
      %dma_wait3A_801 = tpu.memref_squeeze %dma_wait3A_800 : memref<1x1x128xi32, #tpu.memory_space<vmem>> -> memref<1x128xi32, #tpu.memory_space<vmem>>
      %dma_wait3A_802 = arith.constant 0 : i32
      %dma_wait3A_803 = arith.constant 0 : i32
      %dma_wait3A_804 = tpu.memref_slice %arg3[%add3A, %dma_wait3A_796, %dma_wait3A_802, %dma_wait3A_803] : memref<32x80x1x128xi32, #tpu.memory_space<hbm>> -> memref<1x1x1x128xi32, #tpu.memory_space<hbm>>
      %dma_wait3A_805 = tpu.memref_squeeze %dma_wait3A_804 : memref<1x1x1x128xi32, #tpu.memory_space<hbm>> -> memref<1x128xi32, #tpu.memory_space<hbm>>
      %dma_wait3A_806 = arith.constant 0 : i32
      %dma_wait3A_807 = arith.constant 0 : i32
      %dma_wait3A_808 = tpu.memref_slice %arg7[%dma_wait3A_797, %dma_wait3A_806, %dma_wait3A_807] : memref<4x1x128xi32, #tpu.memory_space<vmem>> -> memref<1x1x128xi32, #tpu.memory_space<vmem>>
      %dma_wait3A_809 = tpu.memref_squeeze %dma_wait3A_808 : memref<1x1x128xi32, #tpu.memory_space<vmem>> -> memref<1x128xi32, #tpu.memory_space<vmem>>
      %dma_wait3A_810 = arith.constant 0 : i32
      %dma_wait3A_811 = arith.constant 0 : i32
      %dma_wait3A_812 = tpu.memref_slice %arg3[%add3A, %dma_wait3A_796, %dma_wait3A_810, %dma_wait3A_811] : memref<32x80x1x128xi32, #tpu.memory_space<hbm>> -> memref<1x1x1x128xi32, #tpu.memory_space<hbm>>
      %dma_wait3A_813 = tpu.memref_squeeze %dma_wait3A_812 : memref<1x1x1x128xi32, #tpu.memory_space<hbm>> -> memref<1x128xi32, #tpu.memory_space<hbm>>
      tpu.wait_dma2 semaphore(%arg17 : memref<!tpu.dma_semaphore, #tpu.memory_space<semaphore_mem>>) src(%dma_wait3A_813 : memref<1x128xi32, #tpu.memory_space<hbm>>) dst(%dma_wait3A_809 : memref<1x128xi32, #tpu.memory_space<vmem>>)
      %dma_start3A_814 = arith.constant 1 : i32
      %dma_start3A_815 = arith.constant 0 : i32
      %dma_start3A_816 = arith.constant 0 : i32
      %dma_start3A_817 = tpu.memref_slice %arg7[%dma_start3A_814, %dma_start3A_815, %dma_start3A_816] : memref<4x1x128xi32, #tpu.memory_space<vmem>> -> memref<1x1x128xi32, #tpu.memory_space<vmem>>
      %dma_start3A_818 = tpu.memref_squeeze %dma_start3A_817 : memref<1x1x128xi32, #tpu.memory_space<vmem>> -> memref<128xi32, #tpu.memory_space<vmem>>
      %dma_start3A_819 = arith.constant 0 : i32
      %dma_start3A_820 = arith.constant 0 : i32
      %dma_start3A_821 = tpu.memref_slice %arg2[%dma_start3A_819, %dma_start3A_820] : memref<10000x128xf32, #tpu.memory_space<hbm>> -> memref<10000x128xf32, #tpu.memory_space<hbm>>
      tpu.enqueue_indirect_dma source(%dma_start3A_821 : memref<10000x128xf32, #tpu.memory_space<hbm>>) target(%arg10 : memref<128x128xf32, #tpu.memory_space<vmem>>) offsets(%dma_start3A_818 : memref<128xi32, #tpu.memory_space<vmem>>) semaphore(%arg13 : memref<!tpu.dma_semaphore, #tpu.memory_space<semaphore_mem>>)
      %dma_wait3A_822 = arith.constant 0 : i32
      %dma_wait3A_823 = arith.constant 0 : i32
      %dma_wait3A_824 = arith.constant 0 : i32
      %dma_wait3A_825 = tpu.memref_slice %arg7[%dma_wait3A_822, %dma_wait3A_823, %dma_wait3A_824] : memref<4x1x128xi32, #tpu.memory_space<vmem>> -> memref<1x1x128xi32, #tpu.memory_space<vmem>>
      %dma_wait3A_826 = tpu.memref_squeeze %dma_wait3A_825 : memref<1x1x128xi32, #tpu.memory_space<vmem>> -> memref<128xi32, #tpu.memory_space<vmem>>
      %dma_wait3A_827 = arith.constant 0 : i32
      %dma_wait3A_828 = arith.constant 0 : i32
      %dma_wait3A_829 = tpu.memref_slice %arg2[%dma_wait3A_827, %dma_wait3A_828] : memref<10000x128xf32, #tpu.memory_space<hbm>> -> memref<10000x128xf32, #tpu.memory_space<hbm>>
      tpu.wait_indirect_dma semaphore(%arg12 : memref<!tpu.dma_semaphore, #tpu.memory_space<semaphore_mem>>) src(%dma_wait3A_829 : memref<10000x128xf32, #tpu.memory_space<hbm>>) dst(%arg9 : memref<128x128xf32, #tpu.memory_space<vmem>>)
      %dma_wait3A_830 = arith.constant 0 : i32
      %dma_wait3A_831 = arith.constant 0 : i32
      %dma_wait3A_832 = arith.constant 0 : i32
      %dma_wait3A_833 = arith.constant 0 : i32
      %dma_wait3A_834 = tpu.memref_slice %arg8[%dma_wait3A_831, %dma_wait3A_832, %dma_wait3A_833] : memref<4x1x128xi32, #tpu.memory_space<vmem>> -> memref<1x1x128xi32, #tpu.memory_space<vmem>>
      %dma_wait3A_835 = tpu.memref_squeeze %dma_wait3A_834 : memref<1x1x128xi32, #tpu.memory_space<vmem>> -> memref<1x128xi32, #tpu.memory_space<vmem>>
      %dma_wait3A_836 = arith.constant 0 : i32
      %dma_wait3A_837 = arith.constant 0 : i32
      %dma_wait3A_838 = tpu.memref_slice %arg4[%add3A, %dma_wait3A_830, %dma_wait3A_836, %dma_wait3A_837] : memref<32x80x1x128xi32, #tpu.memory_space<hbm>> -> memref<1x1x1x128xi32, #tpu.memory_space<hbm>>
      %dma_wait3A_839 = tpu.memref_squeeze %dma_wait3A_838 : memref<1x1x1x128xi32, #tpu.memory_space<hbm>> -> memref<1x128xi32, #tpu.memory_space<hbm>>
      %dma_wait3A_840 = arith.constant 0 : i32
      %dma_wait3A_841 = arith.constant 0 : i32
      %dma_wait3A_842 = tpu.memref_slice %arg8[%dma_wait3A_831, %dma_wait3A_840, %dma_wait3A_841] : memref<4x1x128xi32, #tpu.memory_space<vmem>> -> memref<1x1x128xi32, #tpu.memory_space<vmem>>
      %dma_wait3A_843 = tpu.memref_squeeze %dma_wait3A_842 : memref<1x1x128xi32, #tpu.memory_space<vmem>> -> memref<1x128xi32, #tpu.memory_space<vmem>>
      %dma_wait3A_844 = arith.constant 0 : i32
      %dma_wait3A_845 = arith.constant 0 : i32
      %dma_wait3A_846 = tpu.memref_slice %arg4[%add3A, %dma_wait3A_830, %dma_wait3A_844, %dma_wait3A_845] : memref<32x80x1x128xi32, #tpu.memory_space<hbm>> -> memref<1x1x1x128xi32, #tpu.memory_space<hbm>>
      %dma_wait3A_847 = tpu.memref_squeeze %dma_wait3A_846 : memref<1x1x1x128xi32, #tpu.memory_space<hbm>> -> memref<1x128xi32, #tpu.memory_space<hbm>>
      tpu.wait_dma2 semaphore(%arg20 : memref<!tpu.dma_semaphore, #tpu.memory_space<semaphore_mem>>) src(%dma_wait3A_847 : memref<1x128xi32, #tpu.memory_space<hbm>>) dst(%dma_wait3A_843 : memref<1x128xi32, #tpu.memory_space<vmem>>)
      %dma_start3A_848 = arith.constant 0 : i32
      %dma_start3A_849 = arith.constant 0 : i32
      %dma_start3A_850 = arith.constant 0 : i32
      %dma_start3A_851 = tpu.memref_slice %arg8[%dma_start3A_848, %dma_start3A_849, %dma_start3A_850] : memref<4x1x128xi32, #tpu.memory_space<vmem>> -> memref<1x1x128xi32, #tpu.memory_space<vmem>>
      %dma_start3A_852 = tpu.memref_squeeze %dma_start3A_851 : memref<1x1x128xi32, #tpu.memory_space<vmem>> -> memref<128xi32, #tpu.memory_space<vmem>>
      %dma_start3A_853 = arith.constant 0 : i32
      %dma_start3A_854 = arith.constant 0 : i32
      %dma_start3A_855 = tpu.memref_slice %arg11[%dma_start3A_853, %dma_start3A_854] : memref<10112x128xf32, #tpu.memory_space<vmem_shared>> -> memref<10112x128xf32, #tpu.memory_space<vmem_shared>>
      tpu.enqueue_indirect_dma source(%arg9 : memref<128x128xf32, #tpu.memory_space<vmem>>) target(%dma_start3A_855 : memref<10112x128xf32, #tpu.memory_space<vmem_shared>>) offsets(%dma_start3A_852 : memref<128xi32, #tpu.memory_space<vmem>>) semaphore(%arg14 : memref<!tpu.dma_semaphore, #tpu.memory_space<semaphore_mem>>) {add = true}
    }
    %scan3A_235 = arith.constant 19 : i32
    %dma_wait3A_236 = arith.constant 0 : i32
    %dma_wait3A_237 = arith.constant 0 : i32
    %dma_wait3A_238 = arith.constant 0 : i32
    %dma_wait3A_239 = tpu.memref_slice %arg8[%dma_wait3A_236, %dma_wait3A_237, %dma_wait3A_238] : memref<4x1x128xi32, #tpu.memory_space<vmem>> -> memref<1x1x128xi32, #tpu.memory_space<vmem>>
    %dma_wait3A_240 = tpu.memref_squeeze %dma_wait3A_239 : memref<1x1x128xi32, #tpu.memory_space<vmem>> -> memref<128xi32, #tpu.memory_space<vmem>>
    %dma_wait3A_241 = arith.constant 0 : i32
    %dma_wait3A_242 = arith.constant 0 : i32
    %dma_wait3A_243 = tpu.memref_slice %arg11[%dma_wait3A_241, %dma_wait3A_242] : memref<10112x128xf32, #tpu.memory_space<vmem_shared>> -> memref<10112x128xf32, #tpu.memory_space<vmem_shared>>
    tpu.wait_indirect_dma semaphore(%arg14 : memref<!tpu.dma_semaphore, #tpu.memory_space<semaphore_mem>>) src(%arg9 : memref<128x128xf32, #tpu.memory_space<vmem>>) dst(%dma_wait3A_243 : memref<10112x128xf32, #tpu.memory_space<vmem_shared>>)
    %dma_wait3A_244 = arith.constant 0 : i32
    %dma_wait3A_245 = arith.constant 2 : i32
    %dma_wait3A_246 = arith.constant 0 : i32
    %dma_wait3A_247 = arith.constant 0 : i32
    %dma_wait3A_248 = tpu.memref_slice %arg7[%dma_wait3A_245, %dma_wait3A_246, %dma_wait3A_247] : memref<4x1x128xi32, #tpu.memory_space<vmem>> -> memref<1x1x128xi32, #tpu.memory_space<vmem>>
    %dma_wait3A_249 = tpu.memref_squeeze %dma_wait3A_248 : memref<1x1x128xi32, #tpu.memory_space<vmem>> -> memref<1x128xi32, #tpu.memory_space<vmem>>
    %dma_wait3A_250 = arith.constant 0 : i32
    %dma_wait3A_251 = arith.constant 0 : i32
    %dma_wait3A_252 = tpu.memref_slice %arg3[%add3A, %dma_wait3A_244, %dma_wait3A_250, %dma_wait3A_251] : memref<32x80x1x128xi32, #tpu.memory_space<hbm>> -> memref<1x1x1x128xi32, #tpu.memory_space<hbm>>
    %dma_wait3A_253 = tpu.memref_squeeze %dma_wait3A_252 : memref<1x1x1x128xi32, #tpu.memory_space<hbm>> -> memref<1x128xi32, #tpu.memory_space<hbm>>
    %dma_wait3A_254 = arith.constant 0 : i32
    %dma_wait3A_255 = arith.constant 0 : i32
    %dma_wait3A_256 = tpu.memref_slice %arg7[%dma_wait3A_245, %dma_wait3A_254, %dma_wait3A_255] : memref<4x1x128xi32, #tpu.memory_space<vmem>> -> memref<1x1x128xi32, #tpu.memory_space<vmem>>
    %dma_wait3A_257 = tpu.memref_squeeze %dma_wait3A_256 : memref<1x1x128xi32, #tpu.memory_space<vmem>> -> memref<1x128xi32, #tpu.memory_space<vmem>>
    %dma_wait3A_258 = arith.constant 0 : i32
    %dma_wait3A_259 = arith.constant 0 : i32
    %dma_wait3A_260 = tpu.memref_slice %arg3[%add3A, %dma_wait3A_244, %dma_wait3A_258, %dma_wait3A_259] : memref<32x80x1x128xi32, #tpu.memory_space<hbm>> -> memref<1x1x1x128xi32, #tpu.memory_space<hbm>>
    %dma_wait3A_261 = tpu.memref_squeeze %dma_wait3A_260 : memref<1x1x1x128xi32, #tpu.memory_space<hbm>> -> memref<1x128xi32, #tpu.memory_space<hbm>>
    tpu.wait_dma2 semaphore(%arg18 : memref<!tpu.dma_semaphore, #tpu.memory_space<semaphore_mem>>) src(%dma_wait3A_261 : memref<1x128xi32, #tpu.memory_space<hbm>>) dst(%dma_wait3A_257 : memref<1x128xi32, #tpu.memory_space<vmem>>)
    %dma_start3A_262 = arith.constant 2 : i32
    %dma_start3A_263 = arith.constant 0 : i32
    %dma_start3A_264 = arith.constant 0 : i32
    %dma_start3A_265 = tpu.memref_slice %arg7[%dma_start3A_262, %dma_start3A_263, %dma_start3A_264] : memref<4x1x128xi32, #tpu.memory_space<vmem>> -> memref<1x1x128xi32, #tpu.memory_space<vmem>>
    %dma_start3A_266 = tpu.memref_squeeze %dma_start3A_265 : memref<1x1x128xi32, #tpu.memory_space<vmem>> -> memref<128xi32, #tpu.memory_space<vmem>>
    %dma_start3A_267 = arith.constant 0 : i32
    %dma_start3A_268 = arith.constant 0 : i32
    %dma_start3A_269 = tpu.memref_slice %arg2[%dma_start3A_267, %dma_start3A_268] : memref<10000x128xf32, #tpu.memory_space<hbm>> -> memref<10000x128xf32, #tpu.memory_space<hbm>>
    tpu.enqueue_indirect_dma source(%dma_start3A_269 : memref<10000x128xf32, #tpu.memory_space<hbm>>) target(%arg9 : memref<128x128xf32, #tpu.memory_space<vmem>>) offsets(%dma_start3A_266 : memref<128xi32, #tpu.memory_space<vmem>>) semaphore(%arg12 : memref<!tpu.dma_semaphore, #tpu.memory_space<semaphore_mem>>)
    %dma_wait3A_270 = arith.constant 0 : i32
    %dma_wait3A_271 = arith.constant 0 : i32
    %dma_wait3A_272 = arith.constant 0 : i32
    %dma_wait3A_273 = tpu.memref_slice %arg7[%dma_wait3A_270, %dma_wait3A_271, %dma_wait3A_272] : memref<4x1x128xi32, #tpu.memory_space<vmem>> -> memref<1x1x128xi32, #tpu.memory_space<vmem>>
    %dma_wait3A_274 = tpu.memref_squeeze %dma_wait3A_273 : memref<1x1x128xi32, #tpu.memory_space<vmem>> -> memref<128xi32, #tpu.memory_space<vmem>>
    %dma_wait3A_275 = arith.constant 0 : i32
    %dma_wait3A_276 = arith.constant 0 : i32
    %dma_wait3A_277 = tpu.memref_slice %arg2[%dma_wait3A_275, %dma_wait3A_276] : memref<10000x128xf32, #tpu.memory_space<hbm>> -> memref<10000x128xf32, #tpu.memory_space<hbm>>
    tpu.wait_indirect_dma semaphore(%arg13 : memref<!tpu.dma_semaphore, #tpu.memory_space<semaphore_mem>>) src(%dma_wait3A_277 : memref<10000x128xf32, #tpu.memory_space<hbm>>) dst(%arg10 : memref<128x128xf32, #tpu.memory_space<vmem>>)
    %dma_wait3A_278 = arith.constant 0 : i32
    %dma_wait3A_279 = arith.constant 1 : i32
    %dma_wait3A_280 = arith.constant 0 : i32
    %dma_wait3A_281 = arith.constant 0 : i32
    %dma_wait3A_282 = tpu.memref_slice %arg8[%dma_wait3A_279, %dma_wait3A_280, %dma_wait3A_281] : memref<4x1x128xi32, #tpu.memory_space<vmem>> -> memref<1x1x128xi32, #tpu.memory_space<vmem>>
    %dma_wait3A_283 = tpu.memref_squeeze %dma_wait3A_282 : memref<1x1x128xi32, #tpu.memory_space<vmem>> -> memref<1x128xi32, #tpu.memory_space<vmem>>
    %dma_wait3A_284 = arith.constant 0 : i32
    %dma_wait3A_285 = arith.constant 0 : i32
    %dma_wait3A_286 = tpu.memref_slice %arg4[%add3A, %dma_wait3A_278, %dma_wait3A_284, %dma_wait3A_285] : memref<32x80x1x128xi32, #tpu.memory_space<hbm>> -> memref<1x1x1x128xi32, #tpu.memory_space<hbm>>
    %dma_wait3A_287 = tpu.memref_squeeze %dma_wait3A_286 : memref<1x1x1x128xi32, #tpu.memory_space<hbm>> -> memref<1x128xi32, #tpu.memory_space<hbm>>
    %dma_wait3A_288 = arith.constant 0 : i32
    %dma_wait3A_289 = arith.constant 0 : i32
    %dma_wait3A_290 = tpu.memref_slice %arg8[%dma_wait3A_279, %dma_wait3A_288, %dma_wait3A_289] : memref<4x1x128xi32, #tpu.memory_space<vmem>> -> memref<1x1x128xi32, #tpu.memory_space<vmem>>
    %dma_wait3A_291 = tpu.memref_squeeze %dma_wait3A_290 : memref<1x1x128xi32, #tpu.memory_space<vmem>> -> memref<1x128xi32, #tpu.memory_space<vmem>>
    %dma_wait3A_292 = arith.constant 0 : i32
    %dma_wait3A_293 = arith.constant 0 : i32
    %dma_wait3A_294 = tpu.memref_slice %arg4[%add3A, %dma_wait3A_278, %dma_wait3A_292, %dma_wait3A_293] : memref<32x80x1x128xi32, #tpu.memory_space<hbm>> -> memref<1x1x1x128xi32, #tpu.memory_space<hbm>>
    %dma_wait3A_295 = tpu.memref_squeeze %dma_wait3A_294 : memref<1x1x1x128xi32, #tpu.memory_space<hbm>> -> memref<1x128xi32, #tpu.memory_space<hbm>>
    tpu.wait_dma2 semaphore(%arg21 : memref<!tpu.dma_semaphore, #tpu.memory_space<semaphore_mem>>) src(%dma_wait3A_295 : memref<1x128xi32, #tpu.memory_space<hbm>>) dst(%dma_wait3A_291 : memref<1x128xi32, #tpu.memory_space<vmem>>)
    %dma_start3A_296 = arith.constant 1 : i32
    %dma_start3A_297 = arith.constant 0 : i32
    %dma_start3A_298 = arith.constant 0 : i32
    %dma_start3A_299 = tpu.memref_slice %arg8[%dma_start3A_296, %dma_start3A_297, %dma_start3A_298] : memref<4x1x128xi32, #tpu.memory_space<vmem>> -> memref<1x1x128xi32, #tpu.memory_space<vmem>>
    %dma_start3A_300 = tpu.memref_squeeze %dma_start3A_299 : memref<1x1x128xi32, #tpu.memory_space<vmem>> -> memref<128xi32, #tpu.memory_space<vmem>>
    %dma_start3A_301 = arith.constant 0 : i32
    %dma_start3A_302 = arith.constant 0 : i32
    %dma_start3A_303 = tpu.memref_slice %arg11[%dma_start3A_301, %dma_start3A_302] : memref<10112x128xf32, #tpu.memory_space<vmem_shared>> -> memref<10112x128xf32, #tpu.memory_space<vmem_shared>>
    tpu.enqueue_indirect_dma source(%arg10 : memref<128x128xf32, #tpu.memory_space<vmem>>) target(%dma_start3A_303 : memref<10112x128xf32, #tpu.memory_space<vmem_shared>>) offsets(%dma_start3A_300 : memref<128xi32, #tpu.memory_space<vmem>>) semaphore(%arg15 : memref<!tpu.dma_semaphore, #tpu.memory_space<semaphore_mem>>) {add = true}
    %dma_wait3A_304 = arith.constant 0 : i32
    %dma_wait3A_305 = arith.constant 0 : i32
    %dma_wait3A_306 = arith.constant 0 : i32
    %dma_wait3A_307 = tpu.memref_slice %arg8[%dma_wait3A_304, %dma_wait3A_305, %dma_wait3A_306] : memref<4x1x128xi32, #tpu.memory_space<vmem>> -> memref<1x1x128xi32, #tpu.memory_space<vmem>>
    %dma_wait3A_308 = tpu.memref_squeeze %dma_wait3A_307 : memref<1x1x128xi32, #tpu.memory_space<vmem>> -> memref<128xi32, #tpu.memory_space<vmem>>
    %dma_wait3A_309 = arith.constant 0 : i32
    %dma_wait3A_310 = arith.constant 0 : i32
    %dma_wait3A_311 = tpu.memref_slice %arg11[%dma_wait3A_309, %dma_wait3A_310] : memref<10112x128xf32, #tpu.memory_space<vmem_shared>> -> memref<10112x128xf32, #tpu.memory_space<vmem_shared>>
    tpu.wait_indirect_dma semaphore(%arg15 : memref<!tpu.dma_semaphore, #tpu.memory_space<semaphore_mem>>) src(%arg10 : memref<128x128xf32, #tpu.memory_space<vmem>>) dst(%dma_wait3A_311 : memref<10112x128xf32, #tpu.memory_space<vmem_shared>>)
    %dma_wait3A_312 = arith.constant 0 : i32
    %dma_wait3A_313 = arith.constant 3 : i32
    %dma_wait3A_314 = arith.constant 0 : i32
    %dma_wait3A_315 = arith.constant 0 : i32
    %dma_wait3A_316 = tpu.memref_slice %arg7[%dma_wait3A_313, %dma_wait3A_314, %dma_wait3A_315] : memref<4x1x128xi32, #tpu.memory_space<vmem>> -> memref<1x1x128xi32, #tpu.memory_space<vmem>>
    %dma_wait3A_317 = tpu.memref_squeeze %dma_wait3A_316 : memref<1x1x128xi32, #tpu.memory_space<vmem>> -> memref<1x128xi32, #tpu.memory_space<vmem>>
    %dma_wait3A_318 = arith.constant 0 : i32
    %dma_wait3A_319 = arith.constant 0 : i32
    %dma_wait3A_320 = tpu.memref_slice %arg3[%add3A, %dma_wait3A_312, %dma_wait3A_318, %dma_wait3A_319] : memref<32x80x1x128xi32, #tpu.memory_space<hbm>> -> memref<1x1x1x128xi32, #tpu.memory_space<hbm>>
    %dma_wait3A_321 = tpu.memref_squeeze %dma_wait3A_320 : memref<1x1x1x128xi32, #tpu.memory_space<hbm>> -> memref<1x128xi32, #tpu.memory_space<hbm>>
    %dma_wait3A_322 = arith.constant 0 : i32
    %dma_wait3A_323 = arith.constant 0 : i32
    %dma_wait3A_324 = tpu.memref_slice %arg7[%dma_wait3A_313, %dma_wait3A_322, %dma_wait3A_323] : memref<4x1x128xi32, #tpu.memory_space<vmem>> -> memref<1x1x128xi32, #tpu.memory_space<vmem>>
    %dma_wait3A_325 = tpu.memref_squeeze %dma_wait3A_324 : memref<1x1x128xi32, #tpu.memory_space<vmem>> -> memref<1x128xi32, #tpu.memory_space<vmem>>
    %dma_wait3A_326 = arith.constant 0 : i32
    %dma_wait3A_327 = arith.constant 0 : i32
    %dma_wait3A_328 = tpu.memref_slice %arg3[%add3A, %dma_wait3A_312, %dma_wait3A_326, %dma_wait3A_327] : memref<32x80x1x128xi32, #tpu.memory_space<hbm>> -> memref<1x1x1x128xi32, #tpu.memory_space<hbm>>
    %dma_wait3A_329 = tpu.memref_squeeze %dma_wait3A_328 : memref<1x1x1x128xi32, #tpu.memory_space<hbm>> -> memref<1x128xi32, #tpu.memory_space<hbm>>
    tpu.wait_dma2 semaphore(%arg19 : memref<!tpu.dma_semaphore, #tpu.memory_space<semaphore_mem>>) src(%dma_wait3A_329 : memref<1x128xi32, #tpu.memory_space<hbm>>) dst(%dma_wait3A_325 : memref<1x128xi32, #tpu.memory_space<vmem>>)
    %dma_start3A_330 = arith.constant 3 : i32
    %dma_start3A_331 = arith.constant 0 : i32
    %dma_start3A_332 = arith.constant 0 : i32
    %dma_start3A_333 = tpu.memref_slice %arg7[%dma_start3A_330, %dma_start3A_331, %dma_start3A_332] : memref<4x1x128xi32, #tpu.memory_space<vmem>> -> memref<1x1x128xi32, #tpu.memory_space<vmem>>
    %dma_start3A_334 = tpu.memref_squeeze %dma_start3A_333 : memref<1x1x128xi32, #tpu.memory_space<vmem>> -> memref<128xi32, #tpu.memory_space<vmem>>
    %dma_start3A_335 = arith.constant 0 : i32
    %dma_start3A_336 = arith.constant 0 : i32
    %dma_start3A_337 = tpu.memref_slice %arg2[%dma_start3A_335, %dma_start3A_336] : memref<10000x128xf32, #tpu.memory_space<hbm>> -> memref<10000x128xf32, #tpu.memory_space<hbm>>
    tpu.enqueue_indirect_dma source(%dma_start3A_337 : memref<10000x128xf32, #tpu.memory_space<hbm>>) target(%arg10 : memref<128x128xf32, #tpu.memory_space<vmem>>) offsets(%dma_start3A_334 : memref<128xi32, #tpu.memory_space<vmem>>) semaphore(%arg13 : memref<!tpu.dma_semaphore, #tpu.memory_space<semaphore_mem>>)
    %dma_wait3A_338 = arith.constant 0 : i32
    %dma_wait3A_339 = arith.constant 0 : i32
    %dma_wait3A_340 = arith.constant 0 : i32
    %dma_wait3A_341 = tpu.memref_slice %arg7[%dma_wait3A_338, %dma_wait3A_339, %dma_wait3A_340] : memref<4x1x128xi32, #tpu.memory_space<vmem>> -> memref<1x1x128xi32, #tpu.memory_space<vmem>>
    %dma_wait3A_342 = tpu.memref_squeeze %dma_wait3A_341 : memref<1x1x128xi32, #tpu.memory_space<vmem>> -> memref<128xi32, #tpu.memory_space<vmem>>
    %dma_wait3A_343 = arith.constant 0 : i32
    %dma_wait3A_344 = arith.constant 0 : i32
    %dma_wait3A_345 = tpu.memref_slice %arg2[%dma_wait3A_343, %dma_wait3A_344] : memref<10000x128xf32, #tpu.memory_space<hbm>> -> memref<10000x128xf32, #tpu.memory_space<hbm>>
    tpu.wait_indirect_dma semaphore(%arg12 : memref<!tpu.dma_semaphore, #tpu.memory_space<semaphore_mem>>) src(%dma_wait3A_345 : memref<10000x128xf32, #tpu.memory_space<hbm>>) dst(%arg9 : memref<128x128xf32, #tpu.memory_space<vmem>>)
    %dma_wait3A_346 = arith.constant 0 : i32
    %dma_wait3A_347 = arith.constant 2 : i32
    %dma_wait3A_348 = arith.constant 0 : i32
    %dma_wait3A_349 = arith.constant 0 : i32
    %dma_wait3A_350 = tpu.memref_slice %arg8[%dma_wait3A_347, %dma_wait3A_348, %dma_wait3A_349] : memref<4x1x128xi32, #tpu.memory_space<vmem>> -> memref<1x1x128xi32, #tpu.memory_space<vmem>>
    %dma_wait3A_351 = tpu.memref_squeeze %dma_wait3A_350 : memref<1x1x128xi32, #tpu.memory_space<vmem>> -> memref<1x128xi32, #tpu.memory_space<vmem>>
    %dma_wait3A_352 = arith.constant 0 : i32
    %dma_wait3A_353 = arith.constant 0 : i32
    %dma_wait3A_354 = tpu.memref_slice %arg4[%add3A, %dma_wait3A_346, %dma_wait3A_352, %dma_wait3A_353] : memref<32x80x1x128xi32, #tpu.memory_space<hbm>> -> memref<1x1x1x128xi32, #tpu.memory_space<hbm>>
    %dma_wait3A_355 = tpu.memref_squeeze %dma_wait3A_354 : memref<1x1x1x128xi32, #tpu.memory_space<hbm>> -> memref<1x128xi32, #tpu.memory_space<hbm>>
    %dma_wait3A_356 = arith.constant 0 : i32
    %dma_wait3A_357 = arith.constant 0 : i32
    %dma_wait3A_358 = tpu.memref_slice %arg8[%dma_wait3A_347, %dma_wait3A_356, %dma_wait3A_357] : memref<4x1x128xi32, #tpu.memory_space<vmem>> -> memref<1x1x128xi32, #tpu.memory_space<vmem>>
    %dma_wait3A_359 = tpu.memref_squeeze %dma_wait3A_358 : memref<1x1x128xi32, #tpu.memory_space<vmem>> -> memref<1x128xi32, #tpu.memory_space<vmem>>
    %dma_wait3A_360 = arith.constant 0 : i32
    %dma_wait3A_361 = arith.constant 0 : i32
    %dma_wait3A_362 = tpu.memref_slice %arg4[%add3A, %dma_wait3A_346, %dma_wait3A_360, %dma_wait3A_361] : memref<32x80x1x128xi32, #tpu.memory_space<hbm>> -> memref<1x1x1x128xi32, #tpu.memory_space<hbm>>
    %dma_wait3A_363 = tpu.memref_squeeze %dma_wait3A_362 : memref<1x1x1x128xi32, #tpu.memory_space<hbm>> -> memref<1x128xi32, #tpu.memory_space<hbm>>
    tpu.wait_dma2 semaphore(%arg22 : memref<!tpu.dma_semaphore, #tpu.memory_space<semaphore_mem>>) src(%dma_wait3A_363 : memref<1x128xi32, #tpu.memory_space<hbm>>) dst(%dma_wait3A_359 : memref<1x128xi32, #tpu.memory_space<vmem>>)
    %dma_start3A_364 = arith.constant 2 : i32
    %dma_start3A_365 = arith.constant 0 : i32
    %dma_start3A_366 = arith.constant 0 : i32
    %dma_start3A_367 = tpu.memref_slice %arg8[%dma_start3A_364, %dma_start3A_365, %dma_start3A_366] : memref<4x1x128xi32, #tpu.memory_space<vmem>> -> memref<1x1x128xi32, #tpu.memory_space<vmem>>
    %dma_start3A_368 = tpu.memref_squeeze %dma_start3A_367 : memref<1x1x128xi32, #tpu.memory_space<vmem>> -> memref<128xi32, #tpu.memory_space<vmem>>
    %dma_start3A_369 = arith.constant 0 : i32
    %dma_start3A_370 = arith.constant 0 : i32
    %dma_start3A_371 = tpu.memref_slice %arg11[%dma_start3A_369, %dma_start3A_370] : memref<10112x128xf32, #tpu.memory_space<vmem_shared>> -> memref<10112x128xf32, #tpu.memory_space<vmem_shared>>
    tpu.enqueue_indirect_dma source(%arg9 : memref<128x128xf32, #tpu.memory_space<vmem>>) target(%dma_start3A_371 : memref<10112x128xf32, #tpu.memory_space<vmem_shared>>) offsets(%dma_start3A_368 : memref<128xi32, #tpu.memory_space<vmem>>) semaphore(%arg14 : memref<!tpu.dma_semaphore, #tpu.memory_space<semaphore_mem>>) {add = true}
    %dma_wait3A_372 = arith.constant 0 : i32
    %dma_wait3A_373 = arith.constant 0 : i32
    %dma_wait3A_374 = arith.constant 0 : i32
    %dma_wait3A_375 = tpu.memref_slice %arg7[%dma_wait3A_372, %dma_wait3A_373, %dma_wait3A_374] : memref<4x1x128xi32, #tpu.memory_space<vmem>> -> memref<1x1x128xi32, #tpu.memory_space<vmem>>
    %dma_wait3A_376 = tpu.memref_squeeze %dma_wait3A_375 : memref<1x1x128xi32, #tpu.memory_space<vmem>> -> memref<128xi32, #tpu.memory_space<vmem>>
    %dma_wait3A_377 = arith.constant 0 : i32
    %dma_wait3A_378 = arith.constant 0 : i32
    %dma_wait3A_379 = tpu.memref_slice %arg2[%dma_wait3A_377, %dma_wait3A_378] : memref<10000x128xf32, #tpu.memory_space<hbm>> -> memref<10000x128xf32, #tpu.memory_space<hbm>>
    tpu.wait_indirect_dma semaphore(%arg13 : memref<!tpu.dma_semaphore, #tpu.memory_space<semaphore_mem>>) src(%dma_wait3A_379 : memref<10000x128xf32, #tpu.memory_space<hbm>>) dst(%arg10 : memref<128x128xf32, #tpu.memory_space<vmem>>)
    %dma_wait3A_380 = arith.constant 0 : i32
    %dma_wait3A_381 = arith.constant 3 : i32
    %dma_wait3A_382 = arith.constant 0 : i32
    %dma_wait3A_383 = arith.constant 0 : i32
    %dma_wait3A_384 = tpu.memref_slice %arg8[%dma_wait3A_381, %dma_wait3A_382, %dma_wait3A_383] : memref<4x1x128xi32, #tpu.memory_space<vmem>> -> memref<1x1x128xi32, #tpu.memory_space<vmem>>
    %dma_wait3A_385 = tpu.memref_squeeze %dma_wait3A_384 : memref<1x1x128xi32, #tpu.memory_space<vmem>> -> memref<1x128xi32, #tpu.memory_space<vmem>>
    %dma_wait3A_386 = arith.constant 0 : i32
    %dma_wait3A_387 = arith.constant 0 : i32
    %dma_wait3A_388 = tpu.memref_slice %arg4[%add3A, %dma_wait3A_380, %dma_wait3A_386, %dma_wait3A_387] : memref<32x80x1x128xi32, #tpu.memory_space<hbm>> -> memref<1x1x1x128xi32, #tpu.memory_space<hbm>>
    %dma_wait3A_389 = tpu.memref_squeeze %dma_wait3A_388 : memref<1x1x1x128xi32, #tpu.memory_space<hbm>> -> memref<1x128xi32, #tpu.memory_space<hbm>>
    %dma_wait3A_390 = arith.constant 0 : i32
    %dma_wait3A_391 = arith.constant 0 : i32
    %dma_wait3A_392 = tpu.memref_slice %arg8[%dma_wait3A_381, %dma_wait3A_390, %dma_wait3A_391] : memref<4x1x128xi32, #tpu.memory_space<vmem>> -> memref<1x1x128xi32, #tpu.memory_space<vmem>>
    %dma_wait3A_393 = tpu.memref_squeeze %dma_wait3A_392 : memref<1x1x128xi32, #tpu.memory_space<vmem>> -> memref<1x128xi32, #tpu.memory_space<vmem>>
    %dma_wait3A_394 = arith.constant 0 : i32
    %dma_wait3A_395 = arith.constant 0 : i32
    %dma_wait3A_396 = tpu.memref_slice %arg4[%add3A, %dma_wait3A_380, %dma_wait3A_394, %dma_wait3A_395] : memref<32x80x1x128xi32, #tpu.memory_space<hbm>> -> memref<1x1x1x128xi32, #tpu.memory_space<hbm>>
    %dma_wait3A_397 = tpu.memref_squeeze %dma_wait3A_396 : memref<1x1x1x128xi32, #tpu.memory_space<hbm>> -> memref<1x128xi32, #tpu.memory_space<hbm>>
    tpu.wait_dma2 semaphore(%arg23 : memref<!tpu.dma_semaphore, #tpu.memory_space<semaphore_mem>>) src(%dma_wait3A_397 : memref<1x128xi32, #tpu.memory_space<hbm>>) dst(%dma_wait3A_393 : memref<1x128xi32, #tpu.memory_space<vmem>>)
    %dma_start3A_398 = arith.constant 3 : i32
    %dma_start3A_399 = arith.constant 0 : i32
    %dma_start3A_400 = arith.constant 0 : i32
    %dma_start3A_401 = tpu.memref_slice %arg8[%dma_start3A_398, %dma_start3A_399, %dma_start3A_400] : memref<4x1x128xi32, #tpu.memory_space<vmem>> -> memref<1x1x128xi32, #tpu.memory_space<vmem>>
    %dma_start3A_402 = tpu.memref_squeeze %dma_start3A_401 : memref<1x1x128xi32, #tpu.memory_space<vmem>> -> memref<128xi32, #tpu.memory_space<vmem>>
    %dma_start3A_403 = arith.constant 0 : i32
    %dma_start3A_404 = arith.constant 0 : i32
    %dma_start3A_405 = tpu.memref_slice %arg11[%dma_start3A_403, %dma_start3A_404] : memref<10112x128xf32, #tpu.memory_space<vmem_shared>> -> memref<10112x128xf32, #tpu.memory_space<vmem_shared>>
    tpu.enqueue_indirect_dma source(%arg10 : memref<128x128xf32, #tpu.memory_space<vmem>>) target(%dma_start3A_405 : memref<10112x128xf32, #tpu.memory_space<vmem_shared>>) offsets(%dma_start3A_402 : memref<128xi32, #tpu.memory_space<vmem>>) semaphore(%arg15 : memref<!tpu.dma_semaphore, #tpu.memory_space<semaphore_mem>>) {add = true}
    %dma_wait3A_406 = arith.constant 0 : i32
    %dma_wait3A_407 = arith.constant 0 : i32
    %dma_wait3A_408 = arith.constant 0 : i32
    %dma_wait3A_409 = tpu.memref_slice %arg8[%dma_wait3A_406, %dma_wait3A_407, %dma_wait3A_408] : memref<4x1x128xi32, #tpu.memory_space<vmem>> -> memref<1x1x128xi32, #tpu.memory_space<vmem>>
    %dma_wait3A_410 = tpu.memref_squeeze %dma_wait3A_409 : memref<1x1x128xi32, #tpu.memory_space<vmem>> -> memref<128xi32, #tpu.memory_space<vmem>>
    %dma_wait3A_411 = arith.constant 0 : i32
    %dma_wait3A_412 = arith.constant 0 : i32
    %dma_wait3A_413 = tpu.memref_slice %arg11[%dma_wait3A_411, %dma_wait3A_412] : memref<10112x128xf32, #tpu.memory_space<vmem_shared>> -> memref<10112x128xf32, #tpu.memory_space<vmem_shared>>
    tpu.wait_indirect_dma semaphore(%arg14 : memref<!tpu.dma_semaphore, #tpu.memory_space<semaphore_mem>>) src(%arg9 : memref<128x128xf32, #tpu.memory_space<vmem>>) dst(%dma_wait3A_413 : memref<10112x128xf32, #tpu.memory_space<vmem_shared>>)
    %dma_wait3A_414 = arith.constant 0 : i32
    %dma_wait3A_415 = arith.constant 0 : i32
    %dma_wait3A_416 = arith.constant 0 : i32
    %dma_wait3A_417 = tpu.memref_slice %arg8[%dma_wait3A_414, %dma_wait3A_415, %dma_wait3A_416] : memref<4x1x128xi32, #tpu.memory_space<vmem>> -> memref<1x1x128xi32, #tpu.memory_space<vmem>>
    %dma_wait3A_418 = tpu.memref_squeeze %dma_wait3A_417 : memref<1x1x128xi32, #tpu.memory_space<vmem>> -> memref<128xi32, #tpu.memory_space<vmem>>
    %dma_wait3A_419 = arith.constant 0 : i32
    %dma_wait3A_420 = arith.constant 0 : i32
    %dma_wait3A_421 = tpu.memref_slice %arg11[%dma_wait3A_419, %dma_wait3A_420] : memref<10112x128xf32, #tpu.memory_space<vmem_shared>> -> memref<10112x128xf32, #tpu.memory_space<vmem_shared>>
    tpu.wait_indirect_dma semaphore(%arg15 : memref<!tpu.dma_semaphore, #tpu.memory_space<semaphore_mem>>) src(%arg10 : memref<128x128xf32, #tpu.memory_space<vmem>>) dst(%dma_wait3A_421 : memref<10112x128xf32, #tpu.memory_space<vmem_shared>>)
    %barrier3A_422 = arith.constant 0 : index
    tpu.barrier barrier_id(%barrier3A_422)
    %mul3A_423 = arith.constant 632 : i32
    %mul3A_424 = arith.muli %arg1, %mul3A_423 : i32
    %mul3A_425 = arith.constant 632 : i32
    %mul3A_426 = arith.muli %arg1, %mul3A_425 : i32
    "tpu.region"() ({
      %run_scoped3A = tpu.sem_alloc : memref<!tpu.dma_semaphore, #tpu.memory_space<semaphore_mem>>
      %dma_start3A_427 = arith.constant 0 : i32
      %dma_start3A_428 = tpu.memref_slice %arg6[%arg0, %mul3A_426, %dma_start3A_427] : memref<2x10112x128xf32, #tpu.memory_space<hbm>> -> memref<1x632x128xf32, #tpu.memory_space<hbm>>
      %dma_start3A_429 = tpu.memref_squeeze %dma_start3A_428 : memref<1x632x128xf32, #tpu.memory_space<hbm>> -> memref<632x128xf32, #tpu.memory_space<hbm>>
      %dma_start3A_430 = arith.constant 0 : i32
      %dma_start3A_431 = tpu.memref_slice %arg11[%mul3A_424, %dma_start3A_430] : memref<10112x128xf32, #tpu.memory_space<vmem_shared>> -> memref<632x128xf32, #tpu.memory_space<vmem_shared>>
      tpu.enqueue_dma source(%dma_start3A_431 : memref<632x128xf32, #tpu.memory_space<vmem_shared>>) target(%dma_start3A_429 : memref<632x128xf32, #tpu.memory_space<hbm>>) target_semaphore(%run_scoped3A : memref<!tpu.dma_semaphore, #tpu.memory_space<semaphore_mem>>)
      %dma_wait3A_432 = arith.constant 0 : i32
      %dma_wait3A_433 = tpu.memref_slice %arg6[%arg0, %mul3A_426, %dma_wait3A_432] : memref<2x10112x128xf32, #tpu.memory_space<hbm>> -> memref<1x632x128xf32, #tpu.memory_space<hbm>>
      %dma_wait3A_434 = tpu.memref_squeeze %dma_wait3A_433 : memref<1x632x128xf32, #tpu.memory_space<hbm>> -> memref<632x128xf32, #tpu.memory_space<hbm>>
      %dma_wait3A_435 = arith.constant 0 : i32
      %dma_wait3A_436 = tpu.memref_slice %arg11[%mul3A_424, %dma_wait3A_435] : memref<10112x128xf32, #tpu.memory_space<vmem_shared>> -> memref<632x128xf32, #tpu.memory_space<vmem_shared>>
      tpu.wait_dma2 semaphore(%run_scoped3A : memref<!tpu.dma_semaphore, #tpu.memory_space<semaphore_mem>>) src(%dma_wait3A_436 : memref<632x128xf32, #tpu.memory_space<vmem_shared>>) dst(%dma_wait3A_434 : memref<632x128xf32, #tpu.memory_space<hbm>>)
      tpu.yield
    }) : () -> ()
    return
  }
}

module attributes {stable_mosaic.version = 14 : i64} {
  func.func @_mlp_head_body(%arg0: memref<2x10112x128xf32, #tpu.memory_space<vmem>>, %arg1: memref<10000x128xf32, #tpu.memory_space<vmem>>, %arg2: memref<128x128xf32, #tpu.memory_space<vmem>>, %arg3: memref<1x128xf32, #tpu.memory_space<vmem>>, %arg4: memref<1x128xf32, #tpu.memory_space<vmem>>, %arg5: memref<1x128xf32, #tpu.memory_space<vmem>>, %arg6: memref<128x128xf32, #tpu.memory_space<vmem>>, %arg7: memref<1x128xf32, #tpu.memory_space<vmem>>, %arg8: memref<128x128xf32, #tpu.memory_space<vmem>>, %arg9: memref<1x128xf32, #tpu.memory_space<vmem>>, %arg10: memref<128x64xf32, #tpu.memory_space<vmem>>, %arg11: memref<1x64xf32, #tpu.memory_space<vmem>>, %arg12: memref<10000x64xf32, #tpu.memory_space<vmem>>) attributes {dimension_semantics = [], scalar_prefetch = 0 : i64, scratch_operands = 0 : i64, tpu.core_type = #tpu.core_type<tc>} {
    %get3A = arith.constant 0 : index
    %get3A_0 = arith.constant 0 : index
    %get3A_1 = arith.constant 0 : index
    %get3A_2 = vector.load %arg0[%get3A, %get3A_0, %get3A_1] : memref<2x10112x128xf32, #tpu.memory_space<vmem>>, vector<1x10000x128xf32>
    %get3A_3 = vector.shape_cast %get3A_2 : vector<1x10000x128xf32> to vector<10000x128xf32>
    %get3A_4 = arith.constant 1 : index
    %get3A_5 = arith.constant 0 : index
    %get3A_6 = arith.constant 0 : index
    %get3A_7 = vector.load %arg0[%get3A_4, %get3A_5, %get3A_6] : memref<2x10112x128xf32, #tpu.memory_space<vmem>>, vector<1x10000x128xf32>
    %get3A_8 = vector.shape_cast %get3A_7 : vector<1x10000x128xf32> to vector<10000x128xf32>
    %add3A = arith.addf %get3A_3, %get3A_8 : vector<10000x128xf32>
    %get3A_9 = arith.constant 0 : index
    %get3A_10 = arith.constant 0 : index
    %get3A_11 = vector.load %arg1[%get3A_9, %get3A_10] : memref<10000x128xf32, #tpu.memory_space<vmem>>, vector<10000x128xf32>
    %add3A_12 = arith.addf %add3A, %get3A_11 : vector<10000x128xf32>
    %get3A_13 = arith.constant 0 : index
    %get3A_14 = arith.constant 0 : index
    %get3A_15 = vector.load %arg2[%get3A_13, %get3A_14] : memref<128x128xf32, #tpu.memory_space<vmem>>, vector<128x128xf32>
    %dot_general3A = arith.constant dense<0.000000e+00> : vector<10000x128xf32>
    %dot_general3A_16 = tpu.matmul %add3A_12, %get3A_15, %dot_general3A {dimension_numbers = #tpu.dot_dimension_numbers<[1], [0], [0], [1], [0, 0, 1, 1], [], []>, transpose_lhs_hint = false} : vector<10000x128xf32>, vector<128x128xf32>, vector<10000x128xf32> -> vector<10000x128xf32>
    %get3A_17 = arith.constant 0 : index
    %get3A_18 = arith.constant 0 : index
    %get3A_19 = vector.load %arg3[%get3A_17, %get3A_18] : memref<1x128xf32, #tpu.memory_space<vmem>>, vector<1x128xf32>
    %add3A_20 = vector.broadcast %get3A_19 : vector<1x128xf32> to vector<10000x128xf32>
    %add3A_21 = arith.addf %dot_general3A_16, %add3A_20 : vector<10000x128xf32>
    %reduce_sum3A = arith.constant dense<0.000000e+00> : vector<128xf32>
    %reduce_sum3A_22 = vector.multi_reduction <add>, %add3A_21, %reduce_sum3A [0] : vector<10000x128xf32> to vector<128xf32>
    %broadcast_in_dim3A = vector.shape_cast %reduce_sum3A_22 : vector<128xf32> to vector<1x128xf32>
    %div3A = arith.constant 1.000000e+04 : f32
    %div3A_23 = vector.broadcast %div3A : f32 to vector<1x128xf32>
    %div3A_24 = arith.divf %broadcast_in_dim3A, %div3A_23 : vector<1x128xf32>
    %sub3A = vector.broadcast %div3A_24 : vector<1x128xf32> to vector<10000x128xf32>
    %sub3A_25 = arith.subf %add3A_21, %sub3A : vector<10000x128xf32>
    %mul3A = arith.mulf %sub3A_25, %sub3A_25 : vector<10000x128xf32>
    %reduce_sum3A_26 = arith.constant dense<0.000000e+00> : vector<128xf32>
    %reduce_sum3A_27 = vector.multi_reduction <add>, %mul3A, %reduce_sum3A_26 [0] : vector<10000x128xf32> to vector<128xf32>
    %broadcast_in_dim3A_28 = vector.shape_cast %reduce_sum3A_27 : vector<128xf32> to vector<1x128xf32>
    %div3A_29 = arith.constant 1.000000e+04 : f32
    %div3A_30 = vector.broadcast %div3A_29 : f32 to vector<1x128xf32>
    %div3A_31 = arith.divf %broadcast_in_dim3A_28, %div3A_30 : vector<1x128xf32>
    %get3A_32 = arith.constant 0 : index
    %get3A_33 = arith.constant 0 : index
    %get3A_34 = vector.load %arg4[%get3A_32, %get3A_33] : memref<1x128xf32, #tpu.memory_space<vmem>>, vector<1x128xf32>
    %mul3A_35 = vector.broadcast %get3A_34 : vector<1x128xf32> to vector<10000x128xf32>
    %mul3A_36 = arith.mulf %mul3A_35, %sub3A_25 : vector<10000x128xf32>
    %add3A_37 = arith.constant 9.99999974E-6 : f32
    %add3A_38 = vector.broadcast %add3A_37 : f32 to vector<1x128xf32>
    %add3A_39 = arith.addf %div3A_31, %add3A_38 : vector<1x128xf32>
    %rsqrt3A = math.rsqrt %add3A_39 : vector<1x128xf32>
    %mul3A_40 = vector.broadcast %rsqrt3A : vector<1x128xf32> to vector<10000x128xf32>
    %mul3A_41 = arith.mulf %mul3A_36, %mul3A_40 : vector<10000x128xf32>
    %get3A_42 = arith.constant 0 : index
    %get3A_43 = arith.constant 0 : index
    %get3A_44 = vector.load %arg5[%get3A_42, %get3A_43] : memref<1x128xf32, #tpu.memory_space<vmem>>, vector<1x128xf32>
    %add3A_45 = vector.broadcast %get3A_44 : vector<1x128xf32> to vector<10000x128xf32>
    %add3A_46 = arith.addf %mul3A_41, %add3A_45 : vector<10000x128xf32>
    %max3A = arith.constant 0.000000e+00 : f32
    %max3A_47 = vector.broadcast %max3A : f32 to vector<10000x128xf32>
    %max3A_48 = arith.maximumf %add3A_46, %max3A_47 : vector<10000x128xf32>
    %get3A_49 = arith.constant 0 : index
    %get3A_50 = arith.constant 0 : index
    %get3A_51 = vector.load %arg6[%get3A_49, %get3A_50] : memref<128x128xf32, #tpu.memory_space<vmem>>, vector<128x128xf32>
    %dot_general3A_52 = arith.constant dense<0.000000e+00> : vector<10000x128xf32>
    %dot_general3A_53 = tpu.matmul %max3A_48, %get3A_51, %dot_general3A_52 {dimension_numbers = #tpu.dot_dimension_numbers<[1], [0], [0], [1], [0, 0, 1, 1], [], []>, transpose_lhs_hint = false} : vector<10000x128xf32>, vector<128x128xf32>, vector<10000x128xf32> -> vector<10000x128xf32>
    %get3A_54 = arith.constant 0 : index
    %get3A_55 = arith.constant 0 : index
    %get3A_56 = vector.load %arg7[%get3A_54, %get3A_55] : memref<1x128xf32, #tpu.memory_space<vmem>>, vector<1x128xf32>
    %add3A_57 = vector.broadcast %get3A_56 : vector<1x128xf32> to vector<10000x128xf32>
    %add3A_58 = arith.addf %dot_general3A_53, %add3A_57 : vector<10000x128xf32>
    %max3A_59 = arith.constant 0.000000e+00 : f32
    %max3A_60 = vector.broadcast %max3A_59 : f32 to vector<10000x128xf32>
    %max3A_61 = arith.maximumf %add3A_58, %max3A_60 : vector<10000x128xf32>
    %get3A_62 = arith.constant 0 : index
    %get3A_63 = arith.constant 0 : index
    %get3A_64 = vector.load %arg8[%get3A_62, %get3A_63] : memref<128x128xf32, #tpu.memory_space<vmem>>, vector<128x128xf32>
    %dot_general3A_65 = arith.constant dense<0.000000e+00> : vector<10000x128xf32>
    %dot_general3A_66 = tpu.matmul %max3A_61, %get3A_64, %dot_general3A_65 {dimension_numbers = #tpu.dot_dimension_numbers<[1], [0], [0], [1], [0, 0, 1, 1], [], []>, transpose_lhs_hint = false} : vector<10000x128xf32>, vector<128x128xf32>, vector<10000x128xf32> -> vector<10000x128xf32>
    %get3A_67 = arith.constant 0 : index
    %get3A_68 = arith.constant 0 : index
    %get3A_69 = vector.load %arg9[%get3A_67, %get3A_68] : memref<1x128xf32, #tpu.memory_space<vmem>>, vector<1x128xf32>
    %add3A_70 = vector.broadcast %get3A_69 : vector<1x128xf32> to vector<10000x128xf32>
    %add3A_71 = arith.addf %dot_general3A_66, %add3A_70 : vector<10000x128xf32>
    %max3A_72 = arith.constant 0.000000e+00 : f32
    %max3A_73 = vector.broadcast %max3A_72 : f32 to vector<10000x128xf32>
    %max3A_74 = arith.maximumf %add3A_71, %max3A_73 : vector<10000x128xf32>
    %get3A_75 = arith.constant 0 : index
    %get3A_76 = arith.constant 0 : index
    %get3A_77 = vector.load %arg10[%get3A_75, %get3A_76] : memref<128x64xf32, #tpu.memory_space<vmem>>, vector<128x64xf32>
    %dot_general3A_78 = arith.constant dense<0.000000e+00> : vector<10000x64xf32>
    %dot_general3A_79 = tpu.matmul %max3A_74, %get3A_77, %dot_general3A_78 {dimension_numbers = #tpu.dot_dimension_numbers<[1], [0], [0], [1], [0, 0, 1, 1], [], []>, transpose_lhs_hint = false} : vector<10000x128xf32>, vector<128x64xf32>, vector<10000x64xf32> -> vector<10000x64xf32>
    %get3A_80 = arith.constant 0 : index
    %get3A_81 = arith.constant 0 : index
    %get3A_82 = vector.load %arg11[%get3A_80, %get3A_81] : memref<1x64xf32, #tpu.memory_space<vmem>>, vector<1x64xf32>
    %add3A_83 = vector.broadcast %get3A_82 : vector<1x64xf32> to vector<10000x64xf32>
    %add3A_84 = arith.addf %dot_general3A_79, %add3A_83 : vector<10000x64xf32>
    %logistic3A = arith.negf %add3A_84 : vector<10000x64xf32>
    %logistic3A_85 = math.exp %logistic3A : vector<10000x64xf32>
    %logistic3A_86 = arith.constant 1.000000e+00 : f32
    %logistic3A_87 = vector.broadcast %logistic3A_86 : f32 to vector<10000x64xf32>
    %logistic3A_88 = arith.addf %logistic3A_87, %logistic3A_85 : vector<10000x64xf32>
    %logistic3A_89 = arith.divf %logistic3A_87, %logistic3A_88 : vector<10000x64xf32>
    %swap3A = arith.constant 0 : index
    %swap3A_90 = arith.constant 0 : index
    %swap3A_91 = vector.load %arg12[%swap3A, %swap3A_90] : memref<10000x64xf32, #tpu.memory_space<vmem>>, vector<10000x64xf32>
    tpu.vector_store %arg12[%swap3A, %swap3A_90], %logistic3A_89 {strides = array<i32>} : memref<10000x64xf32, #tpu.memory_space<vmem>>, vector<10000x64xf32>,
    return
  }
}

module attributes {stable_mosaic.version = 14 : i64} {
  func.func @_mlp_body(%arg0: memref<2x10112x128xf32, #tpu.memory_space<vmem>>, %arg1: memref<10000x128xf32, #tpu.memory_space<vmem>>, %arg2: memref<128x128xf32, #tpu.memory_space<vmem>>, %arg3: memref<1x128xf32, #tpu.memory_space<vmem>>, %arg4: memref<1x128xf32, #tpu.memory_space<vmem>>, %arg5: memref<1x128xf32, #tpu.memory_space<vmem>>, %arg6: memref<128x128xf32, #tpu.memory_space<vmem>>, %arg7: memref<1x128xf32, #tpu.memory_space<vmem>>, %arg8: memref<10000x128xf32, #tpu.memory_space<vmem>>) attributes {dimension_semantics = [], scalar_prefetch = 0 : i64, scratch_operands = 0 : i64, tpu.core_type = #tpu.core_type<tc>} {
    %get3A = arith.constant 0 : index
    %get3A_0 = arith.constant 0 : index
    %get3A_1 = arith.constant 0 : index
    %get3A_2 = vector.load %arg0[%get3A, %get3A_0, %get3A_1] : memref<2x10112x128xf32, #tpu.memory_space<vmem>>, vector<1x10000x128xf32>
    %get3A_3 = vector.shape_cast %get3A_2 : vector<1x10000x128xf32> to vector<10000x128xf32>
    %get3A_4 = arith.constant 1 : index
    %get3A_5 = arith.constant 0 : index
    %get3A_6 = arith.constant 0 : index
    %get3A_7 = vector.load %arg0[%get3A_4, %get3A_5, %get3A_6] : memref<2x10112x128xf32, #tpu.memory_space<vmem>>, vector<1x10000x128xf32>
    %get3A_8 = vector.shape_cast %get3A_7 : vector<1x10000x128xf32> to vector<10000x128xf32>
    %add3A = arith.addf %get3A_3, %get3A_8 : vector<10000x128xf32>
    %get3A_9 = arith.constant 0 : index
    %get3A_10 = arith.constant 0 : index
    %get3A_11 = vector.load %arg1[%get3A_9, %get3A_10] : memref<10000x128xf32, #tpu.memory_space<vmem>>, vector<10000x128xf32>
    %add3A_12 = arith.addf %add3A, %get3A_11 : vector<10000x128xf32>
    %get3A_13 = arith.constant 0 : index
    %get3A_14 = arith.constant 0 : index
    %get3A_15 = vector.load %arg2[%get3A_13, %get3A_14] : memref<128x128xf32, #tpu.memory_space<vmem>>, vector<128x128xf32>
    %dot_general3A = arith.constant dense<0.000000e+00> : vector<10000x128xf32>
    %dot_general3A_16 = tpu.matmul %add3A_12, %get3A_15, %dot_general3A {dimension_numbers = #tpu.dot_dimension_numbers<[1], [0], [0], [1], [0, 0, 1, 1], [], []>, transpose_lhs_hint = false} : vector<10000x128xf32>, vector<128x128xf32>, vector<10000x128xf32> -> vector<10000x128xf32>
    %get3A_17 = arith.constant 0 : index
    %get3A_18 = arith.constant 0 : index
    %get3A_19 = vector.load %arg3[%get3A_17, %get3A_18] : memref<1x128xf32, #tpu.memory_space<vmem>>, vector<1x128xf32>
    %add3A_20 = vector.broadcast %get3A_19 : vector<1x128xf32> to vector<10000x128xf32>
    %add3A_21 = arith.addf %dot_general3A_16, %add3A_20 : vector<10000x128xf32>
    %reduce_sum3A = arith.constant dense<0.000000e+00> : vector<128xf32>
    %reduce_sum3A_22 = vector.multi_reduction <add>, %add3A_21, %reduce_sum3A [0] : vector<10000x128xf32> to vector<128xf32>
    %broadcast_in_dim3A = vector.shape_cast %reduce_sum3A_22 : vector<128xf32> to vector<1x128xf32>
    %div3A = arith.constant 1.000000e+04 : f32
    %div3A_23 = vector.broadcast %div3A : f32 to vector<1x128xf32>
    %div3A_24 = arith.divf %broadcast_in_dim3A, %div3A_23 : vector<1x128xf32>
    %sub3A = vector.broadcast %div3A_24 : vector<1x128xf32> to vector<10000x128xf32>
    %sub3A_25 = arith.subf %add3A_21, %sub3A : vector<10000x128xf32>
    %mul3A = arith.mulf %sub3A_25, %sub3A_25 : vector<10000x128xf32>
    %reduce_sum3A_26 = arith.constant dense<0.000000e+00> : vector<128xf32>
    %reduce_sum3A_27 = vector.multi_reduction <add>, %mul3A, %reduce_sum3A_26 [0] : vector<10000x128xf32> to vector<128xf32>
    %broadcast_in_dim3A_28 = vector.shape_cast %reduce_sum3A_27 : vector<128xf32> to vector<1x128xf32>
    %div3A_29 = arith.constant 1.000000e+04 : f32
    %div3A_30 = vector.broadcast %div3A_29 : f32 to vector<1x128xf32>
    %div3A_31 = arith.divf %broadcast_in_dim3A_28, %div3A_30 : vector<1x128xf32>
    %get3A_32 = arith.constant 0 : index
    %get3A_33 = arith.constant 0 : index
    %get3A_34 = vector.load %arg4[%get3A_32, %get3A_33] : memref<1x128xf32, #tpu.memory_space<vmem>>, vector<1x128xf32>
    %mul3A_35 = vector.broadcast %get3A_34 : vector<1x128xf32> to vector<10000x128xf32>
    %mul3A_36 = arith.mulf %mul3A_35, %sub3A_25 : vector<10000x128xf32>
    %add3A_37 = arith.constant 9.99999974E-6 : f32
    %add3A_38 = vector.broadcast %add3A_37 : f32 to vector<1x128xf32>
    %add3A_39 = arith.addf %div3A_31, %add3A_38 : vector<1x128xf32>
    %rsqrt3A = math.rsqrt %add3A_39 : vector<1x128xf32>
    %mul3A_40 = vector.broadcast %rsqrt3A : vector<1x128xf32> to vector<10000x128xf32>
    %mul3A_41 = arith.mulf %mul3A_36, %mul3A_40 : vector<10000x128xf32>
    %get3A_42 = arith.constant 0 : index
    %get3A_43 = arith.constant 0 : index
    %get3A_44 = vector.load %arg5[%get3A_42, %get3A_43] : memref<1x128xf32, #tpu.memory_space<vmem>>, vector<1x128xf32>
    %add3A_45 = vector.broadcast %get3A_44 : vector<1x128xf32> to vector<10000x128xf32>
    %add3A_46 = arith.addf %mul3A_41, %add3A_45 : vector<10000x128xf32>
    %max3A = arith.constant 0.000000e+00 : f32
    %max3A_47 = vector.broadcast %max3A : f32 to vector<10000x128xf32>
    %max3A_48 = arith.maximumf %add3A_46, %max3A_47 : vector<10000x128xf32>
    %get3A_49 = arith.constant 0 : index
    %get3A_50 = arith.constant 0 : index
    %get3A_51 = vector.load %arg6[%get3A_49, %get3A_50] : memref<128x128xf32, #tpu.memory_space<vmem>>, vector<128x128xf32>
    %dot_general3A_52 = arith.constant dense<0.000000e+00> : vector<10000x128xf32>
    %dot_general3A_53 = tpu.matmul %max3A_48, %get3A_51, %dot_general3A_52 {dimension_numbers = #tpu.dot_dimension_numbers<[1], [0], [0], [1], [0, 0, 1, 1], [], []>, transpose_lhs_hint = false} : vector<10000x128xf32>, vector<128x128xf32>, vector<10000x128xf32> -> vector<10000x128xf32>
    %get3A_54 = arith.constant 0 : index
    %get3A_55 = arith.constant 0 : index
    %get3A_56 = vector.load %arg7[%get3A_54, %get3A_55] : memref<1x128xf32, #tpu.memory_space<vmem>>, vector<1x128xf32>
    %add3A_57 = vector.broadcast %get3A_56 : vector<1x128xf32> to vector<10000x128xf32>
    %add3A_58 = arith.addf %dot_general3A_53, %add3A_57 : vector<10000x128xf32>
    %max3A_59 = arith.constant 0.000000e+00 : f32
    %max3A_60 = vector.broadcast %max3A_59 : f32 to vector<10000x128xf32>
    %max3A_61 = arith.maximumf %add3A_58, %max3A_60 : vector<10000x128xf32>
    %swap3A = arith.constant 0 : index
    %swap3A_62 = arith.constant 0 : index
    %swap3A_63 = vector.load %arg8[%swap3A, %swap3A_62] : memref<10000x128xf32, #tpu.memory_space<vmem>>, vector<10000x128xf32>
    tpu.vector_store %arg8[%swap3A, %swap3A_62], %max3A_61 {strides = array<i32>} : memref<10000x128xf32, #tpu.memory_space<vmem>>, vector<10000x128xf32>,
    return
  }
}

</mosaic_0001>

<sc_bundles>
// kernel: kernel.11.cloned.1.call-start
scs
__scs_entry_jumppad:
0x0: {  	(pc) =	sbr.rel $0x88, $3  }
0x1: {  	(tag) =	ssettag $0x0;
	lr =	simm.s32 $0x1  }
0x2: {  	[smem:$0x3F89] =	sst lr;
	_ =	strace $0xD0000000  }
0x3: {  	_ = 	snop  }
0x4: {  	_ = 	snop  }
0x5: {  	_ = 	snop  }
0x6: {  	_ = 	snop  }
0x7: {  	_ = 	snop  }
__scs_overlays_trampoline_lowered:
0x8: {  	[smem:$0x3F98] =	sst s0  }
0x9: {  	[smem:$0x3F99] =	sst s1  }
0xa: {  	[smem:$0x3F9A] =	sst s2  }
0xb: {  	[smem:$0x3F9B] =	sst s3  }
0xc: {  	[smem:$0x3F9C] =	sst s4  }
0xd: {  	[smem:$0x3F9D] =	sst s5  }
0xe: {  	[smem:$0x3F9E] =	sst s6  }
0xf: {  	[smem:$0x3F9F] =	sst s7  }
0x10: {  	[smem:$0x3FA0] =	sst s8  }
0x11: {  	[smem:$0x3FA1] =	sst s9;
	s0 =	simm.s32 @!p0 $0x0  }
0x12: {  	s1 =	sld [smem:$0x3F87];
	s0 =	simm.s32 @p0 $0x1  }
0x13: {  	[smem:$0x3FA2] =	sst s0;
	s0 =	simm.s32 @!p1 $0x0  }
0x14: {  	s2 =	sld [smem:$0x3F86];
	s0 =	simm.s32 @p1 $0x1  }
0x15: {  	[smem:$0x3FA3] =	sst s0;
	s0 =	simm.s32 @!p2 $0x0  }
0x16: {  	s3 =	sld [smem:$0x3FDB];
	s0 =	simm.s32 @p2 $0x1  }
0x17: {  	s4 =	simm.s32 $0x1BF5;
	[smem:$0x3FA5] =	sst s0  }
0x18: {  	s0 =	sld [smem:$0x3F88];
	_ =	swait.ge [sflag:s4], $0x0  }
0x19: {  	s7 =	sld [smem:$0x3F89]  }
0x1a: {  	s8 =	sadd.s32 $0xFFFFE003, lr  }
0x1b: {  	s9 =	sadd.s32 $0xFFFFFEF7, lr;
	s5 =	simm.s32 $0xFFFFFFFF;
	p2 =	slt.u32 s8, $0xFFFFF086  }
0x1c: {  	p1 =	slt.u32 s9, $0xF7A;
	s5 =	simm.s32 @!p2 $0x0  }
0x1d: {  	s5 =	simm.s32 @p1 $0x1;
	p0 =	seq.s32 s7, s2  }
0x1e: {  	s7 =	smul.u32 @!p0 $0xF7A, s2;
	p2 =	seq.s32 @!p0 s5, $0x0  }
0x1f: {  	s9 =	smul.u32 $0xF7A, s1;
	s8 =	simm.s32 @!p0 $0x1BF5;
	p2 =	por !p2, p0  }
0x20: {  	[sflag:s8] =	ssyncset.s32 @!p0 $0xFFFFF086;
	s6 =	sadd.s32 @!p0 s3, s7;
	s7 =	simm.s32 @!p0 $0x108  }
0x21: {  	s3 =	sadd.s32 s3, s9;
	s6 =	sadd.s32 @!p0 $0x88, s6;
	s7 =	simm.s32 @p2 $0x1082  }
0x22: {  	[simem:s7], [sflag:s8] =	dma.local @!p0 [hbm:s6], $0xF7A  }
0x23: {  	s9 =	sor.u32 $0xD0000000, s2;
	s6 =	simm.s32 $0x108;
	_ =	swait.ge @!p0 [sflag:s8], $0x0  }
0x24: {  	s3 =	sadd.s32 $0x88, s3;
	s6 =	simm.s32 @!p1 $0x1082;
	[sflag:s4] =	ssyncset.s32 $0xFFFFF086  }
0x25: {  	[simem:s6], [sflag:s4] =	dma.local [hbm:s3], $0xF7A  }
0x26: {  	[smem:$0x3F89] =	sst s1;
	(tag) =	ssettag s2;
	_ =	strace s9  }
0x27: {  	s1 =	sld [smem:$0x3F99]  }
0x28: {  	s2 =	sld [smem:$0x3F9A]  }
0x29: {  	s4 =	sld [smem:$0x3F9C]  }
0x2a: {  	p0 =	seq.s32 s5, $0x0;
	s5 =	sld [smem:$0x3F9D]  }
0x2b: {  	s6 =	sld [smem:$0x3F9E]  }
0x2c: {  	s7 =	sld [smem:$0x3F9F]  }
0x2d: {  	s3 =	simm.s32 $0x108;
	s8 =	sld [smem:$0x3FA0]  }
0x2e: {  	s3 =	simm.s32 @!p0 $0x1082;
	s9 =	sld [smem:$0x3FA1]  }
0x2f: {  	lr =	sadd.s32 s0, s3;
	s0 =	sld [smem:$0x3F98]  }
0x30: {  	s3 =	sld [smem:$0x3F9B]  }
0x31: {  	[smem:$0x3FA4] =	sst s10  }
0x32: {  	s10 =	sld [smem:$0x3FA2];
	_ =	sdelay $0x3  }
0x33: {  	p0 =	seq.s32 s10, $0x1;
	s10 =	sld [smem:$0x3FA4];
	_ =	sdelay $0x3  }
0x34: {  	[smem:$0x3FA4] =	sst s10  }
0x35: {  	s10 =	sld [smem:$0x3FA3];
	_ =	sdelay $0x3  }
0x36: {  	p1 =	seq.s32 s10, $0x1;
	s10 =	sld [smem:$0x3FA4];
	_ =	sdelay $0x3  }
0x37: {  	[smem:$0x3FA4] =	sst s10  }
0x38: {  	s10 =	sld [smem:$0x3FA5]  }
0x39: {  	_ = 	snop;
	(pc) =	sbr.ind lr, $3  }
0x3a: {  	_ = 	snop  }
0x3b: {  	_ = 	snop  }
0x3c: {  	p2 =	seq.s32 s10, $0x1;
	s10 =	sld [smem:$0x3FA4]  }
0x3d: {  	_ =	shalt  }
0x3e: {  	_ =	shalt  }
0x3f: {  	_ =	shalt  }
0x40: {  	_ =	shalt  }
0x41: {  	_ =	shalt  }
0x42: {  	_ =	shalt  }
0x43: {  	_ =	shalt  }
0x44: {  	_ =	shalt  }
0x45: {  	_ =	shalt  }
0x46: {  	_ =	shalt  }
0x47: {  	_ =	shalt  }
0x48: {  	_ =	shalt  }
0x49: {  	_ =	shalt  }
0x4a: {  	_ =	shalt  }
0x4b: {  	_ =	shalt  }
0x4c: {  	_ =	shalt  }
0x4d: {  	_ =	shalt  }
0x4e: {  	_ =	shalt  }
0x4f: {  	_ =	shalt  }
0x50: {  	_ =	shalt  }
0x51: {  	_ =	shalt  }
0x52: {  	_ =	shalt  }
0x53: {  	_ =	shalt  }
0x54: {  	_ =	shalt  }
0x55: {  	_ =	shalt  }
0x56: {  	_ =	shalt  }
0x57: {  	_ =	shalt  }
0x58: {  	_ =	shalt  }
0x59: {  	_ =	shalt  }
0x5a: {  	_ =	shalt  }
0x5b: {  	_ =	shalt  }
0x5c: {  	_ =	shalt  }
0x5d: {  	_ =	shalt  }
0x5e: {  	_ =	shalt  }
0x5f: {  	_ =	shalt  }
0x60: {  	_ =	shalt  }
0x61: {  	_ =	shalt  }
0x62: {  	_ =	shalt  }
0x63: {  	_ =	shalt  }
0x64: {  	_ =	shalt  }
0x65: {  	_ =	shalt  }
0x66: {  	_ =	shalt  }
0x67: {  	_ =	shalt  }
0x68: {  	_ =	shalt  }
0x69: {  	_ =	shalt  }
0x6a: {  	_ =	shalt  }
0x6b: {  	_ =	shalt  }
0x6c: {  	_ =	shalt  }
0x6d: {  	_ =	shalt  }
0x6e: {  	_ =	shalt  }
0x6f: {  	_ =	shalt  }
0x70: {  	_ =	shalt  }
0x71: {  	_ =	shalt  }
0x72: {  	_ =	shalt  }
0x73: {  	_ =	shalt  }
0x74: {  	_ =	shalt  }
0x75: {  	_ =	shalt  }
0x76: {  	_ =	shalt  }
0x77: {  	_ =	shalt  }
0x78: {  	_ =	shalt  }
0x79: {  	_ =	shalt  }
0x7a: {  	_ =	shalt  }
0x7b: {  	_ =	shalt  }
0x7c: {  	_ =	shalt  }
0x7d: {  	_ =	shalt  }
0x7e: {  	_ =	shalt  }
0x7f: {  	_ =	shalt  }
0x80: {  	_ =	shalt  }
0x81: {  	_ =	shalt  }
0x82: {  	_ =	shalt  }
0x83: {  	_ =	shalt  }
0x84: {  	_ =	shalt  }
0x85: {  	_ =	shalt  }
0x86: {  	_ =	shalt  }
0x87: {  	_ =	shalt  }
.Lfunc_end0:
.L_simem_size_0:
called_computation.1_lowered:
.L_overlay_start_0:
0x88: {  	s2 =	sld [smem:$0x3FD9]  }
0x89: {  	s3 =	sld [smem:$0x3FFE];
	_ =	sdelay $0x1  }
0x8a: {  	s1 =	srdreg.scid  }
0x8b: {  	s0 =	sand.u32 $0x1, s1  }
0x8c: {  	s17 =	sshll.u32 s0, $0xA;
	s2 =	sadd.s32 s3, s2  }
0x8d: {  	s2 =	sadd.s32 s2, s17  }
0x8e: {  	[smem:$0x3FB0] =	sst s2  }
0x8f: {  	_ = 	snop  }
0x90: {  	s2 =	sld [smem:$0x3FD0];
	(tm) =	ssettm $0x1  }
0x91: {  	s18 =	sld [smem:$0x3FFB];
	_ =	sdelay $0x3  }
0x92: {  	_ =	strace s18  }
0x93: {  	s3 =	sld [smem:$0x3FFC];
	_ =	sdelay $0x3  }
0x94: {  	_ =	strace s3  }
0x95: {  	s3 =	sld [smem:$0x3FFD];
	_ =	sdelay $0x3  }
0x96: {  	_ =	strace s3  }
0x97: {  	_ =	strace $0x8FFFFFFF  }
0x98: {  	s19 =	sld [smem:$0x3FDB];
	_ =	sdelay $0x1  }
0x99: {  	s4 =	simm.s32 $_scs_section_size  }
0x9a: {  	s5 =	simm.s32 $_size__tile_overlayer_lowered;
	s6 =	simm.s32 $_tile_overlayer_lowered  }
0x9b: {  	s22 =	simm.s32 $0x1BFF;
	s21 =	sshll.u32 s6, $0x1;
	s3 =	sadd.s32 s4, s19  }
0x9c: {  	s7 =	simm.s32 $0x0;
	s20 =	sshll.u32 s5, $0x1;
	s5 =	sadd.s32 s21, s3  }
0x9d: {  	[timem:s7], [sflag:s22] =	dma.local [hbm:s5], s20  }
0x9e: {  	_ =	swait.ge [sflag:s22], s20  }
0x9f: {  	s4 =	ssub.s32 $0x0, s20;
	[sflag:s22] =	ssyncset.done $0x0  }
0xa0: {  	[sflag:s22] =	ssyncadd.s32 s4;
	_ =	sdelay $0x1  }
0xa1: {  	s23 =	simm.s32 $0x1B8B  }
0xa2: {  	_ =	swait.ge [sflag:s23], $0x1  }
0xa3: {  	[sflag:s23] =	ssyncset.done $0x0  }
0xa4: {  	s25 =	simm.s32 $0x1B8E;
	s24 =	sld [smem:$0x3FFE];
	[sflag:s23] =	ssyncadd.s32 $0xFFFFFFFF  }
0xa5: {  	s26 =	simm.s32 $execute0_lowered;
	[smem:$0x3FD2] =	sst s25  }
0xa6: {  	s5 =	sshll.u32 s26, $0x1;
	_ =	strace $0x80000049;
	[dreg:$0x1] =	wrdreg $0xFFFFFFFF  }
0xa7: {  	s28 =	simm.s32 $_size_execute0_lowered;
	s3 =	sadd.s32 s3, s5;
	[dreg:$0x0] =	wrdreg $0x0  }
0xa8: {  	s5 =	sshll.u32 s28, $0x1;
	[dreg:$0x2] =	wrdreg s3  }
0xa9: {  	[dreg:$0x3] =	wrdreg s5  }
0xaa: {  	[dreg:$0x4] =	wrdreg $0xC0  }
0xab: {  	_ =	task [dreg:s7], $0x5FFFF  }
0xac: {  	[dreg:$0x1] =	wrdreg $0xFFFFFFFF  }
0xad: {  	[dreg:$0x0] =	wrdreg $0x60  }
0xae: {  	[dreg:$0x2] =	wrdreg s24  }
0xaf: {  	[dreg:$0x3] =	wrdreg s2  }
0xb0: {  	[dreg:$0x4] =	wrdreg $0x84000  }
0xb1: {  	[dreg:$0x5] =	wrdreg $0x9  }
0xb2: {  	_ =	task.clear_ibuf [dreg:s7], $0x6FFFF;
	_ =	strace $0x90000049  }
0xb3: {  	s29 =	simm.s32 $0x9;
	_ =	strace $0x8000004B  }
0xb4: {  	_ =	swait.ge [sflag:s29], $0x1  }
0xb5: {  	[sflag:s29] =	ssyncadd.s32 $0xFFFFFFFF  }
0xb6: {  	_ =	strace $0x9000004B  }
0xb7: {  	_ =	sfence  }
0xb8: {  	s30 =	sld [smem:$0x0];
	_ =	sdelay $0x2  }
0xb9: {  	s31 =	sshll.u32 s1, $0xD;
	s1 =	sshrl.u32 s1, $0x2  }
0xba: {  	s3 =	sand.u32 $0x4000, s31;
	s1 =	sadd.s32 s1, s30  }
0xbb: {  	s0 =	sor.u32 s3, s0;
	s1 =	sshll.u32 s1, $0x11  }
0xbc: {  	s0 =	sor.u32 s1, s0  }
0xbd: {  	s0 =	sadd.s32 $0x8F2B, s0  }
0xbe: {  	[sflag:s0] =	ssyncadd.remote.s32 $0x1  }
0xbf: {  	_ =	sfence.sel $0xFFFF  }
0xc0: {  	[dreg:$0x0] =	wrdreg $0xFFFFFFFF;
	(pc) =	sbr.abs _section_cstart, $3  }
0xc1: {  	[dreg:$0x1] =	wrdreg $0xFFFFFFFF  }
0xc2: {  	_ =	task.clear_ibuf [dreg:s7], $0x2FFFF;
	_ =	strace $0x9FFFFFFF  }
0xc3: {  	(tm) =	ssettm $0x7FFFFFFF  }
tec
execute0_lowered:
.L_overlay_start_1:
0x0: {  	(tag) =	ssettag $0x1  }
0x1: {  	s2 =	rddreg [dreg:$0x0]  }
0x2: {  	s0 =	rddreg [dreg:$0x1]  }
0x3: {  	s1 =	rddreg [dreg:$0x2]  }
0x4: {  	s3 =	simm.s32 $0x0;
	s4 =	srdreg.scid;
	s12 =	stileid.u32  }
0x5: {  	s28 =	simm.s32 $0x400;
	s29 =	simm.s32 $0x6;
	s30 =	simm.s32 $0x4400  }
0x6: {  	s31 =	simm.s32 $0x1;
	[smem:$0x7FF] =	sst s3;
	s7 =	smul.u32 $0x13C00, s12  }
0x7: {  	s5 =	sand.u32 $0x1, s4;
	s4 =	sadd.s32 $0x11000, s2;
	s18 =	smul.u32 $0x4F000, s12  }
0x8: {  	s8 =	sadd.s32 $0x4800, s2;
	s9 =	sadd.s32 $0xE800, s2;
	s21 =	smul.u32 $0x5000, s12  }
0x9: {  	s17 =	sshll.u32 s12, $0x1;
	s19 =	sshll.u32 s12, $0x6;
	s6 =	smul.u32 $0x13C000, s5  }
0xa: {  	_ =	strace $0x8000004A;
	[dreg:$0xc] =	wrdreg s9;
	s15 =	sor.u32 $0x1C0D, s19  }
0xb: {  	s10 =	ssub.s32 $0x2, s5;
	s9 =	sshrl.u32 s18, $0x2;
	[dreg:$0xe] =	wrdreg s15  }
0xc: {  	s6 =	sadd.s32 s7, s6;
	s7 =	sor.u32 s5, s17;
	s5 =	smul.u32 $0x2800, s5  }
0xd: {  	s9 =	sadd.s32 s9, s1;
	s6 =	sshrl.u32 s6, $0x3;
	s7 =	smul.u32 $0x2800, s7  }
0xe: {  	s11 =	sshrl.u32 s10, $0x1;
	[dreg:$0xd] =	wrdreg s9;
	s2 =	sadd.s32 s6, s2  }
0xf: {  	s6 =	ssub.s32 s10, s11;
	s5 =	sadd.s32 s5, s21;
	s20 =	sshrl.u32 s7, $0x3  }
0x10: {  	s18 =	sor.u32 $0x300, s5;
	s21 =	sor.u32 $0x280, s5;
	s2 =	sadd.s32 $0x38200, s2  }
0x11: {  	s6 =	smax.u32 s6, $0x1;
	s22 =	sor.u32 $0x10, s20;
	[dreg:$0x17] =	wrdreg s2  }
0x12: {  	s7 =	sadd.s32 s0, s20;
	s23 =	sadd.s32 s8, s20;
	[dreg:$0x18] =	wrdreg s6  }
0x13: {  	s26 =	sor.u32 $0x20, s20;
	s10 =	sor.u32 $0x30, s20;
	[dreg:$0xf] =	wrdreg s7  }
0x14: {  	s19 =	sshrl.u32 s18, $0x3;
	[dreg:$0x10] =	wrdreg s23;
	s24 =	sadd.s32 s0, s22  }
0x15: {  	s18 =	simm.s32 $0xD;
	s25 =	sadd.s32 s8, s22;
	[dreg:$0x11] =	wrdreg s24  }
0x16: {  	s2 =	simm.s32 $0x3;
	s11 =	sadd.s32 s0, s26;
	[dreg:$0x12] =	wrdreg s25  }
0x17: {  	s6 =	simm.s32 $0x2;
	s12 =	sadd.s32 s8, s26;
	[dreg:$0x13] =	wrdreg s11  }
0x18: {  	s13 =	sadd.s32 s0, s10;
	s16 =	sadd.s32 s8, s10;
	[dreg:$0x14] =	wrdreg s12  }
0x19: {  	s20 =	sadd.s32 s19, s8;
	s22 =	sadd.s32 s19, s0;
	[dreg:$0x15] =	wrdreg s13  }
0x1a: {  	s23 =	sshrl.u32 s21, $0x3;
	s19 =	simm.s32 $0x200;
	[dreg:$0x16] =	wrdreg s16  }
0x1b: {  	s21 =	simm.s32 $0x280;
	s10 =	simm.s32 $0x8;
	[dreg:$0x6] =	wrdreg s20  }
0x1c: {  	s11 =	sor.u32 $0x380, s5;
	[dreg:$0x7] =	wrdreg s22;
	s24 =	sadd.s32 s23, s8  }
0x1d: {  	s5 =	sor.u32 $0x200, s5;
	s25 =	sadd.s32 s23, s0;
	s20 =	simm.s32 $0x80  }
0x1e: {  	s22 =	simm.s32 $0x100;
	s23 =	simm.s32 $0x300;
	s12 =	simm.s32 $0xC  }
0x1f: {  	s13 =	simm.s32 $0x0;
	s14 =	sshrl.u32 s11, $0x3;
	[dreg:$0x8] =	wrdreg s24  }
0x20: {  	s5 =	sshrl.u32 s5, $0x3;
	[dreg:$0x9] =	wrdreg s25;
	s17 =	sadd.s32 s14, s8  }
0x21: {  	s24 =	simm.s32 $0x180;
	s9 =	sadd.s32 s14, s0;
	[dreg:$0x4] =	wrdreg s17  }
0x22: {  	s25 =	simm.s32 $0x380;
	s26 =	sadd.s32 s5, s8;
	[dreg:$0x5] =	wrdreg s9  }
0x23: {  	s11 =	simm.s32 $0xB;
	s0 =	sadd.s32 s5, s0;
	[dreg:$0xa] =	wrdreg s26  }
0x24: {  	s5 =	simm.s32 $0x7;
	s8 =	simm.s32 $0xA;
	[dreg:$0xb] =	wrdreg s0  }
0x25: {  	s26 =	simm.s32 $0x5;
	s0 =	simm.s32 $0x9;
	s9 =	simm.s32 $0x4  }
.LBB2_1:
0x26: {  	s7 =	rddreg [dreg:$0xd]  }
0x27: {  	s17 =	rddreg [dreg:$0xc];
	s14 =	sshrl.u32 s7, $0x3  }
0x28: {  	[spmem:s14], [sflag:s15] =	dma.local [hbm:s17], $0x2780  }
0x29: {  	_ =	swait.ge [sflag:s18], $0x2780  }
0x2a: {  	[sflag:s18] =	ssyncset.done $0x0  }
0x2b: {  	[sflag:s18] =	ssyncadd.s32 $0xFFFFD880  }
0x2c: {  	[bflag:$0x0] =	sbarrier.arrive $0xFFFF  }
0x2d: {  	s16 =	rddreg [dreg:$0xf]  }
0x2e: {  	[tilespmem:s3], [sflag:$0x5] =	stream.linear.gather [hbm4b:s16+s3], $0x80, $0x38;
	[tilespmem:$0x1C000] =	vst v63  }
0x2f: {  	s17 =	rddreg [dreg:$0x10]  }
0x30: {  	[tilespmem:s19], [sflag:$0x9] =	stream.linear.gather [hbm4b:s17+s3], $0x80, $0x38;
	[tilespmem:$0x1C000] =	vst v63  }
0x31: {  	s15 =	rddreg [dreg:$0x11]  }
0x32: {  	[tilespmem:s20], [sflag:$0x6] =	stream.linear.gather [hbm4b:s15+s3], $0x80, $0x38;
	[tilespmem:$0x1C000] =	vst v63  }
0x33: {  	s16 =	rddreg [dreg:$0x12]  }
0x34: {  	[tilespmem:s21], [sflag:$0xA] =	stream.linear.gather [hbm4b:s16+s3], $0x80, $0x38;
	[tilespmem:$0x1C000] =	vst v63  }
0x35: {  	s17 =	rddreg [dreg:$0x13]  }
0x36: {  	[tilespmem:s22], [sflag:$0x7] =	stream.linear.gather [hbm4b:s17+s3], $0x80, $0x38;
	[tilespmem:$0x1C000] =	vst v63  }
0x37: {  	s15 =	rddreg [dreg:$0x14]  }
0x38: {  	[tilespmem:s23], [sflag:$0xB] =	stream.linear.gather [hbm4b:s15+s3], $0x80, $0x38;
	[tilespmem:$0x1C000] =	vst v63  }
0x39: {  	s16 =	rddreg [dreg:$0x15]  }
0x3a: {  	[tilespmem:s24], [sflag:$0x8] =	stream.linear.gather [hbm4b:s16+s3], $0x80, $0x38;
	[tilespmem:$0x1C000] =	vst v63  }
0x3b: {  	s17 =	rddreg [dreg:$0x16]  }
0x3c: {  	[tilespmem:s25], [sflag:$0xC] =	stream.linear.gather [hbm4b:s17+s3], $0x80, $0x38;
	[tilespmem:$0x1C000] =	vst v63  }
0x3d: {  	_ =	swait.ge [sflag:s26], $0x80  }
0x3e: {  	[sflag:s26] =	ssyncset.done $0x0  }
0x3f: {  	[sflag:s26] =	ssyncadd.s32 $0xFFFFFF80  }
0x40: {  	[tilespmem:s28], [sflag:$0x1] =	stream.indirect.gather [hbm4b:s4+s20], $0x80, s3, s20, $0xb8;
	[tilespmem:$0x1C000] =	vst v63  }
0x41: {  	_ =	swait.ge [sflag:s29], $0x80  }
0x42: {  	[sflag:s29] =	ssyncset.done $0x0  }
0x43: {  	[sflag:s29] =	ssyncadd.s32 $0xFFFFFF80  }
0x44: {  	[tilespmem:s30], [sflag:$0x2] =	stream.indirect.gather [hbm4b:s4+s20], $0x80, s20, s20, $0xb8;
	[tilespmem:$0x1C000] =	vst v63  }
0x45: {  	_ =	swait.ge [sflag:s31], $0x4000  }
0x46: {  	[sflag:s31] =	ssyncset.done $0x0  }
0x47: {  	[sflag:s31] =	ssyncadd.s32 $0xFFFFC000  }
0x48: {  	_ =	swait.ge [sflag:s0], $0x80  }
0x49: {  	[sflag:s0] =	ssyncset.done $0x0  }
0x4a: {  	[sflag:s0] =	ssyncadd.s32 $0xFFFFFF80  }
0x4b: {  	[spmem:s1] =	stream.indirect.scatter.add.f32 [tilespmem:s28], [sflag:$0x3], $0x80, s19, s20, $0xb8;
	[tilespmem:$0x1C000] =	vst v63  }
0x4c: {  	_ =	swait.ge [sflag:s2], $0x4000  }
0x4d: {  	s7 =	rddreg [dreg:$0xb];
	[sflag:s2] =	ssyncset.done $0x0  }
0x4e: {  	s16 =	rddreg [dreg:$0xa];
	[sflag:s2] =	ssyncadd.s32 $0xFFFFC000;
	s15 =	sadd.s32 $0x0, s7  }
0x4f: {  	[tilespmem:s3], [sflag:$0x5] =	stream.linear.gather [hbm4b:s15+s3], $0x80, $0x38;
	[tilespmem:$0x1C000] =	vst v63  }
0x50: {  	s16 =	sadd.s32 $0x0, s16  }
0x51: {  	[tilespmem:s19], [sflag:$0x9] =	stream.linear.gather [hbm4b:s16+s3], $0x80, $0x38;
	[tilespmem:$0x1C000] =	vst v63  }
0x52: {  	_ =	swait.ge [sflag:s5], $0x80  }
0x53: {  	[sflag:s5] =	ssyncset.done $0x0  }
0x54: {  	[sflag:s5] =	ssyncadd.s32 $0xFFFFFF80  }
0x55: {  	[tilespmem:s28], [sflag:$0x1] =	stream.indirect.gather [hbm4b:s4+s20], $0x80, s22, s20, $0xb8;
	[tilespmem:$0x1C000] =	vst v63  }
0x56: {  	_ =	swait.ge [sflag:s6], $0x4000  }
0x57: {  	[sflag:s6] =	ssyncset.done $0x0  }
0x58: {  	[sflag:s6] =	ssyncadd.s32 $0xFFFFC000  }
0x59: {  	_ =	swait.ge [sflag:s8], $0x80  }
0x5a: {  	[sflag:s8] =	ssyncset.done $0x0  }
0x5b: {  	[sflag:s8] =	ssyncadd.s32 $0xFFFFFF80  }
0x5c: {  	[spmem:s1] =	stream.indirect.scatter.add.f32 [tilespmem:s30], [sflag:$0x4], $0x80, s21, s20, $0xb8;
	[tilespmem:$0x1C000] =	vst v63  }
0x5d: {  	_ =	swait.ge [sflag:s9], $0x4000  }
0x5e: {  	s17 =	rddreg [dreg:$0x9];
	[sflag:s9] =	ssyncset.done $0x0  }
0x5f: {  	s7 =	rddreg [dreg:$0x8];
	[sflag:s9] =	ssyncadd.s32 $0xFFFFC000;
	s15 =	sadd.s32 $0x0, s17  }
0x60: {  	[tilespmem:s20], [sflag:$0x6] =	stream.linear.gather [hbm4b:s15+s3], $0x80, $0x38;
	[tilespmem:$0x1C000] =	vst v63  }
0x61: {  	s16 =	sadd.s32 $0x0, s7  }
0x62: {  	[tilespmem:s21], [sflag:$0xA] =	stream.linear.gather [hbm4b:s16+s3], $0x80, $0x38;
	[tilespmem:$0x1C000] =	vst v63  }
0x63: {  	_ =	swait.ge [sflag:s10], $0x80  }
0x64: {  	[sflag:s10] =	ssyncset.done $0x0  }
0x65: {  	[sflag:s10] =	ssyncadd.s32 $0xFFFFFF80  }
0x66: {  	[tilespmem:s30], [sflag:$0x2] =	stream.indirect.gather [hbm4b:s4+s20], $0x80, s24, s20, $0xb8;
	[tilespmem:$0x1C000] =	vst v63  }
0x67: {  	_ =	swait.ge [sflag:s31], $0x4000  }
0x68: {  	[sflag:s31] =	ssyncset.done $0x0  }
0x69: {  	[sflag:s31] =	ssyncadd.s32 $0xFFFFC000  }
0x6a: {  	_ =	swait.ge [sflag:s11], $0x80  }
0x6b: {  	[sflag:s11] =	ssyncset.done $0x0  }
0x6c: {  	[sflag:s11] =	ssyncadd.s32 $0xFFFFFF80  }
0x6d: {  	[spmem:s1] =	stream.indirect.scatter.add.f32 [tilespmem:s28], [sflag:$0x3], $0x80, s23, s20, $0xb8;
	[tilespmem:$0x1C000] =	vst v63  }
0x6e: {  	_ =	swait.ge [sflag:s2], $0x4000  }
0x6f: {  	s17 =	rddreg [dreg:$0x7];
	[sflag:s2] =	ssyncset.done $0x0  }
0x70: {  	s7 =	rddreg [dreg:$0x6];
	[sflag:s2] =	ssyncadd.s32 $0xFFFFC000;
	s15 =	sadd.s32 $0x0, s17  }
0x71: {  	[tilespmem:s22], [sflag:$0x7] =	stream.linear.gather [hbm4b:s15+s3], $0x80, $0x38;
	[tilespmem:$0x1C000] =	vst v63  }
0x72: {  	s16 =	sadd.s32 $0x0, s7  }
0x73: {  	[tilespmem:s23], [sflag:$0xB] =	stream.linear.gather [hbm4b:s16+s3], $0x80, $0x38;
	[tilespmem:$0x1C000] =	vst v63  }
0x74: {  	_ =	swait.ge [sflag:s26], $0x80  }
0x75: {  	[sflag:s26] =	ssyncset.done $0x0  }
0x76: {  	[sflag:s26] =	ssyncadd.s32 $0xFFFFFF80  }
0x77: {  	[tilespmem:s28], [sflag:$0x1] =	stream.indirect.gather [hbm4b:s4+s20], $0x80, s3, s20, $0xb8;
	[tilespmem:$0x1C000] =	vst v63  }
0x78: {  	_ =	swait.ge [sflag:s6], $0x4000  }
0x79: {  	[sflag:s6] =	ssyncset.done $0x0  }
0x7a: {  	[sflag:s6] =	ssyncadd.s32 $0xFFFFC000  }
0x7b: {  	_ =	swait.ge [sflag:s12], $0x80  }
0x7c: {  	[sflag:s12] =	ssyncset.done $0x0  }
0x7d: {  	[sflag:s12] =	ssyncadd.s32 $0xFFFFFF80  }
0x7e: {  	[spmem:s1] =	stream.indirect.scatter.add.f32 [tilespmem:s30], [sflag:$0x4], $0x80, s25, s20, $0xb8;
	[tilespmem:$0x1C000] =	vst v63  }
0x7f: {  	_ =	swait.ge [sflag:s9], $0x4000  }
0x80: {  	s17 =	rddreg [dreg:$0x5];
	[sflag:s9] =	ssyncset.done $0x0  }
0x81: {  	s7 =	rddreg [dreg:$0x4];
	[sflag:s9] =	ssyncadd.s32 $0xFFFFC000;
	s15 =	sadd.s32 $0x0, s17  }
0x82: {  	[tilespmem:s24], [sflag:$0x8] =	stream.linear.gather [hbm4b:s15+s3], $0x80, $0x38;
	[tilespmem:$0x1C000] =	vst v63  }
0x83: {  	s17 =	sadd.s32 $0x0, s7  }
0x84: {  	[tilespmem:s25], [sflag:$0xC] =	stream.linear.gather [hbm4b:s17+s3], $0x80, $0x38;
	[tilespmem:$0x1C000] =	vst v63  }
0x85: {  	_ =	swait.ge [sflag:s29], $0x80  }
0x86: {  	[sflag:s29] =	ssyncset.done $0x0  }
0x87: {  	[sflag:s29] =	ssyncadd.s32 $0xFFFFFF80  }
0x88: {  	[tilespmem:s30], [sflag:$0x2] =	stream.indirect.gather [hbm4b:s4+s20], $0x80, s20, s20, $0xb8;
	[tilespmem:$0x1C000] =	vst v63  }
0x89: {  	_ =	swait.ge [sflag:s31], $0x4000  }
0x8a: {  	[sflag:s31] =	ssyncset.done $0x0  }
0x8b: {  	[sflag:s31] =	ssyncadd.s32 $0xFFFFC000  }
0x8c: {  	_ =	swait.ge [sflag:s0], $0x80  }
0x8d: {  	[sflag:s0] =	ssyncset.done $0x0  }
0x8e: {  	s15 =	simm.s32 $0x40;
	[sflag:s0] =	ssyncadd.s32 $0xFFFFFF80  }
.LBB2_2:
0x8f: {  	[spmem:s1] =	stream.indirect.scatter.add.f32 [tilespmem:s28], [sflag:$0x3], $0x80, s19, s20, $0xb8;
	[tilespmem:$0x1C000] =	vst v63  }
0x90: {  	_ =	swait.ge [sflag:s2], $0x4000  }
0x91: {  	s16 =	smov.u32 s15;
	s17 =	rddreg [dreg:$0xb];
	[sflag:s2] =	ssyncset.done $0x0  }
0x92: {  	s7 =	rddreg [dreg:$0xa];
	[sflag:s2] =	ssyncadd.s32 $0xFFFFC000;
	s17 =	sadd.s32 s16, s17  }
0x93: {  	[tilespmem:s3], [sflag:$0x5] =	stream.linear.gather [hbm4b:s17+s3], $0x80, $0x38;
	[tilespmem:$0x1C000] =	vst v63  }
0x94: {  	s7 =	sadd.s32 s16, s7  }
0x95: {  	[tilespmem:s19], [sflag:$0x9] =	stream.linear.gather [hbm4b:s7+s3], $0x80, $0x38;
	[tilespmem:$0x1C000] =	vst v63  }
0x96: {  	_ =	swait.ge [sflag:s5], $0x80  }
0x97: {  	[sflag:s5] =	ssyncset.done $0x0  }
0x98: {  	[sflag:s5] =	ssyncadd.s32 $0xFFFFFF80  }
0x99: {  	[tilespmem:s28], [sflag:$0x1] =	stream.indirect.gather [hbm4b:s4+s20], $0x80, s22, s20, $0xb8;
	[tilespmem:$0x1C000] =	vst v63  }
0x9a: {  	_ =	swait.ge [sflag:s6], $0x4000  }
0x9b: {  	[sflag:s6] =	ssyncset.done $0x0  }
0x9c: {  	[sflag:s6] =	ssyncadd.s32 $0xFFFFC000  }
0x9d: {  	_ =	swait.ge [sflag:s8], $0x80  }
0x9e: {  	[sflag:s8] =	ssyncset.done $0x0  }
0x9f: {  	[sflag:s8] =	ssyncadd.s32 $0xFFFFFF80  }
0xa0: {  	[spmem:s1] =	stream.indirect.scatter.add.f32 [tilespmem:s30], [sflag:$0x4], $0x80, s21, s20, $0xb8;
	[tilespmem:$0x1C000] =	vst v63  }
0xa1: {  	_ =	swait.ge [sflag:s9], $0x4000  }
0xa2: {  	s7 =	rddreg [dreg:$0x9];
	[sflag:s9] =	ssyncset.done $0x0  }
0xa3: {  	s17 =	rddreg [dreg:$0x8];
	[sflag:s9] =	ssyncadd.s32 $0xFFFFC000;
	s7 =	sadd.s32 s16, s7  }
0xa4: {  	[tilespmem:s20], [sflag:$0x6] =	stream.linear.gather [hbm4b:s7+s3], $0x80, $0x38;
	[tilespmem:$0x1C000] =	vst v63  }
0xa5: {  	s17 =	sadd.s32 s16, s17  }
0xa6: {  	[tilespmem:s21], [sflag:$0xA] =	stream.linear.gather [hbm4b:s17+s3], $0x80, $0x38;
	[tilespmem:$0x1C000] =	vst v63  }
0xa7: {  	_ =	swait.ge [sflag:s10], $0x80  }
0xa8: {  	[sflag:s10] =	ssyncset.done $0x0  }
0xa9: {  	[sflag:s10] =	ssyncadd.s32 $0xFFFFFF80  }
0xaa: {  	[tilespmem:s30], [sflag:$0x2] =	stream.indirect.gather [hbm4b:s4+s20], $0x80, s24, s20, $0xb8;
	[tilespmem:$0x1C000] =	vst v63  }
0xab: {  	_ =	swait.ge [sflag:s31], $0x4000  }
0xac: {  	[sflag:s31] =	ssyncset.done $0x0  }
0xad: {  	[sflag:s31] =	ssyncadd.s32 $0xFFFFC000  }
0xae: {  	_ =	swait.ge [sflag:s11], $0x80  }
0xaf: {  	[sflag:s11] =	ssyncset.done $0x0  }
0xb0: {  	[sflag:s11] =	ssyncadd.s32 $0xFFFFFF80  }
0xb1: {  	[spmem:s1] =	stream.indirect.scatter.add.f32 [tilespmem:s28], [sflag:$0x3], $0x80, s23, s20, $0xb8;
	[tilespmem:$0x1C000] =	vst v63  }
0xb2: {  	_ =	swait.ge [sflag:s2], $0x4000  }
0xb3: {  	s7 =	rddreg [dreg:$0x7];
	[sflag:s2] =	ssyncset.done $0x0  }
0xb4: {  	s17 =	rddreg [dreg:$0x6];
	[sflag:s2] =	ssyncadd.s32 $0xFFFFC000;
	s7 =	sadd.s32 s16, s7  }
0xb5: {  	[tilespmem:s22], [sflag:$0x7] =	stream.linear.gather [hbm4b:s7+s3], $0x80, $0x38;
	[tilespmem:$0x1C000] =	vst v63  }
0xb6: {  	s17 =	sadd.s32 s16, s17  }
0xb7: {  	[tilespmem:s23], [sflag:$0xB] =	stream.linear.gather [hbm4b:s17+s3], $0x80, $0x38;
	[tilespmem:$0x1C000] =	vst v63  }
0xb8: {  	_ =	swait.ge [sflag:s26], $0x80  }
0xb9: {  	[sflag:s26] =	ssyncset.done $0x0  }
0xba: {  	[sflag:s26] =	ssyncadd.s32 $0xFFFFFF80  }
0xbb: {  	[tilespmem:s28], [sflag:$0x1] =	stream.indirect.gather [hbm4b:s4+s20], $0x80, s3, s20, $0xb8;
	[tilespmem:$0x1C000] =	vst v63  }
0xbc: {  	_ =	swait.ge [sflag:s6], $0x4000  }
0xbd: {  	[sflag:s6] =	ssyncset.done $0x0  }
0xbe: {  	[sflag:s6] =	ssyncadd.s32 $0xFFFFC000  }
0xbf: {  	_ =	swait.ge [sflag:s12], $0x80  }
0xc0: {  	[sflag:s12] =	ssyncset.done $0x0  }
0xc1: {  	[sflag:s12] =	ssyncadd.s32 $0xFFFFFF80  }
0xc2: {  	[spmem:s1] =	stream.indirect.scatter.add.f32 [tilespmem:s30], [sflag:$0x4], $0x80, s25, s20, $0xb8;
	[tilespmem:$0x1C000] =	vst v63  }
0xc3: {  	_ =	swait.ge [sflag:s9], $0x4000  }
0xc4: {  	s7 =	rddreg [dreg:$0x5];
	[sflag:s9] =	ssyncset.done $0x0  }
0xc5: {  	s17 =	rddreg [dreg:$0x4];
	[sflag:s9] =	ssyncadd.s32 $0xFFFFC000;
	s7 =	sadd.s32 s16, s7  }
0xc6: {  	[tilespmem:s24], [sflag:$0x8] =	stream.linear.gather [hbm4b:s7+s3], $0x80, $0x38;
	[tilespmem:$0x1C000] =	vst v63  }
0xc7: {  	s17 =	sadd.s32 s16, s17  }
0xc8: {  	[tilespmem:s25], [sflag:$0xC] =	stream.linear.gather [hbm4b:s17+s3], $0x80, $0x38;
	[tilespmem:$0x1C000] =	vst v63  }
0xc9: {  	_ =	swait.ge [sflag:s29], $0x80  }
0xca: {  	[sflag:s29] =	ssyncset.done $0x0  }
0xcb: {  	[sflag:s29] =	ssyncadd.s32 $0xFFFFFF80  }
0xcc: {  	[tilespmem:s30], [sflag:$0x2] =	stream.indirect.gather [hbm4b:s4+s20], $0x80, s20, s20, $0xb8;
	[tilespmem:$0x1C000] =	vst v63  }
0xcd: {  	p0 =	sne.s32 s15, $0x480;
	_ =	swait.ge [sflag:s31], $0x4000  }
.Ltmp0:
0xce: {  	[sflag:s31] =	ssyncset.done $0x0;
	(pc) =	sbr.rel @p0 .LBB2_2-.Ltmp0, $4  }
0xcf: {  	[sflag:s31] =	ssyncadd.s32 $0xFFFFC000  }
0xd0: {  	_ =	swait.ge [sflag:s0], $0x80  }
0xd1: {  	[sflag:s0] =	ssyncset.done $0x0  }
0xd2: {  	s15 =	sadd.s32 $0x40, s15;
	[sflag:s0] =	ssyncadd.s32 $0xFFFFFF80  }
0xd3: {  	[spmem:s1] =	stream.indirect.scatter.add.f32 [tilespmem:s28], [sflag:$0x3], $0x80, s19, s20, $0xb8;
	[tilespmem:$0x1C000] =	vst v63  }
0xd4: {  	_ =	swait.ge [sflag:s2], $0x4000  }
0xd5: {  	[sflag:s2] =	ssyncset.done $0x0  }
0xd6: {  	[sflag:s2] =	ssyncadd.s32 $0xFFFFC000  }
0xd7: {  	_ =	swait.ge [sflag:s5], $0x80  }
0xd8: {  	[sflag:s5] =	ssyncset.done $0x0  }
0xd9: {  	[sflag:s5] =	ssyncadd.s32 $0xFFFFFF80  }
0xda: {  	[tilespmem:s28], [sflag:$0x1] =	stream.indirect.gather [hbm4b:s4+s20], $0x80, s22, s20, $0xb8;
	[tilespmem:$0x1C000] =	vst v63  }
0xdb: {  	_ =	swait.ge [sflag:s6], $0x4000  }
0xdc: {  	[sflag:s6] =	ssyncset.done $0x0  }
0xdd: {  	[sflag:s6] =	ssyncadd.s32 $0xFFFFC000  }
0xde: {  	_ =	swait.ge [sflag:s8], $0x80  }
0xdf: {  	[sflag:s8] =	ssyncset.done $0x0  }
0xe0: {  	[sflag:s8] =	ssyncadd.s32 $0xFFFFFF80  }
0xe1: {  	[spmem:s1] =	stream.indirect.scatter.add.f32 [tilespmem:s30], [sflag:$0x4], $0x80, s21, s20, $0xb8;
	[tilespmem:$0x1C000] =	vst v63  }
0xe2: {  	_ =	swait.ge [sflag:s9], $0x4000  }
0xe3: {  	[sflag:s9] =	ssyncset.done $0x0  }
0xe4: {  	[sflag:s9] =	ssyncadd.s32 $0xFFFFC000  }
0xe5: {  	_ =	swait.ge [sflag:s10], $0x80  }
0xe6: {  	[sflag:s10] =	ssyncset.done $0x0  }
0xe7: {  	[sflag:s10] =	ssyncadd.s32 $0xFFFFFF80  }
0xe8: {  	[tilespmem:s30], [sflag:$0x2] =	stream.indirect.gather [hbm4b:s4+s20], $0x80, s24, s20, $0xb8;
	[tilespmem:$0x1C000] =	vst v63  }
0xe9: {  	_ =	swait.ge [sflag:s31], $0x4000  }
0xea: {  	[sflag:s31] =	ssyncset.done $0x0  }
0xeb: {  	[sflag:s31] =	ssyncadd.s32 $0xFFFFC000  }
0xec: {  	_ =	swait.ge [sflag:s11], $0x80  }
0xed: {  	[sflag:s11] =	ssyncset.done $0x0  }
0xee: {  	[sflag:s11] =	ssyncadd.s32 $0xFFFFFF80  }
0xef: {  	[spmem:s1] =	stream.indirect.scatter.add.f32 [tilespmem:s28], [sflag:$0x3], $0x80, s23, s20, $0xb8;
	[tilespmem:$0x1C000] =	vst v63  }
0xf0: {  	_ =	swait.ge [sflag:s6], $0x4000  }
0xf1: {  	[sflag:s6] =	ssyncset.done $0x0  }
0xf2: {  	[sflag:s6] =	ssyncadd.s32 $0xFFFFC000  }
0xf3: {  	_ =	swait.ge [sflag:s12], $0x80  }
0xf4: {  	[sflag:s12] =	ssyncset.done $0x0  }
0xf5: {  	[sflag:s12] =	ssyncadd.s32 $0xFFFFFF80  }
0xf6: {  	[spmem:s1] =	stream.indirect.scatter.add.f32 [tilespmem:s30], [sflag:$0x4], $0x80, s25, s20, $0xb8;
	[tilespmem:$0x1C000] =	vst v63  }
0xf7: {  	_ =	swait.ge [sflag:s2], $0x4000  }
0xf8: {  	[sflag:s2] =	ssyncset.done $0x0  }
0xf9: {  	[sflag:s2] =	ssyncadd.s32 $0xFFFFC000  }
0xfa: {  	_ =	swait.ge [sflag:s9], $0x4000  }
0xfb: {  	[sflag:s9] =	ssyncset.done $0x0  }
0xfc: {  	[sflag:s9] =	ssyncadd.s32 $0xFFFFC000  }
0xfd: {  	[bflag:$0x0] =	sbarrier.arrive $0xFFFF  }
0xfe: {  	s15 =	rddreg [dreg:$0xe]  }
0xff: {  	s7 =	rddreg [dreg:$0x17]  }
0x100: {  	[hbm:s7], [sflag:s15] =	dma.local [spmem:s14], $0x2780  }
0x101: {  	_ =	swait.ge [sflag:s18], $0x2780  }
0x102: {  	s13 =	sadd.s32 $0x1, s13;
	s17 =	rddreg [dreg:$0x18]  }
0x103: {  	p0 =	sne.s32 s13, s17  }
.Ltmp1:
0x104: {  	_ = 	snop;
	(pc) =	sbr.rel @p0 .LBB2_1-.Ltmp1, $3  }
0x105: {  	_ =	sdelay $0x1  }
0x106: {  	[sflag:s18] =	ssyncset.done $0x0  }
0x107: {  	[sflag:s18] =	ssyncadd.s32 $0xFFFFD880  }
0x108: {  	_ =	sfence.sel $0x180000  }
0x109: {  	[bflag:$0x0] =	sbarrier.arrive $0xFFFF  }
0x10a: {  	_ =	strace $0x9000004A  }
0x10b: {  	s0 =	stileid.u32;
	[bflag:$0x2] =	sbarrier.arrive $0xFFFF  }
0x10c: {  	p0 =	sne.s32 s0, $0x0;
	s0 =	rddreg [dreg:$0x3]  }
0x10d: {  	s0 =	sadd.s32 @!p0 $0x100000, s0  }
0x10e: {  	[sflag:s0] =	ssyncadd.tile.s32 @!p0 $0x1;
	_ =	shalt  }
.Lfunc_end2:
_tile_overlayer_lowered:
.L_overlay_start_2:
0x10f: {  	(tag) =	ssettag $0x2  }
0x110: {  	s0 =	rddreg [dreg:$0x0];
	s2 =	stileid.u32  }
0x111: {  	s1 =	rddreg [dreg:$0x1];
	p0 =	sne.s32 s2, $0x0  }
0x112: {  	s3 =	rddreg [dreg:$0x2];
	[bflag:$0x3] =	sbarrier.arrive $0xFFFF;
	s2 =	simm.s32 @!p0 $0x1C0D  }
0x113: {  	[timem:s3], [sflag:s2] =	dma.local @!p0 [hbm:s0], s1  }
0x114: {  	s0 =	simm.s32 @!p0 $0xD  }
0x115: {  	_ =	swait.ge @!p0 [sflag:s0], s1  }
0x116: {  	s1 =	ssub.s32 @!p0 $0x0, s1;
	[sflag:s0] =	ssyncset.done @!p0 $0x0  }
0x117: {  	[sflag:s0] =	ssyncadd.s32 @!p0 s1  }
0x118: {  	[bflag:$0x3] =	sbarrier.arrive $0xFFFF  }
0x119: {  	_ =	shalt  }

// kernel: kernel.14.cloned.1.call-start
scs
__scs_entry_jumppad:
0x0: {  	(pc) =	sbr.rel $0x88, $3  }
0x1: {  	(tag) =	ssettag $0x0;
	lr =	simm.s32 $0x1  }
0x2: {  	[smem:$0x3F89] =	sst lr;
	_ =	strace $0xD0000000  }
0x3: {  	_ = 	snop  }
0x4: {  	_ = 	snop  }
0x5: {  	_ = 	snop  }
0x6: {  	_ = 	snop  }
0x7: {  	_ = 	snop  }
__scs_overlays_trampoline_lowered:
0x8: {  	[smem:$0x3F98] =	sst s0  }
0x9: {  	[smem:$0x3F99] =	sst s1  }
0xa: {  	[smem:$0x3F9A] =	sst s2  }
0xb: {  	[smem:$0x3F9B] =	sst s3  }
0xc: {  	[smem:$0x3F9C] =	sst s4  }
0xd: {  	[smem:$0x3F9D] =	sst s5  }
0xe: {  	[smem:$0x3F9E] =	sst s6  }
0xf: {  	[smem:$0x3F9F] =	sst s7  }
0x10: {  	[smem:$0x3FA0] =	sst s8  }
0x11: {  	[smem:$0x3FA1] =	sst s9;
	s0 =	simm.s32 @!p0 $0x0  }
0x12: {  	s1 =	sld [smem:$0x3F87];
	s0 =	simm.s32 @p0 $0x1  }
0x13: {  	[smem:$0x3FA2] =	sst s0;
	s0 =	simm.s32 @!p1 $0x0  }
0x14: {  	s2 =	sld [smem:$0x3F86];
	s0 =	simm.s32 @p1 $0x1  }
0x15: {  	[smem:$0x3FA3] =	sst s0;
	s0 =	simm.s32 @!p2 $0x0  }
0x16: {  	s3 =	sld [smem:$0x3FDB];
	s0 =	simm.s32 @p2 $0x1  }
0x17: {  	s4 =	simm.s32 $0x1BF5;
	[smem:$0x3FA5] =	sst s0  }
0x18: {  	s0 =	sld [smem:$0x3F88];
	_ =	swait.ge [sflag:s4], $0x0  }
0x19: {  	s7 =	sld [smem:$0x3F89]  }
0x1a: {  	s8 =	sadd.s32 $0xFFFFE003, lr  }
0x1b: {  	s9 =	sadd.s32 $0xFFFFFEF7, lr;
	s5 =	simm.s32 $0xFFFFFFFF;
	p2 =	slt.u32 s8, $0xFFFFF086  }
0x1c: {  	p1 =	slt.u32 s9, $0xF7A;
	s5 =	simm.s32 @!p2 $0x0  }
0x1d: {  	s5 =	simm.s32 @p1 $0x1;
	p0 =	seq.s32 s7, s2  }
0x1e: {  	s7 =	smul.u32 @!p0 $0xF7A, s2;
	p2 =	seq.s32 @!p0 s5, $0x0  }
0x1f: {  	s9 =	smul.u32 $0xF7A, s1;
	s8 =	simm.s32 @!p0 $0x1BF5;
	p2 =	por !p2, p0  }
0x20: {  	[sflag:s8] =	ssyncset.s32 @!p0 $0xFFFFF086;
	s6 =	sadd.s32 @!p0 s3, s7;
	s7 =	simm.s32 @!p0 $0x108  }
0x21: {  	s3 =	sadd.s32 s3, s9;
	s6 =	sadd.s32 @!p0 $0x88, s6;
	s7 =	simm.s32 @p2 $0x1082  }
0x22: {  	[simem:s7], [sflag:s8] =	dma.local @!p0 [hbm:s6], $0xF7A  }
0x23: {  	s9 =	sor.u32 $0xD0000000, s2;
	s6 =	simm.s32 $0x108;
	_ =	swait.ge @!p0 [sflag:s8], $0x0  }
0x24: {  	s3 =	sadd.s32 $0x88, s3;
	s6 =	simm.s32 @!p1 $0x1082;
	[sflag:s4] =	ssyncset.s32 $0xFFFFF086  }
0x25: {  	[simem:s6], [sflag:s4] =	dma.local [hbm:s3], $0xF7A  }
0x26: {  	[smem:$0x3F89] =	sst s1;
	(tag) =	ssettag s2;
	_ =	strace s9  }
0x27: {  	s1 =	sld [smem:$0x3F99]  }
0x28: {  	s2 =	sld [smem:$0x3F9A]  }
0x29: {  	s4 =	sld [smem:$0x3F9C]  }
0x2a: {  	p0 =	seq.s32 s5, $0x0;
	s5 =	sld [smem:$0x3F9D]  }
0x2b: {  	s6 =	sld [smem:$0x3F9E]  }
0x2c: {  	s7 =	sld [smem:$0x3F9F]  }
0x2d: {  	s3 =	simm.s32 $0x108;
	s8 =	sld [smem:$0x3FA0]  }
0x2e: {  	s3 =	simm.s32 @!p0 $0x1082;
	s9 =	sld [smem:$0x3FA1]  }
0x2f: {  	lr =	sadd.s32 s0, s3;
	s0 =	sld [smem:$0x3F98]  }
0x30: {  	s3 =	sld [smem:$0x3F9B]  }
0x31: {  	[smem:$0x3FA4] =	sst s10  }
0x32: {  	s10 =	sld [smem:$0x3FA2];
	_ =	sdelay $0x3  }
0x33: {  	p0 =	seq.s32 s10, $0x1;
	s10 =	sld [smem:$0x3FA4];
	_ =	sdelay $0x3  }
0x34: {  	[smem:$0x3FA4] =	sst s10  }
0x35: {  	s10 =	sld [smem:$0x3FA3];
	_ =	sdelay $0x3  }
0x36: {  	p1 =	seq.s32 s10, $0x1;
	s10 =	sld [smem:$0x3FA4];
	_ =	sdelay $0x3  }
0x37: {  	[smem:$0x3FA4] =	sst s10  }
0x38: {  	s10 =	sld [smem:$0x3FA5]  }
0x39: {  	_ = 	snop;
	(pc) =	sbr.ind lr, $3  }
0x3a: {  	_ = 	snop  }
0x3b: {  	_ = 	snop  }
0x3c: {  	p2 =	seq.s32 s10, $0x1;
	s10 =	sld [smem:$0x3FA4]  }
0x3d: {  	_ =	shalt  }
0x3e: {  	_ =	shalt  }
0x3f: {  	_ =	shalt  }
0x40: {  	_ =	shalt  }
0x41: {  	_ =	shalt  }
0x42: {  	_ =	shalt  }
0x43: {  	_ =	shalt  }
0x44: {  	_ =	shalt  }
0x45: {  	_ =	shalt  }
0x46: {  	_ =	shalt  }
0x47: {  	_ =	shalt  }
0x48: {  	_ =	shalt  }
0x49: {  	_ =	shalt  }
0x4a: {  	_ =	shalt  }
0x4b: {  	_ =	shalt  }
0x4c: {  	_ =	shalt  }
0x4d: {  	_ =	shalt  }
0x4e: {  	_ =	shalt  }
0x4f: {  	_ =	shalt  }
0x50: {  	_ =	shalt  }
0x51: {  	_ =	shalt  }
0x52: {  	_ =	shalt  }
0x53: {  	_ =	shalt  }
0x54: {  	_ =	shalt  }
0x55: {  	_ =	shalt  }
0x56: {  	_ =	shalt  }
0x57: {  	_ =	shalt  }
0x58: {  	_ =	shalt  }
0x59: {  	_ =	shalt  }
0x5a: {  	_ =	shalt  }
0x5b: {  	_ =	shalt  }
0x5c: {  	_ =	shalt  }
0x5d: {  	_ =	shalt  }
0x5e: {  	_ =	shalt  }
0x5f: {  	_ =	shalt  }
0x60: {  	_ =	shalt  }
0x61: {  	_ =	shalt  }
0x62: {  	_ =	shalt  }
0x63: {  	_ =	shalt  }
0x64: {  	_ =	shalt  }
0x65: {  	_ =	shalt  }
0x66: {  	_ =	shalt  }
0x67: {  	_ =	shalt  }
0x68: {  	_ =	shalt  }
0x69: {  	_ =	shalt  }
0x6a: {  	_ =	shalt  }
0x6b: {  	_ =	shalt  }
0x6c: {  	_ =	shalt  }
0x6d: {  	_ =	shalt  }
0x6e: {  	_ =	shalt  }
0x6f: {  	_ =	shalt  }
0x70: {  	_ =	shalt  }
0x71: {  	_ =	shalt  }
0x72: {  	_ =	shalt  }
0x73: {  	_ =	shalt  }
0x74: {  	_ =	shalt  }
0x75: {  	_ =	shalt  }
0x76: {  	_ =	shalt  }
0x77: {  	_ =	shalt  }
0x78: {  	_ =	shalt  }
0x79: {  	_ =	shalt  }
0x7a: {  	_ =	shalt  }
0x7b: {  	_ =	shalt  }
0x7c: {  	_ =	shalt  }
0x7d: {  	_ =	shalt  }
0x7e: {  	_ =	shalt  }
0x7f: {  	_ =	shalt  }
0x80: {  	_ =	shalt  }
0x81: {  	_ =	shalt  }
0x82: {  	_ =	shalt  }
0x83: {  	_ =	shalt  }
0x84: {  	_ =	shalt  }
0x85: {  	_ =	shalt  }
0x86: {  	_ =	shalt  }
0x87: {  	_ =	shalt  }
.Lfunc_end0:
.L_simem_size_0:
called_computation.2_lowered:
.L_overlay_start_0:
0x88: {  	s2 =	sld [smem:$0x3FD9]  }
0x89: {  	s3 =	sld [smem:$0x3FFE];
	_ =	sdelay $0x1  }
0x8a: {  	s1 =	srdreg.scid  }
0x8b: {  	s0 =	sand.u32 $0x1, s1  }
0x8c: {  	s17 =	sshll.u32 s0, $0xA;
	s2 =	sadd.s32 s3, s2  }
0x8d: {  	s2 =	sadd.s32 s2, s17  }
0x8e: {  	[smem:$0x3FB0] =	sst s2  }
0x8f: {  	_ = 	snop  }
0x90: {  	s2 =	sld [smem:$0x3FD0];
	(tm) =	ssettm $0x1  }
0x91: {  	s18 =	sld [smem:$0x3FFB];
	_ =	sdelay $0x3  }
0x92: {  	_ =	strace s18  }
0x93: {  	s3 =	sld [smem:$0x3FFC];
	_ =	sdelay $0x3  }
0x94: {  	_ =	strace s3  }
0x95: {  	s3 =	sld [smem:$0x3FFD];
	_ =	sdelay $0x3  }
0x96: {  	_ =	strace s3  }
0x97: {  	_ =	strace $0x8FFFFFFF  }
0x98: {  	s19 =	sld [smem:$0x3FDB];
	_ =	sdelay $0x1  }
0x99: {  	s4 =	simm.s32 $_scs_section_size  }
0x9a: {  	s5 =	simm.s32 $_size__tile_overlayer_lowered;
	s6 =	simm.s32 $_tile_overlayer_lowered  }
0x9b: {  	s22 =	simm.s32 $0x1BFF;
	s21 =	sshll.u32 s6, $0x1;
	s3 =	sadd.s32 s4, s19  }
0x9c: {  	s7 =	simm.s32 $0x0;
	s20 =	sshll.u32 s5, $0x1;
	s5 =	sadd.s32 s21, s3  }
0x9d: {  	[timem:s7], [sflag:s22] =	dma.local [hbm:s5], s20  }
0x9e: {  	_ =	swait.ge [sflag:s22], s20  }
0x9f: {  	s4 =	ssub.s32 $0x0, s20;
	[sflag:s22] =	ssyncset.done $0x0  }
0xa0: {  	[sflag:s22] =	ssyncadd.s32 s4;
	_ =	sdelay $0x1  }
0xa1: {  	s23 =	simm.s32 $0x1B8B  }
0xa2: {  	_ =	swait.ge [sflag:s23], $0x1  }
0xa3: {  	[sflag:s23] =	ssyncset.done $0x0  }
0xa4: {  	s25 =	simm.s32 $0x1B8E;
	s24 =	sld [smem:$0x3FFE];
	[sflag:s23] =	ssyncadd.s32 $0xFFFFFFFF  }
0xa5: {  	s26 =	simm.s32 $execute0_lowered;
	[smem:$0x3FD2] =	sst s25  }
0xa6: {  	s5 =	sshll.u32 s26, $0x1;
	_ =	strace $0x8000004C;
	[dreg:$0x1] =	wrdreg $0xFFFFFFFF  }
0xa7: {  	s28 =	simm.s32 $_size_execute0_lowered;
	s3 =	sadd.s32 s3, s5;
	[dreg:$0x0] =	wrdreg $0x0  }
0xa8: {  	s5 =	sshll.u32 s28, $0x1;
	[dreg:$0x2] =	wrdreg s3  }
0xa9: {  	[dreg:$0x3] =	wrdreg s5  }
0xaa: {  	[dreg:$0x4] =	wrdreg $0xC0  }
0xab: {  	_ =	task [dreg:s7], $0x5FFFF  }
0xac: {  	[dreg:$0x1] =	wrdreg $0xFFFFFFFF  }
0xad: {  	[dreg:$0x0] =	wrdreg $0x60  }
0xae: {  	[dreg:$0x2] =	wrdreg s24  }
0xaf: {  	[dreg:$0x3] =	wrdreg s2  }
0xb0: {  	[dreg:$0x4] =	wrdreg $0x84000  }
0xb1: {  	[dreg:$0x5] =	wrdreg $0x9  }
0xb2: {  	_ =	task.clear_ibuf [dreg:s7], $0x6FFFF;
	_ =	strace $0x9000004C  }
0xb3: {  	s29 =	simm.s32 $0x9;
	_ =	strace $0x8000004E  }
0xb4: {  	_ =	swait.ge [sflag:s29], $0x1  }
0xb5: {  	[sflag:s29] =	ssyncadd.s32 $0xFFFFFFFF  }
0xb6: {  	_ =	strace $0x9000004E  }
0xb7: {  	_ =	sfence  }
0xb8: {  	s30 =	sld [smem:$0x0];
	_ =	sdelay $0x2  }
0xb9: {  	s31 =	sshll.u32 s1, $0xD;
	s1 =	sshrl.u32 s1, $0x2  }
0xba: {  	s3 =	sand.u32 $0x4000, s31;
	s1 =	sadd.s32 s1, s30  }
0xbb: {  	s0 =	sor.u32 s3, s0;
	s1 =	sshll.u32 s1, $0x11  }
0xbc: {  	s0 =	sor.u32 s1, s0  }
0xbd: {  	s0 =	sadd.s32 $0x8F2B, s0  }
0xbe: {  	[sflag:s0] =	ssyncadd.remote.s32 $0x1  }
0xbf: {  	_ =	sfence.sel $0xFFFF  }
0xc0: {  	[dreg:$0x0] =	wrdreg $0xFFFFFFFF;
	(pc) =	sbr.abs _section_cstart, $3  }
0xc1: {  	[dreg:$0x1] =	wrdreg $0xFFFFFFFF  }
0xc2: {  	_ =	task.clear_ibuf [dreg:s7], $0x2FFFF;
	_ =	strace $0x9FFFFFFF  }
0xc3: {  	(tm) =	ssettm $0x7FFFFFFF  }
tec
execute0_lowered:
.L_overlay_start_1:
0x0: {  	(tag) =	ssettag $0x1  }
0x1: {  	s2 =	rddreg [dreg:$0x0]  }
0x2: {  	s0 =	rddreg [dreg:$0x1]  }
0x3: {  	s1 =	rddreg [dreg:$0x2]  }
0x4: {  	s3 =	simm.s32 $0x0;
	s4 =	srdreg.scid;
	s12 =	stileid.u32  }
0x5: {  	s28 =	simm.s32 $0x400;
	s29 =	simm.s32 $0x6;
	s30 =	simm.s32 $0x4400  }
0x6: {  	s31 =	simm.s32 $0x1;
	[smem:$0x7FF] =	sst s3;
	s7 =	smul.u32 $0x13C00, s12  }
0x7: {  	s5 =	sand.u32 $0x1, s4;
	s4 =	sadd.s32 $0x11000, s2;
	s18 =	smul.u32 $0x4F000, s12  }
0x8: {  	s8 =	sadd.s32 $0x4800, s2;
	s9 =	sadd.s32 $0xE800, s2;
	s21 =	smul.u32 $0x5000, s12  }
0x9: {  	s17 =	sshll.u32 s12, $0x1;
	s19 =	sshll.u32 s12, $0x6;
	s6 =	smul.u32 $0x13C000, s5  }
0xa: {  	_ =	strace $0x8000004D;
	[dreg:$0xc] =	wrdreg s9;
	s15 =	sor.u32 $0x1C0D, s19  }
0xb: {  	s10 =	ssub.s32 $0x2, s5;
	s9 =	sshrl.u32 s18, $0x2;
	[dreg:$0xe] =	wrdreg s15  }
0xc: {  	s6 =	sadd.s32 s7, s6;
	s7 =	sor.u32 s5, s17;
	s5 =	smul.u32 $0x2800, s5  }
0xd: {  	s9 =	sadd.s32 s9, s1;
	s6 =	sshrl.u32 s6, $0x3;
	s7 =	smul.u32 $0x2800, s7  }
0xe: {  	s11 =	sshrl.u32 s10, $0x1;
	[dreg:$0xd] =	wrdreg s9;
	s2 =	sadd.s32 s6, s2  }
0xf: {  	s6 =	ssub.s32 s10, s11;
	s5 =	sadd.s32 s5, s21;
	s20 =	sshrl.u32 s7, $0x3  }
0x10: {  	s18 =	sor.u32 $0x300, s5;
	s21 =	sor.u32 $0x280, s5;
	s2 =	sadd.s32 $0x38200, s2  }
0x11: {  	s6 =	smax.u32 s6, $0x1;
	s22 =	sor.u32 $0x10, s20;
	[dreg:$0x17] =	wrdreg s2  }
0x12: {  	s7 =	sadd.s32 s0, s20;
	s23 =	sadd.s32 s8, s20;
	[dreg:$0x18] =	wrdreg s6  }
0x13: {  	s26 =	sor.u32 $0x20, s20;
	s10 =	sor.u32 $0x30, s20;
	[dreg:$0xf] =	wrdreg s7  }
0x14: {  	s19 =	sshrl.u32 s18, $0x3;
	[dreg:$0x10] =	wrdreg s23;
	s24 =	sadd.s32 s0, s22  }
0x15: {  	s18 =	simm.s32 $0xD;
	s25 =	sadd.s32 s8, s22;
	[dreg:$0x11] =	wrdreg s24  }
0x16: {  	s2 =	simm.s32 $0x3;
	s11 =	sadd.s32 s0, s26;
	[dreg:$0x12] =	wrdreg s25  }
0x17: {  	s6 =	simm.s32 $0x2;
	s12 =	sadd.s32 s8, s26;
	[dreg:$0x13] =	wrdreg s11  }
0x18: {  	s13 =	sadd.s32 s0, s10;
	s16 =	sadd.s32 s8, s10;
	[dreg:$0x14] =	wrdreg s12  }
0x19: {  	s20 =	sadd.s32 s19, s8;
	s22 =	sadd.s32 s19, s0;
	[dreg:$0x15] =	wrdreg s13  }
0x1a: {  	s23 =	sshrl.u32 s21, $0x3;
	s19 =	simm.s32 $0x200;
	[dreg:$0x16] =	wrdreg s16  }
0x1b: {  	s21 =	simm.s32 $0x280;
	s10 =	simm.s32 $0x8;
	[dreg:$0x6] =	wrdreg s20  }
0x1c: {  	s11 =	sor.u32 $0x380, s5;
	[dreg:$0x7] =	wrdreg s22;
	s24 =	sadd.s32 s23, s8  }
0x1d: {  	s5 =	sor.u32 $0x200, s5;
	s25 =	sadd.s32 s23, s0;
	s20 =	simm.s32 $0x80  }
0x1e: {  	s22 =	simm.s32 $0x100;
	s23 =	simm.s32 $0x300;
	s12 =	simm.s32 $0xC  }
0x1f: {  	s13 =	simm.s32 $0x0;
	s14 =	sshrl.u32 s11, $0x3;
	[dreg:$0x8] =	wrdreg s24  }
0x20: {  	s5 =	sshrl.u32 s5, $0x3;
	[dreg:$0x9] =	wrdreg s25;
	s17 =	sadd.s32 s14, s8  }
0x21: {  	s24 =	simm.s32 $0x180;
	s9 =	sadd.s32 s14, s0;
	[dreg:$0x4] =	wrdreg s17  }
0x22: {  	s25 =	simm.s32 $0x380;
	s26 =	sadd.s32 s5, s8;
	[dreg:$0x5] =	wrdreg s9  }
0x23: {  	s11 =	simm.s32 $0xB;
	s0 =	sadd.s32 s5, s0;
	[dreg:$0xa] =	wrdreg s26  }
0x24: {  	s5 =	simm.s32 $0x7;
	s8 =	simm.s32 $0xA;
	[dreg:$0xb] =	wrdreg s0  }
0x25: {  	s26 =	simm.s32 $0x5;
	s0 =	simm.s32 $0x9;
	s9 =	simm.s32 $0x4  }
.LBB2_1:
0x26: {  	s7 =	rddreg [dreg:$0xd]  }
0x27: {  	s17 =	rddreg [dreg:$0xc];
	s14 =	sshrl.u32 s7, $0x3  }
0x28: {  	[spmem:s14], [sflag:s15] =	dma.local [hbm:s17], $0x2780  }
0x29: {  	_ =	swait.ge [sflag:s18], $0x2780  }
0x2a: {  	[sflag:s18] =	ssyncset.done $0x0  }
0x2b: {  	[sflag:s18] =	ssyncadd.s32 $0xFFFFD880  }
0x2c: {  	[bflag:$0x0] =	sbarrier.arrive $0xFFFF  }
0x2d: {  	s16 =	rddreg [dreg:$0xf]  }
0x2e: {  	[tilespmem:s3], [sflag:$0x5] =	stream.linear.gather [hbm4b:s16+s3], $0x80, $0x38;
	[tilespmem:$0x1C000] =	vst v63  }
0x2f: {  	s17 =	rddreg [dreg:$0x10]  }
0x30: {  	[tilespmem:s19], [sflag:$0x9] =	stream.linear.gather [hbm4b:s17+s3], $0x80, $0x38;
	[tilespmem:$0x1C000] =	vst v63  }
0x31: {  	s15 =	rddreg [dreg:$0x11]  }
0x32: {  	[tilespmem:s20], [sflag:$0x6] =	stream.linear.gather [hbm4b:s15+s3], $0x80, $0x38;
	[tilespmem:$0x1C000] =	vst v63  }
0x33: {  	s16 =	rddreg [dreg:$0x12]  }
0x34: {  	[tilespmem:s21], [sflag:$0xA] =	stream.linear.gather [hbm4b:s16+s3], $0x80, $0x38;
	[tilespmem:$0x1C000] =	vst v63  }
0x35: {  	s17 =	rddreg [dreg:$0x13]  }
0x36: {  	[tilespmem:s22], [sflag:$0x7] =	stream.linear.gather [hbm4b:s17+s3], $0x80, $0x38;
	[tilespmem:$0x1C000] =	vst v63  }
0x37: {  	s15 =	rddreg [dreg:$0x14]  }
0x38: {  	[tilespmem:s23], [sflag:$0xB] =	stream.linear.gather [hbm4b:s15+s3], $0x80, $0x38;
	[tilespmem:$0x1C000] =	vst v63  }
0x39: {  	s16 =	rddreg [dreg:$0x15]  }
0x3a: {  	[tilespmem:s24], [sflag:$0x8] =	stream.linear.gather [hbm4b:s16+s3], $0x80, $0x38;
	[tilespmem:$0x1C000] =	vst v63  }
0x3b: {  	s17 =	rddreg [dreg:$0x16]  }
0x3c: {  	[tilespmem:s25], [sflag:$0xC] =	stream.linear.gather [hbm4b:s17+s3], $0x80, $0x38;
	[tilespmem:$0x1C000] =	vst v63  }
0x3d: {  	_ =	swait.ge [sflag:s26], $0x80  }
0x3e: {  	[sflag:s26] =	ssyncset.done $0x0  }
0x3f: {  	[sflag:s26] =	ssyncadd.s32 $0xFFFFFF80  }
0x40: {  	[tilespmem:s28], [sflag:$0x1] =	stream.indirect.gather [hbm4b:s4+s20], $0x80, s3, s20, $0xb8;
	[tilespmem:$0x1C000] =	vst v63  }
0x41: {  	_ =	swait.ge [sflag:s29], $0x80  }
0x42: {  	[sflag:s29] =	ssyncset.done $0x0  }
0x43: {  	[sflag:s29] =	ssyncadd.s32 $0xFFFFFF80  }
0x44: {  	[tilespmem:s30], [sflag:$0x2] =	stream.indirect.gather [hbm4b:s4+s20], $0x80, s20, s20, $0xb8;
	[tilespmem:$0x1C000] =	vst v63  }
0x45: {  	_ =	swait.ge [sflag:s31], $0x4000  }
0x46: {  	[sflag:s31] =	ssyncset.done $0x0  }
0x47: {  	[sflag:s31] =	ssyncadd.s32 $0xFFFFC000  }
0x48: {  	_ =	swait.ge [sflag:s0], $0x80  }
0x49: {  	[sflag:s0] =	ssyncset.done $0x0  }
0x4a: {  	[sflag:s0] =	ssyncadd.s32 $0xFFFFFF80  }
0x4b: {  	[spmem:s1] =	stream.indirect.scatter.add.f32 [tilespmem:s28], [sflag:$0x3], $0x80, s19, s20, $0xb8;
	[tilespmem:$0x1C000] =	vst v63  }
0x4c: {  	_ =	swait.ge [sflag:s2], $0x4000  }
0x4d: {  	s7 =	rddreg [dreg:$0xb];
	[sflag:s2] =	ssyncset.done $0x0  }
0x4e: {  	s16 =	rddreg [dreg:$0xa];
	[sflag:s2] =	ssyncadd.s32 $0xFFFFC000;
	s15 =	sadd.s32 $0x0, s7  }
0x4f: {  	[tilespmem:s3], [sflag:$0x5] =	stream.linear.gather [hbm4b:s15+s3], $0x80, $0x38;
	[tilespmem:$0x1C000] =	vst v63  }
0x50: {  	s16 =	sadd.s32 $0x0, s16  }
0x51: {  	[tilespmem:s19], [sflag:$0x9] =	stream.linear.gather [hbm4b:s16+s3], $0x80, $0x38;
	[tilespmem:$0x1C000] =	vst v63  }
0x52: {  	_ =	swait.ge [sflag:s5], $0x80  }
0x53: {  	[sflag:s5] =	ssyncset.done $0x0  }
0x54: {  	[sflag:s5] =	ssyncadd.s32 $0xFFFFFF80  }
0x55: {  	[tilespmem:s28], [sflag:$0x1] =	stream.indirect.gather [hbm4b:s4+s20], $0x80, s22, s20, $0xb8;
	[tilespmem:$0x1C000] =	vst v63  }
0x56: {  	_ =	swait.ge [sflag:s6], $0x4000  }
0x57: {  	[sflag:s6] =	ssyncset.done $0x0  }
0x58: {  	[sflag:s6] =	ssyncadd.s32 $0xFFFFC000  }
0x59: {  	_ =	swait.ge [sflag:s8], $0x80  }
0x5a: {  	[sflag:s8] =	ssyncset.done $0x0  }
0x5b: {  	[sflag:s8] =	ssyncadd.s32 $0xFFFFFF80  }
0x5c: {  	[spmem:s1] =	stream.indirect.scatter.add.f32 [tilespmem:s30], [sflag:$0x4], $0x80, s21, s20, $0xb8;
	[tilespmem:$0x1C000] =	vst v63  }
0x5d: {  	_ =	swait.ge [sflag:s9], $0x4000  }
0x5e: {  	s17 =	rddreg [dreg:$0x9];
	[sflag:s9] =	ssyncset.done $0x0  }
0x5f: {  	s7 =	rddreg [dreg:$0x8];
	[sflag:s9] =	ssyncadd.s32 $0xFFFFC000;
	s15 =	sadd.s32 $0x0, s17  }
0x60: {  	[tilespmem:s20], [sflag:$0x6] =	stream.linear.gather [hbm4b:s15+s3], $0x80, $0x38;
	[tilespmem:$0x1C000] =	vst v63  }
0x61: {  	s16 =	sadd.s32 $0x0, s7  }
0x62: {  	[tilespmem:s21], [sflag:$0xA] =	stream.linear.gather [hbm4b:s16+s3], $0x80, $0x38;
	[tilespmem:$0x1C000] =	vst v63  }
0x63: {  	_ =	swait.ge [sflag:s10], $0x80  }
0x64: {  	[sflag:s10] =	ssyncset.done $0x0  }
0x65: {  	[sflag:s10] =	ssyncadd.s32 $0xFFFFFF80  }
0x66: {  	[tilespmem:s30], [sflag:$0x2] =	stream.indirect.gather [hbm4b:s4+s20], $0x80, s24, s20, $0xb8;
	[tilespmem:$0x1C000] =	vst v63  }
0x67: {  	_ =	swait.ge [sflag:s31], $0x4000  }
0x68: {  	[sflag:s31] =	ssyncset.done $0x0  }
0x69: {  	[sflag:s31] =	ssyncadd.s32 $0xFFFFC000  }
0x6a: {  	_ =	swait.ge [sflag:s11], $0x80  }
0x6b: {  	[sflag:s11] =	ssyncset.done $0x0  }
0x6c: {  	[sflag:s11] =	ssyncadd.s32 $0xFFFFFF80  }
0x6d: {  	[spmem:s1] =	stream.indirect.scatter.add.f32 [tilespmem:s28], [sflag:$0x3], $0x80, s23, s20, $0xb8;
	[tilespmem:$0x1C000] =	vst v63  }
0x6e: {  	_ =	swait.ge [sflag:s2], $0x4000  }
0x6f: {  	s17 =	rddreg [dreg:$0x7];
	[sflag:s2] =	ssyncset.done $0x0  }
0x70: {  	s7 =	rddreg [dreg:$0x6];
	[sflag:s2] =	ssyncadd.s32 $0xFFFFC000;
	s15 =	sadd.s32 $0x0, s17  }
0x71: {  	[tilespmem:s22], [sflag:$0x7] =	stream.linear.gather [hbm4b:s15+s3], $0x80, $0x38;
	[tilespmem:$0x1C000] =	vst v63  }
0x72: {  	s16 =	sadd.s32 $0x0, s7  }
0x73: {  	[tilespmem:s23], [sflag:$0xB] =	stream.linear.gather [hbm4b:s16+s3], $0x80, $0x38;
	[tilespmem:$0x1C000] =	vst v63  }
0x74: {  	_ =	swait.ge [sflag:s26], $0x80  }
0x75: {  	[sflag:s26] =	ssyncset.done $0x0  }
0x76: {  	[sflag:s26] =	ssyncadd.s32 $0xFFFFFF80  }
0x77: {  	[tilespmem:s28], [sflag:$0x1] =	stream.indirect.gather [hbm4b:s4+s20], $0x80, s3, s20, $0xb8;
	[tilespmem:$0x1C000] =	vst v63  }
0x78: {  	_ =	swait.ge [sflag:s6], $0x4000  }
0x79: {  	[sflag:s6] =	ssyncset.done $0x0  }
0x7a: {  	[sflag:s6] =	ssyncadd.s32 $0xFFFFC000  }
0x7b: {  	_ =	swait.ge [sflag:s12], $0x80  }
0x7c: {  	[sflag:s12] =	ssyncset.done $0x0  }
0x7d: {  	[sflag:s12] =	ssyncadd.s32 $0xFFFFFF80  }
0x7e: {  	[spmem:s1] =	stream.indirect.scatter.add.f32 [tilespmem:s30], [sflag:$0x4], $0x80, s25, s20, $0xb8;
	[tilespmem:$0x1C000] =	vst v63  }
0x7f: {  	_ =	swait.ge [sflag:s9], $0x4000  }
0x80: {  	s17 =	rddreg [dreg:$0x5];
	[sflag:s9] =	ssyncset.done $0x0  }
0x81: {  	s7 =	rddreg [dreg:$0x4];
	[sflag:s9] =	ssyncadd.s32 $0xFFFFC000;
	s15 =	sadd.s32 $0x0, s17  }
0x82: {  	[tilespmem:s24], [sflag:$0x8] =	stream.linear.gather [hbm4b:s15+s3], $0x80, $0x38;
	[tilespmem:$0x1C000] =	vst v63  }
0x83: {  	s17 =	sadd.s32 $0x0, s7  }
0x84: {  	[tilespmem:s25], [sflag:$0xC] =	stream.linear.gather [hbm4b:s17+s3], $0x80, $0x38;
	[tilespmem:$0x1C000] =	vst v63  }
0x85: {  	_ =	swait.ge [sflag:s29], $0x80  }
0x86: {  	[sflag:s29] =	ssyncset.done $0x0  }
0x87: {  	[sflag:s29] =	ssyncadd.s32 $0xFFFFFF80  }
0x88: {  	[tilespmem:s30], [sflag:$0x2] =	stream.indirect.gather [hbm4b:s4+s20], $0x80, s20, s20, $0xb8;
	[tilespmem:$0x1C000] =	vst v63  }
0x89: {  	_ =	swait.ge [sflag:s31], $0x4000  }
0x8a: {  	[sflag:s31] =	ssyncset.done $0x0  }
0x8b: {  	[sflag:s31] =	ssyncadd.s32 $0xFFFFC000  }
0x8c: {  	_ =	swait.ge [sflag:s0], $0x80  }
0x8d: {  	[sflag:s0] =	ssyncset.done $0x0  }
0x8e: {  	s15 =	simm.s32 $0x40;
	[sflag:s0] =	ssyncadd.s32 $0xFFFFFF80  }
.LBB2_2:
0x8f: {  	[spmem:s1] =	stream.indirect.scatter.add.f32 [tilespmem:s28], [sflag:$0x3], $0x80, s19, s20, $0xb8;
	[tilespmem:$0x1C000] =	vst v63  }
0x90: {  	_ =	swait.ge [sflag:s2], $0x4000  }
0x91: {  	s16 =	smov.u32 s15;
	s17 =	rddreg [dreg:$0xb];
	[sflag:s2] =	ssyncset.done $0x0  }
0x92: {  	s7 =	rddreg [dreg:$0xa];
	[sflag:s2] =	ssyncadd.s32 $0xFFFFC000;
	s17 =	sadd.s32 s16, s17  }
0x93: {  	[tilespmem:s3], [sflag:$0x5] =	stream.linear.gather [hbm4b:s17+s3], $0x80, $0x38;
	[tilespmem:$0x1C000] =	vst v63  }
0x94: {  	s7 =	sadd.s32 s16, s7  }
0x95: {  	[tilespmem:s19], [sflag:$0x9] =	stream.linear.gather [hbm4b:s7+s3], $0x80, $0x38;
	[tilespmem:$0x1C000] =	vst v63  }
0x96: {  	_ =	swait.ge [sflag:s5], $0x80  }
0x97: {  	[sflag:s5] =	ssyncset.done $0x0  }
0x98: {  	[sflag:s5] =	ssyncadd.s32 $0xFFFFFF80  }
0x99: {  	[tilespmem:s28], [sflag:$0x1] =	stream.indirect.gather [hbm4b:s4+s20], $0x80, s22, s20, $0xb8;
	[tilespmem:$0x1C000] =	vst v63  }
0x9a: {  	_ =	swait.ge [sflag:s6], $0x4000  }
0x9b: {  	[sflag:s6] =	ssyncset.done $0x0  }
0x9c: {  	[sflag:s6] =	ssyncadd.s32 $0xFFFFC000  }
0x9d: {  	_ =	swait.ge [sflag:s8], $0x80  }
0x9e: {  	[sflag:s8] =	ssyncset.done $0x0  }
0x9f: {  	[sflag:s8] =	ssyncadd.s32 $0xFFFFFF80  }
0xa0: {  	[spmem:s1] =	stream.indirect.scatter.add.f32 [tilespmem:s30], [sflag:$0x4], $0x80, s21, s20, $0xb8;
	[tilespmem:$0x1C000] =	vst v63  }
0xa1: {  	_ =	swait.ge [sflag:s9], $0x4000  }
0xa2: {  	s7 =	rddreg [dreg:$0x9];
	[sflag:s9] =	ssyncset.done $0x0  }
0xa3: {  	s17 =	rddreg [dreg:$0x8];
	[sflag:s9] =	ssyncadd.s32 $0xFFFFC000;
	s7 =	sadd.s32 s16, s7  }
0xa4: {  	[tilespmem:s20], [sflag:$0x6] =	stream.linear.gather [hbm4b:s7+s3], $0x80, $0x38;
	[tilespmem:$0x1C000] =	vst v63  }
0xa5: {  	s17 =	sadd.s32 s16, s17  }
0xa6: {  	[tilespmem:s21], [sflag:$0xA] =	stream.linear.gather [hbm4b:s17+s3], $0x80, $0x38;
	[tilespmem:$0x1C000] =	vst v63  }
0xa7: {  	_ =	swait.ge [sflag:s10], $0x80  }
0xa8: {  	[sflag:s10] =	ssyncset.done $0x0  }
0xa9: {  	[sflag:s10] =	ssyncadd.s32 $0xFFFFFF80  }
0xaa: {  	[tilespmem:s30], [sflag:$0x2] =	stream.indirect.gather [hbm4b:s4+s20], $0x80, s24, s20, $0xb8;
	[tilespmem:$0x1C000] =	vst v63  }
0xab: {  	_ =	swait.ge [sflag:s31], $0x4000  }
0xac: {  	[sflag:s31] =	ssyncset.done $0x0  }
0xad: {  	[sflag:s31] =	ssyncadd.s32 $0xFFFFC000  }
0xae: {  	_ =	swait.ge [sflag:s11], $0x80  }
0xaf: {  	[sflag:s11] =	ssyncset.done $0x0  }
0xb0: {  	[sflag:s11] =	ssyncadd.s32 $0xFFFFFF80  }
0xb1: {  	[spmem:s1] =	stream.indirect.scatter.add.f32 [tilespmem:s28], [sflag:$0x3], $0x80, s23, s20, $0xb8;
	[tilespmem:$0x1C000] =	vst v63  }
0xb2: {  	_ =	swait.ge [sflag:s2], $0x4000  }
0xb3: {  	s7 =	rddreg [dreg:$0x7];
	[sflag:s2] =	ssyncset.done $0x0  }
0xb4: {  	s17 =	rddreg [dreg:$0x6];
	[sflag:s2] =	ssyncadd.s32 $0xFFFFC000;
	s7 =	sadd.s32 s16, s7  }
0xb5: {  	[tilespmem:s22], [sflag:$0x7] =	stream.linear.gather [hbm4b:s7+s3], $0x80, $0x38;
	[tilespmem:$0x1C000] =	vst v63  }
0xb6: {  	s17 =	sadd.s32 s16, s17  }
0xb7: {  	[tilespmem:s23], [sflag:$0xB] =	stream.linear.gather [hbm4b:s17+s3], $0x80, $0x38;
	[tilespmem:$0x1C000] =	vst v63  }
0xb8: {  	_ =	swait.ge [sflag:s26], $0x80  }
0xb9: {  	[sflag:s26] =	ssyncset.done $0x0  }
0xba: {  	[sflag:s26] =	ssyncadd.s32 $0xFFFFFF80  }
0xbb: {  	[tilespmem:s28], [sflag:$0x1] =	stream.indirect.gather [hbm4b:s4+s20], $0x80, s3, s20, $0xb8;
	[tilespmem:$0x1C000] =	vst v63  }
0xbc: {  	_ =	swait.ge [sflag:s6], $0x4000  }
0xbd: {  	[sflag:s6] =	ssyncset.done $0x0  }
0xbe: {  	[sflag:s6] =	ssyncadd.s32 $0xFFFFC000  }
0xbf: {  	_ =	swait.ge [sflag:s12], $0x80  }
0xc0: {  	[sflag:s12] =	ssyncset.done $0x0  }
0xc1: {  	[sflag:s12] =	ssyncadd.s32 $0xFFFFFF80  }
0xc2: {  	[spmem:s1] =	stream.indirect.scatter.add.f32 [tilespmem:s30], [sflag:$0x4], $0x80, s25, s20, $0xb8;
	[tilespmem:$0x1C000] =	vst v63  }
0xc3: {  	_ =	swait.ge [sflag:s9], $0x4000  }
0xc4: {  	s7 =	rddreg [dreg:$0x5];
	[sflag:s9] =	ssyncset.done $0x0  }
0xc5: {  	s17 =	rddreg [dreg:$0x4];
	[sflag:s9] =	ssyncadd.s32 $0xFFFFC000;
	s7 =	sadd.s32 s16, s7  }
0xc6: {  	[tilespmem:s24], [sflag:$0x8] =	stream.linear.gather [hbm4b:s7+s3], $0x80, $0x38;
	[tilespmem:$0x1C000] =	vst v63  }
0xc7: {  	s17 =	sadd.s32 s16, s17  }
0xc8: {  	[tilespmem:s25], [sflag:$0xC] =	stream.linear.gather [hbm4b:s17+s3], $0x80, $0x38;
	[tilespmem:$0x1C000] =	vst v63  }
0xc9: {  	_ =	swait.ge [sflag:s29], $0x80  }
0xca: {  	[sflag:s29] =	ssyncset.done $0x0  }
0xcb: {  	[sflag:s29] =	ssyncadd.s32 $0xFFFFFF80  }
0xcc: {  	[tilespmem:s30], [sflag:$0x2] =	stream.indirect.gather [hbm4b:s4+s20], $0x80, s20, s20, $0xb8;
	[tilespmem:$0x1C000] =	vst v63  }
0xcd: {  	p0 =	sne.s32 s15, $0x480;
	_ =	swait.ge [sflag:s31], $0x4000  }
.Ltmp0:
0xce: {  	[sflag:s31] =	ssyncset.done $0x0;
	(pc) =	sbr.rel @p0 .LBB2_2-.Ltmp0, $4  }
0xcf: {  	[sflag:s31] =	ssyncadd.s32 $0xFFFFC000  }
0xd0: {  	_ =	swait.ge [sflag:s0], $0x80  }
0xd1: {  	[sflag:s0] =	ssyncset.done $0x0  }
0xd2: {  	s15 =	sadd.s32 $0x40, s15;
	[sflag:s0] =	ssyncadd.s32 $0xFFFFFF80  }
0xd3: {  	[spmem:s1] =	stream.indirect.scatter.add.f32 [tilespmem:s28], [sflag:$0x3], $0x80, s19, s20, $0xb8;
	[tilespmem:$0x1C000] =	vst v63  }
0xd4: {  	_ =	swait.ge [sflag:s2], $0x4000  }
0xd5: {  	[sflag:s2] =	ssyncset.done $0x0  }
0xd6: {  	[sflag:s2] =	ssyncadd.s32 $0xFFFFC000  }
0xd7: {  	_ =	swait.ge [sflag:s5], $0x80  }
0xd8: {  	[sflag:s5] =	ssyncset.done $0x0  }
0xd9: {  	[sflag:s5] =	ssyncadd.s32 $0xFFFFFF80  }
0xda: {  	[tilespmem:s28], [sflag:$0x1] =	stream.indirect.gather [hbm4b:s4+s20], $0x80, s22, s20, $0xb8;
	[tilespmem:$0x1C000] =	vst v63  }
0xdb: {  	_ =	swait.ge [sflag:s6], $0x4000  }
0xdc: {  	[sflag:s6] =	ssyncset.done $0x0  }
0xdd: {  	[sflag:s6] =	ssyncadd.s32 $0xFFFFC000  }
0xde: {  	_ =	swait.ge [sflag:s8], $0x80  }
0xdf: {  	[sflag:s8] =	ssyncset.done $0x0  }
0xe0: {  	[sflag:s8] =	ssyncadd.s32 $0xFFFFFF80  }
0xe1: {  	[spmem:s1] =	stream.indirect.scatter.add.f32 [tilespmem:s30], [sflag:$0x4], $0x80, s21, s20, $0xb8;
	[tilespmem:$0x1C000] =	vst v63  }
0xe2: {  	_ =	swait.ge [sflag:s9], $0x4000  }
0xe3: {  	[sflag:s9] =	ssyncset.done $0x0  }
0xe4: {  	[sflag:s9] =	ssyncadd.s32 $0xFFFFC000  }
0xe5: {  	_ =	swait.ge [sflag:s10], $0x80  }
0xe6: {  	[sflag:s10] =	ssyncset.done $0x0  }
0xe7: {  	[sflag:s10] =	ssyncadd.s32 $0xFFFFFF80  }
0xe8: {  	[tilespmem:s30], [sflag:$0x2] =	stream.indirect.gather [hbm4b:s4+s20], $0x80, s24, s20, $0xb8;
	[tilespmem:$0x1C000] =	vst v63  }
0xe9: {  	_ =	swait.ge [sflag:s31], $0x4000  }
0xea: {  	[sflag:s31] =	ssyncset.done $0x0  }
0xeb: {  	[sflag:s31] =	ssyncadd.s32 $0xFFFFC000  }
0xec: {  	_ =	swait.ge [sflag:s11], $0x80  }
0xed: {  	[sflag:s11] =	ssyncset.done $0x0  }
0xee: {  	[sflag:s11] =	ssyncadd.s32 $0xFFFFFF80  }
0xef: {  	[spmem:s1] =	stream.indirect.scatter.add.f32 [tilespmem:s28], [sflag:$0x3], $0x80, s23, s20, $0xb8;
	[tilespmem:$0x1C000] =	vst v63  }
0xf0: {  	_ =	swait.ge [sflag:s6], $0x4000  }
0xf1: {  	[sflag:s6] =	ssyncset.done $0x0  }
0xf2: {  	[sflag:s6] =	ssyncadd.s32 $0xFFFFC000  }
0xf3: {  	_ =	swait.ge [sflag:s12], $0x80  }
0xf4: {  	[sflag:s12] =	ssyncset.done $0x0  }
0xf5: {  	[sflag:s12] =	ssyncadd.s32 $0xFFFFFF80  }
0xf6: {  	[spmem:s1] =	stream.indirect.scatter.add.f32 [tilespmem:s30], [sflag:$0x4], $0x80, s25, s20, $0xb8;
	[tilespmem:$0x1C000] =	vst v63  }
0xf7: {  	_ =	swait.ge [sflag:s2], $0x4000  }
0xf8: {  	[sflag:s2] =	ssyncset.done $0x0  }
0xf9: {  	[sflag:s2] =	ssyncadd.s32 $0xFFFFC000  }
0xfa: {  	_ =	swait.ge [sflag:s9], $0x4000  }
0xfb: {  	[sflag:s9] =	ssyncset.done $0x0  }
0xfc: {  	[sflag:s9] =	ssyncadd.s32 $0xFFFFC000  }
0xfd: {  	[bflag:$0x0] =	sbarrier.arrive $0xFFFF  }
0xfe: {  	s15 =	rddreg [dreg:$0xe]  }
0xff: {  	s7 =	rddreg [dreg:$0x17]  }
0x100: {  	[hbm:s7], [sflag:s15] =	dma.local [spmem:s14], $0x2780  }
0x101: {  	_ =	swait.ge [sflag:s18], $0x2780  }
0x102: {  	s13 =	sadd.s32 $0x1, s13;
	s17 =	rddreg [dreg:$0x18]  }
0x103: {  	p0 =	sne.s32 s13, s17  }
.Ltmp1:
0x104: {  	_ = 	snop;
	(pc) =	sbr.rel @p0 .LBB2_1-.Ltmp1, $3  }
0x105: {  	_ =	sdelay $0x1  }
0x106: {  	[sflag:s18] =	ssyncset.done $0x0  }
0x107: {  	[sflag:s18] =	ssyncadd.s32 $0xFFFFD880  }
0x108: {  	_ =	sfence.sel $0x180000  }
0x109: {  	[bflag:$0x0] =	sbarrier.arrive $0xFFFF  }
0x10a: {  	_ =	strace $0x9000004D  }
0x10b: {  	s0 =	stileid.u32;
	[bflag:$0x2] =	sbarrier.arrive $0xFFFF  }
0x10c: {  	p0 =	sne.s32 s0, $0x0;
	s0 =	rddreg [dreg:$0x3]  }
0x10d: {  	s0 =	sadd.s32 @!p0 $0x100000, s0  }
0x10e: {  	[sflag:s0] =	ssyncadd.tile.s32 @!p0 $0x1;
	_ =	shalt  }
.Lfunc_end2:
_tile_overlayer_lowered:
.L_overlay_start_2:
0x10f: {  	(tag) =	ssettag $0x2  }
0x110: {  	s0 =	rddreg [dreg:$0x0];
	s2 =	stileid.u32  }
0x111: {  	s1 =	rddreg [dreg:$0x1];
	p0 =	sne.s32 s2, $0x0  }
0x112: {  	s3 =	rddreg [dreg:$0x2];
	[bflag:$0x3] =	sbarrier.arrive $0xFFFF;
	s2 =	simm.s32 @!p0 $0x1C0D  }
0x113: {  	[timem:s3], [sflag:s2] =	dma.local @!p0 [hbm:s0], s1  }
0x114: {  	s0 =	simm.s32 @!p0 $0xD  }
0x115: {  	_ =	swait.ge @!p0 [sflag:s0], s1  }
0x116: {  	s1 =	ssub.s32 @!p0 $0x0, s1;
	[sflag:s0] =	ssyncset.done @!p0 $0x0  }
0x117: {  	[sflag:s0] =	ssyncadd.s32 @!p0 s1  }
0x118: {  	[bflag:$0x3] =	sbarrier.arrive $0xFFFF  }
0x119: {  	_ =	shalt  }

// kernel: kernel.8.cloned.1.call-start
scs
__scs_entry_jumppad:
0x0: {  	(pc) =	sbr.rel $0x88, $3  }
0x1: {  	(tag) =	ssettag $0x0;
	lr =	simm.s32 $0x1  }
0x2: {  	[smem:$0x3F89] =	sst lr;
	_ =	strace $0xD0000000  }
0x3: {  	_ = 	snop  }
0x4: {  	_ = 	snop  }
0x5: {  	_ = 	snop  }
0x6: {  	_ = 	snop  }
0x7: {  	_ = 	snop  }
__scs_overlays_trampoline_lowered:
0x8: {  	[smem:$0x3F98] =	sst s0  }
0x9: {  	[smem:$0x3F99] =	sst s1  }
0xa: {  	[smem:$0x3F9A] =	sst s2  }
0xb: {  	[smem:$0x3F9B] =	sst s3  }
0xc: {  	[smem:$0x3F9C] =	sst s4  }
0xd: {  	[smem:$0x3F9D] =	sst s5  }
0xe: {  	[smem:$0x3F9E] =	sst s6  }
0xf: {  	[smem:$0x3F9F] =	sst s7  }
0x10: {  	[smem:$0x3FA0] =	sst s8  }
0x11: {  	[smem:$0x3FA1] =	sst s9;
	s0 =	simm.s32 @!p0 $0x0  }
0x12: {  	s1 =	sld [smem:$0x3F87];
	s0 =	simm.s32 @p0 $0x1  }
0x13: {  	[smem:$0x3FA2] =	sst s0;
	s0 =	simm.s32 @!p1 $0x0  }
0x14: {  	s2 =	sld [smem:$0x3F86];
	s0 =	simm.s32 @p1 $0x1  }
0x15: {  	[smem:$0x3FA3] =	sst s0;
	s0 =	simm.s32 @!p2 $0x0  }
0x16: {  	s3 =	sld [smem:$0x3FDB];
	s0 =	simm.s32 @p2 $0x1  }
0x17: {  	s4 =	simm.s32 $0x1BF5;
	[smem:$0x3FA5] =	sst s0  }
0x18: {  	s0 =	sld [smem:$0x3F88];
	_ =	swait.ge [sflag:s4], $0x0  }
0x19: {  	s7 =	sld [smem:$0x3F89]  }
0x1a: {  	s8 =	sadd.s32 $0xFFFFE003, lr  }
0x1b: {  	s9 =	sadd.s32 $0xFFFFFEF7, lr;
	s5 =	simm.s32 $0xFFFFFFFF;
	p2 =	slt.u32 s8, $0xFFFFF086  }
0x1c: {  	p1 =	slt.u32 s9, $0xF7A;
	s5 =	simm.s32 @!p2 $0x0  }
0x1d: {  	s5 =	simm.s32 @p1 $0x1;
	p0 =	seq.s32 s7, s2  }
0x1e: {  	s7 =	smul.u32 @!p0 $0xF7A, s2;
	p2 =	seq.s32 @!p0 s5, $0x0  }
0x1f: {  	s9 =	smul.u32 $0xF7A, s1;
	s8 =	simm.s32 @!p0 $0x1BF5;
	p2 =	por !p2, p0  }
0x20: {  	[sflag:s8] =	ssyncset.s32 @!p0 $0xFFFFF086;
	s6 =	sadd.s32 @!p0 s3, s7;
	s7 =	simm.s32 @!p0 $0x108  }
0x21: {  	s3 =	sadd.s32 s3, s9;
	s6 =	sadd.s32 @!p0 $0x88, s6;
	s7 =	simm.s32 @p2 $0x1082  }
0x22: {  	[simem:s7], [sflag:s8] =	dma.local @!p0 [hbm:s6], $0xF7A  }
0x23: {  	s9 =	sor.u32 $0xD0000000, s2;
	s6 =	simm.s32 $0x108;
	_ =	swait.ge @!p0 [sflag:s8], $0x0  }
0x24: {  	s3 =	sadd.s32 $0x88, s3;
	s6 =	simm.s32 @!p1 $0x1082;
	[sflag:s4] =	ssyncset.s32 $0xFFFFF086  }
0x25: {  	[simem:s6], [sflag:s4] =	dma.local [hbm:s3], $0xF7A  }
0x26: {  	[smem:$0x3F89] =	sst s1;
	(tag) =	ssettag s2;
	_ =	strace s9  }
0x27: {  	s1 =	sld [smem:$0x3F99]  }
0x28: {  	s2 =	sld [smem:$0x3F9A]  }
0x29: {  	s4 =	sld [smem:$0x3F9C]  }
0x2a: {  	p0 =	seq.s32 s5, $0x0;
	s5 =	sld [smem:$0x3F9D]  }
0x2b: {  	s6 =	sld [smem:$0x3F9E]  }
0x2c: {  	s7 =	sld [smem:$0x3F9F]  }
0x2d: {  	s3 =	simm.s32 $0x108;
	s8 =	sld [smem:$0x3FA0]  }
0x2e: {  	s3 =	simm.s32 @!p0 $0x1082;
	s9 =	sld [smem:$0x3FA1]  }
0x2f: {  	lr =	sadd.s32 s0, s3;
	s0 =	sld [smem:$0x3F98]  }
0x30: {  	s3 =	sld [smem:$0x3F9B]  }
0x31: {  	[smem:$0x3FA4] =	sst s10  }
0x32: {  	s10 =	sld [smem:$0x3FA2];
	_ =	sdelay $0x3  }
0x33: {  	p0 =	seq.s32 s10, $0x1;
	s10 =	sld [smem:$0x3FA4];
	_ =	sdelay $0x3  }
0x34: {  	[smem:$0x3FA4] =	sst s10  }
0x35: {  	s10 =	sld [smem:$0x3FA3];
	_ =	sdelay $0x3  }
0x36: {  	p1 =	seq.s32 s10, $0x1;
	s10 =	sld [smem:$0x3FA4];
	_ =	sdelay $0x3  }
0x37: {  	[smem:$0x3FA4] =	sst s10  }
0x38: {  	s10 =	sld [smem:$0x3FA5]  }
0x39: {  	_ = 	snop;
	(pc) =	sbr.ind lr, $3  }
0x3a: {  	_ = 	snop  }
0x3b: {  	_ = 	snop  }
0x3c: {  	p2 =	seq.s32 s10, $0x1;
	s10 =	sld [smem:$0x3FA4]  }
0x3d: {  	_ =	shalt  }
0x3e: {  	_ =	shalt  }
0x3f: {  	_ =	shalt  }
0x40: {  	_ =	shalt  }
0x41: {  	_ =	shalt  }
0x42: {  	_ =	shalt  }
0x43: {  	_ =	shalt  }
0x44: {  	_ =	shalt  }
0x45: {  	_ =	shalt  }
0x46: {  	_ =	shalt  }
0x47: {  	_ =	shalt  }
0x48: {  	_ =	shalt  }
0x49: {  	_ =	shalt  }
0x4a: {  	_ =	shalt  }
0x4b: {  	_ =	shalt  }
0x4c: {  	_ =	shalt  }
0x4d: {  	_ =	shalt  }
0x4e: {  	_ =	shalt  }
0x4f: {  	_ =	shalt  }
0x50: {  	_ =	shalt  }
0x51: {  	_ =	shalt  }
0x52: {  	_ =	shalt  }
0x53: {  	_ =	shalt  }
0x54: {  	_ =	shalt  }
0x55: {  	_ =	shalt  }
0x56: {  	_ =	shalt  }
0x57: {  	_ =	shalt  }
0x58: {  	_ =	shalt  }
0x59: {  	_ =	shalt  }
0x5a: {  	_ =	shalt  }
0x5b: {  	_ =	shalt  }
0x5c: {  	_ =	shalt  }
0x5d: {  	_ =	shalt  }
0x5e: {  	_ =	shalt  }
0x5f: {  	_ =	shalt  }
0x60: {  	_ =	shalt  }
0x61: {  	_ =	shalt  }
0x62: {  	_ =	shalt  }
0x63: {  	_ =	shalt  }
0x64: {  	_ =	shalt  }
0x65: {  	_ =	shalt  }
0x66: {  	_ =	shalt  }
0x67: {  	_ =	shalt  }
0x68: {  	_ =	shalt  }
0x69: {  	_ =	shalt  }
0x6a: {  	_ =	shalt  }
0x6b: {  	_ =	shalt  }
0x6c: {  	_ =	shalt  }
0x6d: {  	_ =	shalt  }
0x6e: {  	_ =	shalt  }
0x6f: {  	_ =	shalt  }
0x70: {  	_ =	shalt  }
0x71: {  	_ =	shalt  }
0x72: {  	_ =	shalt  }
0x73: {  	_ =	shalt  }
0x74: {  	_ =	shalt  }
0x75: {  	_ =	shalt  }
0x76: {  	_ =	shalt  }
0x77: {  	_ =	shalt  }
0x78: {  	_ =	shalt  }
0x79: {  	_ =	shalt  }
0x7a: {  	_ =	shalt  }
0x7b: {  	_ =	shalt  }
0x7c: {  	_ =	shalt  }
0x7d: {  	_ =	shalt  }
0x7e: {  	_ =	shalt  }
0x7f: {  	_ =	shalt  }
0x80: {  	_ =	shalt  }
0x81: {  	_ =	shalt  }
0x82: {  	_ =	shalt  }
0x83: {  	_ =	shalt  }
0x84: {  	_ =	shalt  }
0x85: {  	_ =	shalt  }
0x86: {  	_ =	shalt  }
0x87: {  	_ =	shalt  }
.Lfunc_end0:
.L_simem_size_0:
called_computation_lowered:
.L_overlay_start_0:
0x88: {  	s2 =	sld [smem:$0x3FD9]  }
0x89: {  	s3 =	sld [smem:$0x3FFE];
	_ =	sdelay $0x1  }
0x8a: {  	s1 =	srdreg.scid  }
0x8b: {  	s0 =	sand.u32 $0x1, s1  }
0x8c: {  	s17 =	sshll.u32 s0, $0xA;
	s2 =	sadd.s32 s3, s2  }
0x8d: {  	s2 =	sadd.s32 s2, s17  }
0x8e: {  	[smem:$0x3FB0] =	sst s2  }
0x8f: {  	_ = 	snop  }
0x90: {  	s2 =	sld [smem:$0x3FC9]  }
0x91: {  	s18 =	sld [smem:$0x3FD0];
	(tm) =	ssettm $0x1  }
0x92: {  	s4 =	sld [smem:$0x3FFB];
	_ =	sdelay $0x3  }
0x93: {  	_ =	strace s4  }
0x94: {  	s4 =	sld [smem:$0x3FFC];
	_ =	sdelay $0x3  }
0x95: {  	_ =	strace s4  }
0x96: {  	s4 =	sld [smem:$0x3FFD];
	_ =	sdelay $0x3  }
0x97: {  	_ =	strace s4  }
0x98: {  	_ =	strace $0x8FFFFFFF  }
0x99: {  	s19 =	sld [smem:$0x3FDB];
	_ =	sdelay $0x1  }
0x9a: {  	s5 =	simm.s32 $_scs_section_size  }
0x9b: {  	s6 =	simm.s32 $_size__tile_overlayer_lowered;
	s7 =	simm.s32 $_tile_overlayer_lowered  }
0x9c: {  	s22 =	simm.s32 $0x1BFF;
	s21 =	sshll.u32 s7, $0x1;
	s4 =	sadd.s32 s5, s19  }
0x9d: {  	s8 =	simm.s32 $0x0;
	s20 =	sshll.u32 s6, $0x1;
	s6 =	sadd.s32 s21, s4  }
0x9e: {  	[timem:s8], [sflag:s22] =	dma.local [hbm:s6], s20  }
0x9f: {  	_ =	swait.ge [sflag:s22], s20  }
0xa0: {  	s5 =	ssub.s32 $0x0, s20;
	[sflag:s22] =	ssyncset.done $0x0  }
0xa1: {  	[sflag:s22] =	ssyncadd.s32 s5;
	_ =	sdelay $0x1  }
0xa2: {  	s23 =	simm.s32 $0x1B8B  }
0xa3: {  	_ =	swait.ge [sflag:s23], $0x1  }
0xa4: {  	[sflag:s23] =	ssyncset.done $0x0  }
0xa5: {  	s25 =	simm.s32 $0x1B8E;
	s24 =	sld [smem:$0x3FFE];
	[sflag:s23] =	ssyncadd.s32 $0xFFFFFFFF  }
0xa6: {  	s26 =	simm.s32 $execute0_lowered;
	[smem:$0x3FD2] =	sst s25  }
0xa7: {  	s6 =	sshll.u32 s26, $0x1;
	_ =	strace $0x80000046;
	[dreg:$0x1] =	wrdreg $0xFFFFFFFF  }
0xa8: {  	s28 =	simm.s32 $_size_execute0_lowered;
	s4 =	sadd.s32 s4, s6;
	[dreg:$0x0] =	wrdreg $0x0  }
0xa9: {  	s6 =	sshll.u32 s28, $0x1;
	[dreg:$0x2] =	wrdreg s4  }
0xaa: {  	[dreg:$0x3] =	wrdreg s6  }
0xab: {  	[dreg:$0x4] =	wrdreg $0xC0  }
0xac: {  	_ =	task [dreg:s8], $0x5FFFF  }
0xad: {  	[dreg:$0x1] =	wrdreg $0xFFFFFFFF  }
0xae: {  	[dreg:$0x0] =	wrdreg $0x60  }
0xaf: {  	[dreg:$0x2] =	wrdreg s2  }
0xb0: {  	[dreg:$0x3] =	wrdreg s18  }
0xb1: {  	[dreg:$0x4] =	wrdreg s24  }
0xb2: {  	[dreg:$0x5] =	wrdreg $0x84000  }
0xb3: {  	[dreg:$0x6] =	wrdreg $0x9  }
0xb4: {  	_ =	task.clear_ibuf [dreg:s8], $0x7FFFF;
	_ =	strace $0x90000046  }
0xb5: {  	s29 =	simm.s32 $0x9;
	_ =	strace $0x80000048  }
0xb6: {  	_ =	swait.ge [sflag:s29], $0x1  }
0xb7: {  	[sflag:s29] =	ssyncadd.s32 $0xFFFFFFFF  }
0xb8: {  	_ =	strace $0x90000048  }
0xb9: {  	_ =	sfence  }
0xba: {  	s30 =	sld [smem:$0x0];
	_ =	sdelay $0x2  }
0xbb: {  	s31 =	sshll.u32 s1, $0xD;
	s1 =	sshrl.u32 s1, $0x2  }
0xbc: {  	s3 =	sand.u32 $0x4000, s31;
	s1 =	sadd.s32 s1, s30  }
0xbd: {  	s0 =	sor.u32 s3, s0;
	s1 =	sshll.u32 s1, $0x11  }
0xbe: {  	s0 =	sor.u32 s1, s0  }
0xbf: {  	s0 =	sadd.s32 $0x8F2B, s0  }
0xc0: {  	[sflag:s0] =	ssyncadd.remote.s32 $0x1  }
0xc1: {  	_ =	sfence.sel $0xFFFF  }
0xc2: {  	[dreg:$0x0] =	wrdreg $0xFFFFFFFF;
	(pc) =	sbr.abs _section_cstart, $3  }
0xc3: {  	[dreg:$0x1] =	wrdreg $0xFFFFFFFF  }
0xc4: {  	_ =	task.clear_ibuf [dreg:s8], $0x2FFFF;
	_ =	strace $0x9FFFFFFF  }
0xc5: {  	(tm) =	ssettm $0x7FFFFFFF  }
tec
execute0_lowered:
.L_overlay_start_1:
0x0: {  	(tag) =	ssettag $0x1  }
0x1: {  	s1 =	rddreg [dreg:$0x0]  }
0x2: {  	s0 =	rddreg [dreg:$0x1]  }
0x3: {  	s3 =	rddreg [dreg:$0x2]  }
0x4: {  	s2 =	rddreg [dreg:$0x3]  }
0x5: {  	s4 =	srdreg.scid;
	s12 =	stileid.u32  }
0x6: {  	s28 =	simm.s32 $0x400;
	s29 =	simm.s32 $0x6;
	s30 =	simm.s32 $0x4400  }
0x7: {  	s31 =	simm.s32 $0x1;
	s5 =	sand.u32 $0x1, s4;
	s7 =	smul.u32 $0x13C00, s12  }
0x8: {  	s4 =	simm.s32 $0x0;
	s8 =	sadd.s32 $0x4800, s3;
	s18 =	smul.u32 $0x4F000, s12  }
0x9: {  	s9 =	sadd.s32 $0xE800, s3;
	s17 =	sshll.u32 s12, $0x1;
	s21 =	smul.u32 $0x5000, s12  }
0xa: {  	s19 =	sshll.u32 s12, $0x6;
	s6 =	smul.u32 $0x13C000, s5;
	[smem:$0x7FF] =	sst s4  }
0xb: {  	s15 =	sor.u32 $0x1C0D, s19;
	_ =	strace $0x80000047;
	[dreg:$0xd] =	wrdreg s9  }
0xc: {  	s10 =	ssub.s32 $0x2, s5;
	s9 =	sshrl.u32 s18, $0x2;
	[dreg:$0xf] =	wrdreg s15  }
0xd: {  	s6 =	sadd.s32 s7, s6;
	s7 =	sor.u32 s5, s17;
	s5 =	smul.u32 $0x2800, s5  }
0xe: {  	s9 =	sadd.s32 s9, s2;
	s6 =	sshrl.u32 s6, $0x3;
	s7 =	smul.u32 $0x2800, s7  }
0xf: {  	s11 =	sshrl.u32 s10, $0x1;
	[dreg:$0xe] =	wrdreg s9;
	s3 =	sadd.s32 s6, s3  }
0x10: {  	s6 =	ssub.s32 s10, s11;
	s5 =	sadd.s32 s5, s21;
	s20 =	sshrl.u32 s7, $0x3  }
0x11: {  	s18 =	sor.u32 $0x300, s5;
	s21 =	sor.u32 $0x280, s5;
	s3 =	sadd.s32 $0x11000, s3  }
0x12: {  	s6 =	smax.u32 s6, $0x1;
	s22 =	sor.u32 $0x10, s20;
	[dreg:$0x18] =	wrdreg s3  }
0x13: {  	s7 =	sadd.s32 s0, s20;
	s23 =	sadd.s32 s8, s20;
	[dreg:$0x19] =	wrdreg s6  }
0x14: {  	s26 =	sor.u32 $0x20, s20;
	s10 =	sor.u32 $0x30, s20;
	[dreg:$0x10] =	wrdreg s7  }
0x15: {  	s19 =	sshrl.u32 s18, $0x3;
	[dreg:$0x11] =	wrdreg s23;
	s24 =	sadd.s32 s0, s22  }
0x16: {  	s18 =	simm.s32 $0xD;
	s25 =	sadd.s32 s8, s22;
	[dreg:$0x12] =	wrdreg s24  }
0x17: {  	s3 =	simm.s32 $0x3;
	s11 =	sadd.s32 s0, s26;
	[dreg:$0x13] =	wrdreg s25  }
0x18: {  	s6 =	simm.s32 $0x2;
	s12 =	sadd.s32 s8, s26;
	[dreg:$0x14] =	wrdreg s11  }
0x19: {  	s13 =	sadd.s32 s0, s10;
	s16 =	sadd.s32 s8, s10;
	[dreg:$0x15] =	wrdreg s12  }
0x1a: {  	s20 =	sadd.s32 s19, s8;
	s22 =	sadd.s32 s19, s0;
	[dreg:$0x16] =	wrdreg s13  }
0x1b: {  	s23 =	sshrl.u32 s21, $0x3;
	s19 =	simm.s32 $0x200;
	[dreg:$0x17] =	wrdreg s16  }
0x1c: {  	s21 =	simm.s32 $0x280;
	s10 =	simm.s32 $0x8;
	[dreg:$0x7] =	wrdreg s20  }
0x1d: {  	s11 =	sor.u32 $0x380, s5;
	[dreg:$0x8] =	wrdreg s22;
	s24 =	sadd.s32 s23, s8  }
0x1e: {  	s5 =	sor.u32 $0x200, s5;
	s25 =	sadd.s32 s23, s0;
	s20 =	simm.s32 $0x80  }
0x1f: {  	s22 =	simm.s32 $0x100;
	s23 =	simm.s32 $0x300;
	s12 =	simm.s32 $0xC  }
0x20: {  	s13 =	simm.s32 $0x0;
	s14 =	sshrl.u32 s11, $0x3;
	[dreg:$0x9] =	wrdreg s24  }
0x21: {  	s5 =	sshrl.u32 s5, $0x3;
	[dreg:$0xa] =	wrdreg s25;
	s17 =	sadd.s32 s14, s8  }
0x22: {  	s24 =	simm.s32 $0x180;
	s9 =	sadd.s32 s14, s0;
	[dreg:$0x5] =	wrdreg s17  }
0x23: {  	s25 =	simm.s32 $0x380;
	s26 =	sadd.s32 s5, s8;
	[dreg:$0x6] =	wrdreg s9  }
0x24: {  	s11 =	simm.s32 $0xB;
	s0 =	sadd.s32 s5, s0;
	[dreg:$0xb] =	wrdreg s26  }
0x25: {  	s5 =	simm.s32 $0x7;
	s8 =	simm.s32 $0xA;
	[dreg:$0xc] =	wrdreg s0  }
0x26: {  	s26 =	simm.s32 $0x5;
	s0 =	simm.s32 $0x9;
	s9 =	simm.s32 $0x4  }
.LBB2_1:
0x27: {  	s7 =	rddreg [dreg:$0xe]  }
0x28: {  	s17 =	rddreg [dreg:$0xd];
	s14 =	sshrl.u32 s7, $0x3  }
0x29: {  	[spmem:s14], [sflag:s15] =	dma.local [hbm:s17], $0x2780  }
0x2a: {  	_ =	swait.ge [sflag:s18], $0x2780  }
0x2b: {  	[sflag:s18] =	ssyncset.done $0x0  }
0x2c: {  	[sflag:s18] =	ssyncadd.s32 $0xFFFFD880  }
0x2d: {  	[bflag:$0x0] =	sbarrier.arrive $0xFFFF  }
0x2e: {  	s16 =	rddreg [dreg:$0x10]  }
0x2f: {  	[tilespmem:s4], [sflag:$0x5] =	stream.linear.gather [hbm4b:s16+s4], $0x80, $0x38;
	[tilespmem:$0x1C000] =	vst v63  }
0x30: {  	s17 =	rddreg [dreg:$0x11]  }
0x31: {  	[tilespmem:s19], [sflag:$0x9] =	stream.linear.gather [hbm4b:s17+s4], $0x80, $0x38;
	[tilespmem:$0x1C000] =	vst v63  }
0x32: {  	s15 =	rddreg [dreg:$0x12]  }
0x33: {  	[tilespmem:s20], [sflag:$0x6] =	stream.linear.gather [hbm4b:s15+s4], $0x80, $0x38;
	[tilespmem:$0x1C000] =	vst v63  }
0x34: {  	s16 =	rddreg [dreg:$0x13]  }
0x35: {  	[tilespmem:s21], [sflag:$0xA] =	stream.linear.gather [hbm4b:s16+s4], $0x80, $0x38;
	[tilespmem:$0x1C000] =	vst v63  }
0x36: {  	s17 =	rddreg [dreg:$0x14]  }
0x37: {  	[tilespmem:s22], [sflag:$0x7] =	stream.linear.gather [hbm4b:s17+s4], $0x80, $0x38;
	[tilespmem:$0x1C000] =	vst v63  }
0x38: {  	s15 =	rddreg [dreg:$0x15]  }
0x39: {  	[tilespmem:s23], [sflag:$0xB] =	stream.linear.gather [hbm4b:s15+s4], $0x80, $0x38;
	[tilespmem:$0x1C000] =	vst v63  }
0x3a: {  	s16 =	rddreg [dreg:$0x16]  }
0x3b: {  	[tilespmem:s24], [sflag:$0x8] =	stream.linear.gather [hbm4b:s16+s4], $0x80, $0x38;
	[tilespmem:$0x1C000] =	vst v63  }
0x3c: {  	s17 =	rddreg [dreg:$0x17]  }
0x3d: {  	[tilespmem:s25], [sflag:$0xC] =	stream.linear.gather [hbm4b:s17+s4], $0x80, $0x38;
	[tilespmem:$0x1C000] =	vst v63  }
0x3e: {  	_ =	swait.ge [sflag:s26], $0x80  }
0x3f: {  	[sflag:s26] =	ssyncset.done $0x0  }
0x40: {  	[sflag:s26] =	ssyncadd.s32 $0xFFFFFF80  }
0x41: {  	[tilespmem:s28], [sflag:$0x1] =	stream.indirect.gather [hbm4b:s1+s20], $0x80, s4, s20, $0xb8;
	[tilespmem:$0x1C000] =	vst v63  }
0x42: {  	_ =	swait.ge [sflag:s29], $0x80  }
0x43: {  	[sflag:s29] =	ssyncset.done $0x0  }
0x44: {  	[sflag:s29] =	ssyncadd.s32 $0xFFFFFF80  }
0x45: {  	[tilespmem:s30], [sflag:$0x2] =	stream.indirect.gather [hbm4b:s1+s20], $0x80, s20, s20, $0xb8;
	[tilespmem:$0x1C000] =	vst v63  }
0x46: {  	_ =	swait.ge [sflag:s31], $0x4000  }
0x47: {  	[sflag:s31] =	ssyncset.done $0x0  }
0x48: {  	[sflag:s31] =	ssyncadd.s32 $0xFFFFC000  }
0x49: {  	_ =	swait.ge [sflag:s0], $0x80  }
0x4a: {  	[sflag:s0] =	ssyncset.done $0x0  }
0x4b: {  	[sflag:s0] =	ssyncadd.s32 $0xFFFFFF80  }
0x4c: {  	[spmem:s2] =	stream.indirect.scatter.add.f32 [tilespmem:s28], [sflag:$0x3], $0x80, s19, s20, $0xb8;
	[tilespmem:$0x1C000] =	vst v63  }
0x4d: {  	_ =	swait.ge [sflag:s3], $0x4000  }
0x4e: {  	s7 =	rddreg [dreg:$0xc];
	[sflag:s3] =	ssyncset.done $0x0  }
0x4f: {  	s16 =	rddreg [dreg:$0xb];
	[sflag:s3] =	ssyncadd.s32 $0xFFFFC000;
	s15 =	sadd.s32 $0x0, s7  }
0x50: {  	[tilespmem:s4], [sflag:$0x5] =	stream.linear.gather [hbm4b:s15+s4], $0x80, $0x38;
	[tilespmem:$0x1C000] =	vst v63  }
0x51: {  	s16 =	sadd.s32 $0x0, s16  }
0x52: {  	[tilespmem:s19], [sflag:$0x9] =	stream.linear.gather [hbm4b:s16+s4], $0x80, $0x38;
	[tilespmem:$0x1C000] =	vst v63  }
0x53: {  	_ =	swait.ge [sflag:s5], $0x80  }
0x54: {  	[sflag:s5] =	ssyncset.done $0x0  }
0x55: {  	[sflag:s5] =	ssyncadd.s32 $0xFFFFFF80  }
0x56: {  	[tilespmem:s28], [sflag:$0x1] =	stream.indirect.gather [hbm4b:s1+s20], $0x80, s22, s20, $0xb8;
	[tilespmem:$0x1C000] =	vst v63  }
0x57: {  	_ =	swait.ge [sflag:s6], $0x4000  }
0x58: {  	[sflag:s6] =	ssyncset.done $0x0  }
0x59: {  	[sflag:s6] =	ssyncadd.s32 $0xFFFFC000  }
0x5a: {  	_ =	swait.ge [sflag:s8], $0x80  }
0x5b: {  	[sflag:s8] =	ssyncset.done $0x0  }
0x5c: {  	[sflag:s8] =	ssyncadd.s32 $0xFFFFFF80  }
0x5d: {  	[spmem:s2] =	stream.indirect.scatter.add.f32 [tilespmem:s30], [sflag:$0x4], $0x80, s21, s20, $0xb8;
	[tilespmem:$0x1C000] =	vst v63  }
0x5e: {  	_ =	swait.ge [sflag:s9], $0x4000  }
0x5f: {  	s17 =	rddreg [dreg:$0xa];
	[sflag:s9] =	ssyncset.done $0x0  }
0x60: {  	s7 =	rddreg [dreg:$0x9];
	[sflag:s9] =	ssyncadd.s32 $0xFFFFC000;
	s15 =	sadd.s32 $0x0, s17  }
0x61: {  	[tilespmem:s20], [sflag:$0x6] =	stream.linear.gather [hbm4b:s15+s4], $0x80, $0x38;
	[tilespmem:$0x1C000] =	vst v63  }
0x62: {  	s16 =	sadd.s32 $0x0, s7  }
0x63: {  	[tilespmem:s21], [sflag:$0xA] =	stream.linear.gather [hbm4b:s16+s4], $0x80, $0x38;
	[tilespmem:$0x1C000] =	vst v63  }
0x64: {  	_ =	swait.ge [sflag:s10], $0x80  }
0x65: {  	[sflag:s10] =	ssyncset.done $0x0  }
0x66: {  	[sflag:s10] =	ssyncadd.s32 $0xFFFFFF80  }
0x67: {  	[tilespmem:s30], [sflag:$0x2] =	stream.indirect.gather [hbm4b:s1+s20], $0x80, s24, s20, $0xb8;
	[tilespmem:$0x1C000] =	vst v63  }
0x68: {  	_ =	swait.ge [sflag:s31], $0x4000  }
0x69: {  	[sflag:s31] =	ssyncset.done $0x0  }
0x6a: {  	[sflag:s31] =	ssyncadd.s32 $0xFFFFC000  }
0x6b: {  	_ =	swait.ge [sflag:s11], $0x80  }
0x6c: {  	[sflag:s11] =	ssyncset.done $0x0  }
0x6d: {  	[sflag:s11] =	ssyncadd.s32 $0xFFFFFF80  }
0x6e: {  	[spmem:s2] =	stream.indirect.scatter.add.f32 [tilespmem:s28], [sflag:$0x3], $0x80, s23, s20, $0xb8;
	[tilespmem:$0x1C000] =	vst v63  }
0x6f: {  	_ =	swait.ge [sflag:s3], $0x4000  }
0x70: {  	s17 =	rddreg [dreg:$0x8];
	[sflag:s3] =	ssyncset.done $0x0  }
0x71: {  	s7 =	rddreg [dreg:$0x7];
	[sflag:s3] =	ssyncadd.s32 $0xFFFFC000;
	s15 =	sadd.s32 $0x0, s17  }
0x72: {  	[tilespmem:s22], [sflag:$0x7] =	stream.linear.gather [hbm4b:s15+s4], $0x80, $0x38;
	[tilespmem:$0x1C000] =	vst v63  }
0x73: {  	s16 =	sadd.s32 $0x0, s7  }
0x74: {  	[tilespmem:s23], [sflag:$0xB] =	stream.linear.gather [hbm4b:s16+s4], $0x80, $0x38;
	[tilespmem:$0x1C000] =	vst v63  }
0x75: {  	_ =	swait.ge [sflag:s26], $0x80  }
0x76: {  	[sflag:s26] =	ssyncset.done $0x0  }
0x77: {  	[sflag:s26] =	ssyncadd.s32 $0xFFFFFF80  }
0x78: {  	[tilespmem:s28], [sflag:$0x1] =	stream.indirect.gather [hbm4b:s1+s20], $0x80, s4, s20, $0xb8;
	[tilespmem:$0x1C000] =	vst v63  }
0x79: {  	_ =	swait.ge [sflag:s6], $0x4000  }
0x7a: {  	[sflag:s6] =	ssyncset.done $0x0  }
0x7b: {  	[sflag:s6] =	ssyncadd.s32 $0xFFFFC000  }
0x7c: {  	_ =	swait.ge [sflag:s12], $0x80  }
0x7d: {  	[sflag:s12] =	ssyncset.done $0x0  }
0x7e: {  	[sflag:s12] =	ssyncadd.s32 $0xFFFFFF80  }
0x7f: {  	[spmem:s2] =	stream.indirect.scatter.add.f32 [tilespmem:s30], [sflag:$0x4], $0x80, s25, s20, $0xb8;
	[tilespmem:$0x1C000] =	vst v63  }
0x80: {  	_ =	swait.ge [sflag:s9], $0x4000  }
0x81: {  	s17 =	rddreg [dreg:$0x6];
	[sflag:s9] =	ssyncset.done $0x0  }
0x82: {  	s7 =	rddreg [dreg:$0x5];
	[sflag:s9] =	ssyncadd.s32 $0xFFFFC000;
	s15 =	sadd.s32 $0x0, s17  }
0x83: {  	[tilespmem:s24], [sflag:$0x8] =	stream.linear.gather [hbm4b:s15+s4], $0x80, $0x38;
	[tilespmem:$0x1C000] =	vst v63  }
0x84: {  	s17 =	sadd.s32 $0x0, s7  }
0x85: {  	[tilespmem:s25], [sflag:$0xC] =	stream.linear.gather [hbm4b:s17+s4], $0x80, $0x38;
	[tilespmem:$0x1C000] =	vst v63  }
0x86: {  	_ =	swait.ge [sflag:s29], $0x80  }
0x87: {  	[sflag:s29] =	ssyncset.done $0x0  }
0x88: {  	[sflag:s29] =	ssyncadd.s32 $0xFFFFFF80  }
0x89: {  	[tilespmem:s30], [sflag:$0x2] =	stream.indirect.gather [hbm4b:s1+s20], $0x80, s20, s20, $0xb8;
	[tilespmem:$0x1C000] =	vst v63  }
0x8a: {  	_ =	swait.ge [sflag:s31], $0x4000  }
0x8b: {  	[sflag:s31] =	ssyncset.done $0x0  }
0x8c: {  	[sflag:s31] =	ssyncadd.s32 $0xFFFFC000  }
0x8d: {  	_ =	swait.ge [sflag:s0], $0x80  }
0x8e: {  	[sflag:s0] =	ssyncset.done $0x0  }
0x8f: {  	s15 =	simm.s32 $0x40;
	[sflag:s0] =	ssyncadd.s32 $0xFFFFFF80  }
.LBB2_2:
0x90: {  	[spmem:s2] =	stream.indirect.scatter.add.f32 [tilespmem:s28], [sflag:$0x3], $0x80, s19, s20, $0xb8;
	[tilespmem:$0x1C000] =	vst v63  }
0x91: {  	_ =	swait.ge [sflag:s3], $0x4000  }
0x92: {  	s16 =	smov.u32 s15;
	s17 =	rddreg [dreg:$0xc];
	[sflag:s3] =	ssyncset.done $0x0  }
0x93: {  	s7 =	rddreg [dreg:$0xb];
	[sflag:s3] =	ssyncadd.s32 $0xFFFFC000;
	s17 =	sadd.s32 s16, s17  }
0x94: {  	[tilespmem:s4], [sflag:$0x5] =	stream.linear.gather [hbm4b:s17+s4], $0x80, $0x38;
	[tilespmem:$0x1C000] =	vst v63  }
0x95: {  	s7 =	sadd.s32 s16, s7  }
0x96: {  	[tilespmem:s19], [sflag:$0x9] =	stream.linear.gather [hbm4b:s7+s4], $0x80, $0x38;
	[tilespmem:$0x1C000] =	vst v63  }
0x97: {  	_ =	swait.ge [sflag:s5], $0x80  }
0x98: {  	[sflag:s5] =	ssyncset.done $0x0  }
0x99: {  	[sflag:s5] =	ssyncadd.s32 $0xFFFFFF80  }
0x9a: {  	[tilespmem:s28], [sflag:$0x1] =	stream.indirect.gather [hbm4b:s1+s20], $0x80, s22, s20, $0xb8;
	[tilespmem:$0x1C000] =	vst v63  }
0x9b: {  	_ =	swait.ge [sflag:s6], $0x4000  }
0x9c: {  	[sflag:s6] =	ssyncset.done $0x0  }
0x9d: {  	[sflag:s6] =	ssyncadd.s32 $0xFFFFC000  }
0x9e: {  	_ =	swait.ge [sflag:s8], $0x80  }
0x9f: {  	[sflag:s8] =	ssyncset.done $0x0  }
0xa0: {  	[sflag:s8] =	ssyncadd.s32 $0xFFFFFF80  }
0xa1: {  	[spmem:s2] =	stream.indirect.scatter.add.f32 [tilespmem:s30], [sflag:$0x4], $0x80, s21, s20, $0xb8;
	[tilespmem:$0x1C000] =	vst v63  }
0xa2: {  	_ =	swait.ge [sflag:s9], $0x4000  }
0xa3: {  	s7 =	rddreg [dreg:$0xa];
	[sflag:s9] =	ssyncset.done $0x0  }
0xa4: {  	s17 =	rddreg [dreg:$0x9];
	[sflag:s9] =	ssyncadd.s32 $0xFFFFC000;
	s7 =	sadd.s32 s16, s7  }
0xa5: {  	[tilespmem:s20], [sflag:$0x6] =	stream.linear.gather [hbm4b:s7+s4], $0x80, $0x38;
	[tilespmem:$0x1C000] =	vst v63  }
0xa6: {  	s17 =	sadd.s32 s16, s17  }
0xa7: {  	[tilespmem:s21], [sflag:$0xA] =	stream.linear.gather [hbm4b:s17+s4], $0x80, $0x38;
	[tilespmem:$0x1C000] =	vst v63  }
0xa8: {  	_ =	swait.ge [sflag:s10], $0x80  }
0xa9: {  	[sflag:s10] =	ssyncset.done $0x0  }
0xaa: {  	[sflag:s10] =	ssyncadd.s32 $0xFFFFFF80  }
0xab: {  	[tilespmem:s30], [sflag:$0x2] =	stream.indirect.gather [hbm4b:s1+s20], $0x80, s24, s20, $0xb8;
	[tilespmem:$0x1C000] =	vst v63  }
0xac: {  	_ =	swait.ge [sflag:s31], $0x4000  }
0xad: {  	[sflag:s31] =	ssyncset.done $0x0  }
0xae: {  	[sflag:s31] =	ssyncadd.s32 $0xFFFFC000  }
0xaf: {  	_ =	swait.ge [sflag:s11], $0x80  }
0xb0: {  	[sflag:s11] =	ssyncset.done $0x0  }
0xb1: {  	[sflag:s11] =	ssyncadd.s32 $0xFFFFFF80  }
0xb2: {  	[spmem:s2] =	stream.indirect.scatter.add.f32 [tilespmem:s28], [sflag:$0x3], $0x80, s23, s20, $0xb8;
	[tilespmem:$0x1C000] =	vst v63  }
0xb3: {  	_ =	swait.ge [sflag:s3], $0x4000  }
0xb4: {  	s7 =	rddreg [dreg:$0x8];
	[sflag:s3] =	ssyncset.done $0x0  }
0xb5: {  	s17 =	rddreg [dreg:$0x7];
	[sflag:s3] =	ssyncadd.s32 $0xFFFFC000;
	s7 =	sadd.s32 s16, s7  }
0xb6: {  	[tilespmem:s22], [sflag:$0x7] =	stream.linear.gather [hbm4b:s7+s4], $0x80, $0x38;
	[tilespmem:$0x1C000] =	vst v63  }
0xb7: {  	s17 =	sadd.s32 s16, s17  }
0xb8: {  	[tilespmem:s23], [sflag:$0xB] =	stream.linear.gather [hbm4b:s17+s4], $0x80, $0x38;
	[tilespmem:$0x1C000] =	vst v63  }
0xb9: {  	_ =	swait.ge [sflag:s26], $0x80  }
0xba: {  	[sflag:s26] =	ssyncset.done $0x0  }
0xbb: {  	[sflag:s26] =	ssyncadd.s32 $0xFFFFFF80  }
0xbc: {  	[tilespmem:s28], [sflag:$0x1] =	stream.indirect.gather [hbm4b:s1+s20], $0x80, s4, s20, $0xb8;
	[tilespmem:$0x1C000] =	vst v63  }
0xbd: {  	_ =	swait.ge [sflag:s6], $0x4000  }
0xbe: {  	[sflag:s6] =	ssyncset.done $0x0  }
0xbf: {  	[sflag:s6] =	ssyncadd.s32 $0xFFFFC000  }
0xc0: {  	_ =	swait.ge [sflag:s12], $0x80  }
0xc1: {  	[sflag:s12] =	ssyncset.done $0x0  }
0xc2: {  	[sflag:s12] =	ssyncadd.s32 $0xFFFFFF80  }
0xc3: {  	[spmem:s2] =	stream.indirect.scatter.add.f32 [tilespmem:s30], [sflag:$0x4], $0x80, s25, s20, $0xb8;
	[tilespmem:$0x1C000] =	vst v63  }
0xc4: {  	_ =	swait.ge [sflag:s9], $0x4000  }
0xc5: {  	s7 =	rddreg [dreg:$0x6];
	[sflag:s9] =	ssyncset.done $0x0  }
0xc6: {  	s17 =	rddreg [dreg:$0x5];
	[sflag:s9] =	ssyncadd.s32 $0xFFFFC000;
	s7 =	sadd.s32 s16, s7  }
0xc7: {  	[tilespmem:s24], [sflag:$0x8] =	stream.linear.gather [hbm4b:s7+s4], $0x80, $0x38;
	[tilespmem:$0x1C000] =	vst v63  }
0xc8: {  	s17 =	sadd.s32 s16, s17  }
0xc9: {  	[tilespmem:s25], [sflag:$0xC] =	stream.linear.gather [hbm4b:s17+s4], $0x80, $0x38;
	[tilespmem:$0x1C000] =	vst v63  }
0xca: {  	_ =	swait.ge [sflag:s29], $0x80  }
0xcb: {  	[sflag:s29] =	ssyncset.done $0x0  }
0xcc: {  	[sflag:s29] =	ssyncadd.s32 $0xFFFFFF80  }
0xcd: {  	[tilespmem:s30], [sflag:$0x2] =	stream.indirect.gather [hbm4b:s1+s20], $0x80, s20, s20, $0xb8;
	[tilespmem:$0x1C000] =	vst v63  }
0xce: {  	p0 =	sne.s32 s15, $0x480;
	_ =	swait.ge [sflag:s31], $0x4000  }
.Ltmp0:
0xcf: {  	[sflag:s31] =	ssyncset.done $0x0;
	(pc) =	sbr.rel @p0 .LBB2_2-.Ltmp0, $4  }
0xd0: {  	[sflag:s31] =	ssyncadd.s32 $0xFFFFC000  }
0xd1: {  	_ =	swait.ge [sflag:s0], $0x80  }
0xd2: {  	[sflag:s0] =	ssyncset.done $0x0  }
0xd3: {  	s15 =	sadd.s32 $0x40, s15;
	[sflag:s0] =	ssyncadd.s32 $0xFFFFFF80  }
0xd4: {  	[spmem:s2] =	stream.indirect.scatter.add.f32 [tilespmem:s28], [sflag:$0x3], $0x80, s19, s20, $0xb8;
	[tilespmem:$0x1C000] =	vst v63  }
0xd5: {  	_ =	swait.ge [sflag:s3], $0x4000  }
0xd6: {  	[sflag:s3] =	ssyncset.done $0x0  }
0xd7: {  	[sflag:s3] =	ssyncadd.s32 $0xFFFFC000  }
0xd8: {  	_ =	swait.ge [sflag:s5], $0x80  }
0xd9: {  	[sflag:s5] =	ssyncset.done $0x0  }
0xda: {  	[sflag:s5] =	ssyncadd.s32 $0xFFFFFF80  }
0xdb: {  	[tilespmem:s28], [sflag:$0x1] =	stream.indirect.gather [hbm4b:s1+s20], $0x80, s22, s20, $0xb8;
	[tilespmem:$0x1C000] =	vst v63  }
0xdc: {  	_ =	swait.ge [sflag:s6], $0x4000  }
0xdd: {  	[sflag:s6] =	ssyncset.done $0x0  }
0xde: {  	[sflag:s6] =	ssyncadd.s32 $0xFFFFC000  }
0xdf: {  	_ =	swait.ge [sflag:s8], $0x80  }
0xe0: {  	[sflag:s8] =	ssyncset.done $0x0  }
0xe1: {  	[sflag:s8] =	ssyncadd.s32 $0xFFFFFF80  }
0xe2: {  	[spmem:s2] =	stream.indirect.scatter.add.f32 [tilespmem:s30], [sflag:$0x4], $0x80, s21, s20, $0xb8;
	[tilespmem:$0x1C000] =	vst v63  }
0xe3: {  	_ =	swait.ge [sflag:s9], $0x4000  }
0xe4: {  	[sflag:s9] =	ssyncset.done $0x0  }
0xe5: {  	[sflag:s9] =	ssyncadd.s32 $0xFFFFC000  }
0xe6: {  	_ =	swait.ge [sflag:s10], $0x80  }
0xe7: {  	[sflag:s10] =	ssyncset.done $0x0  }
0xe8: {  	[sflag:s10] =	ssyncadd.s32 $0xFFFFFF80  }
0xe9: {  	[tilespmem:s30], [sflag:$0x2] =	stream.indirect.gather [hbm4b:s1+s20], $0x80, s24, s20, $0xb8;
	[tilespmem:$0x1C000] =	vst v63  }
0xea: {  	_ =	swait.ge [sflag:s31], $0x4000  }
0xeb: {  	[sflag:s31] =	ssyncset.done $0x0  }
0xec: {  	[sflag:s31] =	ssyncadd.s32 $0xFFFFC000  }
0xed: {  	_ =	swait.ge [sflag:s11], $0x80  }
0xee: {  	[sflag:s11] =	ssyncset.done $0x0  }
0xef: {  	[sflag:s11] =	ssyncadd.s32 $0xFFFFFF80  }
0xf0: {  	[spmem:s2] =	stream.indirect.scatter.add.f32 [tilespmem:s28], [sflag:$0x3], $0x80, s23, s20, $0xb8;
	[tilespmem:$0x1C000] =	vst v63  }
0xf1: {  	_ =	swait.ge [sflag:s6], $0x4000  }
0xf2: {  	[sflag:s6] =	ssyncset.done $0x0  }
0xf3: {  	[sflag:s6] =	ssyncadd.s32 $0xFFFFC000  }
0xf4: {  	_ =	swait.ge [sflag:s12], $0x80  }
0xf5: {  	[sflag:s12] =	ssyncset.done $0x0  }
0xf6: {  	[sflag:s12] =	ssyncadd.s32 $0xFFFFFF80  }
0xf7: {  	[spmem:s2] =	stream.indirect.scatter.add.f32 [tilespmem:s30], [sflag:$0x4], $0x80, s25, s20, $0xb8;
	[tilespmem:$0x1C000] =	vst v63  }
0xf8: {  	_ =	swait.ge [sflag:s3], $0x4000  }
0xf9: {  	[sflag:s3] =	ssyncset.done $0x0  }
0xfa: {  	[sflag:s3] =	ssyncadd.s32 $0xFFFFC000  }
0xfb: {  	_ =	swait.ge [sflag:s9], $0x4000  }
0xfc: {  	[sflag:s9] =	ssyncset.done $0x0  }
0xfd: {  	[sflag:s9] =	ssyncadd.s32 $0xFFFFC000  }
0xfe: {  	[bflag:$0x0] =	sbarrier.arrive $0xFFFF  }
0xff: {  	s15 =	rddreg [dreg:$0xf]  }
0x100: {  	s7 =	rddreg [dreg:$0x18]  }
0x101: {  	[hbm:s7], [sflag:s15] =	dma.local [spmem:s14], $0x2780  }
0x102: {  	_ =	swait.ge [sflag:s18], $0x2780  }
0x103: {  	s13 =	sadd.s32 $0x1, s13;
	s17 =	rddreg [dreg:$0x19]  }
0x104: {  	p0 =	sne.s32 s13, s17  }
.Ltmp1:
0x105: {  	_ = 	snop;
	(pc) =	sbr.rel @p0 .LBB2_1-.Ltmp1, $3  }
0x106: {  	_ =	sdelay $0x1  }
0x107: {  	[sflag:s18] =	ssyncset.done $0x0  }
0x108: {  	[sflag:s18] =	ssyncadd.s32 $0xFFFFD880  }
0x109: {  	_ =	sfence.sel $0x180000  }
0x10a: {  	[bflag:$0x0] =	sbarrier.arrive $0xFFFF  }
0x10b: {  	_ =	strace $0x90000047  }
0x10c: {  	s0 =	stileid.u32;
	[bflag:$0x2] =	sbarrier.arrive $0xFFFF  }
0x10d: {  	p0 =	sne.s32 s0, $0x0;
	s0 =	rddreg [dreg:$0x4]  }
0x10e: {  	s0 =	sadd.s32 @!p0 $0x100000, s0  }
0x10f: {  	[sflag:s0] =	ssyncadd.tile.s32 @!p0 $0x1;
	_ =	shalt  }
.Lfunc_end2:
_tile_overlayer_lowered:
.L_overlay_start_2:
0x110: {  	(tag) =	ssettag $0x2  }
0x111: {  	s0 =	rddreg [dreg:$0x0];
	s2 =	stileid.u32  }
0x112: {  	s1 =	rddreg [dreg:$0x1];
	p0 =	sne.s32 s2, $0x0  }
0x113: {  	s3 =	rddreg [dreg:$0x2];
	[bflag:$0x3] =	sbarrier.arrive $0xFFFF;
	s2 =	simm.s32 @!p0 $0x1C0D  }
0x114: {  	[timem:s3], [sflag:s2] =	dma.local @!p0 [hbm:s0], s1  }
0x115: {  	s0 =	simm.s32 @!p0 $0xD  }
0x116: {  	_ =	swait.ge @!p0 [sflag:s0], s1  }
0x117: {  	s1 =	ssub.s32 @!p0 $0x0, s1;
	[sflag:s0] =	ssyncset.done @!p0 $0x0  }
0x118: {  	[sflag:s0] =	ssyncadd.s32 @!p0 s1  }
0x119: {  	[bflag:$0x3] =	sbarrier.arrive $0xFFFF  }
0x11a: {  	_ =	shalt  }

</sc_bundles>
